<compile_context>
chip_gen: v7x
topology: tpu7x:2x2x1
jax: 0.10.2.dev20260603
libtpu: 0.0.44.dev20260713+nightly
codegen_flags: <defaults>
</compile_context>

<pallas_src>
import functools

import jax
import jax.numpy as jnp
from jax import lax
from jax.experimental import pallas as pl
from jax.experimental.pallas import tpu as pltpu
from jax.experimental.pallas import tpu_sc as plsc

_N = 10000
_E = 320000
_D = 128
_H = 8
_G = 8

_NC, _NS = 2, 16
_NW = _NC * _NS
_CHUNK = 128
_NCH = 79
_EPAD = _NW * _NCH * _CHUNK
_ROWS = 10112
_RPT = _ROWS // _NS
_GW = 32
_SW = 8

@functools.lru_cache(maxsize=None)
def _get_mesh():
    return plsc.VectorSubcoreMesh(core_axis_name="c", subcore_axis_name="s",
                                  num_cores=_NC, num_subcores=_NS)


@functools.lru_cache(maxsize=None)
def _get_sc_degree():
    @functools.partial(
        pl.kernel,
        out_type=jax.ShapeDtypeStruct((_NC, _ROWS, _H), jnp.float32),
        mesh=_get_mesh(),
        scratch_types=[
            pltpu.VMEM((_NCH, _CHUNK), jnp.int32),
            pltpu.VMEM((_CHUNK, _H), jnp.float32),
            pltpu.SemaphoreType.DMA,
            pltpu.VMEM_SHARED((_ROWS, _H), jnp.float32),
        ],
        name="sc_degree_histogram",
        compiler_params=pltpu.CompilerParams(use_tc_tiling_on_sc=False),
    )
    def _sc_degree(dst_hbm, ones_hbm, zeros_hbm, out_hbm, dst_v, ones_v, sem,
                   acc_sh):
        c = lax.axis_index("c")
        s = lax.axis_index("s")
        wid = c * _NS + s
        pltpu.sync_copy(zeros_hbm.at[pl.ds(s * _RPT, _RPT)],
                        acc_sh.at[pl.ds(s * _RPT, _RPT)])
        pltpu.sync_copy(ones_hbm, ones_v)
        pltpu.sync_copy(dst_hbm.at[wid], dst_v)
        plsc.subcore_barrier()

        def body(j, carry):
            pltpu.async_copy(ones_v, acc_sh.at[dst_v.at[j]], sem, add=True)

            @pl.when(j >= _SW)
            def _():
                pltpu.make_async_copy(ones_v, acc_sh.at[dst_v.at[j - _SW]],
                                      sem).wait()

            return carry

        lax.fori_loop(0, _NCH, body, 0)

        def drain(j, carry):
            pltpu.make_async_copy(ones_v, acc_sh.at[dst_v.at[j]], sem).wait()
            return carry

        lax.fori_loop(_NCH - _SW, _NCH, drain, 0)
        plsc.subcore_barrier()
        pltpu.sync_copy(acc_sh.at[pl.ds(s * _RPT, _RPT)],
                        out_hbm.at[c, pl.ds(s * _RPT, _RPT)])

    return _sc_degree


@functools.lru_cache(maxsize=None)
def _make_sc_edge(h):
    @functools.partial(
        pl.kernel,
        out_type=jax.ShapeDtypeStruct((_NC, _ROWS, h), jnp.float32),
        mesh=_get_mesh(),
        scratch_types=[
            pltpu.VMEM((_NCH, _CHUNK), jnp.int32),
            pltpu.VMEM((_NCH, _CHUNK), jnp.int32),
            pltpu.VMEM((_GW, _CHUNK, h), jnp.float32),
            pltpu.SemaphoreType.DMA,
            pltpu.VMEM_SHARED((_ROWS, h), jnp.float32),
        ],
        name=f"sc_edge_pass_w{h}",
        compiler_params=pltpu.CompilerParams(use_tc_tiling_on_sc=False),
    )
    def k(src_hbm, dst_hbm, u_hbm, zeros_hbm, out_hbm, src_v, dst_v, rows_v,
          sem_g, acc_sh):
        c = lax.axis_index("c")
        s = lax.axis_index("s")
        wid = c * _NS + s
        pltpu.sync_copy(zeros_hbm.at[pl.ds(s * _RPT, _RPT)],
                        acc_sh.at[pl.ds(s * _RPT, _RPT)])
        pltpu.sync_copy(src_hbm.at[wid], src_v)
        pltpu.sync_copy(dst_hbm.at[wid], dst_v)
        plsc.subcore_barrier()

        for p in range(_GW):
            pltpu.async_copy(u_hbm.at[src_v.at[p]], rows_v.at[p], sem_g)

        def body(j, carry):
            buf = lax.rem(j, _GW)
            pltpu.make_async_copy(u_hbm.at[src_v.at[j]], rows_v.at[buf],
                                  sem_g).wait()
            pltpu.sync_copy(rows_v.at[buf], acc_sh.at[dst_v.at[j]], add=True)

            @pl.when(j + _GW < _NCH)
            def _():
                pltpu.async_copy(u_hbm.at[src_v.at[j + _GW]], rows_v.at[buf],
                                 sem_g)

            return carry

        lax.fori_loop(0, _NCH, body, 0)
        plsc.subcore_barrier()
        pltpu.sync_copy(acc_sh.at[pl.ds(s * _RPT, _RPT)],
                        out_hbm.at[c, pl.ds(s * _RPT, _RPT)])

    return k


def _tc_first_body(deg_ref, x_ref, w1_ref, u1_ref, dinv_ref):
    dp = deg_ref[0] + deg_ref[1]
    dinv = lax.rsqrt(dp[:, 0:1] + 1.0)
    z = jnp.dot(x_ref[...], w1_ref[...], preferred_element_type=jnp.float32)
    u1_ref[...] = z * dinv
    dinv_ref[...] = dinv


_tc_first = pl.pallas_call(
    _tc_first_body,
    out_shape=(jax.ShapeDtypeStruct((_ROWS, _H), jnp.float32),
               jax.ShapeDtypeStruct((_ROWS, 1), jnp.float32)),
)


def _make_tc_mid(hout):
    def body(acc_ref, u_ref, dinv_ref, b_ref, w_ref, h_ref, un_ref):
        dinv = dinv_ref[...]
        hcur = jnp.maximum(
            dinv * (acc_ref[0] + acc_ref[1] + u_ref[...]) + b_ref[...], 0.0)
        h_ref[...] = hcur
        un_ref[...] = jnp.dot(hcur, w_ref[...],
                              preferred_element_type=jnp.float32) * dinv

    return pl.pallas_call(
        body,
        out_shape=(jax.ShapeDtypeStruct((_ROWS, _H), jnp.float32),
                   jax.ShapeDtypeStruct((_ROWS, hout), jnp.float32)),
    )


_tc_mid8 = _make_tc_mid(_H)


def _tc_head_body(acc3_ref, u3_ref, dinv_ref, b3_ref, h1_ref, h2_ref, tidx_ref,
                  l1a_ref, l1b_ref, l1c_ref, l1bias_ref, l2w_ref, l2b_ref,
                  out_ref):
    r1, r2, r3 = [], [], []
    for i in range(_G):
        t = tidx_ref[i]
        r1.append(h1_ref[pl.ds(t, 1), :])
        r2.append(h2_ref[pl.ds(t, 1), :])
        a3 = (acc3_ref[0, pl.ds(t, 1), :] + acc3_ref[1, pl.ds(t, 1), :]
              + u3_ref[pl.ds(t, 1), :])[:, 0:1]
        r3.append(jnp.maximum(dinv_ref[pl.ds(t, 1), :] * a3 + b3_ref[...], 0.0))
    g1 = jnp.concatenate(r1, axis=0)
    g2 = jnp.concatenate(r2, axis=0)
    g3 = jnp.concatenate(r3, axis=0)
    g = jnp.maximum(
        jnp.dot(g1, l1a_ref[...], preferred_element_type=jnp.float32)
        + jnp.dot(g2, l1b_ref[...], preferred_element_type=jnp.float32)
        + g3 * l1c_ref[...]
        + l1bias_ref[...], 0.0)
    out_ref[...] = (jnp.dot(g, l2w_ref[...], preferred_element_type=jnp.float32)
                    + l2b_ref[...])


_tc_head = pl.pallas_call(
    _tc_head_body,
    out_shape=jax.ShapeDtypeStruct((_G, 2), jnp.float32),
    in_specs=[pl.BlockSpec()] * 6 +
             [pl.BlockSpec(memory_space=pltpu.SMEM)] +
             [pl.BlockSpec()] * 6,
)


def kernel(x, edge_index, target_idx, W1, b1, W2, b2, W3, b3, L1W, L1b, L2W, L2b):
    f32 = jnp.float32
    src = edge_index[0].astype(jnp.int32)
    dst = edge_index[1].astype(jnp.int32)
    pad = jnp.full((_EPAD - _E,), _N, jnp.int32)
    src_r = jnp.concatenate([src, pad]).reshape(_NW, _NCH, _CHUNK)
    dst_r = jnp.concatenate([dst, pad]).reshape(_NW, _NCH, _CHUNK)
    x_pad = jnp.zeros((_ROWS, _D), f32).at[:_N].set(x.astype(f32))
    zer8 = jnp.zeros((_ROWS, _H), f32)
    ones8 = jnp.ones((_CHUNK, _H), f32)
    W3p = jnp.zeros((_H, _H), f32).at[:, 0:1].set(W3)

    sc_degree = _get_sc_degree()
    sc_edge8 = _make_sc_edge(_H)

    deg_p = sc_degree(dst_r, ones8, zer8)
    u1, dinv = _tc_first(deg_p, x_pad, W1)
    acc1 = sc_edge8(src_r, dst_r, u1, zer8)
    h1, u2 = _tc_mid8(acc1, u1, dinv, b1.reshape(1, _H), W2)
    acc2 = sc_edge8(src_r, dst_r, u2, zer8)
    h2, u3 = _tc_mid8(acc2, u2, dinv, b2.reshape(1, _H), W3p)
    acc3 = sc_edge8(src_r, dst_r, u3, zer8)
    out = _tc_head(acc3, u3, dinv, b3.reshape(1, 1), h1, h2,
                   target_idx.astype(jnp.int32),
                   L1W[:_H], L1W[_H:2 * _H], L1W[2 * _H:],
                   L1b.reshape(1, 16), L2W, L2b.reshape(1, 2))
    return out

# --- scband reference (transcript-rebuilt; emitter-appended) ---
"""Pipeline reference for scband-gat-46763603919526 (READ-ONLY COPY).

The authoritative reference and input builder live on the scoring server;
editing this copy changes nothing except your own understanding.
"""

import jax, jax.numpy as jnp
import numpy as np

NUM_NODES = 10000
NUM_EDGES = 320000
D_FEAT = 128
HIDDEN = 8
NUM_GRAPHS = 8


def gcn_conv(x, edge_index, W, b):
    # GCNConv: add self-loops, symmetric degree normalization, linear transform, scatter-add
    n = x.shape[0]
    loop = jnp.arange(n, dtype=edge_index.dtype)
    src = jnp.concatenate([edge_index[0], loop])
    dst = jnp.concatenate([edge_index[1], loop])
    deg = jnp.zeros((n,), dtype=x.dtype).at[dst].add(1.0)
    deg_inv_sqrt = jnp.where(deg > 0, jax.lax.rsqrt(jnp.maximum(deg, 1e-12)), 0.0)
    norm = deg_inv_sqrt[src] * deg_inv_sqrt[dst]
    h = x @ W
    msg = h[src] * norm[:, None]
    out = jnp.zeros((n, h.shape[1]), dtype=x.dtype).at[dst].add(msg)
    return out + b


def setup_inputs(seed: int = 0) -> dict:
    key = jax.random.key(seed)
    ks = jax.random.split(key, 16)
    x = jax.random.normal(ks[0], (NUM_NODES, D_FEAT), dtype=jnp.float32)
    edge_index = jax.random.randint(ks[1], (2, NUM_EDGES), 0, NUM_NODES, dtype=jnp.int32)
    target_idx = jax.random.randint(ks[2], (NUM_GRAPHS,), 0, NUM_NODES, dtype=jnp.int32)
    W1 = jax.random.normal(ks[3], (D_FEAT, HIDDEN), dtype=jnp.float32) * (1.0 / np.sqrt(D_FEAT))
    b1 = jnp.zeros((HIDDEN,), dtype=jnp.float32)
    W2 = jax.random.normal(ks[4], (HIDDEN, HIDDEN), dtype=jnp.float32) * (1.0 / np.sqrt(HIDDEN))
    b2 = jnp.zeros((HIDDEN,), dtype=jnp.float32)
    W3 = jax.random.normal(ks[5], (HIDDEN, 1), dtype=jnp.float32) * (1.0 / np.sqrt(HIDDEN))
    b3 = jnp.zeros((1,), dtype=jnp.float32)
    L1W = jax.random.normal(ks[6], (2 * HIDDEN + 1, 16), dtype=jnp.float32) * (1.0 / np.sqrt(2 * HIDDEN + 1))
    L1b = jnp.zeros((16,), dtype=jnp.float32)
    L2W = jax.random.normal(ks[7], (16, 2), dtype=jnp.float32) * 0.25
    L2b = jnp.zeros((2,), dtype=jnp.float32)
    return {"x": x, "edge_index": edge_index, "target_idx": target_idx,
            "W1": W1, "b1": b1, "W2": W2, "b2": b2, "W3": W3, "b3": b3,
            "L1W": L1W, "L1b": L1b, "L2W": L2W, "L2b": L2b}


def reference(x, edge_index, target_idx, W1, b1, W2, b2, W3, b3, L1W, L1b, L2W, L2b):
    h1 = jax.nn.relu(gcn_conv(x, edge_index, W1, b1))
    h2 = jax.nn.relu(gcn_conv(h1, edge_index, W2, b2))
    h3 = jax.nn.relu(gcn_conv(h2, edge_index, W3, b3))
    feat = jnp.concatenate([h1, h2, h3], axis=1)  # [N, 2*hidden+1]
    g = feat[target_idx]  # gather one target node per graph
    g = jax.nn.relu(g @ L1W + L1b)
    return g @ L2W + L2b

if __name__ == "__main__":
    import jax
    _d = setup_inputs()
    print(jax.jit(kernel)(*tuple(_d.values())))

</pallas_src>

<mosaic_0001>
#map = affine_map<(d0, d1) -> (0, 0, 0)>
#map1 = affine_map<(d0, d1) -> (0, 0)>
module attributes {stable_mosaic.version = 14 : i64} {
  func.func @sc_edge_pass_w8(%arg0: i32, %arg1: i32, %arg2: memref<32x79x128xi32, #tpu.memory_space<hbm>>, %arg3: memref<32x79x128xi32, #tpu.memory_space<hbm>>, %arg4: memref<10112x8xf32, #tpu.memory_space<hbm>>, %arg5: memref<10112x8xf32, #tpu.memory_space<hbm>>, %arg6: memref<2x10112x8xf32, #tpu.memory_space<hbm>>, %arg7: memref<79x128xi32, #tpu.memory_space<vmem>>, %arg8: memref<79x128xi32, #tpu.memory_space<vmem>>, %arg9: memref<32x128x8xf32, #tpu.memory_space<vmem>>, %arg10: memref<!tpu.dma_semaphore, #tpu.memory_space<semaphore_mem>>, %arg11: memref<10112x8xf32, #tpu.memory_space<vmem_shared>>) attributes {dimension_semantics = [#tpu.dimension_semantics<core_parallel>, #tpu.dimension_semantics<subcore_parallel>], iteration_bounds = array<i64: 2, 16>, scalar_prefetch = 0 : i64, scratch_operands = 5 : i64, tpu.core_type = #tpu.core_type<sc_vector_subcore>, window_params = [{transform_indices = #map}, {transform_indices = #map}, {transform_indices = #map1}, {transform_indices = #map1}, {transform_indices = #map}]} {
    %mul3A = arith.constant 16 : i32
    %mul3A_0 = arith.muli %arg0, %mul3A : i32
    %add3A = arith.addi %mul3A_0, %arg1 : i32
    %mul3A_1 = arith.constant 632 : i32
    %mul3A_2 = arith.muli %arg1, %mul3A_1 : i32
    %mul3A_3 = arith.constant 632 : i32
    %mul3A_4 = arith.muli %arg1, %mul3A_3 : i32
    "tpu.region"() ({
      %run_scoped3A = tpu.sem_alloc : memref<!tpu.dma_semaphore, #tpu.memory_space<semaphore_mem>>
      %dma_start3A_398 = arith.constant 0 : i32
      %dma_start3A_399 = tpu.memref_slice %arg11[%mul3A_4, %dma_start3A_398] : memref<10112x8xf32, #tpu.memory_space<vmem_shared>> -> memref<632x8xf32, #tpu.memory_space<vmem_shared>>
      %dma_start3A_400 = arith.constant 0 : i32
      %dma_start3A_401 = tpu.memref_slice %arg5[%mul3A_2, %dma_start3A_400] : memref<10112x8xf32, #tpu.memory_space<hbm>> -> memref<632x8xf32, #tpu.memory_space<hbm>>
      tpu.enqueue_dma source(%dma_start3A_401 : memref<632x8xf32, #tpu.memory_space<hbm>>) target(%dma_start3A_399 : memref<632x8xf32, #tpu.memory_space<vmem_shared>>) target_semaphore(%run_scoped3A : memref<!tpu.dma_semaphore, #tpu.memory_space<semaphore_mem>>)
      %dma_wait3A = arith.constant 0 : i32
      %dma_wait3A_402 = tpu.memref_slice %arg11[%mul3A_4, %dma_wait3A] : memref<10112x8xf32, #tpu.memory_space<vmem_shared>> -> memref<632x8xf32, #tpu.memory_space<vmem_shared>>
      %dma_wait3A_403 = arith.constant 0 : i32
      %dma_wait3A_404 = tpu.memref_slice %arg5[%mul3A_2, %dma_wait3A_403] : memref<10112x8xf32, #tpu.memory_space<hbm>> -> memref<632x8xf32, #tpu.memory_space<hbm>>
      tpu.wait_dma2 semaphore(%run_scoped3A : memref<!tpu.dma_semaphore, #tpu.memory_space<semaphore_mem>>) src(%dma_wait3A_404 : memref<632x8xf32, #tpu.memory_space<hbm>>) dst(%dma_wait3A_402 : memref<632x8xf32, #tpu.memory_space<vmem_shared>>)
      tpu.yield
    }) : () -> ()
    "tpu.region"() ({
      %run_scoped3A = tpu.sem_alloc : memref<!tpu.dma_semaphore, #tpu.memory_space<semaphore_mem>>
      %dma_start3A_398 = arith.constant 0 : i32
      %dma_start3A_399 = arith.constant 0 : i32
      %dma_start3A_400 = tpu.memref_slice %arg2[%add3A, %dma_start3A_398, %dma_start3A_399] : memref<32x79x128xi32, #tpu.memory_space<hbm>> -> memref<1x79x128xi32, #tpu.memory_space<hbm>>
      %dma_start3A_401 = tpu.memref_squeeze %dma_start3A_400 : memref<1x79x128xi32, #tpu.memory_space<hbm>> -> memref<79x128xi32, #tpu.memory_space<hbm>>
      %dma_start3A_402 = arith.constant 0 : i32
      %dma_start3A_403 = arith.constant 0 : i32
      %dma_start3A_404 = tpu.memref_slice %arg2[%add3A, %dma_start3A_402, %dma_start3A_403] : memref<32x79x128xi32, #tpu.memory_space<hbm>> -> memref<1x79x128xi32, #tpu.memory_space<hbm>>
      %dma_start3A_405 = tpu.memref_squeeze %dma_start3A_404 : memref<1x79x128xi32, #tpu.memory_space<hbm>> -> memref<79x128xi32, #tpu.memory_space<hbm>>
      tpu.enqueue_dma source(%dma_start3A_405 : memref<79x128xi32, #tpu.memory_space<hbm>>) target(%arg7 : memref<79x128xi32, #tpu.memory_space<vmem>>) target_semaphore(%run_scoped3A : memref<!tpu.dma_semaphore, #tpu.memory_space<semaphore_mem>>)
      %dma_wait3A = arith.constant 0 : i32
      %dma_wait3A_406 = arith.constant 0 : i32
      %dma_wait3A_407 = tpu.memref_slice %arg2[%add3A, %dma_wait3A, %dma_wait3A_406] : memref<32x79x128xi32, #tpu.memory_space<hbm>> -> memref<1x79x128xi32, #tpu.memory_space<hbm>>
      %dma_wait3A_408 = tpu.memref_squeeze %dma_wait3A_407 : memref<1x79x128xi32, #tpu.memory_space<hbm>> -> memref<79x128xi32, #tpu.memory_space<hbm>>
      %dma_wait3A_409 = arith.constant 0 : i32
      %dma_wait3A_410 = arith.constant 0 : i32
      %dma_wait3A_411 = tpu.memref_slice %arg2[%add3A, %dma_wait3A_409, %dma_wait3A_410] : memref<32x79x128xi32, #tpu.memory_space<hbm>> -> memref<1x79x128xi32, #tpu.memory_space<hbm>>
      %dma_wait3A_412 = tpu.memref_squeeze %dma_wait3A_411 : memref<1x79x128xi32, #tpu.memory_space<hbm>> -> memref<79x128xi32, #tpu.memory_space<hbm>>
      tpu.wait_dma2 semaphore(%run_scoped3A : memref<!tpu.dma_semaphore, #tpu.memory_space<semaphore_mem>>) src(%dma_wait3A_412 : memref<79x128xi32, #tpu.memory_space<hbm>>) dst(%arg7 : memref<79x128xi32, #tpu.memory_space<vmem>>)
      tpu.yield
    }) : () -> ()
    "tpu.region"() ({
      %run_scoped3A = tpu.sem_alloc : memref<!tpu.dma_semaphore, #tpu.memory_space<semaphore_mem>>
      %dma_start3A_398 = arith.constant 0 : i32
      %dma_start3A_399 = arith.constant 0 : i32
      %dma_start3A_400 = tpu.memref_slice %arg3[%add3A, %dma_start3A_398, %dma_start3A_399] : memref<32x79x128xi32, #tpu.memory_space<hbm>> -> memref<1x79x128xi32, #tpu.memory_space<hbm>>
      %dma_start3A_401 = tpu.memref_squeeze %dma_start3A_400 : memref<1x79x128xi32, #tpu.memory_space<hbm>> -> memref<79x128xi32, #tpu.memory_space<hbm>>
      %dma_start3A_402 = arith.constant 0 : i32
      %dma_start3A_403 = arith.constant 0 : i32
      %dma_start3A_404 = tpu.memref_slice %arg3[%add3A, %dma_start3A_402, %dma_start3A_403] : memref<32x79x128xi32, #tpu.memory_space<hbm>> -> memref<1x79x128xi32, #tpu.memory_space<hbm>>
      %dma_start3A_405 = tpu.memref_squeeze %dma_start3A_404 : memref<1x79x128xi32, #tpu.memory_space<hbm>> -> memref<79x128xi32, #tpu.memory_space<hbm>>
      tpu.enqueue_dma source(%dma_start3A_405 : memref<79x128xi32, #tpu.memory_space<hbm>>) target(%arg8 : memref<79x128xi32, #tpu.memory_space<vmem>>) target_semaphore(%run_scoped3A : memref<!tpu.dma_semaphore, #tpu.memory_space<semaphore_mem>>)
      %dma_wait3A = arith.constant 0 : i32
      %dma_wait3A_406 = arith.constant 0 : i32
      %dma_wait3A_407 = tpu.memref_slice %arg3[%add3A, %dma_wait3A, %dma_wait3A_406] : memref<32x79x128xi32, #tpu.memory_space<hbm>> -> memref<1x79x128xi32, #tpu.memory_space<hbm>>
      %dma_wait3A_408 = tpu.memref_squeeze %dma_wait3A_407 : memref<1x79x128xi32, #tpu.memory_space<hbm>> -> memref<79x128xi32, #tpu.memory_space<hbm>>
      %dma_wait3A_409 = arith.constant 0 : i32
      %dma_wait3A_410 = arith.constant 0 : i32
      %dma_wait3A_411 = tpu.memref_slice %arg3[%add3A, %dma_wait3A_409, %dma_wait3A_410] : memref<32x79x128xi32, #tpu.memory_space<hbm>> -> memref<1x79x128xi32, #tpu.memory_space<hbm>>
      %dma_wait3A_412 = tpu.memref_squeeze %dma_wait3A_411 : memref<1x79x128xi32, #tpu.memory_space<hbm>> -> memref<79x128xi32, #tpu.memory_space<hbm>>
      tpu.wait_dma2 semaphore(%run_scoped3A : memref<!tpu.dma_semaphore, #tpu.memory_space<semaphore_mem>>) src(%dma_wait3A_412 : memref<79x128xi32, #tpu.memory_space<hbm>>) dst(%arg8 : memref<79x128xi32, #tpu.memory_space<vmem>>)
      tpu.yield
    }) : () -> ()
    %barrier3A = arith.constant 0 : index
    tpu.barrier barrier_id(%barrier3A)
    %dma_start3A = arith.constant 0 : i32
    %dma_start3A_5 = arith.constant 0 : i32
    %dma_start3A_6 = arith.constant 0 : i32
    %dma_start3A_7 = arith.constant 0 : i32
    %dma_start3A_8 = tpu.memref_slice %arg9[%dma_start3A_5, %dma_start3A_6, %dma_start3A_7] : memref<32x128x8xf32, #tpu.memory_space<vmem>> -> memref<1x128x8xf32, #tpu.memory_space<vmem>>
    %dma_start3A_9 = tpu.memref_squeeze %dma_start3A_8 : memref<1x128x8xf32, #tpu.memory_space<vmem>> -> memref<128x8xf32, #tpu.memory_space<vmem>>
    %dma_start3A_10 = arith.constant 0 : i32
    %dma_start3A_11 = tpu.memref_slice %arg7[%dma_start3A, %dma_start3A_10] : memref<79x128xi32, #tpu.memory_space<vmem>> -> memref<1x128xi32, #tpu.memory_space<vmem>>
    %dma_start3A_12 = tpu.memref_squeeze %dma_start3A_11 : memref<1x128xi32, #tpu.memory_space<vmem>> -> memref<128xi32, #tpu.memory_space<vmem>>
    %dma_start3A_13 = arith.constant 0 : i32
    %dma_start3A_14 = arith.constant 0 : i32
    %dma_start3A_15 = tpu.memref_slice %arg4[%dma_start3A_13, %dma_start3A_14] : memref<10112x8xf32, #tpu.memory_space<hbm>> -> memref<10112x8xf32, #tpu.memory_space<hbm>>
    tpu.enqueue_indirect_dma source(%dma_start3A_15 : memref<10112x8xf32, #tpu.memory_space<hbm>>) target(%dma_start3A_9 : memref<128x8xf32, #tpu.memory_space<vmem>>) offsets(%dma_start3A_12 : memref<128xi32, #tpu.memory_space<vmem>>) semaphore(%arg10 : memref<!tpu.dma_semaphore, #tpu.memory_space<semaphore_mem>>)
    %dma_start3A_16 = arith.constant 1 : i32
    %dma_start3A_17 = arith.constant 1 : i32
    %dma_start3A_18 = arith.constant 0 : i32
    %dma_start3A_19 = arith.constant 0 : i32
    %dma_start3A_20 = tpu.memref_slice %arg9[%dma_start3A_17, %dma_start3A_18, %dma_start3A_19] : memref<32x128x8xf32, #tpu.memory_space<vmem>> -> memref<1x128x8xf32, #tpu.memory_space<vmem>>
    %dma_start3A_21 = tpu.memref_squeeze %dma_start3A_20 : memref<1x128x8xf32, #tpu.memory_space<vmem>> -> memref<128x8xf32, #tpu.memory_space<vmem>>
    %dma_start3A_22 = arith.constant 0 : i32
    %dma_start3A_23 = tpu.memref_slice %arg7[%dma_start3A_16, %dma_start3A_22] : memref<79x128xi32, #tpu.memory_space<vmem>> -> memref<1x128xi32, #tpu.memory_space<vmem>>
    %dma_start3A_24 = tpu.memref_squeeze %dma_start3A_23 : memref<1x128xi32, #tpu.memory_space<vmem>> -> memref<128xi32, #tpu.memory_space<vmem>>
    %dma_start3A_25 = arith.constant 0 : i32
    %dma_start3A_26 = arith.constant 0 : i32
    %dma_start3A_27 = tpu.memref_slice %arg4[%dma_start3A_25, %dma_start3A_26] : memref<10112x8xf32, #tpu.memory_space<hbm>> -> memref<10112x8xf32, #tpu.memory_space<hbm>>
    tpu.enqueue_indirect_dma source(%dma_start3A_27 : memref<10112x8xf32, #tpu.memory_space<hbm>>) target(%dma_start3A_21 : memref<128x8xf32, #tpu.memory_space<vmem>>) offsets(%dma_start3A_24 : memref<128xi32, #tpu.memory_space<vmem>>) semaphore(%arg10 : memref<!tpu.dma_semaphore, #tpu.memory_space<semaphore_mem>>)
    %dma_start3A_28 = arith.constant 2 : i32
    %dma_start3A_29 = arith.constant 2 : i32
    %dma_start3A_30 = arith.constant 0 : i32
    %dma_start3A_31 = arith.constant 0 : i32
    %dma_start3A_32 = tpu.memref_slice %arg9[%dma_start3A_29, %dma_start3A_30, %dma_start3A_31] : memref<32x128x8xf32, #tpu.memory_space<vmem>> -> memref<1x128x8xf32, #tpu.memory_space<vmem>>
    %dma_start3A_33 = tpu.memref_squeeze %dma_start3A_32 : memref<1x128x8xf32, #tpu.memory_space<vmem>> -> memref<128x8xf32, #tpu.memory_space<vmem>>
    %dma_start3A_34 = arith.constant 0 : i32
    %dma_start3A_35 = tpu.memref_slice %arg7[%dma_start3A_28, %dma_start3A_34] : memref<79x128xi32, #tpu.memory_space<vmem>> -> memref<1x128xi32, #tpu.memory_space<vmem>>
    %dma_start3A_36 = tpu.memref_squeeze %dma_start3A_35 : memref<1x128xi32, #tpu.memory_space<vmem>> -> memref<128xi32, #tpu.memory_space<vmem>>
    %dma_start3A_37 = arith.constant 0 : i32
    %dma_start3A_38 = arith.constant 0 : i32
    %dma_start3A_39 = tpu.memref_slice %arg4[%dma_start3A_37, %dma_start3A_38] : memref<10112x8xf32, #tpu.memory_space<hbm>> -> memref<10112x8xf32, #tpu.memory_space<hbm>>
    tpu.enqueue_indirect_dma source(%dma_start3A_39 : memref<10112x8xf32, #tpu.memory_space<hbm>>) target(%dma_start3A_33 : memref<128x8xf32, #tpu.memory_space<vmem>>) offsets(%dma_start3A_36 : memref<128xi32, #tpu.memory_space<vmem>>) semaphore(%arg10 : memref<!tpu.dma_semaphore, #tpu.memory_space<semaphore_mem>>)
    %dma_start3A_40 = arith.constant 3 : i32
    %dma_start3A_41 = arith.constant 3 : i32
    %dma_start3A_42 = arith.constant 0 : i32
    %dma_start3A_43 = arith.constant 0 : i32
    %dma_start3A_44 = tpu.memref_slice %arg9[%dma_start3A_41, %dma_start3A_42, %dma_start3A_43] : memref<32x128x8xf32, #tpu.memory_space<vmem>> -> memref<1x128x8xf32, #tpu.memory_space<vmem>>
    %dma_start3A_45 = tpu.memref_squeeze %dma_start3A_44 : memref<1x128x8xf32, #tpu.memory_space<vmem>> -> memref<128x8xf32, #tpu.memory_space<vmem>>
    %dma_start3A_46 = arith.constant 0 : i32
    %dma_start3A_47 = tpu.memref_slice %arg7[%dma_start3A_40, %dma_start3A_46] : memref<79x128xi32, #tpu.memory_space<vmem>> -> memref<1x128xi32, #tpu.memory_space<vmem>>
    %dma_start3A_48 = tpu.memref_squeeze %dma_start3A_47 : memref<1x128xi32, #tpu.memory_space<vmem>> -> memref<128xi32, #tpu.memory_space<vmem>>
    %dma_start3A_49 = arith.constant 0 : i32
    %dma_start3A_50 = arith.constant 0 : i32
    %dma_start3A_51 = tpu.memref_slice %arg4[%dma_start3A_49, %dma_start3A_50] : memref<10112x8xf32, #tpu.memory_space<hbm>> -> memref<10112x8xf32, #tpu.memory_space<hbm>>
    tpu.enqueue_indirect_dma source(%dma_start3A_51 : memref<10112x8xf32, #tpu.memory_space<hbm>>) target(%dma_start3A_45 : memref<128x8xf32, #tpu.memory_space<vmem>>) offsets(%dma_start3A_48 : memref<128xi32, #tpu.memory_space<vmem>>) semaphore(%arg10 : memref<!tpu.dma_semaphore, #tpu.memory_space<semaphore_mem>>)
    %dma_start3A_52 = arith.constant 4 : i32
    %dma_start3A_53 = arith.constant 4 : i32
    %dma_start3A_54 = arith.constant 0 : i32
    %dma_start3A_55 = arith.constant 0 : i32
    %dma_start3A_56 = tpu.memref_slice %arg9[%dma_start3A_53, %dma_start3A_54, %dma_start3A_55] : memref<32x128x8xf32, #tpu.memory_space<vmem>> -> memref<1x128x8xf32, #tpu.memory_space<vmem>>
    %dma_start3A_57 = tpu.memref_squeeze %dma_start3A_56 : memref<1x128x8xf32, #tpu.memory_space<vmem>> -> memref<128x8xf32, #tpu.memory_space<vmem>>
    %dma_start3A_58 = arith.constant 0 : i32
    %dma_start3A_59 = tpu.memref_slice %arg7[%dma_start3A_52, %dma_start3A_58] : memref<79x128xi32, #tpu.memory_space<vmem>> -> memref<1x128xi32, #tpu.memory_space<vmem>>
    %dma_start3A_60 = tpu.memref_squeeze %dma_start3A_59 : memref<1x128xi32, #tpu.memory_space<vmem>> -> memref<128xi32, #tpu.memory_space<vmem>>
    %dma_start3A_61 = arith.constant 0 : i32
    %dma_start3A_62 = arith.constant 0 : i32
    %dma_start3A_63 = tpu.memref_slice %arg4[%dma_start3A_61, %dma_start3A_62] : memref<10112x8xf32, #tpu.memory_space<hbm>> -> memref<10112x8xf32, #tpu.memory_space<hbm>>
    tpu.enqueue_indirect_dma source(%dma_start3A_63 : memref<10112x8xf32, #tpu.memory_space<hbm>>) target(%dma_start3A_57 : memref<128x8xf32, #tpu.memory_space<vmem>>) offsets(%dma_start3A_60 : memref<128xi32, #tpu.memory_space<vmem>>) semaphore(%arg10 : memref<!tpu.dma_semaphore, #tpu.memory_space<semaphore_mem>>)
    %dma_start3A_64 = arith.constant 5 : i32
    %dma_start3A_65 = arith.constant 5 : i32
    %dma_start3A_66 = arith.constant 0 : i32
    %dma_start3A_67 = arith.constant 0 : i32
    %dma_start3A_68 = tpu.memref_slice %arg9[%dma_start3A_65, %dma_start3A_66, %dma_start3A_67] : memref<32x128x8xf32, #tpu.memory_space<vmem>> -> memref<1x128x8xf32, #tpu.memory_space<vmem>>
    %dma_start3A_69 = tpu.memref_squeeze %dma_start3A_68 : memref<1x128x8xf32, #tpu.memory_space<vmem>> -> memref<128x8xf32, #tpu.memory_space<vmem>>
    %dma_start3A_70 = arith.constant 0 : i32
    %dma_start3A_71 = tpu.memref_slice %arg7[%dma_start3A_64, %dma_start3A_70] : memref<79x128xi32, #tpu.memory_space<vmem>> -> memref<1x128xi32, #tpu.memory_space<vmem>>
    %dma_start3A_72 = tpu.memref_squeeze %dma_start3A_71 : memref<1x128xi32, #tpu.memory_space<vmem>> -> memref<128xi32, #tpu.memory_space<vmem>>
    %dma_start3A_73 = arith.constant 0 : i32
    %dma_start3A_74 = arith.constant 0 : i32
    %dma_start3A_75 = tpu.memref_slice %arg4[%dma_start3A_73, %dma_start3A_74] : memref<10112x8xf32, #tpu.memory_space<hbm>> -> memref<10112x8xf32, #tpu.memory_space<hbm>>
    tpu.enqueue_indirect_dma source(%dma_start3A_75 : memref<10112x8xf32, #tpu.memory_space<hbm>>) target(%dma_start3A_69 : memref<128x8xf32, #tpu.memory_space<vmem>>) offsets(%dma_start3A_72 : memref<128xi32, #tpu.memory_space<vmem>>) semaphore(%arg10 : memref<!tpu.dma_semaphore, #tpu.memory_space<semaphore_mem>>)
    %dma_start3A_76 = arith.constant 6 : i32
    %dma_start3A_77 = arith.constant 6 : i32
    %dma_start3A_78 = arith.constant 0 : i32
    %dma_start3A_79 = arith.constant 0 : i32
    %dma_start3A_80 = tpu.memref_slice %arg9[%dma_start3A_77, %dma_start3A_78, %dma_start3A_79] : memref<32x128x8xf32, #tpu.memory_space<vmem>> -> memref<1x128x8xf32, #tpu.memory_space<vmem>>
    %dma_start3A_81 = tpu.memref_squeeze %dma_start3A_80 : memref<1x128x8xf32, #tpu.memory_space<vmem>> -> memref<128x8xf32, #tpu.memory_space<vmem>>
    %dma_start3A_82 = arith.constant 0 : i32
    %dma_start3A_83 = tpu.memref_slice %arg7[%dma_start3A_76, %dma_start3A_82] : memref<79x128xi32, #tpu.memory_space<vmem>> -> memref<1x128xi32, #tpu.memory_space<vmem>>
    %dma_start3A_84 = tpu.memref_squeeze %dma_start3A_83 : memref<1x128xi32, #tpu.memory_space<vmem>> -> memref<128xi32, #tpu.memory_space<vmem>>
    %dma_start3A_85 = arith.constant 0 : i32
    %dma_start3A_86 = arith.constant 0 : i32
    %dma_start3A_87 = tpu.memref_slice %arg4[%dma_start3A_85, %dma_start3A_86] : memref<10112x8xf32, #tpu.memory_space<hbm>> -> memref<10112x8xf32, #tpu.memory_space<hbm>>
    tpu.enqueue_indirect_dma source(%dma_start3A_87 : memref<10112x8xf32, #tpu.memory_space<hbm>>) target(%dma_start3A_81 : memref<128x8xf32, #tpu.memory_space<vmem>>) offsets(%dma_start3A_84 : memref<128xi32, #tpu.memory_space<vmem>>) semaphore(%arg10 : memref<!tpu.dma_semaphore, #tpu.memory_space<semaphore_mem>>)
    %dma_start3A_88 = arith.constant 7 : i32
    %dma_start3A_89 = arith.constant 7 : i32
    %dma_start3A_90 = arith.constant 0 : i32
    %dma_start3A_91 = arith.constant 0 : i32
    %dma_start3A_92 = tpu.memref_slice %arg9[%dma_start3A_89, %dma_start3A_90, %dma_start3A_91] : memref<32x128x8xf32, #tpu.memory_space<vmem>> -> memref<1x128x8xf32, #tpu.memory_space<vmem>>
    %dma_start3A_93 = tpu.memref_squeeze %dma_start3A_92 : memref<1x128x8xf32, #tpu.memory_space<vmem>> -> memref<128x8xf32, #tpu.memory_space<vmem>>
    %dma_start3A_94 = arith.constant 0 : i32
    %dma_start3A_95 = tpu.memref_slice %arg7[%dma_start3A_88, %dma_start3A_94] : memref<79x128xi32, #tpu.memory_space<vmem>> -> memref<1x128xi32, #tpu.memory_space<vmem>>
    %dma_start3A_96 = tpu.memref_squeeze %dma_start3A_95 : memref<1x128xi32, #tpu.memory_space<vmem>> -> memref<128xi32, #tpu.memory_space<vmem>>
    %dma_start3A_97 = arith.constant 0 : i32
    %dma_start3A_98 = arith.constant 0 : i32
    %dma_start3A_99 = tpu.memref_slice %arg4[%dma_start3A_97, %dma_start3A_98] : memref<10112x8xf32, #tpu.memory_space<hbm>> -> memref<10112x8xf32, #tpu.memory_space<hbm>>
    tpu.enqueue_indirect_dma source(%dma_start3A_99 : memref<10112x8xf32, #tpu.memory_space<hbm>>) target(%dma_start3A_93 : memref<128x8xf32, #tpu.memory_space<vmem>>) offsets(%dma_start3A_96 : memref<128xi32, #tpu.memory_space<vmem>>) semaphore(%arg10 : memref<!tpu.dma_semaphore, #tpu.memory_space<semaphore_mem>>)
    %dma_start3A_100 = arith.constant 8 : i32
    %dma_start3A_101 = arith.constant 8 : i32
    %dma_start3A_102 = arith.constant 0 : i32
    %dma_start3A_103 = arith.constant 0 : i32
    %dma_start3A_104 = tpu.memref_slice %arg9[%dma_start3A_101, %dma_start3A_102, %dma_start3A_103] : memref<32x128x8xf32, #tpu.memory_space<vmem>> -> memref<1x128x8xf32, #tpu.memory_space<vmem>>
    %dma_start3A_105 = tpu.memref_squeeze %dma_start3A_104 : memref<1x128x8xf32, #tpu.memory_space<vmem>> -> memref<128x8xf32, #tpu.memory_space<vmem>>
    %dma_start3A_106 = arith.constant 0 : i32
    %dma_start3A_107 = tpu.memref_slice %arg7[%dma_start3A_100, %dma_start3A_106] : memref<79x128xi32, #tpu.memory_space<vmem>> -> memref<1x128xi32, #tpu.memory_space<vmem>>
    %dma_start3A_108 = tpu.memref_squeeze %dma_start3A_107 : memref<1x128xi32, #tpu.memory_space<vmem>> -> memref<128xi32, #tpu.memory_space<vmem>>
    %dma_start3A_109 = arith.constant 0 : i32
    %dma_start3A_110 = arith.constant 0 : i32
    %dma_start3A_111 = tpu.memref_slice %arg4[%dma_start3A_109, %dma_start3A_110] : memref<10112x8xf32, #tpu.memory_space<hbm>> -> memref<10112x8xf32, #tpu.memory_space<hbm>>
    tpu.enqueue_indirect_dma source(%dma_start3A_111 : memref<10112x8xf32, #tpu.memory_space<hbm>>) target(%dma_start3A_105 : memref<128x8xf32, #tpu.memory_space<vmem>>) offsets(%dma_start3A_108 : memref<128xi32, #tpu.memory_space<vmem>>) semaphore(%arg10 : memref<!tpu.dma_semaphore, #tpu.memory_space<semaphore_mem>>)
    %dma_start3A_112 = arith.constant 9 : i32
    %dma_start3A_113 = arith.constant 9 : i32
    %dma_start3A_114 = arith.constant 0 : i32
    %dma_start3A_115 = arith.constant 0 : i32
    %dma_start3A_116 = tpu.memref_slice %arg9[%dma_start3A_113, %dma_start3A_114, %dma_start3A_115] : memref<32x128x8xf32, #tpu.memory_space<vmem>> -> memref<1x128x8xf32, #tpu.memory_space<vmem>>
    %dma_start3A_117 = tpu.memref_squeeze %dma_start3A_116 : memref<1x128x8xf32, #tpu.memory_space<vmem>> -> memref<128x8xf32, #tpu.memory_space<vmem>>
    %dma_start3A_118 = arith.constant 0 : i32
    %dma_start3A_119 = tpu.memref_slice %arg7[%dma_start3A_112, %dma_start3A_118] : memref<79x128xi32, #tpu.memory_space<vmem>> -> memref<1x128xi32, #tpu.memory_space<vmem>>
    %dma_start3A_120 = tpu.memref_squeeze %dma_start3A_119 : memref<1x128xi32, #tpu.memory_space<vmem>> -> memref<128xi32, #tpu.memory_space<vmem>>
    %dma_start3A_121 = arith.constant 0 : i32
    %dma_start3A_122 = arith.constant 0 : i32
    %dma_start3A_123 = tpu.memref_slice %arg4[%dma_start3A_121, %dma_start3A_122] : memref<10112x8xf32, #tpu.memory_space<hbm>> -> memref<10112x8xf32, #tpu.memory_space<hbm>>
    tpu.enqueue_indirect_dma source(%dma_start3A_123 : memref<10112x8xf32, #tpu.memory_space<hbm>>) target(%dma_start3A_117 : memref<128x8xf32, #tpu.memory_space<vmem>>) offsets(%dma_start3A_120 : memref<128xi32, #tpu.memory_space<vmem>>) semaphore(%arg10 : memref<!tpu.dma_semaphore, #tpu.memory_space<semaphore_mem>>)
    %dma_start3A_124 = arith.constant 10 : i32
    %dma_start3A_125 = arith.constant 10 : i32
    %dma_start3A_126 = arith.constant 0 : i32
    %dma_start3A_127 = arith.constant 0 : i32
    %dma_start3A_128 = tpu.memref_slice %arg9[%dma_start3A_125, %dma_start3A_126, %dma_start3A_127] : memref<32x128x8xf32, #tpu.memory_space<vmem>> -> memref<1x128x8xf32, #tpu.memory_space<vmem>>
    %dma_start3A_129 = tpu.memref_squeeze %dma_start3A_128 : memref<1x128x8xf32, #tpu.memory_space<vmem>> -> memref<128x8xf32, #tpu.memory_space<vmem>>
    %dma_start3A_130 = arith.constant 0 : i32
    %dma_start3A_131 = tpu.memref_slice %arg7[%dma_start3A_124, %dma_start3A_130] : memref<79x128xi32, #tpu.memory_space<vmem>> -> memref<1x128xi32, #tpu.memory_space<vmem>>
    %dma_start3A_132 = tpu.memref_squeeze %dma_start3A_131 : memref<1x128xi32, #tpu.memory_space<vmem>> -> memref<128xi32, #tpu.memory_space<vmem>>
    %dma_start3A_133 = arith.constant 0 : i32
    %dma_start3A_134 = arith.constant 0 : i32
    %dma_start3A_135 = tpu.memref_slice %arg4[%dma_start3A_133, %dma_start3A_134] : memref<10112x8xf32, #tpu.memory_space<hbm>> -> memref<10112x8xf32, #tpu.memory_space<hbm>>
    tpu.enqueue_indirect_dma source(%dma_start3A_135 : memref<10112x8xf32, #tpu.memory_space<hbm>>) target(%dma_start3A_129 : memref<128x8xf32, #tpu.memory_space<vmem>>) offsets(%dma_start3A_132 : memref<128xi32, #tpu.memory_space<vmem>>) semaphore(%arg10 : memref<!tpu.dma_semaphore, #tpu.memory_space<semaphore_mem>>)
    %dma_start3A_136 = arith.constant 11 : i32
    %dma_start3A_137 = arith.constant 11 : i32
    %dma_start3A_138 = arith.constant 0 : i32
    %dma_start3A_139 = arith.constant 0 : i32
    %dma_start3A_140 = tpu.memref_slice %arg9[%dma_start3A_137, %dma_start3A_138, %dma_start3A_139] : memref<32x128x8xf32, #tpu.memory_space<vmem>> -> memref<1x128x8xf32, #tpu.memory_space<vmem>>
    %dma_start3A_141 = tpu.memref_squeeze %dma_start3A_140 : memref<1x128x8xf32, #tpu.memory_space<vmem>> -> memref<128x8xf32, #tpu.memory_space<vmem>>
    %dma_start3A_142 = arith.constant 0 : i32
    %dma_start3A_143 = tpu.memref_slice %arg7[%dma_start3A_136, %dma_start3A_142] : memref<79x128xi32, #tpu.memory_space<vmem>> -> memref<1x128xi32, #tpu.memory_space<vmem>>
    %dma_start3A_144 = tpu.memref_squeeze %dma_start3A_143 : memref<1x128xi32, #tpu.memory_space<vmem>> -> memref<128xi32, #tpu.memory_space<vmem>>
    %dma_start3A_145 = arith.constant 0 : i32
    %dma_start3A_146 = arith.constant 0 : i32
    %dma_start3A_147 = tpu.memref_slice %arg4[%dma_start3A_145, %dma_start3A_146] : memref<10112x8xf32, #tpu.memory_space<hbm>> -> memref<10112x8xf32, #tpu.memory_space<hbm>>
    tpu.enqueue_indirect_dma source(%dma_start3A_147 : memref<10112x8xf32, #tpu.memory_space<hbm>>) target(%dma_start3A_141 : memref<128x8xf32, #tpu.memory_space<vmem>>) offsets(%dma_start3A_144 : memref<128xi32, #tpu.memory_space<vmem>>) semaphore(%arg10 : memref<!tpu.dma_semaphore, #tpu.memory_space<semaphore_mem>>)
    %dma_start3A_148 = arith.constant 12 : i32
    %dma_start3A_149 = arith.constant 12 : i32
    %dma_start3A_150 = arith.constant 0 : i32
    %dma_start3A_151 = arith.constant 0 : i32
    %dma_start3A_152 = tpu.memref_slice %arg9[%dma_start3A_149, %dma_start3A_150, %dma_start3A_151] : memref<32x128x8xf32, #tpu.memory_space<vmem>> -> memref<1x128x8xf32, #tpu.memory_space<vmem>>
    %dma_start3A_153 = tpu.memref_squeeze %dma_start3A_152 : memref<1x128x8xf32, #tpu.memory_space<vmem>> -> memref<128x8xf32, #tpu.memory_space<vmem>>
    %dma_start3A_154 = arith.constant 0 : i32
    %dma_start3A_155 = tpu.memref_slice %arg7[%dma_start3A_148, %dma_start3A_154] : memref<79x128xi32, #tpu.memory_space<vmem>> -> memref<1x128xi32, #tpu.memory_space<vmem>>
    %dma_start3A_156 = tpu.memref_squeeze %dma_start3A_155 : memref<1x128xi32, #tpu.memory_space<vmem>> -> memref<128xi32, #tpu.memory_space<vmem>>
    %dma_start3A_157 = arith.constant 0 : i32
    %dma_start3A_158 = arith.constant 0 : i32
    %dma_start3A_159 = tpu.memref_slice %arg4[%dma_start3A_157, %dma_start3A_158] : memref<10112x8xf32, #tpu.memory_space<hbm>> -> memref<10112x8xf32, #tpu.memory_space<hbm>>
    tpu.enqueue_indirect_dma source(%dma_start3A_159 : memref<10112x8xf32, #tpu.memory_space<hbm>>) target(%dma_start3A_153 : memref<128x8xf32, #tpu.memory_space<vmem>>) offsets(%dma_start3A_156 : memref<128xi32, #tpu.memory_space<vmem>>) semaphore(%arg10 : memref<!tpu.dma_semaphore, #tpu.memory_space<semaphore_mem>>)
    %dma_start3A_160 = arith.constant 13 : i32
    %dma_start3A_161 = arith.constant 13 : i32
    %dma_start3A_162 = arith.constant 0 : i32
    %dma_start3A_163 = arith.constant 0 : i32
    %dma_start3A_164 = tpu.memref_slice %arg9[%dma_start3A_161, %dma_start3A_162, %dma_start3A_163] : memref<32x128x8xf32, #tpu.memory_space<vmem>> -> memref<1x128x8xf32, #tpu.memory_space<vmem>>
    %dma_start3A_165 = tpu.memref_squeeze %dma_start3A_164 : memref<1x128x8xf32, #tpu.memory_space<vmem>> -> memref<128x8xf32, #tpu.memory_space<vmem>>
    %dma_start3A_166 = arith.constant 0 : i32
    %dma_start3A_167 = tpu.memref_slice %arg7[%dma_start3A_160, %dma_start3A_166] : memref<79x128xi32, #tpu.memory_space<vmem>> -> memref<1x128xi32, #tpu.memory_space<vmem>>
    %dma_start3A_168 = tpu.memref_squeeze %dma_start3A_167 : memref<1x128xi32, #tpu.memory_space<vmem>> -> memref<128xi32, #tpu.memory_space<vmem>>
    %dma_start3A_169 = arith.constant 0 : i32
    %dma_start3A_170 = arith.constant 0 : i32
    %dma_start3A_171 = tpu.memref_slice %arg4[%dma_start3A_169, %dma_start3A_170] : memref<10112x8xf32, #tpu.memory_space<hbm>> -> memref<10112x8xf32, #tpu.memory_space<hbm>>
    tpu.enqueue_indirect_dma source(%dma_start3A_171 : memref<10112x8xf32, #tpu.memory_space<hbm>>) target(%dma_start3A_165 : memref<128x8xf32, #tpu.memory_space<vmem>>) offsets(%dma_start3A_168 : memref<128xi32, #tpu.memory_space<vmem>>) semaphore(%arg10 : memref<!tpu.dma_semaphore, #tpu.memory_space<semaphore_mem>>)
    %dma_start3A_172 = arith.constant 14 : i32
    %dma_start3A_173 = arith.constant 14 : i32
    %dma_start3A_174 = arith.constant 0 : i32
    %dma_start3A_175 = arith.constant 0 : i32
    %dma_start3A_176 = tpu.memref_slice %arg9[%dma_start3A_173, %dma_start3A_174, %dma_start3A_175] : memref<32x128x8xf32, #tpu.memory_space<vmem>> -> memref<1x128x8xf32, #tpu.memory_space<vmem>>
    %dma_start3A_177 = tpu.memref_squeeze %dma_start3A_176 : memref<1x128x8xf32, #tpu.memory_space<vmem>> -> memref<128x8xf32, #tpu.memory_space<vmem>>
    %dma_start3A_178 = arith.constant 0 : i32
    %dma_start3A_179 = tpu.memref_slice %arg7[%dma_start3A_172, %dma_start3A_178] : memref<79x128xi32, #tpu.memory_space<vmem>> -> memref<1x128xi32, #tpu.memory_space<vmem>>
    %dma_start3A_180 = tpu.memref_squeeze %dma_start3A_179 : memref<1x128xi32, #tpu.memory_space<vmem>> -> memref<128xi32, #tpu.memory_space<vmem>>
    %dma_start3A_181 = arith.constant 0 : i32
    %dma_start3A_182 = arith.constant 0 : i32
    %dma_start3A_183 = tpu.memref_slice %arg4[%dma_start3A_181, %dma_start3A_182] : memref<10112x8xf32, #tpu.memory_space<hbm>> -> memref<10112x8xf32, #tpu.memory_space<hbm>>
    tpu.enqueue_indirect_dma source(%dma_start3A_183 : memref<10112x8xf32, #tpu.memory_space<hbm>>) target(%dma_start3A_177 : memref<128x8xf32, #tpu.memory_space<vmem>>) offsets(%dma_start3A_180 : memref<128xi32, #tpu.memory_space<vmem>>) semaphore(%arg10 : memref<!tpu.dma_semaphore, #tpu.memory_space<semaphore_mem>>)
    %dma_start3A_184 = arith.constant 15 : i32
    %dma_start3A_185 = arith.constant 15 : i32
    %dma_start3A_186 = arith.constant 0 : i32
    %dma_start3A_187 = arith.constant 0 : i32
    %dma_start3A_188 = tpu.memref_slice %arg9[%dma_start3A_185, %dma_start3A_186, %dma_start3A_187] : memref<32x128x8xf32, #tpu.memory_space<vmem>> -> memref<1x128x8xf32, #tpu.memory_space<vmem>>
    %dma_start3A_189 = tpu.memref_squeeze %dma_start3A_188 : memref<1x128x8xf32, #tpu.memory_space<vmem>> -> memref<128x8xf32, #tpu.memory_space<vmem>>
    %dma_start3A_190 = arith.constant 0 : i32
    %dma_start3A_191 = tpu.memref_slice %arg7[%dma_start3A_184, %dma_start3A_190] : memref<79x128xi32, #tpu.memory_space<vmem>> -> memref<1x128xi32, #tpu.memory_space<vmem>>
    %dma_start3A_192 = tpu.memref_squeeze %dma_start3A_191 : memref<1x128xi32, #tpu.memory_space<vmem>> -> memref<128xi32, #tpu.memory_space<vmem>>
    %dma_start3A_193 = arith.constant 0 : i32
    %dma_start3A_194 = arith.constant 0 : i32
    %dma_start3A_195 = tpu.memref_slice %arg4[%dma_start3A_193, %dma_start3A_194] : memref<10112x8xf32, #tpu.memory_space<hbm>> -> memref<10112x8xf32, #tpu.memory_space<hbm>>
    tpu.enqueue_indirect_dma source(%dma_start3A_195 : memref<10112x8xf32, #tpu.memory_space<hbm>>) target(%dma_start3A_189 : memref<128x8xf32, #tpu.memory_space<vmem>>) offsets(%dma_start3A_192 : memref<128xi32, #tpu.memory_space<vmem>>) semaphore(%arg10 : memref<!tpu.dma_semaphore, #tpu.memory_space<semaphore_mem>>)
    %dma_start3A_196 = arith.constant 16 : i32
    %dma_start3A_197 = arith.constant 16 : i32
    %dma_start3A_198 = arith.constant 0 : i32
    %dma_start3A_199 = arith.constant 0 : i32
    %dma_start3A_200 = tpu.memref_slice %arg9[%dma_start3A_197, %dma_start3A_198, %dma_start3A_199] : memref<32x128x8xf32, #tpu.memory_space<vmem>> -> memref<1x128x8xf32, #tpu.memory_space<vmem>>
    %dma_start3A_201 = tpu.memref_squeeze %dma_start3A_200 : memref<1x128x8xf32, #tpu.memory_space<vmem>> -> memref<128x8xf32, #tpu.memory_space<vmem>>
    %dma_start3A_202 = arith.constant 0 : i32
    %dma_start3A_203 = tpu.memref_slice %arg7[%dma_start3A_196, %dma_start3A_202] : memref<79x128xi32, #tpu.memory_space<vmem>> -> memref<1x128xi32, #tpu.memory_space<vmem>>
    %dma_start3A_204 = tpu.memref_squeeze %dma_start3A_203 : memref<1x128xi32, #tpu.memory_space<vmem>> -> memref<128xi32, #tpu.memory_space<vmem>>
    %dma_start3A_205 = arith.constant 0 : i32
    %dma_start3A_206 = arith.constant 0 : i32
    %dma_start3A_207 = tpu.memref_slice %arg4[%dma_start3A_205, %dma_start3A_206] : memref<10112x8xf32, #tpu.memory_space<hbm>> -> memref<10112x8xf32, #tpu.memory_space<hbm>>
    tpu.enqueue_indirect_dma source(%dma_start3A_207 : memref<10112x8xf32, #tpu.memory_space<hbm>>) target(%dma_start3A_201 : memref<128x8xf32, #tpu.memory_space<vmem>>) offsets(%dma_start3A_204 : memref<128xi32, #tpu.memory_space<vmem>>) semaphore(%arg10 : memref<!tpu.dma_semaphore, #tpu.memory_space<semaphore_mem>>)
    %dma_start3A_208 = arith.constant 17 : i32
    %dma_start3A_209 = arith.constant 17 : i32
    %dma_start3A_210 = arith.constant 0 : i32
    %dma_start3A_211 = arith.constant 0 : i32
    %dma_start3A_212 = tpu.memref_slice %arg9[%dma_start3A_209, %dma_start3A_210, %dma_start3A_211] : memref<32x128x8xf32, #tpu.memory_space<vmem>> -> memref<1x128x8xf32, #tpu.memory_space<vmem>>
    %dma_start3A_213 = tpu.memref_squeeze %dma_start3A_212 : memref<1x128x8xf32, #tpu.memory_space<vmem>> -> memref<128x8xf32, #tpu.memory_space<vmem>>
    %dma_start3A_214 = arith.constant 0 : i32
    %dma_start3A_215 = tpu.memref_slice %arg7[%dma_start3A_208, %dma_start3A_214] : memref<79x128xi32, #tpu.memory_space<vmem>> -> memref<1x128xi32, #tpu.memory_space<vmem>>
    %dma_start3A_216 = tpu.memref_squeeze %dma_start3A_215 : memref<1x128xi32, #tpu.memory_space<vmem>> -> memref<128xi32, #tpu.memory_space<vmem>>
    %dma_start3A_217 = arith.constant 0 : i32
    %dma_start3A_218 = arith.constant 0 : i32
    %dma_start3A_219 = tpu.memref_slice %arg4[%dma_start3A_217, %dma_start3A_218] : memref<10112x8xf32, #tpu.memory_space<hbm>> -> memref<10112x8xf32, #tpu.memory_space<hbm>>
    tpu.enqueue_indirect_dma source(%dma_start3A_219 : memref<10112x8xf32, #tpu.memory_space<hbm>>) target(%dma_start3A_213 : memref<128x8xf32, #tpu.memory_space<vmem>>) offsets(%dma_start3A_216 : memref<128xi32, #tpu.memory_space<vmem>>) semaphore(%arg10 : memref<!tpu.dma_semaphore, #tpu.memory_space<semaphore_mem>>)
    %dma_start3A_220 = arith.constant 18 : i32
    %dma_start3A_221 = arith.constant 18 : i32
    %dma_start3A_222 = arith.constant 0 : i32
    %dma_start3A_223 = arith.constant 0 : i32
    %dma_start3A_224 = tpu.memref_slice %arg9[%dma_start3A_221, %dma_start3A_222, %dma_start3A_223] : memref<32x128x8xf32, #tpu.memory_space<vmem>> -> memref<1x128x8xf32, #tpu.memory_space<vmem>>
    %dma_start3A_225 = tpu.memref_squeeze %dma_start3A_224 : memref<1x128x8xf32, #tpu.memory_space<vmem>> -> memref<128x8xf32, #tpu.memory_space<vmem>>
    %dma_start3A_226 = arith.constant 0 : i32
    %dma_start3A_227 = tpu.memref_slice %arg7[%dma_start3A_220, %dma_start3A_226] : memref<79x128xi32, #tpu.memory_space<vmem>> -> memref<1x128xi32, #tpu.memory_space<vmem>>
    %dma_start3A_228 = tpu.memref_squeeze %dma_start3A_227 : memref<1x128xi32, #tpu.memory_space<vmem>> -> memref<128xi32, #tpu.memory_space<vmem>>
    %dma_start3A_229 = arith.constant 0 : i32
    %dma_start3A_230 = arith.constant 0 : i32
    %dma_start3A_231 = tpu.memref_slice %arg4[%dma_start3A_229, %dma_start3A_230] : memref<10112x8xf32, #tpu.memory_space<hbm>> -> memref<10112x8xf32, #tpu.memory_space<hbm>>
    tpu.enqueue_indirect_dma source(%dma_start3A_231 : memref<10112x8xf32, #tpu.memory_space<hbm>>) target(%dma_start3A_225 : memref<128x8xf32, #tpu.memory_space<vmem>>) offsets(%dma_start3A_228 : memref<128xi32, #tpu.memory_space<vmem>>) semaphore(%arg10 : memref<!tpu.dma_semaphore, #tpu.memory_space<semaphore_mem>>)
    %dma_start3A_232 = arith.constant 19 : i32
    %dma_start3A_233 = arith.constant 19 : i32
    %dma_start3A_234 = arith.constant 0 : i32
    %dma_start3A_235 = arith.constant 0 : i32
    %dma_start3A_236 = tpu.memref_slice %arg9[%dma_start3A_233, %dma_start3A_234, %dma_start3A_235] : memref<32x128x8xf32, #tpu.memory_space<vmem>> -> memref<1x128x8xf32, #tpu.memory_space<vmem>>
    %dma_start3A_237 = tpu.memref_squeeze %dma_start3A_236 : memref<1x128x8xf32, #tpu.memory_space<vmem>> -> memref<128x8xf32, #tpu.memory_space<vmem>>
    %dma_start3A_238 = arith.constant 0 : i32
    %dma_start3A_239 = tpu.memref_slice %arg7[%dma_start3A_232, %dma_start3A_238] : memref<79x128xi32, #tpu.memory_space<vmem>> -> memref<1x128xi32, #tpu.memory_space<vmem>>
    %dma_start3A_240 = tpu.memref_squeeze %dma_start3A_239 : memref<1x128xi32, #tpu.memory_space<vmem>> -> memref<128xi32, #tpu.memory_space<vmem>>
    %dma_start3A_241 = arith.constant 0 : i32
    %dma_start3A_242 = arith.constant 0 : i32
    %dma_start3A_243 = tpu.memref_slice %arg4[%dma_start3A_241, %dma_start3A_242] : memref<10112x8xf32, #tpu.memory_space<hbm>> -> memref<10112x8xf32, #tpu.memory_space<hbm>>
    tpu.enqueue_indirect_dma source(%dma_start3A_243 : memref<10112x8xf32, #tpu.memory_space<hbm>>) target(%dma_start3A_237 : memref<128x8xf32, #tpu.memory_space<vmem>>) offsets(%dma_start3A_240 : memref<128xi32, #tpu.memory_space<vmem>>) semaphore(%arg10 : memref<!tpu.dma_semaphore, #tpu.memory_space<semaphore_mem>>)
    %dma_start3A_244 = arith.constant 20 : i32
    %dma_start3A_245 = arith.constant 20 : i32
    %dma_start3A_246 = arith.constant 0 : i32
    %dma_start3A_247 = arith.constant 0 : i32
    %dma_start3A_248 = tpu.memref_slice %arg9[%dma_start3A_245, %dma_start3A_246, %dma_start3A_247] : memref<32x128x8xf32, #tpu.memory_space<vmem>> -> memref<1x128x8xf32, #tpu.memory_space<vmem>>
    %dma_start3A_249 = tpu.memref_squeeze %dma_start3A_248 : memref<1x128x8xf32, #tpu.memory_space<vmem>> -> memref<128x8xf32, #tpu.memory_space<vmem>>
    %dma_start3A_250 = arith.constant 0 : i32
    %dma_start3A_251 = tpu.memref_slice %arg7[%dma_start3A_244, %dma_start3A_250] : memref<79x128xi32, #tpu.memory_space<vmem>> -> memref<1x128xi32, #tpu.memory_space<vmem>>
    %dma_start3A_252 = tpu.memref_squeeze %dma_start3A_251 : memref<1x128xi32, #tpu.memory_space<vmem>> -> memref<128xi32, #tpu.memory_space<vmem>>
    %dma_start3A_253 = arith.constant 0 : i32
    %dma_start3A_254 = arith.constant 0 : i32
    %dma_start3A_255 = tpu.memref_slice %arg4[%dma_start3A_253, %dma_start3A_254] : memref<10112x8xf32, #tpu.memory_space<hbm>> -> memref<10112x8xf32, #tpu.memory_space<hbm>>
    tpu.enqueue_indirect_dma source(%dma_start3A_255 : memref<10112x8xf32, #tpu.memory_space<hbm>>) target(%dma_start3A_249 : memref<128x8xf32, #tpu.memory_space<vmem>>) offsets(%dma_start3A_252 : memref<128xi32, #tpu.memory_space<vmem>>) semaphore(%arg10 : memref<!tpu.dma_semaphore, #tpu.memory_space<semaphore_mem>>)
    %dma_start3A_256 = arith.constant 21 : i32
    %dma_start3A_257 = arith.constant 21 : i32
    %dma_start3A_258 = arith.constant 0 : i32
    %dma_start3A_259 = arith.constant 0 : i32
    %dma_start3A_260 = tpu.memref_slice %arg9[%dma_start3A_257, %dma_start3A_258, %dma_start3A_259] : memref<32x128x8xf32, #tpu.memory_space<vmem>> -> memref<1x128x8xf32, #tpu.memory_space<vmem>>
    %dma_start3A_261 = tpu.memref_squeeze %dma_start3A_260 : memref<1x128x8xf32, #tpu.memory_space<vmem>> -> memref<128x8xf32, #tpu.memory_space<vmem>>
    %dma_start3A_262 = arith.constant 0 : i32
    %dma_start3A_263 = tpu.memref_slice %arg7[%dma_start3A_256, %dma_start3A_262] : memref<79x128xi32, #tpu.memory_space<vmem>> -> memref<1x128xi32, #tpu.memory_space<vmem>>
    %dma_start3A_264 = tpu.memref_squeeze %dma_start3A_263 : memref<1x128xi32, #tpu.memory_space<vmem>> -> memref<128xi32, #tpu.memory_space<vmem>>
    %dma_start3A_265 = arith.constant 0 : i32
    %dma_start3A_266 = arith.constant 0 : i32
    %dma_start3A_267 = tpu.memref_slice %arg4[%dma_start3A_265, %dma_start3A_266] : memref<10112x8xf32, #tpu.memory_space<hbm>> -> memref<10112x8xf32, #tpu.memory_space<hbm>>
    tpu.enqueue_indirect_dma source(%dma_start3A_267 : memref<10112x8xf32, #tpu.memory_space<hbm>>) target(%dma_start3A_261 : memref<128x8xf32, #tpu.memory_space<vmem>>) offsets(%dma_start3A_264 : memref<128xi32, #tpu.memory_space<vmem>>) semaphore(%arg10 : memref<!tpu.dma_semaphore, #tpu.memory_space<semaphore_mem>>)
    %dma_start3A_268 = arith.constant 22 : i32
    %dma_start3A_269 = arith.constant 22 : i32
    %dma_start3A_270 = arith.constant 0 : i32
    %dma_start3A_271 = arith.constant 0 : i32
    %dma_start3A_272 = tpu.memref_slice %arg9[%dma_start3A_269, %dma_start3A_270, %dma_start3A_271] : memref<32x128x8xf32, #tpu.memory_space<vmem>> -> memref<1x128x8xf32, #tpu.memory_space<vmem>>
    %dma_start3A_273 = tpu.memref_squeeze %dma_start3A_272 : memref<1x128x8xf32, #tpu.memory_space<vmem>> -> memref<128x8xf32, #tpu.memory_space<vmem>>
    %dma_start3A_274 = arith.constant 0 : i32
    %dma_start3A_275 = tpu.memref_slice %arg7[%dma_start3A_268, %dma_start3A_274] : memref<79x128xi32, #tpu.memory_space<vmem>> -> memref<1x128xi32, #tpu.memory_space<vmem>>
    %dma_start3A_276 = tpu.memref_squeeze %dma_start3A_275 : memref<1x128xi32, #tpu.memory_space<vmem>> -> memref<128xi32, #tpu.memory_space<vmem>>
    %dma_start3A_277 = arith.constant 0 : i32
    %dma_start3A_278 = arith.constant 0 : i32
    %dma_start3A_279 = tpu.memref_slice %arg4[%dma_start3A_277, %dma_start3A_278] : memref<10112x8xf32, #tpu.memory_space<hbm>> -> memref<10112x8xf32, #tpu.memory_space<hbm>>
    tpu.enqueue_indirect_dma source(%dma_start3A_279 : memref<10112x8xf32, #tpu.memory_space<hbm>>) target(%dma_start3A_273 : memref<128x8xf32, #tpu.memory_space<vmem>>) offsets(%dma_start3A_276 : memref<128xi32, #tpu.memory_space<vmem>>) semaphore(%arg10 : memref<!tpu.dma_semaphore, #tpu.memory_space<semaphore_mem>>)
    %dma_start3A_280 = arith.constant 23 : i32
    %dma_start3A_281 = arith.constant 23 : i32
    %dma_start3A_282 = arith.constant 0 : i32
    %dma_start3A_283 = arith.constant 0 : i32
    %dma_start3A_284 = tpu.memref_slice %arg9[%dma_start3A_281, %dma_start3A_282, %dma_start3A_283] : memref<32x128x8xf32, #tpu.memory_space<vmem>> -> memref<1x128x8xf32, #tpu.memory_space<vmem>>
    %dma_start3A_285 = tpu.memref_squeeze %dma_start3A_284 : memref<1x128x8xf32, #tpu.memory_space<vmem>> -> memref<128x8xf32, #tpu.memory_space<vmem>>
    %dma_start3A_286 = arith.constant 0 : i32
    %dma_start3A_287 = tpu.memref_slice %arg7[%dma_start3A_280, %dma_start3A_286] : memref<79x128xi32, #tpu.memory_space<vmem>> -> memref<1x128xi32, #tpu.memory_space<vmem>>
    %dma_start3A_288 = tpu.memref_squeeze %dma_start3A_287 : memref<1x128xi32, #tpu.memory_space<vmem>> -> memref<128xi32, #tpu.memory_space<vmem>>
    %dma_start3A_289 = arith.constant 0 : i32
    %dma_start3A_290 = arith.constant 0 : i32
    %dma_start3A_291 = tpu.memref_slice %arg4[%dma_start3A_289, %dma_start3A_290] : memref<10112x8xf32, #tpu.memory_space<hbm>> -> memref<10112x8xf32, #tpu.memory_space<hbm>>
    tpu.enqueue_indirect_dma source(%dma_start3A_291 : memref<10112x8xf32, #tpu.memory_space<hbm>>) target(%dma_start3A_285 : memref<128x8xf32, #tpu.memory_space<vmem>>) offsets(%dma_start3A_288 : memref<128xi32, #tpu.memory_space<vmem>>) semaphore(%arg10 : memref<!tpu.dma_semaphore, #tpu.memory_space<semaphore_mem>>)
    %dma_start3A_292 = arith.constant 24 : i32
    %dma_start3A_293 = arith.constant 24 : i32
    %dma_start3A_294 = arith.constant 0 : i32
    %dma_start3A_295 = arith.constant 0 : i32
    %dma_start3A_296 = tpu.memref_slice %arg9[%dma_start3A_293, %dma_start3A_294, %dma_start3A_295] : memref<32x128x8xf32, #tpu.memory_space<vmem>> -> memref<1x128x8xf32, #tpu.memory_space<vmem>>
    %dma_start3A_297 = tpu.memref_squeeze %dma_start3A_296 : memref<1x128x8xf32, #tpu.memory_space<vmem>> -> memref<128x8xf32, #tpu.memory_space<vmem>>
    %dma_start3A_298 = arith.constant 0 : i32
    %dma_start3A_299 = tpu.memref_slice %arg7[%dma_start3A_292, %dma_start3A_298] : memref<79x128xi32, #tpu.memory_space<vmem>> -> memref<1x128xi32, #tpu.memory_space<vmem>>
    %dma_start3A_300 = tpu.memref_squeeze %dma_start3A_299 : memref<1x128xi32, #tpu.memory_space<vmem>> -> memref<128xi32, #tpu.memory_space<vmem>>
    %dma_start3A_301 = arith.constant 0 : i32
    %dma_start3A_302 = arith.constant 0 : i32
    %dma_start3A_303 = tpu.memref_slice %arg4[%dma_start3A_301, %dma_start3A_302] : memref<10112x8xf32, #tpu.memory_space<hbm>> -> memref<10112x8xf32, #tpu.memory_space<hbm>>
    tpu.enqueue_indirect_dma source(%dma_start3A_303 : memref<10112x8xf32, #tpu.memory_space<hbm>>) target(%dma_start3A_297 : memref<128x8xf32, #tpu.memory_space<vmem>>) offsets(%dma_start3A_300 : memref<128xi32, #tpu.memory_space<vmem>>) semaphore(%arg10 : memref<!tpu.dma_semaphore, #tpu.memory_space<semaphore_mem>>)
    %dma_start3A_304 = arith.constant 25 : i32
    %dma_start3A_305 = arith.constant 25 : i32
    %dma_start3A_306 = arith.constant 0 : i32
    %dma_start3A_307 = arith.constant 0 : i32
    %dma_start3A_308 = tpu.memref_slice %arg9[%dma_start3A_305, %dma_start3A_306, %dma_start3A_307] : memref<32x128x8xf32, #tpu.memory_space<vmem>> -> memref<1x128x8xf32, #tpu.memory_space<vmem>>
    %dma_start3A_309 = tpu.memref_squeeze %dma_start3A_308 : memref<1x128x8xf32, #tpu.memory_space<vmem>> -> memref<128x8xf32, #tpu.memory_space<vmem>>
    %dma_start3A_310 = arith.constant 0 : i32
    %dma_start3A_311 = tpu.memref_slice %arg7[%dma_start3A_304, %dma_start3A_310] : memref<79x128xi32, #tpu.memory_space<vmem>> -> memref<1x128xi32, #tpu.memory_space<vmem>>
    %dma_start3A_312 = tpu.memref_squeeze %dma_start3A_311 : memref<1x128xi32, #tpu.memory_space<vmem>> -> memref<128xi32, #tpu.memory_space<vmem>>
    %dma_start3A_313 = arith.constant 0 : i32
    %dma_start3A_314 = arith.constant 0 : i32
    %dma_start3A_315 = tpu.memref_slice %arg4[%dma_start3A_313, %dma_start3A_314] : memref<10112x8xf32, #tpu.memory_space<hbm>> -> memref<10112x8xf32, #tpu.memory_space<hbm>>
    tpu.enqueue_indirect_dma source(%dma_start3A_315 : memref<10112x8xf32, #tpu.memory_space<hbm>>) target(%dma_start3A_309 : memref<128x8xf32, #tpu.memory_space<vmem>>) offsets(%dma_start3A_312 : memref<128xi32, #tpu.memory_space<vmem>>) semaphore(%arg10 : memref<!tpu.dma_semaphore, #tpu.memory_space<semaphore_mem>>)
    %dma_start3A_316 = arith.constant 26 : i32
    %dma_start3A_317 = arith.constant 26 : i32
    %dma_start3A_318 = arith.constant 0 : i32
    %dma_start3A_319 = arith.constant 0 : i32
    %dma_start3A_320 = tpu.memref_slice %arg9[%dma_start3A_317, %dma_start3A_318, %dma_start3A_319] : memref<32x128x8xf32, #tpu.memory_space<vmem>> -> memref<1x128x8xf32, #tpu.memory_space<vmem>>
    %dma_start3A_321 = tpu.memref_squeeze %dma_start3A_320 : memref<1x128x8xf32, #tpu.memory_space<vmem>> -> memref<128x8xf32, #tpu.memory_space<vmem>>
    %dma_start3A_322 = arith.constant 0 : i32
    %dma_start3A_323 = tpu.memref_slice %arg7[%dma_start3A_316, %dma_start3A_322] : memref<79x128xi32, #tpu.memory_space<vmem>> -> memref<1x128xi32, #tpu.memory_space<vmem>>
    %dma_start3A_324 = tpu.memref_squeeze %dma_start3A_323 : memref<1x128xi32, #tpu.memory_space<vmem>> -> memref<128xi32, #tpu.memory_space<vmem>>
    %dma_start3A_325 = arith.constant 0 : i32
    %dma_start3A_326 = arith.constant 0 : i32
    %dma_start3A_327 = tpu.memref_slice %arg4[%dma_start3A_325, %dma_start3A_326] : memref<10112x8xf32, #tpu.memory_space<hbm>> -> memref<10112x8xf32, #tpu.memory_space<hbm>>
    tpu.enqueue_indirect_dma source(%dma_start3A_327 : memref<10112x8xf32, #tpu.memory_space<hbm>>) target(%dma_start3A_321 : memref<128x8xf32, #tpu.memory_space<vmem>>) offsets(%dma_start3A_324 : memref<128xi32, #tpu.memory_space<vmem>>) semaphore(%arg10 : memref<!tpu.dma_semaphore, #tpu.memory_space<semaphore_mem>>)
    %dma_start3A_328 = arith.constant 27 : i32
    %dma_start3A_329 = arith.constant 27 : i32
    %dma_start3A_330 = arith.constant 0 : i32
    %dma_start3A_331 = arith.constant 0 : i32
    %dma_start3A_332 = tpu.memref_slice %arg9[%dma_start3A_329, %dma_start3A_330, %dma_start3A_331] : memref<32x128x8xf32, #tpu.memory_space<vmem>> -> memref<1x128x8xf32, #tpu.memory_space<vmem>>
    %dma_start3A_333 = tpu.memref_squeeze %dma_start3A_332 : memref<1x128x8xf32, #tpu.memory_space<vmem>> -> memref<128x8xf32, #tpu.memory_space<vmem>>
    %dma_start3A_334 = arith.constant 0 : i32
    %dma_start3A_335 = tpu.memref_slice %arg7[%dma_start3A_328, %dma_start3A_334] : memref<79x128xi32, #tpu.memory_space<vmem>> -> memref<1x128xi32, #tpu.memory_space<vmem>>
    %dma_start3A_336 = tpu.memref_squeeze %dma_start3A_335 : memref<1x128xi32, #tpu.memory_space<vmem>> -> memref<128xi32, #tpu.memory_space<vmem>>
    %dma_start3A_337 = arith.constant 0 : i32
    %dma_start3A_338 = arith.constant 0 : i32
    %dma_start3A_339 = tpu.memref_slice %arg4[%dma_start3A_337, %dma_start3A_338] : memref<10112x8xf32, #tpu.memory_space<hbm>> -> memref<10112x8xf32, #tpu.memory_space<hbm>>
    tpu.enqueue_indirect_dma source(%dma_start3A_339 : memref<10112x8xf32, #tpu.memory_space<hbm>>) target(%dma_start3A_333 : memref<128x8xf32, #tpu.memory_space<vmem>>) offsets(%dma_start3A_336 : memref<128xi32, #tpu.memory_space<vmem>>) semaphore(%arg10 : memref<!tpu.dma_semaphore, #tpu.memory_space<semaphore_mem>>)
    %dma_start3A_340 = arith.constant 28 : i32
    %dma_start3A_341 = arith.constant 28 : i32
    %dma_start3A_342 = arith.constant 0 : i32
    %dma_start3A_343 = arith.constant 0 : i32
    %dma_start3A_344 = tpu.memref_slice %arg9[%dma_start3A_341, %dma_start3A_342, %dma_start3A_343] : memref<32x128x8xf32, #tpu.memory_space<vmem>> -> memref<1x128x8xf32, #tpu.memory_space<vmem>>
    %dma_start3A_345 = tpu.memref_squeeze %dma_start3A_344 : memref<1x128x8xf32, #tpu.memory_space<vmem>> -> memref<128x8xf32, #tpu.memory_space<vmem>>
    %dma_start3A_346 = arith.constant 0 : i32
    %dma_start3A_347 = tpu.memref_slice %arg7[%dma_start3A_340, %dma_start3A_346] : memref<79x128xi32, #tpu.memory_space<vmem>> -> memref<1x128xi32, #tpu.memory_space<vmem>>
    %dma_start3A_348 = tpu.memref_squeeze %dma_start3A_347 : memref<1x128xi32, #tpu.memory_space<vmem>> -> memref<128xi32, #tpu.memory_space<vmem>>
    %dma_start3A_349 = arith.constant 0 : i32
    %dma_start3A_350 = arith.constant 0 : i32
    %dma_start3A_351 = tpu.memref_slice %arg4[%dma_start3A_349, %dma_start3A_350] : memref<10112x8xf32, #tpu.memory_space<hbm>> -> memref<10112x8xf32, #tpu.memory_space<hbm>>
    tpu.enqueue_indirect_dma source(%dma_start3A_351 : memref<10112x8xf32, #tpu.memory_space<hbm>>) target(%dma_start3A_345 : memref<128x8xf32, #tpu.memory_space<vmem>>) offsets(%dma_start3A_348 : memref<128xi32, #tpu.memory_space<vmem>>) semaphore(%arg10 : memref<!tpu.dma_semaphore, #tpu.memory_space<semaphore_mem>>)
    %dma_start3A_352 = arith.constant 29 : i32
    %dma_start3A_353 = arith.constant 29 : i32
    %dma_start3A_354 = arith.constant 0 : i32
    %dma_start3A_355 = arith.constant 0 : i32
    %dma_start3A_356 = tpu.memref_slice %arg9[%dma_start3A_353, %dma_start3A_354, %dma_start3A_355] : memref<32x128x8xf32, #tpu.memory_space<vmem>> -> memref<1x128x8xf32, #tpu.memory_space<vmem>>
    %dma_start3A_357 = tpu.memref_squeeze %dma_start3A_356 : memref<1x128x8xf32, #tpu.memory_space<vmem>> -> memref<128x8xf32, #tpu.memory_space<vmem>>
    %dma_start3A_358 = arith.constant 0 : i32
    %dma_start3A_359 = tpu.memref_slice %arg7[%dma_start3A_352, %dma_start3A_358] : memref<79x128xi32, #tpu.memory_space<vmem>> -> memref<1x128xi32, #tpu.memory_space<vmem>>
    %dma_start3A_360 = tpu.memref_squeeze %dma_start3A_359 : memref<1x128xi32, #tpu.memory_space<vmem>> -> memref<128xi32, #tpu.memory_space<vmem>>
    %dma_start3A_361 = arith.constant 0 : i32
    %dma_start3A_362 = arith.constant 0 : i32
    %dma_start3A_363 = tpu.memref_slice %arg4[%dma_start3A_361, %dma_start3A_362] : memref<10112x8xf32, #tpu.memory_space<hbm>> -> memref<10112x8xf32, #tpu.memory_space<hbm>>
    tpu.enqueue_indirect_dma source(%dma_start3A_363 : memref<10112x8xf32, #tpu.memory_space<hbm>>) target(%dma_start3A_357 : memref<128x8xf32, #tpu.memory_space<vmem>>) offsets(%dma_start3A_360 : memref<128xi32, #tpu.memory_space<vmem>>) semaphore(%arg10 : memref<!tpu.dma_semaphore, #tpu.memory_space<semaphore_mem>>)
    %dma_start3A_364 = arith.constant 30 : i32
    %dma_start3A_365 = arith.constant 30 : i32
    %dma_start3A_366 = arith.constant 0 : i32
    %dma_start3A_367 = arith.constant 0 : i32
    %dma_start3A_368 = tpu.memref_slice %arg9[%dma_start3A_365, %dma_start3A_366, %dma_start3A_367] : memref<32x128x8xf32, #tpu.memory_space<vmem>> -> memref<1x128x8xf32, #tpu.memory_space<vmem>>
    %dma_start3A_369 = tpu.memref_squeeze %dma_start3A_368 : memref<1x128x8xf32, #tpu.memory_space<vmem>> -> memref<128x8xf32, #tpu.memory_space<vmem>>
    %dma_start3A_370 = arith.constant 0 : i32
    %dma_start3A_371 = tpu.memref_slice %arg7[%dma_start3A_364, %dma_start3A_370] : memref<79x128xi32, #tpu.memory_space<vmem>> -> memref<1x128xi32, #tpu.memory_space<vmem>>
    %dma_start3A_372 = tpu.memref_squeeze %dma_start3A_371 : memref<1x128xi32, #tpu.memory_space<vmem>> -> memref<128xi32, #tpu.memory_space<vmem>>
    %dma_start3A_373 = arith.constant 0 : i32
    %dma_start3A_374 = arith.constant 0 : i32
    %dma_start3A_375 = tpu.memref_slice %arg4[%dma_start3A_373, %dma_start3A_374] : memref<10112x8xf32, #tpu.memory_space<hbm>> -> memref<10112x8xf32, #tpu.memory_space<hbm>>
    tpu.enqueue_indirect_dma source(%dma_start3A_375 : memref<10112x8xf32, #tpu.memory_space<hbm>>) target(%dma_start3A_369 : memref<128x8xf32, #tpu.memory_space<vmem>>) offsets(%dma_start3A_372 : memref<128xi32, #tpu.memory_space<vmem>>) semaphore(%arg10 : memref<!tpu.dma_semaphore, #tpu.memory_space<semaphore_mem>>)
    %dma_start3A_376 = arith.constant 31 : i32
    %dma_start3A_377 = arith.constant 31 : i32
    %dma_start3A_378 = arith.constant 0 : i32
    %dma_start3A_379 = arith.constant 0 : i32
    %dma_start3A_380 = tpu.memref_slice %arg9[%dma_start3A_377, %dma_start3A_378, %dma_start3A_379] : memref<32x128x8xf32, #tpu.memory_space<vmem>> -> memref<1x128x8xf32, #tpu.memory_space<vmem>>
    %dma_start3A_381 = tpu.memref_squeeze %dma_start3A_380 : memref<1x128x8xf32, #tpu.memory_space<vmem>> -> memref<128x8xf32, #tpu.memory_space<vmem>>
    %dma_start3A_382 = arith.constant 0 : i32
    %dma_start3A_383 = tpu.memref_slice %arg7[%dma_start3A_376, %dma_start3A_382] : memref<79x128xi32, #tpu.memory_space<vmem>> -> memref<1x128xi32, #tpu.memory_space<vmem>>
    %dma_start3A_384 = tpu.memref_squeeze %dma_start3A_383 : memref<1x128xi32, #tpu.memory_space<vmem>> -> memref<128xi32, #tpu.memory_space<vmem>>
    %dma_start3A_385 = arith.constant 0 : i32
    %dma_start3A_386 = arith.constant 0 : i32
    %dma_start3A_387 = tpu.memref_slice %arg4[%dma_start3A_385, %dma_start3A_386] : memref<10112x8xf32, #tpu.memory_space<hbm>> -> memref<10112x8xf32, #tpu.memory_space<hbm>>
    tpu.enqueue_indirect_dma source(%dma_start3A_387 : memref<10112x8xf32, #tpu.memory_space<hbm>>) target(%dma_start3A_381 : memref<128x8xf32, #tpu.memory_space<vmem>>) offsets(%dma_start3A_384 : memref<128xi32, #tpu.memory_space<vmem>>) semaphore(%arg10 : memref<!tpu.dma_semaphore, #tpu.memory_space<semaphore_mem>>)
    %scan3A = arith.constant 0 : i32
    %scan3A_388 = arith.constant 0 : i32
    %scan3A_389 = arith.constant 79 : i32
    %scan3A_390 = arith.addi %scan3A_388, %scan3A_389 : i32
    %scan3A_391 = arith.constant 1 : i32
    scf.for %scan3A_398 = %scan3A_388 to %scan3A_390 step %scan3A_391  : i32 {
      %rem3A = arith.constant 32 : i32
      %rem3A_399 = arith.remsi %scan3A_398, %rem3A : i32
      %dma_wait3A = arith.constant 0 : i32
      %dma_wait3A_400 = arith.constant 0 : i32
      %dma_wait3A_401 = tpu.memref_slice %arg9[%rem3A_399, %dma_wait3A, %dma_wait3A_400] : memref<32x128x8xf32, #tpu.memory_space<vmem>> -> memref<1x128x8xf32, #tpu.memory_space<vmem>>
      %dma_wait3A_402 = tpu.memref_squeeze %dma_wait3A_401 : memref<1x128x8xf32, #tpu.memory_space<vmem>> -> memref<128x8xf32, #tpu.memory_space<vmem>>
      %dma_wait3A_403 = arith.constant 0 : i32
      %dma_wait3A_404 = tpu.memref_slice %arg7[%scan3A_398, %dma_wait3A_403] : memref<79x128xi32, #tpu.memory_space<vmem>> -> memref<1x128xi32, #tpu.memory_space<vmem>>
      %dma_wait3A_405 = tpu.memref_squeeze %dma_wait3A_404 : memref<1x128xi32, #tpu.memory_space<vmem>> -> memref<128xi32, #tpu.memory_space<vmem>>
      %dma_wait3A_406 = arith.constant 0 : i32
      %dma_wait3A_407 = arith.constant 0 : i32
      %dma_wait3A_408 = tpu.memref_slice %arg4[%dma_wait3A_406, %dma_wait3A_407] : memref<10112x8xf32, #tpu.memory_space<hbm>> -> memref<10112x8xf32, #tpu.memory_space<hbm>>
      tpu.wait_indirect_dma semaphore(%arg10 : memref<!tpu.dma_semaphore, #tpu.memory_space<semaphore_mem>>) src(%dma_wait3A_408 : memref<10112x8xf32, #tpu.memory_space<hbm>>) dst(%dma_wait3A_402 : memref<128x8xf32, #tpu.memory_space<vmem>>)
      "tpu.region"() ({
        %run_scoped3A = tpu.sem_alloc : memref<!tpu.dma_semaphore, #tpu.memory_space<semaphore_mem>>
        %dma_start3A_413 = arith.constant 0 : i32
        %dma_start3A_414 = arith.constant 0 : i32
        %dma_start3A_415 = tpu.memref_slice %arg9[%rem3A_399, %dma_start3A_413, %dma_start3A_414] : memref<32x128x8xf32, #tpu.memory_space<vmem>> -> memref<1x128x8xf32, #tpu.memory_space<vmem>>
        %dma_start3A_416 = tpu.memref_squeeze %dma_start3A_415 : memref<1x128x8xf32, #tpu.memory_space<vmem>> -> memref<128x8xf32, #tpu.memory_space<vmem>>
        %dma_start3A_417 = arith.constant 0 : i32
        %dma_start3A_418 = tpu.memref_slice %arg8[%scan3A_398, %dma_start3A_417] : memref<79x128xi32, #tpu.memory_space<vmem>> -> memref<1x128xi32, #tpu.memory_space<vmem>>
        %dma_start3A_419 = tpu.memref_squeeze %dma_start3A_418 : memref<1x128xi32, #tpu.memory_space<vmem>> -> memref<128xi32, #tpu.memory_space<vmem>>
        %dma_start3A_420 = arith.constant 0 : i32
        %dma_start3A_421 = arith.constant 0 : i32
        %dma_start3A_422 = tpu.memref_slice %arg11[%dma_start3A_420, %dma_start3A_421] : memref<10112x8xf32, #tpu.memory_space<vmem_shared>> -> memref<10112x8xf32, #tpu.memory_space<vmem_shared>>
        tpu.enqueue_indirect_dma source(%dma_start3A_416 : memref<128x8xf32, #tpu.memory_space<vmem>>) target(%dma_start3A_422 : memref<10112x8xf32, #tpu.memory_space<vmem_shared>>) offsets(%dma_start3A_419 : memref<128xi32, #tpu.memory_space<vmem>>) semaphore(%run_scoped3A : memref<!tpu.dma_semaphore, #tpu.memory_space<semaphore_mem>>) {add = true}
        %dma_wait3A_423 = arith.constant 0 : i32
        %dma_wait3A_424 = arith.constant 0 : i32
        %dma_wait3A_425 = tpu.memref_slice %arg9[%rem3A_399, %dma_wait3A_423, %dma_wait3A_424] : memref<32x128x8xf32, #tpu.memory_space<vmem>> -> memref<1x128x8xf32, #tpu.memory_space<vmem>>
        %dma_wait3A_426 = tpu.memref_squeeze %dma_wait3A_425 : memref<1x128x8xf32, #tpu.memory_space<vmem>> -> memref<128x8xf32, #tpu.memory_space<vmem>>
        %dma_wait3A_427 = arith.constant 0 : i32
        %dma_wait3A_428 = tpu.memref_slice %arg8[%scan3A_398, %dma_wait3A_427] : memref<79x128xi32, #tpu.memory_space<vmem>> -> memref<1x128xi32, #tpu.memory_space<vmem>>
        %dma_wait3A_429 = tpu.memref_squeeze %dma_wait3A_428 : memref<1x128xi32, #tpu.memory_space<vmem>> -> memref<128xi32, #tpu.memory_space<vmem>>
        %dma_wait3A_430 = arith.constant 0 : i32
        %dma_wait3A_431 = arith.constant 0 : i32
        %dma_wait3A_432 = tpu.memref_slice %arg11[%dma_wait3A_430, %dma_wait3A_431] : memref<10112x8xf32, #tpu.memory_space<vmem_shared>> -> memref<10112x8xf32, #tpu.memory_space<vmem_shared>>
        tpu.wait_indirect_dma semaphore(%run_scoped3A : memref<!tpu.dma_semaphore, #tpu.memory_space<semaphore_mem>>) src(%dma_wait3A_426 : memref<128x8xf32, #tpu.memory_space<vmem>>) dst(%dma_wait3A_432 : memref<10112x8xf32, #tpu.memory_space<vmem_shared>>)
        tpu.yield
      }) : () -> ()
      %add3A_409 = arith.constant 32 : i32
      %add3A_410 = arith.addi %scan3A_398, %add3A_409 : i32
      %lt3A = arith.constant 79 : i32
      %lt3A_411 = arith.cmpi slt, %add3A_410, %lt3A : i32
      %convert_element_type3A = arith.extui %lt3A_411 : i1 to i32
      %cond3A = arith.constant 0 : i32
      %cond3A_412 = arith.cmpi ne, %convert_element_type3A, %cond3A : i32
      scf.if %cond3A_412 {
        %add3A_413 = arith.constant 32 : i32
        %add3A_414 = arith.addi %scan3A_398, %add3A_413 : i32
        %dma_start3A_415 = arith.constant 0 : i32
        %dma_start3A_416 = arith.constant 0 : i32
        %dma_start3A_417 = tpu.memref_slice %arg9[%rem3A_399, %dma_start3A_415, %dma_start3A_416] : memref<32x128x8xf32, #tpu.memory_space<vmem>> -> memref<1x128x8xf32, #tpu.memory_space<vmem>>
        %dma_start3A_418 = tpu.memref_squeeze %dma_start3A_417 : memref<1x128x8xf32, #tpu.memory_space<vmem>> -> memref<128x8xf32, #tpu.memory_space<vmem>>
        %dma_start3A_419 = arith.constant 0 : i32
        %dma_start3A_420 = tpu.memref_slice %arg7[%add3A_414, %dma_start3A_419] : memref<79x128xi32, #tpu.memory_space<vmem>> -> memref<1x128xi32, #tpu.memory_space<vmem>>
        %dma_start3A_421 = tpu.memref_squeeze %dma_start3A_420 : memref<1x128xi32, #tpu.memory_space<vmem>> -> memref<128xi32, #tpu.memory_space<vmem>>
        %dma_start3A_422 = arith.constant 0 : i32
        %dma_start3A_423 = arith.constant 0 : i32
        %dma_start3A_424 = tpu.memref_slice %arg4[%dma_start3A_422, %dma_start3A_423] : memref<10112x8xf32, #tpu.memory_space<hbm>> -> memref<10112x8xf32, #tpu.memory_space<hbm>>
        tpu.enqueue_indirect_dma source(%dma_start3A_424 : memref<10112x8xf32, #tpu.memory_space<hbm>>) target(%dma_start3A_418 : memref<128x8xf32, #tpu.memory_space<vmem>>) offsets(%dma_start3A_421 : memref<128xi32, #tpu.memory_space<vmem>>) semaphore(%arg10 : memref<!tpu.dma_semaphore, #tpu.memory_space<semaphore_mem>>)
      } else {
      }
    }
    %scan3A_392 = arith.constant 79 : i32
    %barrier3A_393 = arith.constant 0 : index
    tpu.barrier barrier_id(%barrier3A_393)
    %mul3A_394 = arith.constant 632 : i32
    %mul3A_395 = arith.muli %arg1, %mul3A_394 : i32
    %mul3A_396 = arith.constant 632 : i32
    %mul3A_397 = arith.muli %arg1, %mul3A_396 : i32
    "tpu.region"() ({
      %run_scoped3A = tpu.sem_alloc : memref<!tpu.dma_semaphore, #tpu.memory_space<semaphore_mem>>
      %dma_start3A_398 = arith.constant 0 : i32
      %dma_start3A_399 = tpu.memref_slice %arg6[%arg0, %mul3A_397, %dma_start3A_398] : memref<2x10112x8xf32, #tpu.memory_space<hbm>> -> memref<1x632x8xf32, #tpu.memory_space<hbm>>
      %dma_start3A_400 = tpu.memref_squeeze %dma_start3A_399 : memref<1x632x8xf32, #tpu.memory_space<hbm>> -> memref<632x8xf32, #tpu.memory_space<hbm>>
      %dma_start3A_401 = arith.constant 0 : i32
      %dma_start3A_402 = tpu.memref_slice %arg11[%mul3A_395, %dma_start3A_401] : memref<10112x8xf32, #tpu.memory_space<vmem_shared>> -> memref<632x8xf32, #tpu.memory_space<vmem_shared>>
      tpu.enqueue_dma source(%dma_start3A_402 : memref<632x8xf32, #tpu.memory_space<vmem_shared>>) target(%dma_start3A_400 : memref<632x8xf32, #tpu.memory_space<hbm>>) target_semaphore(%run_scoped3A : memref<!tpu.dma_semaphore, #tpu.memory_space<semaphore_mem>>)
      %dma_wait3A = arith.constant 0 : i32
      %dma_wait3A_403 = tpu.memref_slice %arg6[%arg0, %mul3A_397, %dma_wait3A] : memref<2x10112x8xf32, #tpu.memory_space<hbm>> -> memref<1x632x8xf32, #tpu.memory_space<hbm>>
      %dma_wait3A_404 = tpu.memref_squeeze %dma_wait3A_403 : memref<1x632x8xf32, #tpu.memory_space<hbm>> -> memref<632x8xf32, #tpu.memory_space<hbm>>
      %dma_wait3A_405 = arith.constant 0 : i32
      %dma_wait3A_406 = tpu.memref_slice %arg11[%mul3A_395, %dma_wait3A_405] : memref<10112x8xf32, #tpu.memory_space<vmem_shared>> -> memref<632x8xf32, #tpu.memory_space<vmem_shared>>
      tpu.wait_dma2 semaphore(%run_scoped3A : memref<!tpu.dma_semaphore, #tpu.memory_space<semaphore_mem>>) src(%dma_wait3A_406 : memref<632x8xf32, #tpu.memory_space<vmem_shared>>) dst(%dma_wait3A_404 : memref<632x8xf32, #tpu.memory_space<hbm>>)
      tpu.yield
    }) : () -> ()
    return
  }
}

#map = affine_map<(d0, d1) -> (0, 0, 0)>
#map1 = affine_map<(d0, d1) -> (0, 0)>
module attributes {stable_mosaic.version = 14 : i64} {
  func.func @sc_degree_histogram(%arg0: i32, %arg1: i32, %arg2: memref<32x79x128xi32, #tpu.memory_space<hbm>>, %arg3: memref<128x8xf32, #tpu.memory_space<hbm>>, %arg4: memref<10112x8xf32, #tpu.memory_space<hbm>>, %arg5: memref<2x10112x8xf32, #tpu.memory_space<hbm>>, %arg6: memref<79x128xi32, #tpu.memory_space<vmem>>, %arg7: memref<128x8xf32, #tpu.memory_space<vmem>>, %arg8: memref<!tpu.dma_semaphore, #tpu.memory_space<semaphore_mem>>, %arg9: memref<10112x8xf32, #tpu.memory_space<vmem_shared>>) attributes {dimension_semantics = [#tpu.dimension_semantics<core_parallel>, #tpu.dimension_semantics<subcore_parallel>], iteration_bounds = array<i64: 2, 16>, scalar_prefetch = 0 : i64, scratch_operands = 4 : i64, tpu.core_type = #tpu.core_type<sc_vector_subcore>, window_params = [{transform_indices = #map}, {transform_indices = #map1}, {transform_indices = #map1}, {transform_indices = #map}]} {
    %mul3A = arith.constant 16 : i32
    %mul3A_0 = arith.muli %arg0, %mul3A : i32
    %add3A = arith.addi %mul3A_0, %arg1 : i32
    %mul3A_1 = arith.constant 632 : i32
    %mul3A_2 = arith.muli %arg1, %mul3A_1 : i32
    %mul3A_3 = arith.constant 632 : i32
    %mul3A_4 = arith.muli %arg1, %mul3A_3 : i32
    "tpu.region"() ({
      %run_scoped3A = tpu.sem_alloc : memref<!tpu.dma_semaphore, #tpu.memory_space<semaphore_mem>>
      %dma_start3A = arith.constant 0 : i32
      %dma_start3A_21 = tpu.memref_slice %arg9[%mul3A_4, %dma_start3A] : memref<10112x8xf32, #tpu.memory_space<vmem_shared>> -> memref<632x8xf32, #tpu.memory_space<vmem_shared>>
      %dma_start3A_22 = arith.constant 0 : i32
      %dma_start3A_23 = tpu.memref_slice %arg4[%mul3A_2, %dma_start3A_22] : memref<10112x8xf32, #tpu.memory_space<hbm>> -> memref<632x8xf32, #tpu.memory_space<hbm>>
      tpu.enqueue_dma source(%dma_start3A_23 : memref<632x8xf32, #tpu.memory_space<hbm>>) target(%dma_start3A_21 : memref<632x8xf32, #tpu.memory_space<vmem_shared>>) target_semaphore(%run_scoped3A : memref<!tpu.dma_semaphore, #tpu.memory_space<semaphore_mem>>)
      %dma_wait3A = arith.constant 0 : i32
      %dma_wait3A_24 = tpu.memref_slice %arg9[%mul3A_4, %dma_wait3A] : memref<10112x8xf32, #tpu.memory_space<vmem_shared>> -> memref<632x8xf32, #tpu.memory_space<vmem_shared>>
      %dma_wait3A_25 = arith.constant 0 : i32
      %dma_wait3A_26 = tpu.memref_slice %arg4[%mul3A_2, %dma_wait3A_25] : memref<10112x8xf32, #tpu.memory_space<hbm>> -> memref<632x8xf32, #tpu.memory_space<hbm>>
      tpu.wait_dma2 semaphore(%run_scoped3A : memref<!tpu.dma_semaphore, #tpu.memory_space<semaphore_mem>>) src(%dma_wait3A_26 : memref<632x8xf32, #tpu.memory_space<hbm>>) dst(%dma_wait3A_24 : memref<632x8xf32, #tpu.memory_space<vmem_shared>>)
      tpu.yield
    }) : () -> ()
    "tpu.region"() ({
      %run_scoped3A = tpu.sem_alloc : memref<!tpu.dma_semaphore, #tpu.memory_space<semaphore_mem>>
      tpu.enqueue_dma source(%arg3 : memref<128x8xf32, #tpu.memory_space<hbm>>) target(%arg7 : memref<128x8xf32, #tpu.memory_space<vmem>>) target_semaphore(%run_scoped3A : memref<!tpu.dma_semaphore, #tpu.memory_space<semaphore_mem>>)
      tpu.wait_dma2 semaphore(%run_scoped3A : memref<!tpu.dma_semaphore, #tpu.memory_space<semaphore_mem>>) src(%arg3 : memref<128x8xf32, #tpu.memory_space<hbm>>) dst(%arg7 : memref<128x8xf32, #tpu.memory_space<vmem>>)
      tpu.yield
    }) : () -> ()
    "tpu.region"() ({
      %run_scoped3A = tpu.sem_alloc : memref<!tpu.dma_semaphore, #tpu.memory_space<semaphore_mem>>
      %dma_start3A = arith.constant 0 : i32
      %dma_start3A_21 = arith.constant 0 : i32
      %dma_start3A_22 = tpu.memref_slice %arg2[%add3A, %dma_start3A, %dma_start3A_21] : memref<32x79x128xi32, #tpu.memory_space<hbm>> -> memref<1x79x128xi32, #tpu.memory_space<hbm>>
      %dma_start3A_23 = tpu.memref_squeeze %dma_start3A_22 : memref<1x79x128xi32, #tpu.memory_space<hbm>> -> memref<79x128xi32, #tpu.memory_space<hbm>>
      %dma_start3A_24 = arith.constant 0 : i32
      %dma_start3A_25 = arith.constant 0 : i32
      %dma_start3A_26 = tpu.memref_slice %arg2[%add3A, %dma_start3A_24, %dma_start3A_25] : memref<32x79x128xi32, #tpu.memory_space<hbm>> -> memref<1x79x128xi32, #tpu.memory_space<hbm>>
      %dma_start3A_27 = tpu.memref_squeeze %dma_start3A_26 : memref<1x79x128xi32, #tpu.memory_space<hbm>> -> memref<79x128xi32, #tpu.memory_space<hbm>>
      tpu.enqueue_dma source(%dma_start3A_27 : memref<79x128xi32, #tpu.memory_space<hbm>>) target(%arg6 : memref<79x128xi32, #tpu.memory_space<vmem>>) target_semaphore(%run_scoped3A : memref<!tpu.dma_semaphore, #tpu.memory_space<semaphore_mem>>)
      %dma_wait3A = arith.constant 0 : i32
      %dma_wait3A_28 = arith.constant 0 : i32
      %dma_wait3A_29 = tpu.memref_slice %arg2[%add3A, %dma_wait3A, %dma_wait3A_28] : memref<32x79x128xi32, #tpu.memory_space<hbm>> -> memref<1x79x128xi32, #tpu.memory_space<hbm>>
      %dma_wait3A_30 = tpu.memref_squeeze %dma_wait3A_29 : memref<1x79x128xi32, #tpu.memory_space<hbm>> -> memref<79x128xi32, #tpu.memory_space<hbm>>
      %dma_wait3A_31 = arith.constant 0 : i32
      %dma_wait3A_32 = arith.constant 0 : i32
      %dma_wait3A_33 = tpu.memref_slice %arg2[%add3A, %dma_wait3A_31, %dma_wait3A_32] : memref<32x79x128xi32, #tpu.memory_space<hbm>> -> memref<1x79x128xi32, #tpu.memory_space<hbm>>
      %dma_wait3A_34 = tpu.memref_squeeze %dma_wait3A_33 : memref<1x79x128xi32, #tpu.memory_space<hbm>> -> memref<79x128xi32, #tpu.memory_space<hbm>>
      tpu.wait_dma2 semaphore(%run_scoped3A : memref<!tpu.dma_semaphore, #tpu.memory_space<semaphore_mem>>) src(%dma_wait3A_34 : memref<79x128xi32, #tpu.memory_space<hbm>>) dst(%arg6 : memref<79x128xi32, #tpu.memory_space<vmem>>)
      tpu.yield
    }) : () -> ()
    %barrier3A = arith.constant 0 : index
    tpu.barrier barrier_id(%barrier3A)
    %scan3A = arith.constant 0 : i32
    %scan3A_5 = arith.constant 0 : i32
    %scan3A_6 = arith.constant 79 : i32
    %scan3A_7 = arith.addi %scan3A_5, %scan3A_6 : i32
    %scan3A_8 = arith.constant 1 : i32
    scf.for %scan3A_21 = %scan3A_5 to %scan3A_7 step %scan3A_8  : i32 {
      %dma_start3A = arith.constant 0 : i32
      %dma_start3A_22 = tpu.memref_slice %arg6[%scan3A_21, %dma_start3A] : memref<79x128xi32, #tpu.memory_space<vmem>> -> memref<1x128xi32, #tpu.memory_space<vmem>>
      %dma_start3A_23 = tpu.memref_squeeze %dma_start3A_22 : memref<1x128xi32, #tpu.memory_space<vmem>> -> memref<128xi32, #tpu.memory_space<vmem>>
      %dma_start3A_24 = arith.constant 0 : i32
      %dma_start3A_25 = arith.constant 0 : i32
      %dma_start3A_26 = tpu.memref_slice %arg9[%dma_start3A_24, %dma_start3A_25] : memref<10112x8xf32, #tpu.memory_space<vmem_shared>> -> memref<10112x8xf32, #tpu.memory_space<vmem_shared>>
      tpu.enqueue_indirect_dma source(%arg7 : memref<128x8xf32, #tpu.memory_space<vmem>>) target(%dma_start3A_26 : memref<10112x8xf32, #tpu.memory_space<vmem_shared>>) offsets(%dma_start3A_23 : memref<128xi32, #tpu.memory_space<vmem>>) semaphore(%arg8 : memref<!tpu.dma_semaphore, #tpu.memory_space<semaphore_mem>>) {add = true}
      %ge3A = arith.constant 8 : i32
      %ge3A_27 = arith.cmpi sge, %scan3A_21, %ge3A : i32
      %convert_element_type3A = arith.extui %ge3A_27 : i1 to i32
      %cond3A = arith.constant 0 : i32
      %cond3A_28 = arith.cmpi ne, %convert_element_type3A, %cond3A : i32
      scf.if %cond3A_28 {
        %sub3A = arith.constant 8 : i32
        %sub3A_29 = arith.subi %scan3A_21, %sub3A : i32
        %dma_wait3A = arith.constant 0 : i32
        %dma_wait3A_30 = tpu.memref_slice %arg6[%sub3A_29, %dma_wait3A] : memref<79x128xi32, #tpu.memory_space<vmem>> -> memref<1x128xi32, #tpu.memory_space<vmem>>
        %dma_wait3A_31 = tpu.memref_squeeze %dma_wait3A_30 : memref<1x128xi32, #tpu.memory_space<vmem>> -> memref<128xi32, #tpu.memory_space<vmem>>
        %dma_wait3A_32 = arith.constant 0 : i32
        %dma_wait3A_33 = arith.constant 0 : i32
        %dma_wait3A_34 = tpu.memref_slice %arg9[%dma_wait3A_32, %dma_wait3A_33] : memref<10112x8xf32, #tpu.memory_space<vmem_shared>> -> memref<10112x8xf32, #tpu.memory_space<vmem_shared>>
        tpu.wait_indirect_dma semaphore(%arg8 : memref<!tpu.dma_semaphore, #tpu.memory_space<semaphore_mem>>) src(%arg7 : memref<128x8xf32, #tpu.memory_space<vmem>>) dst(%dma_wait3A_34 : memref<10112x8xf32, #tpu.memory_space<vmem_shared>>)
      } else {
      }
    }
    %scan3A_9 = arith.constant 79 : i32
    %scan3A_10 = arith.constant 0 : i32
    %scan3A_11 = arith.constant 71 : i32
    %scan3A_12 = arith.constant 8 : i32
    %scan3A_13 = arith.addi %scan3A_11, %scan3A_12 : i32
    %scan3A_14 = arith.constant 1 : i32
    scf.for %scan3A_21 = %scan3A_11 to %scan3A_13 step %scan3A_14  : i32 {
      %dma_wait3A = arith.constant 0 : i32
      %dma_wait3A_22 = tpu.memref_slice %arg6[%scan3A_21, %dma_wait3A] : memref<79x128xi32, #tpu.memory_space<vmem>> -> memref<1x128xi32, #tpu.memory_space<vmem>>
      %dma_wait3A_23 = tpu.memref_squeeze %dma_wait3A_22 : memref<1x128xi32, #tpu.memory_space<vmem>> -> memref<128xi32, #tpu.memory_space<vmem>>
      %dma_wait3A_24 = arith.constant 0 : i32
      %dma_wait3A_25 = arith.constant 0 : i32
      %dma_wait3A_26 = tpu.memref_slice %arg9[%dma_wait3A_24, %dma_wait3A_25] : memref<10112x8xf32, #tpu.memory_space<vmem_shared>> -> memref<10112x8xf32, #tpu.memory_space<vmem_shared>>
      tpu.wait_indirect_dma semaphore(%arg8 : memref<!tpu.dma_semaphore, #tpu.memory_space<semaphore_mem>>) src(%arg7 : memref<128x8xf32, #tpu.memory_space<vmem>>) dst(%dma_wait3A_26 : memref<10112x8xf32, #tpu.memory_space<vmem_shared>>)
    }
    %scan3A_15 = arith.constant 8 : i32
    %barrier3A_16 = arith.constant 0 : index
    tpu.barrier barrier_id(%barrier3A_16)
    %mul3A_17 = arith.constant 632 : i32
    %mul3A_18 = arith.muli %arg1, %mul3A_17 : i32
    %mul3A_19 = arith.constant 632 : i32
    %mul3A_20 = arith.muli %arg1, %mul3A_19 : i32
    "tpu.region"() ({
      %run_scoped3A = tpu.sem_alloc : memref<!tpu.dma_semaphore, #tpu.memory_space<semaphore_mem>>
      %dma_start3A = arith.constant 0 : i32
      %dma_start3A_21 = tpu.memref_slice %arg5[%arg0, %mul3A_20, %dma_start3A] : memref<2x10112x8xf32, #tpu.memory_space<hbm>> -> memref<1x632x8xf32, #tpu.memory_space<hbm>>
      %dma_start3A_22 = tpu.memref_squeeze %dma_start3A_21 : memref<1x632x8xf32, #tpu.memory_space<hbm>> -> memref<632x8xf32, #tpu.memory_space<hbm>>
      %dma_start3A_23 = arith.constant 0 : i32
      %dma_start3A_24 = tpu.memref_slice %arg9[%mul3A_18, %dma_start3A_23] : memref<10112x8xf32, #tpu.memory_space<vmem_shared>> -> memref<632x8xf32, #tpu.memory_space<vmem_shared>>
      tpu.enqueue_dma source(%dma_start3A_24 : memref<632x8xf32, #tpu.memory_space<vmem_shared>>) target(%dma_start3A_22 : memref<632x8xf32, #tpu.memory_space<hbm>>) target_semaphore(%run_scoped3A : memref<!tpu.dma_semaphore, #tpu.memory_space<semaphore_mem>>)
      %dma_wait3A = arith.constant 0 : i32
      %dma_wait3A_25 = tpu.memref_slice %arg5[%arg0, %mul3A_20, %dma_wait3A] : memref<2x10112x8xf32, #tpu.memory_space<hbm>> -> memref<1x632x8xf32, #tpu.memory_space<hbm>>
      %dma_wait3A_26 = tpu.memref_squeeze %dma_wait3A_25 : memref<1x632x8xf32, #tpu.memory_space<hbm>> -> memref<632x8xf32, #tpu.memory_space<hbm>>
      %dma_wait3A_27 = arith.constant 0 : i32
      %dma_wait3A_28 = tpu.memref_slice %arg9[%mul3A_18, %dma_wait3A_27] : memref<10112x8xf32, #tpu.memory_space<vmem_shared>> -> memref<632x8xf32, #tpu.memory_space<vmem_shared>>
      tpu.wait_dma2 semaphore(%run_scoped3A : memref<!tpu.dma_semaphore, #tpu.memory_space<semaphore_mem>>) src(%dma_wait3A_28 : memref<632x8xf32, #tpu.memory_space<vmem_shared>>) dst(%dma_wait3A_26 : memref<632x8xf32, #tpu.memory_space<hbm>>)
      tpu.yield
    }) : () -> ()
    return
  }
}

#map = affine_map<(d0, d1) -> (0, 0, 0)>
#map1 = affine_map<(d0, d1) -> (0, 0)>
module attributes {stable_mosaic.version = 14 : i64} {
  func.func @sc_edge_pass_w8(%arg0: i32, %arg1: i32, %arg2: memref<32x79x128xi32, #tpu.memory_space<hbm>>, %arg3: memref<32x79x128xi32, #tpu.memory_space<hbm>>, %arg4: memref<10112x8xf32, #tpu.memory_space<hbm>>, %arg5: memref<10112x8xf32, #tpu.memory_space<hbm>>, %arg6: memref<2x10112x8xf32, #tpu.memory_space<hbm>>, %arg7: memref<79x128xi32, #tpu.memory_space<vmem>>, %arg8: memref<79x128xi32, #tpu.memory_space<vmem>>, %arg9: memref<32x128x8xf32, #tpu.memory_space<vmem>>, %arg10: memref<!tpu.dma_semaphore, #tpu.memory_space<semaphore_mem>>, %arg11: memref<10112x8xf32, #tpu.memory_space<vmem_shared>>) attributes {dimension_semantics = [#tpu.dimension_semantics<core_parallel>, #tpu.dimension_semantics<subcore_parallel>], iteration_bounds = array<i64: 2, 16>, scalar_prefetch = 0 : i64, scratch_operands = 5 : i64, tpu.core_type = #tpu.core_type<sc_vector_subcore>, window_params = [{transform_indices = #map}, {transform_indices = #map}, {transform_indices = #map1}, {transform_indices = #map1}, {transform_indices = #map}]} {
    %mul3A = arith.constant 16 : i32
    %mul3A_0 = arith.muli %arg0, %mul3A : i32
    %add3A = arith.addi %mul3A_0, %arg1 : i32
    %mul3A_1 = arith.constant 632 : i32
    %mul3A_2 = arith.muli %arg1, %mul3A_1 : i32
    %mul3A_3 = arith.constant 632 : i32
    %mul3A_4 = arith.muli %arg1, %mul3A_3 : i32
    "tpu.region"() ({
      %run_scoped3A = tpu.sem_alloc : memref<!tpu.dma_semaphore, #tpu.memory_space<semaphore_mem>>
      %dma_start3A_398 = arith.constant 0 : i32
      %dma_start3A_399 = tpu.memref_slice %arg11[%mul3A_4, %dma_start3A_398] : memref<10112x8xf32, #tpu.memory_space<vmem_shared>> -> memref<632x8xf32, #tpu.memory_space<vmem_shared>>
      %dma_start3A_400 = arith.constant 0 : i32
      %dma_start3A_401 = tpu.memref_slice %arg5[%mul3A_2, %dma_start3A_400] : memref<10112x8xf32, #tpu.memory_space<hbm>> -> memref<632x8xf32, #tpu.memory_space<hbm>>
      tpu.enqueue_dma source(%dma_start3A_401 : memref<632x8xf32, #tpu.memory_space<hbm>>) target(%dma_start3A_399 : memref<632x8xf32, #tpu.memory_space<vmem_shared>>) target_semaphore(%run_scoped3A : memref<!tpu.dma_semaphore, #tpu.memory_space<semaphore_mem>>)
      %dma_wait3A = arith.constant 0 : i32
      %dma_wait3A_402 = tpu.memref_slice %arg11[%mul3A_4, %dma_wait3A] : memref<10112x8xf32, #tpu.memory_space<vmem_shared>> -> memref<632x8xf32, #tpu.memory_space<vmem_shared>>
      %dma_wait3A_403 = arith.constant 0 : i32
      %dma_wait3A_404 = tpu.memref_slice %arg5[%mul3A_2, %dma_wait3A_403] : memref<10112x8xf32, #tpu.memory_space<hbm>> -> memref<632x8xf32, #tpu.memory_space<hbm>>
      tpu.wait_dma2 semaphore(%run_scoped3A : memref<!tpu.dma_semaphore, #tpu.memory_space<semaphore_mem>>) src(%dma_wait3A_404 : memref<632x8xf32, #tpu.memory_space<hbm>>) dst(%dma_wait3A_402 : memref<632x8xf32, #tpu.memory_space<vmem_shared>>)
      tpu.yield
    }) : () -> ()
    "tpu.region"() ({
      %run_scoped3A = tpu.sem_alloc : memref<!tpu.dma_semaphore, #tpu.memory_space<semaphore_mem>>
      %dma_start3A_398 = arith.constant 0 : i32
      %dma_start3A_399 = arith.constant 0 : i32
      %dma_start3A_400 = tpu.memref_slice %arg2[%add3A, %dma_start3A_398, %dma_start3A_399] : memref<32x79x128xi32, #tpu.memory_space<hbm>> -> memref<1x79x128xi32, #tpu.memory_space<hbm>>
      %dma_start3A_401 = tpu.memref_squeeze %dma_start3A_400 : memref<1x79x128xi32, #tpu.memory_space<hbm>> -> memref<79x128xi32, #tpu.memory_space<hbm>>
      %dma_start3A_402 = arith.constant 0 : i32
      %dma_start3A_403 = arith.constant 0 : i32
      %dma_start3A_404 = tpu.memref_slice %arg2[%add3A, %dma_start3A_402, %dma_start3A_403] : memref<32x79x128xi32, #tpu.memory_space<hbm>> -> memref<1x79x128xi32, #tpu.memory_space<hbm>>
      %dma_start3A_405 = tpu.memref_squeeze %dma_start3A_404 : memref<1x79x128xi32, #tpu.memory_space<hbm>> -> memref<79x128xi32, #tpu.memory_space<hbm>>
      tpu.enqueue_dma source(%dma_start3A_405 : memref<79x128xi32, #tpu.memory_space<hbm>>) target(%arg7 : memref<79x128xi32, #tpu.memory_space<vmem>>) target_semaphore(%run_scoped3A : memref<!tpu.dma_semaphore, #tpu.memory_space<semaphore_mem>>)
      %dma_wait3A = arith.constant 0 : i32
      %dma_wait3A_406 = arith.constant 0 : i32
      %dma_wait3A_407 = tpu.memref_slice %arg2[%add3A, %dma_wait3A, %dma_wait3A_406] : memref<32x79x128xi32, #tpu.memory_space<hbm>> -> memref<1x79x128xi32, #tpu.memory_space<hbm>>
      %dma_wait3A_408 = tpu.memref_squeeze %dma_wait3A_407 : memref<1x79x128xi32, #tpu.memory_space<hbm>> -> memref<79x128xi32, #tpu.memory_space<hbm>>
      %dma_wait3A_409 = arith.constant 0 : i32
      %dma_wait3A_410 = arith.constant 0 : i32
      %dma_wait3A_411 = tpu.memref_slice %arg2[%add3A, %dma_wait3A_409, %dma_wait3A_410] : memref<32x79x128xi32, #tpu.memory_space<hbm>> -> memref<1x79x128xi32, #tpu.memory_space<hbm>>
      %dma_wait3A_412 = tpu.memref_squeeze %dma_wait3A_411 : memref<1x79x128xi32, #tpu.memory_space<hbm>> -> memref<79x128xi32, #tpu.memory_space<hbm>>
      tpu.wait_dma2 semaphore(%run_scoped3A : memref<!tpu.dma_semaphore, #tpu.memory_space<semaphore_mem>>) src(%dma_wait3A_412 : memref<79x128xi32, #tpu.memory_space<hbm>>) dst(%arg7 : memref<79x128xi32, #tpu.memory_space<vmem>>)
      tpu.yield
    }) : () -> ()
    "tpu.region"() ({
      %run_scoped3A = tpu.sem_alloc : memref<!tpu.dma_semaphore, #tpu.memory_space<semaphore_mem>>
      %dma_start3A_398 = arith.constant 0 : i32
      %dma_start3A_399 = arith.constant 0 : i32
      %dma_start3A_400 = tpu.memref_slice %arg3[%add3A, %dma_start3A_398, %dma_start3A_399] : memref<32x79x128xi32, #tpu.memory_space<hbm>> -> memref<1x79x128xi32, #tpu.memory_space<hbm>>
      %dma_start3A_401 = tpu.memref_squeeze %dma_start3A_400 : memref<1x79x128xi32, #tpu.memory_space<hbm>> -> memref<79x128xi32, #tpu.memory_space<hbm>>
      %dma_start3A_402 = arith.constant 0 : i32
      %dma_start3A_403 = arith.constant 0 : i32
      %dma_start3A_404 = tpu.memref_slice %arg3[%add3A, %dma_start3A_402, %dma_start3A_403] : memref<32x79x128xi32, #tpu.memory_space<hbm>> -> memref<1x79x128xi32, #tpu.memory_space<hbm>>
      %dma_start3A_405 = tpu.memref_squeeze %dma_start3A_404 : memref<1x79x128xi32, #tpu.memory_space<hbm>> -> memref<79x128xi32, #tpu.memory_space<hbm>>
      tpu.enqueue_dma source(%dma_start3A_405 : memref<79x128xi32, #tpu.memory_space<hbm>>) target(%arg8 : memref<79x128xi32, #tpu.memory_space<vmem>>) target_semaphore(%run_scoped3A : memref<!tpu.dma_semaphore, #tpu.memory_space<semaphore_mem>>)
      %dma_wait3A = arith.constant 0 : i32
      %dma_wait3A_406 = arith.constant 0 : i32
      %dma_wait3A_407 = tpu.memref_slice %arg3[%add3A, %dma_wait3A, %dma_wait3A_406] : memref<32x79x128xi32, #tpu.memory_space<hbm>> -> memref<1x79x128xi32, #tpu.memory_space<hbm>>
      %dma_wait3A_408 = tpu.memref_squeeze %dma_wait3A_407 : memref<1x79x128xi32, #tpu.memory_space<hbm>> -> memref<79x128xi32, #tpu.memory_space<hbm>>
      %dma_wait3A_409 = arith.constant 0 : i32
      %dma_wait3A_410 = arith.constant 0 : i32
      %dma_wait3A_411 = tpu.memref_slice %arg3[%add3A, %dma_wait3A_409, %dma_wait3A_410] : memref<32x79x128xi32, #tpu.memory_space<hbm>> -> memref<1x79x128xi32, #tpu.memory_space<hbm>>
      %dma_wait3A_412 = tpu.memref_squeeze %dma_wait3A_411 : memref<1x79x128xi32, #tpu.memory_space<hbm>> -> memref<79x128xi32, #tpu.memory_space<hbm>>
      tpu.wait_dma2 semaphore(%run_scoped3A : memref<!tpu.dma_semaphore, #tpu.memory_space<semaphore_mem>>) src(%dma_wait3A_412 : memref<79x128xi32, #tpu.memory_space<hbm>>) dst(%arg8 : memref<79x128xi32, #tpu.memory_space<vmem>>)
      tpu.yield
    }) : () -> ()
    %barrier3A = arith.constant 0 : index
    tpu.barrier barrier_id(%barrier3A)
    %dma_start3A = arith.constant 0 : i32
    %dma_start3A_5 = arith.constant 0 : i32
    %dma_start3A_6 = arith.constant 0 : i32
    %dma_start3A_7 = arith.constant 0 : i32
    %dma_start3A_8 = tpu.memref_slice %arg9[%dma_start3A_5, %dma_start3A_6, %dma_start3A_7] : memref<32x128x8xf32, #tpu.memory_space<vmem>> -> memref<1x128x8xf32, #tpu.memory_space<vmem>>
    %dma_start3A_9 = tpu.memref_squeeze %dma_start3A_8 : memref<1x128x8xf32, #tpu.memory_space<vmem>> -> memref<128x8xf32, #tpu.memory_space<vmem>>
    %dma_start3A_10 = arith.constant 0 : i32
    %dma_start3A_11 = tpu.memref_slice %arg7[%dma_start3A, %dma_start3A_10] : memref<79x128xi32, #tpu.memory_space<vmem>> -> memref<1x128xi32, #tpu.memory_space<vmem>>
    %dma_start3A_12 = tpu.memref_squeeze %dma_start3A_11 : memref<1x128xi32, #tpu.memory_space<vmem>> -> memref<128xi32, #tpu.memory_space<vmem>>
    %dma_start3A_13 = arith.constant 0 : i32
    %dma_start3A_14 = arith.constant 0 : i32
    %dma_start3A_15 = tpu.memref_slice %arg4[%dma_start3A_13, %dma_start3A_14] : memref<10112x8xf32, #tpu.memory_space<hbm>> -> memref<10112x8xf32, #tpu.memory_space<hbm>>
    tpu.enqueue_indirect_dma source(%dma_start3A_15 : memref<10112x8xf32, #tpu.memory_space<hbm>>) target(%dma_start3A_9 : memref<128x8xf32, #tpu.memory_space<vmem>>) offsets(%dma_start3A_12 : memref<128xi32, #tpu.memory_space<vmem>>) semaphore(%arg10 : memref<!tpu.dma_semaphore, #tpu.memory_space<semaphore_mem>>)
    %dma_start3A_16 = arith.constant 1 : i32
    %dma_start3A_17 = arith.constant 1 : i32
    %dma_start3A_18 = arith.constant 0 : i32
    %dma_start3A_19 = arith.constant 0 : i32
    %dma_start3A_20 = tpu.memref_slice %arg9[%dma_start3A_17, %dma_start3A_18, %dma_start3A_19] : memref<32x128x8xf32, #tpu.memory_space<vmem>> -> memref<1x128x8xf32, #tpu.memory_space<vmem>>
    %dma_start3A_21 = tpu.memref_squeeze %dma_start3A_20 : memref<1x128x8xf32, #tpu.memory_space<vmem>> -> memref<128x8xf32, #tpu.memory_space<vmem>>
    %dma_start3A_22 = arith.constant 0 : i32
    %dma_start3A_23 = tpu.memref_slice %arg7[%dma_start3A_16, %dma_start3A_22] : memref<79x128xi32, #tpu.memory_space<vmem>> -> memref<1x128xi32, #tpu.memory_space<vmem>>
    %dma_start3A_24 = tpu.memref_squeeze %dma_start3A_23 : memref<1x128xi32, #tpu.memory_space<vmem>> -> memref<128xi32, #tpu.memory_space<vmem>>
    %dma_start3A_25 = arith.constant 0 : i32
    %dma_start3A_26 = arith.constant 0 : i32
    %dma_start3A_27 = tpu.memref_slice %arg4[%dma_start3A_25, %dma_start3A_26] : memref<10112x8xf32, #tpu.memory_space<hbm>> -> memref<10112x8xf32, #tpu.memory_space<hbm>>
    tpu.enqueue_indirect_dma source(%dma_start3A_27 : memref<10112x8xf32, #tpu.memory_space<hbm>>) target(%dma_start3A_21 : memref<128x8xf32, #tpu.memory_space<vmem>>) offsets(%dma_start3A_24 : memref<128xi32, #tpu.memory_space<vmem>>) semaphore(%arg10 : memref<!tpu.dma_semaphore, #tpu.memory_space<semaphore_mem>>)
    %dma_start3A_28 = arith.constant 2 : i32
    %dma_start3A_29 = arith.constant 2 : i32
    %dma_start3A_30 = arith.constant 0 : i32
    %dma_start3A_31 = arith.constant 0 : i32
    %dma_start3A_32 = tpu.memref_slice %arg9[%dma_start3A_29, %dma_start3A_30, %dma_start3A_31] : memref<32x128x8xf32, #tpu.memory_space<vmem>> -> memref<1x128x8xf32, #tpu.memory_space<vmem>>
    %dma_start3A_33 = tpu.memref_squeeze %dma_start3A_32 : memref<1x128x8xf32, #tpu.memory_space<vmem>> -> memref<128x8xf32, #tpu.memory_space<vmem>>
    %dma_start3A_34 = arith.constant 0 : i32
    %dma_start3A_35 = tpu.memref_slice %arg7[%dma_start3A_28, %dma_start3A_34] : memref<79x128xi32, #tpu.memory_space<vmem>> -> memref<1x128xi32, #tpu.memory_space<vmem>>
    %dma_start3A_36 = tpu.memref_squeeze %dma_start3A_35 : memref<1x128xi32, #tpu.memory_space<vmem>> -> memref<128xi32, #tpu.memory_space<vmem>>
    %dma_start3A_37 = arith.constant 0 : i32
    %dma_start3A_38 = arith.constant 0 : i32
    %dma_start3A_39 = tpu.memref_slice %arg4[%dma_start3A_37, %dma_start3A_38] : memref<10112x8xf32, #tpu.memory_space<hbm>> -> memref<10112x8xf32, #tpu.memory_space<hbm>>
    tpu.enqueue_indirect_dma source(%dma_start3A_39 : memref<10112x8xf32, #tpu.memory_space<hbm>>) target(%dma_start3A_33 : memref<128x8xf32, #tpu.memory_space<vmem>>) offsets(%dma_start3A_36 : memref<128xi32, #tpu.memory_space<vmem>>) semaphore(%arg10 : memref<!tpu.dma_semaphore, #tpu.memory_space<semaphore_mem>>)
    %dma_start3A_40 = arith.constant 3 : i32
    %dma_start3A_41 = arith.constant 3 : i32
    %dma_start3A_42 = arith.constant 0 : i32
    %dma_start3A_43 = arith.constant 0 : i32
    %dma_start3A_44 = tpu.memref_slice %arg9[%dma_start3A_41, %dma_start3A_42, %dma_start3A_43] : memref<32x128x8xf32, #tpu.memory_space<vmem>> -> memref<1x128x8xf32, #tpu.memory_space<vmem>>
    %dma_start3A_45 = tpu.memref_squeeze %dma_start3A_44 : memref<1x128x8xf32, #tpu.memory_space<vmem>> -> memref<128x8xf32, #tpu.memory_space<vmem>>
    %dma_start3A_46 = arith.constant 0 : i32
    %dma_start3A_47 = tpu.memref_slice %arg7[%dma_start3A_40, %dma_start3A_46] : memref<79x128xi32, #tpu.memory_space<vmem>> -> memref<1x128xi32, #tpu.memory_space<vmem>>
    %dma_start3A_48 = tpu.memref_squeeze %dma_start3A_47 : memref<1x128xi32, #tpu.memory_space<vmem>> -> memref<128xi32, #tpu.memory_space<vmem>>
    %dma_start3A_49 = arith.constant 0 : i32
    %dma_start3A_50 = arith.constant 0 : i32
    %dma_start3A_51 = tpu.memref_slice %arg4[%dma_start3A_49, %dma_start3A_50] : memref<10112x8xf32, #tpu.memory_space<hbm>> -> memref<10112x8xf32, #tpu.memory_space<hbm>>
    tpu.enqueue_indirect_dma source(%dma_start3A_51 : memref<10112x8xf32, #tpu.memory_space<hbm>>) target(%dma_start3A_45 : memref<128x8xf32, #tpu.memory_space<vmem>>) offsets(%dma_start3A_48 : memref<128xi32, #tpu.memory_space<vmem>>) semaphore(%arg10 : memref<!tpu.dma_semaphore, #tpu.memory_space<semaphore_mem>>)
    %dma_start3A_52 = arith.constant 4 : i32
    %dma_start3A_53 = arith.constant 4 : i32
    %dma_start3A_54 = arith.constant 0 : i32
    %dma_start3A_55 = arith.constant 0 : i32
    %dma_start3A_56 = tpu.memref_slice %arg9[%dma_start3A_53, %dma_start3A_54, %dma_start3A_55] : memref<32x128x8xf32, #tpu.memory_space<vmem>> -> memref<1x128x8xf32, #tpu.memory_space<vmem>>
    %dma_start3A_57 = tpu.memref_squeeze %dma_start3A_56 : memref<1x128x8xf32, #tpu.memory_space<vmem>> -> memref<128x8xf32, #tpu.memory_space<vmem>>
    %dma_start3A_58 = arith.constant 0 : i32
    %dma_start3A_59 = tpu.memref_slice %arg7[%dma_start3A_52, %dma_start3A_58] : memref<79x128xi32, #tpu.memory_space<vmem>> -> memref<1x128xi32, #tpu.memory_space<vmem>>
    %dma_start3A_60 = tpu.memref_squeeze %dma_start3A_59 : memref<1x128xi32, #tpu.memory_space<vmem>> -> memref<128xi32, #tpu.memory_space<vmem>>
    %dma_start3A_61 = arith.constant 0 : i32
    %dma_start3A_62 = arith.constant 0 : i32
    %dma_start3A_63 = tpu.memref_slice %arg4[%dma_start3A_61, %dma_start3A_62] : memref<10112x8xf32, #tpu.memory_space<hbm>> -> memref<10112x8xf32, #tpu.memory_space<hbm>>
    tpu.enqueue_indirect_dma source(%dma_start3A_63 : memref<10112x8xf32, #tpu.memory_space<hbm>>) target(%dma_start3A_57 : memref<128x8xf32, #tpu.memory_space<vmem>>) offsets(%dma_start3A_60 : memref<128xi32, #tpu.memory_space<vmem>>) semaphore(%arg10 : memref<!tpu.dma_semaphore, #tpu.memory_space<semaphore_mem>>)
    %dma_start3A_64 = arith.constant 5 : i32
    %dma_start3A_65 = arith.constant 5 : i32
    %dma_start3A_66 = arith.constant 0 : i32
    %dma_start3A_67 = arith.constant 0 : i32
    %dma_start3A_68 = tpu.memref_slice %arg9[%dma_start3A_65, %dma_start3A_66, %dma_start3A_67] : memref<32x128x8xf32, #tpu.memory_space<vmem>> -> memref<1x128x8xf32, #tpu.memory_space<vmem>>
    %dma_start3A_69 = tpu.memref_squeeze %dma_start3A_68 : memref<1x128x8xf32, #tpu.memory_space<vmem>> -> memref<128x8xf32, #tpu.memory_space<vmem>>
    %dma_start3A_70 = arith.constant 0 : i32
    %dma_start3A_71 = tpu.memref_slice %arg7[%dma_start3A_64, %dma_start3A_70] : memref<79x128xi32, #tpu.memory_space<vmem>> -> memref<1x128xi32, #tpu.memory_space<vmem>>
    %dma_start3A_72 = tpu.memref_squeeze %dma_start3A_71 : memref<1x128xi32, #tpu.memory_space<vmem>> -> memref<128xi32, #tpu.memory_space<vmem>>
    %dma_start3A_73 = arith.constant 0 : i32
    %dma_start3A_74 = arith.constant 0 : i32
    %dma_start3A_75 = tpu.memref_slice %arg4[%dma_start3A_73, %dma_start3A_74] : memref<10112x8xf32, #tpu.memory_space<hbm>> -> memref<10112x8xf32, #tpu.memory_space<hbm>>
    tpu.enqueue_indirect_dma source(%dma_start3A_75 : memref<10112x8xf32, #tpu.memory_space<hbm>>) target(%dma_start3A_69 : memref<128x8xf32, #tpu.memory_space<vmem>>) offsets(%dma_start3A_72 : memref<128xi32, #tpu.memory_space<vmem>>) semaphore(%arg10 : memref<!tpu.dma_semaphore, #tpu.memory_space<semaphore_mem>>)
    %dma_start3A_76 = arith.constant 6 : i32
    %dma_start3A_77 = arith.constant 6 : i32
    %dma_start3A_78 = arith.constant 0 : i32
    %dma_start3A_79 = arith.constant 0 : i32
    %dma_start3A_80 = tpu.memref_slice %arg9[%dma_start3A_77, %dma_start3A_78, %dma_start3A_79] : memref<32x128x8xf32, #tpu.memory_space<vmem>> -> memref<1x128x8xf32, #tpu.memory_space<vmem>>
    %dma_start3A_81 = tpu.memref_squeeze %dma_start3A_80 : memref<1x128x8xf32, #tpu.memory_space<vmem>> -> memref<128x8xf32, #tpu.memory_space<vmem>>
    %dma_start3A_82 = arith.constant 0 : i32
    %dma_start3A_83 = tpu.memref_slice %arg7[%dma_start3A_76, %dma_start3A_82] : memref<79x128xi32, #tpu.memory_space<vmem>> -> memref<1x128xi32, #tpu.memory_space<vmem>>
    %dma_start3A_84 = tpu.memref_squeeze %dma_start3A_83 : memref<1x128xi32, #tpu.memory_space<vmem>> -> memref<128xi32, #tpu.memory_space<vmem>>
    %dma_start3A_85 = arith.constant 0 : i32
    %dma_start3A_86 = arith.constant 0 : i32
    %dma_start3A_87 = tpu.memref_slice %arg4[%dma_start3A_85, %dma_start3A_86] : memref<10112x8xf32, #tpu.memory_space<hbm>> -> memref<10112x8xf32, #tpu.memory_space<hbm>>
    tpu.enqueue_indirect_dma source(%dma_start3A_87 : memref<10112x8xf32, #tpu.memory_space<hbm>>) target(%dma_start3A_81 : memref<128x8xf32, #tpu.memory_space<vmem>>) offsets(%dma_start3A_84 : memref<128xi32, #tpu.memory_space<vmem>>) semaphore(%arg10 : memref<!tpu.dma_semaphore, #tpu.memory_space<semaphore_mem>>)
    %dma_start3A_88 = arith.constant 7 : i32
    %dma_start3A_89 = arith.constant 7 : i32
    %dma_start3A_90 = arith.constant 0 : i32
    %dma_start3A_91 = arith.constant 0 : i32
    %dma_start3A_92 = tpu.memref_slice %arg9[%dma_start3A_89, %dma_start3A_90, %dma_start3A_91] : memref<32x128x8xf32, #tpu.memory_space<vmem>> -> memref<1x128x8xf32, #tpu.memory_space<vmem>>
    %dma_start3A_93 = tpu.memref_squeeze %dma_start3A_92 : memref<1x128x8xf32, #tpu.memory_space<vmem>> -> memref<128x8xf32, #tpu.memory_space<vmem>>
    %dma_start3A_94 = arith.constant 0 : i32
    %dma_start3A_95 = tpu.memref_slice %arg7[%dma_start3A_88, %dma_start3A_94] : memref<79x128xi32, #tpu.memory_space<vmem>> -> memref<1x128xi32, #tpu.memory_space<vmem>>
    %dma_start3A_96 = tpu.memref_squeeze %dma_start3A_95 : memref<1x128xi32, #tpu.memory_space<vmem>> -> memref<128xi32, #tpu.memory_space<vmem>>
    %dma_start3A_97 = arith.constant 0 : i32
    %dma_start3A_98 = arith.constant 0 : i32
    %dma_start3A_99 = tpu.memref_slice %arg4[%dma_start3A_97, %dma_start3A_98] : memref<10112x8xf32, #tpu.memory_space<hbm>> -> memref<10112x8xf32, #tpu.memory_space<hbm>>
    tpu.enqueue_indirect_dma source(%dma_start3A_99 : memref<10112x8xf32, #tpu.memory_space<hbm>>) target(%dma_start3A_93 : memref<128x8xf32, #tpu.memory_space<vmem>>) offsets(%dma_start3A_96 : memref<128xi32, #tpu.memory_space<vmem>>) semaphore(%arg10 : memref<!tpu.dma_semaphore, #tpu.memory_space<semaphore_mem>>)
    %dma_start3A_100 = arith.constant 8 : i32
    %dma_start3A_101 = arith.constant 8 : i32
    %dma_start3A_102 = arith.constant 0 : i32
    %dma_start3A_103 = arith.constant 0 : i32
    %dma_start3A_104 = tpu.memref_slice %arg9[%dma_start3A_101, %dma_start3A_102, %dma_start3A_103] : memref<32x128x8xf32, #tpu.memory_space<vmem>> -> memref<1x128x8xf32, #tpu.memory_space<vmem>>
    %dma_start3A_105 = tpu.memref_squeeze %dma_start3A_104 : memref<1x128x8xf32, #tpu.memory_space<vmem>> -> memref<128x8xf32, #tpu.memory_space<vmem>>
    %dma_start3A_106 = arith.constant 0 : i32
    %dma_start3A_107 = tpu.memref_slice %arg7[%dma_start3A_100, %dma_start3A_106] : memref<79x128xi32, #tpu.memory_space<vmem>> -> memref<1x128xi32, #tpu.memory_space<vmem>>
    %dma_start3A_108 = tpu.memref_squeeze %dma_start3A_107 : memref<1x128xi32, #tpu.memory_space<vmem>> -> memref<128xi32, #tpu.memory_space<vmem>>
    %dma_start3A_109 = arith.constant 0 : i32
    %dma_start3A_110 = arith.constant 0 : i32
    %dma_start3A_111 = tpu.memref_slice %arg4[%dma_start3A_109, %dma_start3A_110] : memref<10112x8xf32, #tpu.memory_space<hbm>> -> memref<10112x8xf32, #tpu.memory_space<hbm>>
    tpu.enqueue_indirect_dma source(%dma_start3A_111 : memref<10112x8xf32, #tpu.memory_space<hbm>>) target(%dma_start3A_105 : memref<128x8xf32, #tpu.memory_space<vmem>>) offsets(%dma_start3A_108 : memref<128xi32, #tpu.memory_space<vmem>>) semaphore(%arg10 : memref<!tpu.dma_semaphore, #tpu.memory_space<semaphore_mem>>)
    %dma_start3A_112 = arith.constant 9 : i32
    %dma_start3A_113 = arith.constant 9 : i32
    %dma_start3A_114 = arith.constant 0 : i32
    %dma_start3A_115 = arith.constant 0 : i32
    %dma_start3A_116 = tpu.memref_slice %arg9[%dma_start3A_113, %dma_start3A_114, %dma_start3A_115] : memref<32x128x8xf32, #tpu.memory_space<vmem>> -> memref<1x128x8xf32, #tpu.memory_space<vmem>>
    %dma_start3A_117 = tpu.memref_squeeze %dma_start3A_116 : memref<1x128x8xf32, #tpu.memory_space<vmem>> -> memref<128x8xf32, #tpu.memory_space<vmem>>
    %dma_start3A_118 = arith.constant 0 : i32
    %dma_start3A_119 = tpu.memref_slice %arg7[%dma_start3A_112, %dma_start3A_118] : memref<79x128xi32, #tpu.memory_space<vmem>> -> memref<1x128xi32, #tpu.memory_space<vmem>>
    %dma_start3A_120 = tpu.memref_squeeze %dma_start3A_119 : memref<1x128xi32, #tpu.memory_space<vmem>> -> memref<128xi32, #tpu.memory_space<vmem>>
    %dma_start3A_121 = arith.constant 0 : i32
    %dma_start3A_122 = arith.constant 0 : i32
    %dma_start3A_123 = tpu.memref_slice %arg4[%dma_start3A_121, %dma_start3A_122] : memref<10112x8xf32, #tpu.memory_space<hbm>> -> memref<10112x8xf32, #tpu.memory_space<hbm>>
    tpu.enqueue_indirect_dma source(%dma_start3A_123 : memref<10112x8xf32, #tpu.memory_space<hbm>>) target(%dma_start3A_117 : memref<128x8xf32, #tpu.memory_space<vmem>>) offsets(%dma_start3A_120 : memref<128xi32, #tpu.memory_space<vmem>>) semaphore(%arg10 : memref<!tpu.dma_semaphore, #tpu.memory_space<semaphore_mem>>)
    %dma_start3A_124 = arith.constant 10 : i32
    %dma_start3A_125 = arith.constant 10 : i32
    %dma_start3A_126 = arith.constant 0 : i32
    %dma_start3A_127 = arith.constant 0 : i32
    %dma_start3A_128 = tpu.memref_slice %arg9[%dma_start3A_125, %dma_start3A_126, %dma_start3A_127] : memref<32x128x8xf32, #tpu.memory_space<vmem>> -> memref<1x128x8xf32, #tpu.memory_space<vmem>>
    %dma_start3A_129 = tpu.memref_squeeze %dma_start3A_128 : memref<1x128x8xf32, #tpu.memory_space<vmem>> -> memref<128x8xf32, #tpu.memory_space<vmem>>
    %dma_start3A_130 = arith.constant 0 : i32
    %dma_start3A_131 = tpu.memref_slice %arg7[%dma_start3A_124, %dma_start3A_130] : memref<79x128xi32, #tpu.memory_space<vmem>> -> memref<1x128xi32, #tpu.memory_space<vmem>>
    %dma_start3A_132 = tpu.memref_squeeze %dma_start3A_131 : memref<1x128xi32, #tpu.memory_space<vmem>> -> memref<128xi32, #tpu.memory_space<vmem>>
    %dma_start3A_133 = arith.constant 0 : i32
    %dma_start3A_134 = arith.constant 0 : i32
    %dma_start3A_135 = tpu.memref_slice %arg4[%dma_start3A_133, %dma_start3A_134] : memref<10112x8xf32, #tpu.memory_space<hbm>> -> memref<10112x8xf32, #tpu.memory_space<hbm>>
    tpu.enqueue_indirect_dma source(%dma_start3A_135 : memref<10112x8xf32, #tpu.memory_space<hbm>>) target(%dma_start3A_129 : memref<128x8xf32, #tpu.memory_space<vmem>>) offsets(%dma_start3A_132 : memref<128xi32, #tpu.memory_space<vmem>>) semaphore(%arg10 : memref<!tpu.dma_semaphore, #tpu.memory_space<semaphore_mem>>)
    %dma_start3A_136 = arith.constant 11 : i32
    %dma_start3A_137 = arith.constant 11 : i32
    %dma_start3A_138 = arith.constant 0 : i32
    %dma_start3A_139 = arith.constant 0 : i32
    %dma_start3A_140 = tpu.memref_slice %arg9[%dma_start3A_137, %dma_start3A_138, %dma_start3A_139] : memref<32x128x8xf32, #tpu.memory_space<vmem>> -> memref<1x128x8xf32, #tpu.memory_space<vmem>>
    %dma_start3A_141 = tpu.memref_squeeze %dma_start3A_140 : memref<1x128x8xf32, #tpu.memory_space<vmem>> -> memref<128x8xf32, #tpu.memory_space<vmem>>
    %dma_start3A_142 = arith.constant 0 : i32
    %dma_start3A_143 = tpu.memref_slice %arg7[%dma_start3A_136, %dma_start3A_142] : memref<79x128xi32, #tpu.memory_space<vmem>> -> memref<1x128xi32, #tpu.memory_space<vmem>>
    %dma_start3A_144 = tpu.memref_squeeze %dma_start3A_143 : memref<1x128xi32, #tpu.memory_space<vmem>> -> memref<128xi32, #tpu.memory_space<vmem>>
    %dma_start3A_145 = arith.constant 0 : i32
    %dma_start3A_146 = arith.constant 0 : i32
    %dma_start3A_147 = tpu.memref_slice %arg4[%dma_start3A_145, %dma_start3A_146] : memref<10112x8xf32, #tpu.memory_space<hbm>> -> memref<10112x8xf32, #tpu.memory_space<hbm>>
    tpu.enqueue_indirect_dma source(%dma_start3A_147 : memref<10112x8xf32, #tpu.memory_space<hbm>>) target(%dma_start3A_141 : memref<128x8xf32, #tpu.memory_space<vmem>>) offsets(%dma_start3A_144 : memref<128xi32, #tpu.memory_space<vmem>>) semaphore(%arg10 : memref<!tpu.dma_semaphore, #tpu.memory_space<semaphore_mem>>)
    %dma_start3A_148 = arith.constant 12 : i32
    %dma_start3A_149 = arith.constant 12 : i32
    %dma_start3A_150 = arith.constant 0 : i32
    %dma_start3A_151 = arith.constant 0 : i32
    %dma_start3A_152 = tpu.memref_slice %arg9[%dma_start3A_149, %dma_start3A_150, %dma_start3A_151] : memref<32x128x8xf32, #tpu.memory_space<vmem>> -> memref<1x128x8xf32, #tpu.memory_space<vmem>>
    %dma_start3A_153 = tpu.memref_squeeze %dma_start3A_152 : memref<1x128x8xf32, #tpu.memory_space<vmem>> -> memref<128x8xf32, #tpu.memory_space<vmem>>
    %dma_start3A_154 = arith.constant 0 : i32
    %dma_start3A_155 = tpu.memref_slice %arg7[%dma_start3A_148, %dma_start3A_154] : memref<79x128xi32, #tpu.memory_space<vmem>> -> memref<1x128xi32, #tpu.memory_space<vmem>>
    %dma_start3A_156 = tpu.memref_squeeze %dma_start3A_155 : memref<1x128xi32, #tpu.memory_space<vmem>> -> memref<128xi32, #tpu.memory_space<vmem>>
    %dma_start3A_157 = arith.constant 0 : i32
    %dma_start3A_158 = arith.constant 0 : i32
    %dma_start3A_159 = tpu.memref_slice %arg4[%dma_start3A_157, %dma_start3A_158] : memref<10112x8xf32, #tpu.memory_space<hbm>> -> memref<10112x8xf32, #tpu.memory_space<hbm>>
    tpu.enqueue_indirect_dma source(%dma_start3A_159 : memref<10112x8xf32, #tpu.memory_space<hbm>>) target(%dma_start3A_153 : memref<128x8xf32, #tpu.memory_space<vmem>>) offsets(%dma_start3A_156 : memref<128xi32, #tpu.memory_space<vmem>>) semaphore(%arg10 : memref<!tpu.dma_semaphore, #tpu.memory_space<semaphore_mem>>)
    %dma_start3A_160 = arith.constant 13 : i32
    %dma_start3A_161 = arith.constant 13 : i32
    %dma_start3A_162 = arith.constant 0 : i32
    %dma_start3A_163 = arith.constant 0 : i32
    %dma_start3A_164 = tpu.memref_slice %arg9[%dma_start3A_161, %dma_start3A_162, %dma_start3A_163] : memref<32x128x8xf32, #tpu.memory_space<vmem>> -> memref<1x128x8xf32, #tpu.memory_space<vmem>>
    %dma_start3A_165 = tpu.memref_squeeze %dma_start3A_164 : memref<1x128x8xf32, #tpu.memory_space<vmem>> -> memref<128x8xf32, #tpu.memory_space<vmem>>
    %dma_start3A_166 = arith.constant 0 : i32
    %dma_start3A_167 = tpu.memref_slice %arg7[%dma_start3A_160, %dma_start3A_166] : memref<79x128xi32, #tpu.memory_space<vmem>> -> memref<1x128xi32, #tpu.memory_space<vmem>>
    %dma_start3A_168 = tpu.memref_squeeze %dma_start3A_167 : memref<1x128xi32, #tpu.memory_space<vmem>> -> memref<128xi32, #tpu.memory_space<vmem>>
    %dma_start3A_169 = arith.constant 0 : i32
    %dma_start3A_170 = arith.constant 0 : i32
    %dma_start3A_171 = tpu.memref_slice %arg4[%dma_start3A_169, %dma_start3A_170] : memref<10112x8xf32, #tpu.memory_space<hbm>> -> memref<10112x8xf32, #tpu.memory_space<hbm>>
    tpu.enqueue_indirect_dma source(%dma_start3A_171 : memref<10112x8xf32, #tpu.memory_space<hbm>>) target(%dma_start3A_165 : memref<128x8xf32, #tpu.memory_space<vmem>>) offsets(%dma_start3A_168 : memref<128xi32, #tpu.memory_space<vmem>>) semaphore(%arg10 : memref<!tpu.dma_semaphore, #tpu.memory_space<semaphore_mem>>)
    %dma_start3A_172 = arith.constant 14 : i32
    %dma_start3A_173 = arith.constant 14 : i32
    %dma_start3A_174 = arith.constant 0 : i32
    %dma_start3A_175 = arith.constant 0 : i32
    %dma_start3A_176 = tpu.memref_slice %arg9[%dma_start3A_173, %dma_start3A_174, %dma_start3A_175] : memref<32x128x8xf32, #tpu.memory_space<vmem>> -> memref<1x128x8xf32, #tpu.memory_space<vmem>>
    %dma_start3A_177 = tpu.memref_squeeze %dma_start3A_176 : memref<1x128x8xf32, #tpu.memory_space<vmem>> -> memref<128x8xf32, #tpu.memory_space<vmem>>
    %dma_start3A_178 = arith.constant 0 : i32
    %dma_start3A_179 = tpu.memref_slice %arg7[%dma_start3A_172, %dma_start3A_178] : memref<79x128xi32, #tpu.memory_space<vmem>> -> memref<1x128xi32, #tpu.memory_space<vmem>>
    %dma_start3A_180 = tpu.memref_squeeze %dma_start3A_179 : memref<1x128xi32, #tpu.memory_space<vmem>> -> memref<128xi32, #tpu.memory_space<vmem>>
    %dma_start3A_181 = arith.constant 0 : i32
    %dma_start3A_182 = arith.constant 0 : i32
    %dma_start3A_183 = tpu.memref_slice %arg4[%dma_start3A_181, %dma_start3A_182] : memref<10112x8xf32, #tpu.memory_space<hbm>> -> memref<10112x8xf32, #tpu.memory_space<hbm>>
    tpu.enqueue_indirect_dma source(%dma_start3A_183 : memref<10112x8xf32, #tpu.memory_space<hbm>>) target(%dma_start3A_177 : memref<128x8xf32, #tpu.memory_space<vmem>>) offsets(%dma_start3A_180 : memref<128xi32, #tpu.memory_space<vmem>>) semaphore(%arg10 : memref<!tpu.dma_semaphore, #tpu.memory_space<semaphore_mem>>)
    %dma_start3A_184 = arith.constant 15 : i32
    %dma_start3A_185 = arith.constant 15 : i32
    %dma_start3A_186 = arith.constant 0 : i32
    %dma_start3A_187 = arith.constant 0 : i32
    %dma_start3A_188 = tpu.memref_slice %arg9[%dma_start3A_185, %dma_start3A_186, %dma_start3A_187] : memref<32x128x8xf32, #tpu.memory_space<vmem>> -> memref<1x128x8xf32, #tpu.memory_space<vmem>>
    %dma_start3A_189 = tpu.memref_squeeze %dma_start3A_188 : memref<1x128x8xf32, #tpu.memory_space<vmem>> -> memref<128x8xf32, #tpu.memory_space<vmem>>
    %dma_start3A_190 = arith.constant 0 : i32
    %dma_start3A_191 = tpu.memref_slice %arg7[%dma_start3A_184, %dma_start3A_190] : memref<79x128xi32, #tpu.memory_space<vmem>> -> memref<1x128xi32, #tpu.memory_space<vmem>>
    %dma_start3A_192 = tpu.memref_squeeze %dma_start3A_191 : memref<1x128xi32, #tpu.memory_space<vmem>> -> memref<128xi32, #tpu.memory_space<vmem>>
    %dma_start3A_193 = arith.constant 0 : i32
    %dma_start3A_194 = arith.constant 0 : i32
    %dma_start3A_195 = tpu.memref_slice %arg4[%dma_start3A_193, %dma_start3A_194] : memref<10112x8xf32, #tpu.memory_space<hbm>> -> memref<10112x8xf32, #tpu.memory_space<hbm>>
    tpu.enqueue_indirect_dma source(%dma_start3A_195 : memref<10112x8xf32, #tpu.memory_space<hbm>>) target(%dma_start3A_189 : memref<128x8xf32, #tpu.memory_space<vmem>>) offsets(%dma_start3A_192 : memref<128xi32, #tpu.memory_space<vmem>>) semaphore(%arg10 : memref<!tpu.dma_semaphore, #tpu.memory_space<semaphore_mem>>)
    %dma_start3A_196 = arith.constant 16 : i32
    %dma_start3A_197 = arith.constant 16 : i32
    %dma_start3A_198 = arith.constant 0 : i32
    %dma_start3A_199 = arith.constant 0 : i32
    %dma_start3A_200 = tpu.memref_slice %arg9[%dma_start3A_197, %dma_start3A_198, %dma_start3A_199] : memref<32x128x8xf32, #tpu.memory_space<vmem>> -> memref<1x128x8xf32, #tpu.memory_space<vmem>>
    %dma_start3A_201 = tpu.memref_squeeze %dma_start3A_200 : memref<1x128x8xf32, #tpu.memory_space<vmem>> -> memref<128x8xf32, #tpu.memory_space<vmem>>
    %dma_start3A_202 = arith.constant 0 : i32
    %dma_start3A_203 = tpu.memref_slice %arg7[%dma_start3A_196, %dma_start3A_202] : memref<79x128xi32, #tpu.memory_space<vmem>> -> memref<1x128xi32, #tpu.memory_space<vmem>>
    %dma_start3A_204 = tpu.memref_squeeze %dma_start3A_203 : memref<1x128xi32, #tpu.memory_space<vmem>> -> memref<128xi32, #tpu.memory_space<vmem>>
    %dma_start3A_205 = arith.constant 0 : i32
    %dma_start3A_206 = arith.constant 0 : i32
    %dma_start3A_207 = tpu.memref_slice %arg4[%dma_start3A_205, %dma_start3A_206] : memref<10112x8xf32, #tpu.memory_space<hbm>> -> memref<10112x8xf32, #tpu.memory_space<hbm>>
    tpu.enqueue_indirect_dma source(%dma_start3A_207 : memref<10112x8xf32, #tpu.memory_space<hbm>>) target(%dma_start3A_201 : memref<128x8xf32, #tpu.memory_space<vmem>>) offsets(%dma_start3A_204 : memref<128xi32, #tpu.memory_space<vmem>>) semaphore(%arg10 : memref<!tpu.dma_semaphore, #tpu.memory_space<semaphore_mem>>)
    %dma_start3A_208 = arith.constant 17 : i32
    %dma_start3A_209 = arith.constant 17 : i32
    %dma_start3A_210 = arith.constant 0 : i32
    %dma_start3A_211 = arith.constant 0 : i32
    %dma_start3A_212 = tpu.memref_slice %arg9[%dma_start3A_209, %dma_start3A_210, %dma_start3A_211] : memref<32x128x8xf32, #tpu.memory_space<vmem>> -> memref<1x128x8xf32, #tpu.memory_space<vmem>>
    %dma_start3A_213 = tpu.memref_squeeze %dma_start3A_212 : memref<1x128x8xf32, #tpu.memory_space<vmem>> -> memref<128x8xf32, #tpu.memory_space<vmem>>
    %dma_start3A_214 = arith.constant 0 : i32
    %dma_start3A_215 = tpu.memref_slice %arg7[%dma_start3A_208, %dma_start3A_214] : memref<79x128xi32, #tpu.memory_space<vmem>> -> memref<1x128xi32, #tpu.memory_space<vmem>>
    %dma_start3A_216 = tpu.memref_squeeze %dma_start3A_215 : memref<1x128xi32, #tpu.memory_space<vmem>> -> memref<128xi32, #tpu.memory_space<vmem>>
    %dma_start3A_217 = arith.constant 0 : i32
    %dma_start3A_218 = arith.constant 0 : i32
    %dma_start3A_219 = tpu.memref_slice %arg4[%dma_start3A_217, %dma_start3A_218] : memref<10112x8xf32, #tpu.memory_space<hbm>> -> memref<10112x8xf32, #tpu.memory_space<hbm>>
    tpu.enqueue_indirect_dma source(%dma_start3A_219 : memref<10112x8xf32, #tpu.memory_space<hbm>>) target(%dma_start3A_213 : memref<128x8xf32, #tpu.memory_space<vmem>>) offsets(%dma_start3A_216 : memref<128xi32, #tpu.memory_space<vmem>>) semaphore(%arg10 : memref<!tpu.dma_semaphore, #tpu.memory_space<semaphore_mem>>)
    %dma_start3A_220 = arith.constant 18 : i32
    %dma_start3A_221 = arith.constant 18 : i32
    %dma_start3A_222 = arith.constant 0 : i32
    %dma_start3A_223 = arith.constant 0 : i32
    %dma_start3A_224 = tpu.memref_slice %arg9[%dma_start3A_221, %dma_start3A_222, %dma_start3A_223] : memref<32x128x8xf32, #tpu.memory_space<vmem>> -> memref<1x128x8xf32, #tpu.memory_space<vmem>>
    %dma_start3A_225 = tpu.memref_squeeze %dma_start3A_224 : memref<1x128x8xf32, #tpu.memory_space<vmem>> -> memref<128x8xf32, #tpu.memory_space<vmem>>
    %dma_start3A_226 = arith.constant 0 : i32
    %dma_start3A_227 = tpu.memref_slice %arg7[%dma_start3A_220, %dma_start3A_226] : memref<79x128xi32, #tpu.memory_space<vmem>> -> memref<1x128xi32, #tpu.memory_space<vmem>>
    %dma_start3A_228 = tpu.memref_squeeze %dma_start3A_227 : memref<1x128xi32, #tpu.memory_space<vmem>> -> memref<128xi32, #tpu.memory_space<vmem>>
    %dma_start3A_229 = arith.constant 0 : i32
    %dma_start3A_230 = arith.constant 0 : i32
    %dma_start3A_231 = tpu.memref_slice %arg4[%dma_start3A_229, %dma_start3A_230] : memref<10112x8xf32, #tpu.memory_space<hbm>> -> memref<10112x8xf32, #tpu.memory_space<hbm>>
    tpu.enqueue_indirect_dma source(%dma_start3A_231 : memref<10112x8xf32, #tpu.memory_space<hbm>>) target(%dma_start3A_225 : memref<128x8xf32, #tpu.memory_space<vmem>>) offsets(%dma_start3A_228 : memref<128xi32, #tpu.memory_space<vmem>>) semaphore(%arg10 : memref<!tpu.dma_semaphore, #tpu.memory_space<semaphore_mem>>)
    %dma_start3A_232 = arith.constant 19 : i32
    %dma_start3A_233 = arith.constant 19 : i32
    %dma_start3A_234 = arith.constant 0 : i32
    %dma_start3A_235 = arith.constant 0 : i32
    %dma_start3A_236 = tpu.memref_slice %arg9[%dma_start3A_233, %dma_start3A_234, %dma_start3A_235] : memref<32x128x8xf32, #tpu.memory_space<vmem>> -> memref<1x128x8xf32, #tpu.memory_space<vmem>>
    %dma_start3A_237 = tpu.memref_squeeze %dma_start3A_236 : memref<1x128x8xf32, #tpu.memory_space<vmem>> -> memref<128x8xf32, #tpu.memory_space<vmem>>
    %dma_start3A_238 = arith.constant 0 : i32
    %dma_start3A_239 = tpu.memref_slice %arg7[%dma_start3A_232, %dma_start3A_238] : memref<79x128xi32, #tpu.memory_space<vmem>> -> memref<1x128xi32, #tpu.memory_space<vmem>>
    %dma_start3A_240 = tpu.memref_squeeze %dma_start3A_239 : memref<1x128xi32, #tpu.memory_space<vmem>> -> memref<128xi32, #tpu.memory_space<vmem>>
    %dma_start3A_241 = arith.constant 0 : i32
    %dma_start3A_242 = arith.constant 0 : i32
    %dma_start3A_243 = tpu.memref_slice %arg4[%dma_start3A_241, %dma_start3A_242] : memref<10112x8xf32, #tpu.memory_space<hbm>> -> memref<10112x8xf32, #tpu.memory_space<hbm>>
    tpu.enqueue_indirect_dma source(%dma_start3A_243 : memref<10112x8xf32, #tpu.memory_space<hbm>>) target(%dma_start3A_237 : memref<128x8xf32, #tpu.memory_space<vmem>>) offsets(%dma_start3A_240 : memref<128xi32, #tpu.memory_space<vmem>>) semaphore(%arg10 : memref<!tpu.dma_semaphore, #tpu.memory_space<semaphore_mem>>)
    %dma_start3A_244 = arith.constant 20 : i32
    %dma_start3A_245 = arith.constant 20 : i32
    %dma_start3A_246 = arith.constant 0 : i32
    %dma_start3A_247 = arith.constant 0 : i32
    %dma_start3A_248 = tpu.memref_slice %arg9[%dma_start3A_245, %dma_start3A_246, %dma_start3A_247] : memref<32x128x8xf32, #tpu.memory_space<vmem>> -> memref<1x128x8xf32, #tpu.memory_space<vmem>>
    %dma_start3A_249 = tpu.memref_squeeze %dma_start3A_248 : memref<1x128x8xf32, #tpu.memory_space<vmem>> -> memref<128x8xf32, #tpu.memory_space<vmem>>
    %dma_start3A_250 = arith.constant 0 : i32
    %dma_start3A_251 = tpu.memref_slice %arg7[%dma_start3A_244, %dma_start3A_250] : memref<79x128xi32, #tpu.memory_space<vmem>> -> memref<1x128xi32, #tpu.memory_space<vmem>>
    %dma_start3A_252 = tpu.memref_squeeze %dma_start3A_251 : memref<1x128xi32, #tpu.memory_space<vmem>> -> memref<128xi32, #tpu.memory_space<vmem>>
    %dma_start3A_253 = arith.constant 0 : i32
    %dma_start3A_254 = arith.constant 0 : i32
    %dma_start3A_255 = tpu.memref_slice %arg4[%dma_start3A_253, %dma_start3A_254] : memref<10112x8xf32, #tpu.memory_space<hbm>> -> memref<10112x8xf32, #tpu.memory_space<hbm>>
    tpu.enqueue_indirect_dma source(%dma_start3A_255 : memref<10112x8xf32, #tpu.memory_space<hbm>>) target(%dma_start3A_249 : memref<128x8xf32, #tpu.memory_space<vmem>>) offsets(%dma_start3A_252 : memref<128xi32, #tpu.memory_space<vmem>>) semaphore(%arg10 : memref<!tpu.dma_semaphore, #tpu.memory_space<semaphore_mem>>)
    %dma_start3A_256 = arith.constant 21 : i32
    %dma_start3A_257 = arith.constant 21 : i32
    %dma_start3A_258 = arith.constant 0 : i32
    %dma_start3A_259 = arith.constant 0 : i32
    %dma_start3A_260 = tpu.memref_slice %arg9[%dma_start3A_257, %dma_start3A_258, %dma_start3A_259] : memref<32x128x8xf32, #tpu.memory_space<vmem>> -> memref<1x128x8xf32, #tpu.memory_space<vmem>>
    %dma_start3A_261 = tpu.memref_squeeze %dma_start3A_260 : memref<1x128x8xf32, #tpu.memory_space<vmem>> -> memref<128x8xf32, #tpu.memory_space<vmem>>
    %dma_start3A_262 = arith.constant 0 : i32
    %dma_start3A_263 = tpu.memref_slice %arg7[%dma_start3A_256, %dma_start3A_262] : memref<79x128xi32, #tpu.memory_space<vmem>> -> memref<1x128xi32, #tpu.memory_space<vmem>>
    %dma_start3A_264 = tpu.memref_squeeze %dma_start3A_263 : memref<1x128xi32, #tpu.memory_space<vmem>> -> memref<128xi32, #tpu.memory_space<vmem>>
    %dma_start3A_265 = arith.constant 0 : i32
    %dma_start3A_266 = arith.constant 0 : i32
    %dma_start3A_267 = tpu.memref_slice %arg4[%dma_start3A_265, %dma_start3A_266] : memref<10112x8xf32, #tpu.memory_space<hbm>> -> memref<10112x8xf32, #tpu.memory_space<hbm>>
    tpu.enqueue_indirect_dma source(%dma_start3A_267 : memref<10112x8xf32, #tpu.memory_space<hbm>>) target(%dma_start3A_261 : memref<128x8xf32, #tpu.memory_space<vmem>>) offsets(%dma_start3A_264 : memref<128xi32, #tpu.memory_space<vmem>>) semaphore(%arg10 : memref<!tpu.dma_semaphore, #tpu.memory_space<semaphore_mem>>)
    %dma_start3A_268 = arith.constant 22 : i32
    %dma_start3A_269 = arith.constant 22 : i32
    %dma_start3A_270 = arith.constant 0 : i32
    %dma_start3A_271 = arith.constant 0 : i32
    %dma_start3A_272 = tpu.memref_slice %arg9[%dma_start3A_269, %dma_start3A_270, %dma_start3A_271] : memref<32x128x8xf32, #tpu.memory_space<vmem>> -> memref<1x128x8xf32, #tpu.memory_space<vmem>>
    %dma_start3A_273 = tpu.memref_squeeze %dma_start3A_272 : memref<1x128x8xf32, #tpu.memory_space<vmem>> -> memref<128x8xf32, #tpu.memory_space<vmem>>
    %dma_start3A_274 = arith.constant 0 : i32
    %dma_start3A_275 = tpu.memref_slice %arg7[%dma_start3A_268, %dma_start3A_274] : memref<79x128xi32, #tpu.memory_space<vmem>> -> memref<1x128xi32, #tpu.memory_space<vmem>>
    %dma_start3A_276 = tpu.memref_squeeze %dma_start3A_275 : memref<1x128xi32, #tpu.memory_space<vmem>> -> memref<128xi32, #tpu.memory_space<vmem>>
    %dma_start3A_277 = arith.constant 0 : i32
    %dma_start3A_278 = arith.constant 0 : i32
    %dma_start3A_279 = tpu.memref_slice %arg4[%dma_start3A_277, %dma_start3A_278] : memref<10112x8xf32, #tpu.memory_space<hbm>> -> memref<10112x8xf32, #tpu.memory_space<hbm>>
    tpu.enqueue_indirect_dma source(%dma_start3A_279 : memref<10112x8xf32, #tpu.memory_space<hbm>>) target(%dma_start3A_273 : memref<128x8xf32, #tpu.memory_space<vmem>>) offsets(%dma_start3A_276 : memref<128xi32, #tpu.memory_space<vmem>>) semaphore(%arg10 : memref<!tpu.dma_semaphore, #tpu.memory_space<semaphore_mem>>)
    %dma_start3A_280 = arith.constant 23 : i32
    %dma_start3A_281 = arith.constant 23 : i32
    %dma_start3A_282 = arith.constant 0 : i32
    %dma_start3A_283 = arith.constant 0 : i32
    %dma_start3A_284 = tpu.memref_slice %arg9[%dma_start3A_281, %dma_start3A_282, %dma_start3A_283] : memref<32x128x8xf32, #tpu.memory_space<vmem>> -> memref<1x128x8xf32, #tpu.memory_space<vmem>>
    %dma_start3A_285 = tpu.memref_squeeze %dma_start3A_284 : memref<1x128x8xf32, #tpu.memory_space<vmem>> -> memref<128x8xf32, #tpu.memory_space<vmem>>
    %dma_start3A_286 = arith.constant 0 : i32
    %dma_start3A_287 = tpu.memref_slice %arg7[%dma_start3A_280, %dma_start3A_286] : memref<79x128xi32, #tpu.memory_space<vmem>> -> memref<1x128xi32, #tpu.memory_space<vmem>>
    %dma_start3A_288 = tpu.memref_squeeze %dma_start3A_287 : memref<1x128xi32, #tpu.memory_space<vmem>> -> memref<128xi32, #tpu.memory_space<vmem>>
    %dma_start3A_289 = arith.constant 0 : i32
    %dma_start3A_290 = arith.constant 0 : i32
    %dma_start3A_291 = tpu.memref_slice %arg4[%dma_start3A_289, %dma_start3A_290] : memref<10112x8xf32, #tpu.memory_space<hbm>> -> memref<10112x8xf32, #tpu.memory_space<hbm>>
    tpu.enqueue_indirect_dma source(%dma_start3A_291 : memref<10112x8xf32, #tpu.memory_space<hbm>>) target(%dma_start3A_285 : memref<128x8xf32, #tpu.memory_space<vmem>>) offsets(%dma_start3A_288 : memref<128xi32, #tpu.memory_space<vmem>>) semaphore(%arg10 : memref<!tpu.dma_semaphore, #tpu.memory_space<semaphore_mem>>)
    %dma_start3A_292 = arith.constant 24 : i32
    %dma_start3A_293 = arith.constant 24 : i32
    %dma_start3A_294 = arith.constant 0 : i32
    %dma_start3A_295 = arith.constant 0 : i32
    %dma_start3A_296 = tpu.memref_slice %arg9[%dma_start3A_293, %dma_start3A_294, %dma_start3A_295] : memref<32x128x8xf32, #tpu.memory_space<vmem>> -> memref<1x128x8xf32, #tpu.memory_space<vmem>>
    %dma_start3A_297 = tpu.memref_squeeze %dma_start3A_296 : memref<1x128x8xf32, #tpu.memory_space<vmem>> -> memref<128x8xf32, #tpu.memory_space<vmem>>
    %dma_start3A_298 = arith.constant 0 : i32
    %dma_start3A_299 = tpu.memref_slice %arg7[%dma_start3A_292, %dma_start3A_298] : memref<79x128xi32, #tpu.memory_space<vmem>> -> memref<1x128xi32, #tpu.memory_space<vmem>>
    %dma_start3A_300 = tpu.memref_squeeze %dma_start3A_299 : memref<1x128xi32, #tpu.memory_space<vmem>> -> memref<128xi32, #tpu.memory_space<vmem>>
    %dma_start3A_301 = arith.constant 0 : i32
    %dma_start3A_302 = arith.constant 0 : i32
    %dma_start3A_303 = tpu.memref_slice %arg4[%dma_start3A_301, %dma_start3A_302] : memref<10112x8xf32, #tpu.memory_space<hbm>> -> memref<10112x8xf32, #tpu.memory_space<hbm>>
    tpu.enqueue_indirect_dma source(%dma_start3A_303 : memref<10112x8xf32, #tpu.memory_space<hbm>>) target(%dma_start3A_297 : memref<128x8xf32, #tpu.memory_space<vmem>>) offsets(%dma_start3A_300 : memref<128xi32, #tpu.memory_space<vmem>>) semaphore(%arg10 : memref<!tpu.dma_semaphore, #tpu.memory_space<semaphore_mem>>)
    %dma_start3A_304 = arith.constant 25 : i32
    %dma_start3A_305 = arith.constant 25 : i32
    %dma_start3A_306 = arith.constant 0 : i32
    %dma_start3A_307 = arith.constant 0 : i32
    %dma_start3A_308 = tpu.memref_slice %arg9[%dma_start3A_305, %dma_start3A_306, %dma_start3A_307] : memref<32x128x8xf32, #tpu.memory_space<vmem>> -> memref<1x128x8xf32, #tpu.memory_space<vmem>>
    %dma_start3A_309 = tpu.memref_squeeze %dma_start3A_308 : memref<1x128x8xf32, #tpu.memory_space<vmem>> -> memref<128x8xf32, #tpu.memory_space<vmem>>
    %dma_start3A_310 = arith.constant 0 : i32
    %dma_start3A_311 = tpu.memref_slice %arg7[%dma_start3A_304, %dma_start3A_310] : memref<79x128xi32, #tpu.memory_space<vmem>> -> memref<1x128xi32, #tpu.memory_space<vmem>>
    %dma_start3A_312 = tpu.memref_squeeze %dma_start3A_311 : memref<1x128xi32, #tpu.memory_space<vmem>> -> memref<128xi32, #tpu.memory_space<vmem>>
    %dma_start3A_313 = arith.constant 0 : i32
    %dma_start3A_314 = arith.constant 0 : i32
    %dma_start3A_315 = tpu.memref_slice %arg4[%dma_start3A_313, %dma_start3A_314] : memref<10112x8xf32, #tpu.memory_space<hbm>> -> memref<10112x8xf32, #tpu.memory_space<hbm>>
    tpu.enqueue_indirect_dma source(%dma_start3A_315 : memref<10112x8xf32, #tpu.memory_space<hbm>>) target(%dma_start3A_309 : memref<128x8xf32, #tpu.memory_space<vmem>>) offsets(%dma_start3A_312 : memref<128xi32, #tpu.memory_space<vmem>>) semaphore(%arg10 : memref<!tpu.dma_semaphore, #tpu.memory_space<semaphore_mem>>)
    %dma_start3A_316 = arith.constant 26 : i32
    %dma_start3A_317 = arith.constant 26 : i32
    %dma_start3A_318 = arith.constant 0 : i32
    %dma_start3A_319 = arith.constant 0 : i32
    %dma_start3A_320 = tpu.memref_slice %arg9[%dma_start3A_317, %dma_start3A_318, %dma_start3A_319] : memref<32x128x8xf32, #tpu.memory_space<vmem>> -> memref<1x128x8xf32, #tpu.memory_space<vmem>>
    %dma_start3A_321 = tpu.memref_squeeze %dma_start3A_320 : memref<1x128x8xf32, #tpu.memory_space<vmem>> -> memref<128x8xf32, #tpu.memory_space<vmem>>
    %dma_start3A_322 = arith.constant 0 : i32
    %dma_start3A_323 = tpu.memref_slice %arg7[%dma_start3A_316, %dma_start3A_322] : memref<79x128xi32, #tpu.memory_space<vmem>> -> memref<1x128xi32, #tpu.memory_space<vmem>>
    %dma_start3A_324 = tpu.memref_squeeze %dma_start3A_323 : memref<1x128xi32, #tpu.memory_space<vmem>> -> memref<128xi32, #tpu.memory_space<vmem>>
    %dma_start3A_325 = arith.constant 0 : i32
    %dma_start3A_326 = arith.constant 0 : i32
    %dma_start3A_327 = tpu.memref_slice %arg4[%dma_start3A_325, %dma_start3A_326] : memref<10112x8xf32, #tpu.memory_space<hbm>> -> memref<10112x8xf32, #tpu.memory_space<hbm>>
    tpu.enqueue_indirect_dma source(%dma_start3A_327 : memref<10112x8xf32, #tpu.memory_space<hbm>>) target(%dma_start3A_321 : memref<128x8xf32, #tpu.memory_space<vmem>>) offsets(%dma_start3A_324 : memref<128xi32, #tpu.memory_space<vmem>>) semaphore(%arg10 : memref<!tpu.dma_semaphore, #tpu.memory_space<semaphore_mem>>)
    %dma_start3A_328 = arith.constant 27 : i32
    %dma_start3A_329 = arith.constant 27 : i32
    %dma_start3A_330 = arith.constant 0 : i32
    %dma_start3A_331 = arith.constant 0 : i32
    %dma_start3A_332 = tpu.memref_slice %arg9[%dma_start3A_329, %dma_start3A_330, %dma_start3A_331] : memref<32x128x8xf32, #tpu.memory_space<vmem>> -> memref<1x128x8xf32, #tpu.memory_space<vmem>>
    %dma_start3A_333 = tpu.memref_squeeze %dma_start3A_332 : memref<1x128x8xf32, #tpu.memory_space<vmem>> -> memref<128x8xf32, #tpu.memory_space<vmem>>
    %dma_start3A_334 = arith.constant 0 : i32
    %dma_start3A_335 = tpu.memref_slice %arg7[%dma_start3A_328, %dma_start3A_334] : memref<79x128xi32, #tpu.memory_space<vmem>> -> memref<1x128xi32, #tpu.memory_space<vmem>>
    %dma_start3A_336 = tpu.memref_squeeze %dma_start3A_335 : memref<1x128xi32, #tpu.memory_space<vmem>> -> memref<128xi32, #tpu.memory_space<vmem>>
    %dma_start3A_337 = arith.constant 0 : i32
    %dma_start3A_338 = arith.constant 0 : i32
    %dma_start3A_339 = tpu.memref_slice %arg4[%dma_start3A_337, %dma_start3A_338] : memref<10112x8xf32, #tpu.memory_space<hbm>> -> memref<10112x8xf32, #tpu.memory_space<hbm>>
    tpu.enqueue_indirect_dma source(%dma_start3A_339 : memref<10112x8xf32, #tpu.memory_space<hbm>>) target(%dma_start3A_333 : memref<128x8xf32, #tpu.memory_space<vmem>>) offsets(%dma_start3A_336 : memref<128xi32, #tpu.memory_space<vmem>>) semaphore(%arg10 : memref<!tpu.dma_semaphore, #tpu.memory_space<semaphore_mem>>)
    %dma_start3A_340 = arith.constant 28 : i32
    %dma_start3A_341 = arith.constant 28 : i32
    %dma_start3A_342 = arith.constant 0 : i32
    %dma_start3A_343 = arith.constant 0 : i32
    %dma_start3A_344 = tpu.memref_slice %arg9[%dma_start3A_341, %dma_start3A_342, %dma_start3A_343] : memref<32x128x8xf32, #tpu.memory_space<vmem>> -> memref<1x128x8xf32, #tpu.memory_space<vmem>>
    %dma_start3A_345 = tpu.memref_squeeze %dma_start3A_344 : memref<1x128x8xf32, #tpu.memory_space<vmem>> -> memref<128x8xf32, #tpu.memory_space<vmem>>
    %dma_start3A_346 = arith.constant 0 : i32
    %dma_start3A_347 = tpu.memref_slice %arg7[%dma_start3A_340, %dma_start3A_346] : memref<79x128xi32, #tpu.memory_space<vmem>> -> memref<1x128xi32, #tpu.memory_space<vmem>>
    %dma_start3A_348 = tpu.memref_squeeze %dma_start3A_347 : memref<1x128xi32, #tpu.memory_space<vmem>> -> memref<128xi32, #tpu.memory_space<vmem>>
    %dma_start3A_349 = arith.constant 0 : i32
    %dma_start3A_350 = arith.constant 0 : i32
    %dma_start3A_351 = tpu.memref_slice %arg4[%dma_start3A_349, %dma_start3A_350] : memref<10112x8xf32, #tpu.memory_space<hbm>> -> memref<10112x8xf32, #tpu.memory_space<hbm>>
    tpu.enqueue_indirect_dma source(%dma_start3A_351 : memref<10112x8xf32, #tpu.memory_space<hbm>>) target(%dma_start3A_345 : memref<128x8xf32, #tpu.memory_space<vmem>>) offsets(%dma_start3A_348 : memref<128xi32, #tpu.memory_space<vmem>>) semaphore(%arg10 : memref<!tpu.dma_semaphore, #tpu.memory_space<semaphore_mem>>)
    %dma_start3A_352 = arith.constant 29 : i32
    %dma_start3A_353 = arith.constant 29 : i32
    %dma_start3A_354 = arith.constant 0 : i32
    %dma_start3A_355 = arith.constant 0 : i32
    %dma_start3A_356 = tpu.memref_slice %arg9[%dma_start3A_353, %dma_start3A_354, %dma_start3A_355] : memref<32x128x8xf32, #tpu.memory_space<vmem>> -> memref<1x128x8xf32, #tpu.memory_space<vmem>>
    %dma_start3A_357 = tpu.memref_squeeze %dma_start3A_356 : memref<1x128x8xf32, #tpu.memory_space<vmem>> -> memref<128x8xf32, #tpu.memory_space<vmem>>
    %dma_start3A_358 = arith.constant 0 : i32
    %dma_start3A_359 = tpu.memref_slice %arg7[%dma_start3A_352, %dma_start3A_358] : memref<79x128xi32, #tpu.memory_space<vmem>> -> memref<1x128xi32, #tpu.memory_space<vmem>>
    %dma_start3A_360 = tpu.memref_squeeze %dma_start3A_359 : memref<1x128xi32, #tpu.memory_space<vmem>> -> memref<128xi32, #tpu.memory_space<vmem>>
    %dma_start3A_361 = arith.constant 0 : i32
    %dma_start3A_362 = arith.constant 0 : i32
    %dma_start3A_363 = tpu.memref_slice %arg4[%dma_start3A_361, %dma_start3A_362] : memref<10112x8xf32, #tpu.memory_space<hbm>> -> memref<10112x8xf32, #tpu.memory_space<hbm>>
    tpu.enqueue_indirect_dma source(%dma_start3A_363 : memref<10112x8xf32, #tpu.memory_space<hbm>>) target(%dma_start3A_357 : memref<128x8xf32, #tpu.memory_space<vmem>>) offsets(%dma_start3A_360 : memref<128xi32, #tpu.memory_space<vmem>>) semaphore(%arg10 : memref<!tpu.dma_semaphore, #tpu.memory_space<semaphore_mem>>)
    %dma_start3A_364 = arith.constant 30 : i32
    %dma_start3A_365 = arith.constant 30 : i32
    %dma_start3A_366 = arith.constant 0 : i32
    %dma_start3A_367 = arith.constant 0 : i32
    %dma_start3A_368 = tpu.memref_slice %arg9[%dma_start3A_365, %dma_start3A_366, %dma_start3A_367] : memref<32x128x8xf32, #tpu.memory_space<vmem>> -> memref<1x128x8xf32, #tpu.memory_space<vmem>>
    %dma_start3A_369 = tpu.memref_squeeze %dma_start3A_368 : memref<1x128x8xf32, #tpu.memory_space<vmem>> -> memref<128x8xf32, #tpu.memory_space<vmem>>
    %dma_start3A_370 = arith.constant 0 : i32
    %dma_start3A_371 = tpu.memref_slice %arg7[%dma_start3A_364, %dma_start3A_370] : memref<79x128xi32, #tpu.memory_space<vmem>> -> memref<1x128xi32, #tpu.memory_space<vmem>>
    %dma_start3A_372 = tpu.memref_squeeze %dma_start3A_371 : memref<1x128xi32, #tpu.memory_space<vmem>> -> memref<128xi32, #tpu.memory_space<vmem>>
    %dma_start3A_373 = arith.constant 0 : i32
    %dma_start3A_374 = arith.constant 0 : i32
    %dma_start3A_375 = tpu.memref_slice %arg4[%dma_start3A_373, %dma_start3A_374] : memref<10112x8xf32, #tpu.memory_space<hbm>> -> memref<10112x8xf32, #tpu.memory_space<hbm>>
    tpu.enqueue_indirect_dma source(%dma_start3A_375 : memref<10112x8xf32, #tpu.memory_space<hbm>>) target(%dma_start3A_369 : memref<128x8xf32, #tpu.memory_space<vmem>>) offsets(%dma_start3A_372 : memref<128xi32, #tpu.memory_space<vmem>>) semaphore(%arg10 : memref<!tpu.dma_semaphore, #tpu.memory_space<semaphore_mem>>)
    %dma_start3A_376 = arith.constant 31 : i32
    %dma_start3A_377 = arith.constant 31 : i32
    %dma_start3A_378 = arith.constant 0 : i32
    %dma_start3A_379 = arith.constant 0 : i32
    %dma_start3A_380 = tpu.memref_slice %arg9[%dma_start3A_377, %dma_start3A_378, %dma_start3A_379] : memref<32x128x8xf32, #tpu.memory_space<vmem>> -> memref<1x128x8xf32, #tpu.memory_space<vmem>>
    %dma_start3A_381 = tpu.memref_squeeze %dma_start3A_380 : memref<1x128x8xf32, #tpu.memory_space<vmem>> -> memref<128x8xf32, #tpu.memory_space<vmem>>
    %dma_start3A_382 = arith.constant 0 : i32
    %dma_start3A_383 = tpu.memref_slice %arg7[%dma_start3A_376, %dma_start3A_382] : memref<79x128xi32, #tpu.memory_space<vmem>> -> memref<1x128xi32, #tpu.memory_space<vmem>>
    %dma_start3A_384 = tpu.memref_squeeze %dma_start3A_383 : memref<1x128xi32, #tpu.memory_space<vmem>> -> memref<128xi32, #tpu.memory_space<vmem>>
    %dma_start3A_385 = arith.constant 0 : i32
    %dma_start3A_386 = arith.constant 0 : i32
    %dma_start3A_387 = tpu.memref_slice %arg4[%dma_start3A_385, %dma_start3A_386] : memref<10112x8xf32, #tpu.memory_space<hbm>> -> memref<10112x8xf32, #tpu.memory_space<hbm>>
    tpu.enqueue_indirect_dma source(%dma_start3A_387 : memref<10112x8xf32, #tpu.memory_space<hbm>>) target(%dma_start3A_381 : memref<128x8xf32, #tpu.memory_space<vmem>>) offsets(%dma_start3A_384 : memref<128xi32, #tpu.memory_space<vmem>>) semaphore(%arg10 : memref<!tpu.dma_semaphore, #tpu.memory_space<semaphore_mem>>)
    %scan3A = arith.constant 0 : i32
    %scan3A_388 = arith.constant 0 : i32
    %scan3A_389 = arith.constant 79 : i32
    %scan3A_390 = arith.addi %scan3A_388, %scan3A_389 : i32
    %scan3A_391 = arith.constant 1 : i32
    scf.for %scan3A_398 = %scan3A_388 to %scan3A_390 step %scan3A_391  : i32 {
      %rem3A = arith.constant 32 : i32
      %rem3A_399 = arith.remsi %scan3A_398, %rem3A : i32
      %dma_wait3A = arith.constant 0 : i32
      %dma_wait3A_400 = arith.constant 0 : i32
      %dma_wait3A_401 = tpu.memref_slice %arg9[%rem3A_399, %dma_wait3A, %dma_wait3A_400] : memref<32x128x8xf32, #tpu.memory_space<vmem>> -> memref<1x128x8xf32, #tpu.memory_space<vmem>>
      %dma_wait3A_402 = tpu.memref_squeeze %dma_wait3A_401 : memref<1x128x8xf32, #tpu.memory_space<vmem>> -> memref<128x8xf32, #tpu.memory_space<vmem>>
      %dma_wait3A_403 = arith.constant 0 : i32
      %dma_wait3A_404 = tpu.memref_slice %arg7[%scan3A_398, %dma_wait3A_403] : memref<79x128xi32, #tpu.memory_space<vmem>> -> memref<1x128xi32, #tpu.memory_space<vmem>>
      %dma_wait3A_405 = tpu.memref_squeeze %dma_wait3A_404 : memref<1x128xi32, #tpu.memory_space<vmem>> -> memref<128xi32, #tpu.memory_space<vmem>>
      %dma_wait3A_406 = arith.constant 0 : i32
      %dma_wait3A_407 = arith.constant 0 : i32
      %dma_wait3A_408 = tpu.memref_slice %arg4[%dma_wait3A_406, %dma_wait3A_407] : memref<10112x8xf32, #tpu.memory_space<hbm>> -> memref<10112x8xf32, #tpu.memory_space<hbm>>
      tpu.wait_indirect_dma semaphore(%arg10 : memref<!tpu.dma_semaphore, #tpu.memory_space<semaphore_mem>>) src(%dma_wait3A_408 : memref<10112x8xf32, #tpu.memory_space<hbm>>) dst(%dma_wait3A_402 : memref<128x8xf32, #tpu.memory_space<vmem>>)
      "tpu.region"() ({
        %run_scoped3A = tpu.sem_alloc : memref<!tpu.dma_semaphore, #tpu.memory_space<semaphore_mem>>
        %dma_start3A_413 = arith.constant 0 : i32
        %dma_start3A_414 = arith.constant 0 : i32
        %dma_start3A_415 = tpu.memref_slice %arg9[%rem3A_399, %dma_start3A_413, %dma_start3A_414] : memref<32x128x8xf32, #tpu.memory_space<vmem>> -> memref<1x128x8xf32, #tpu.memory_space<vmem>>
        %dma_start3A_416 = tpu.memref_squeeze %dma_start3A_415 : memref<1x128x8xf32, #tpu.memory_space<vmem>> -> memref<128x8xf32, #tpu.memory_space<vmem>>
        %dma_start3A_417 = arith.constant 0 : i32
        %dma_start3A_418 = tpu.memref_slice %arg8[%scan3A_398, %dma_start3A_417] : memref<79x128xi32, #tpu.memory_space<vmem>> -> memref<1x128xi32, #tpu.memory_space<vmem>>
        %dma_start3A_419 = tpu.memref_squeeze %dma_start3A_418 : memref<1x128xi32, #tpu.memory_space<vmem>> -> memref<128xi32, #tpu.memory_space<vmem>>
        %dma_start3A_420 = arith.constant 0 : i32
        %dma_start3A_421 = arith.constant 0 : i32
        %dma_start3A_422 = tpu.memref_slice %arg11[%dma_start3A_420, %dma_start3A_421] : memref<10112x8xf32, #tpu.memory_space<vmem_shared>> -> memref<10112x8xf32, #tpu.memory_space<vmem_shared>>
        tpu.enqueue_indirect_dma source(%dma_start3A_416 : memref<128x8xf32, #tpu.memory_space<vmem>>) target(%dma_start3A_422 : memref<10112x8xf32, #tpu.memory_space<vmem_shared>>) offsets(%dma_start3A_419 : memref<128xi32, #tpu.memory_space<vmem>>) semaphore(%run_scoped3A : memref<!tpu.dma_semaphore, #tpu.memory_space<semaphore_mem>>) {add = true}
        %dma_wait3A_423 = arith.constant 0 : i32
        %dma_wait3A_424 = arith.constant 0 : i32
        %dma_wait3A_425 = tpu.memref_slice %arg9[%rem3A_399, %dma_wait3A_423, %dma_wait3A_424] : memref<32x128x8xf32, #tpu.memory_space<vmem>> -> memref<1x128x8xf32, #tpu.memory_space<vmem>>
        %dma_wait3A_426 = tpu.memref_squeeze %dma_wait3A_425 : memref<1x128x8xf32, #tpu.memory_space<vmem>> -> memref<128x8xf32, #tpu.memory_space<vmem>>
        %dma_wait3A_427 = arith.constant 0 : i32
        %dma_wait3A_428 = tpu.memref_slice %arg8[%scan3A_398, %dma_wait3A_427] : memref<79x128xi32, #tpu.memory_space<vmem>> -> memref<1x128xi32, #tpu.memory_space<vmem>>
        %dma_wait3A_429 = tpu.memref_squeeze %dma_wait3A_428 : memref<1x128xi32, #tpu.memory_space<vmem>> -> memref<128xi32, #tpu.memory_space<vmem>>
        %dma_wait3A_430 = arith.constant 0 : i32
        %dma_wait3A_431 = arith.constant 0 : i32
        %dma_wait3A_432 = tpu.memref_slice %arg11[%dma_wait3A_430, %dma_wait3A_431] : memref<10112x8xf32, #tpu.memory_space<vmem_shared>> -> memref<10112x8xf32, #tpu.memory_space<vmem_shared>>
        tpu.wait_indirect_dma semaphore(%run_scoped3A : memref<!tpu.dma_semaphore, #tpu.memory_space<semaphore_mem>>) src(%dma_wait3A_426 : memref<128x8xf32, #tpu.memory_space<vmem>>) dst(%dma_wait3A_432 : memref<10112x8xf32, #tpu.memory_space<vmem_shared>>)
        tpu.yield
      }) : () -> ()
      %add3A_409 = arith.constant 32 : i32
      %add3A_410 = arith.addi %scan3A_398, %add3A_409 : i32
      %lt3A = arith.constant 79 : i32
      %lt3A_411 = arith.cmpi slt, %add3A_410, %lt3A : i32
      %convert_element_type3A = arith.extui %lt3A_411 : i1 to i32
      %cond3A = arith.constant 0 : i32
      %cond3A_412 = arith.cmpi ne, %convert_element_type3A, %cond3A : i32
      scf.if %cond3A_412 {
        %add3A_413 = arith.constant 32 : i32
        %add3A_414 = arith.addi %scan3A_398, %add3A_413 : i32
        %dma_start3A_415 = arith.constant 0 : i32
        %dma_start3A_416 = arith.constant 0 : i32
        %dma_start3A_417 = tpu.memref_slice %arg9[%rem3A_399, %dma_start3A_415, %dma_start3A_416] : memref<32x128x8xf32, #tpu.memory_space<vmem>> -> memref<1x128x8xf32, #tpu.memory_space<vmem>>
        %dma_start3A_418 = tpu.memref_squeeze %dma_start3A_417 : memref<1x128x8xf32, #tpu.memory_space<vmem>> -> memref<128x8xf32, #tpu.memory_space<vmem>>
        %dma_start3A_419 = arith.constant 0 : i32
        %dma_start3A_420 = tpu.memref_slice %arg7[%add3A_414, %dma_start3A_419] : memref<79x128xi32, #tpu.memory_space<vmem>> -> memref<1x128xi32, #tpu.memory_space<vmem>>
        %dma_start3A_421 = tpu.memref_squeeze %dma_start3A_420 : memref<1x128xi32, #tpu.memory_space<vmem>> -> memref<128xi32, #tpu.memory_space<vmem>>
        %dma_start3A_422 = arith.constant 0 : i32
        %dma_start3A_423 = arith.constant 0 : i32
        %dma_start3A_424 = tpu.memref_slice %arg4[%dma_start3A_422, %dma_start3A_423] : memref<10112x8xf32, #tpu.memory_space<hbm>> -> memref<10112x8xf32, #tpu.memory_space<hbm>>
        tpu.enqueue_indirect_dma source(%dma_start3A_424 : memref<10112x8xf32, #tpu.memory_space<hbm>>) target(%dma_start3A_418 : memref<128x8xf32, #tpu.memory_space<vmem>>) offsets(%dma_start3A_421 : memref<128xi32, #tpu.memory_space<vmem>>) semaphore(%arg10 : memref<!tpu.dma_semaphore, #tpu.memory_space<semaphore_mem>>)
      } else {
      }
    }
    %scan3A_392 = arith.constant 79 : i32
    %barrier3A_393 = arith.constant 0 : index
    tpu.barrier barrier_id(%barrier3A_393)
    %mul3A_394 = arith.constant 632 : i32
    %mul3A_395 = arith.muli %arg1, %mul3A_394 : i32
    %mul3A_396 = arith.constant 632 : i32
    %mul3A_397 = arith.muli %arg1, %mul3A_396 : i32
    "tpu.region"() ({
      %run_scoped3A = tpu.sem_alloc : memref<!tpu.dma_semaphore, #tpu.memory_space<semaphore_mem>>
      %dma_start3A_398 = arith.constant 0 : i32
      %dma_start3A_399 = tpu.memref_slice %arg6[%arg0, %mul3A_397, %dma_start3A_398] : memref<2x10112x8xf32, #tpu.memory_space<hbm>> -> memref<1x632x8xf32, #tpu.memory_space<hbm>>
      %dma_start3A_400 = tpu.memref_squeeze %dma_start3A_399 : memref<1x632x8xf32, #tpu.memory_space<hbm>> -> memref<632x8xf32, #tpu.memory_space<hbm>>
      %dma_start3A_401 = arith.constant 0 : i32
      %dma_start3A_402 = tpu.memref_slice %arg11[%mul3A_395, %dma_start3A_401] : memref<10112x8xf32, #tpu.memory_space<vmem_shared>> -> memref<632x8xf32, #tpu.memory_space<vmem_shared>>
      tpu.enqueue_dma source(%dma_start3A_402 : memref<632x8xf32, #tpu.memory_space<vmem_shared>>) target(%dma_start3A_400 : memref<632x8xf32, #tpu.memory_space<hbm>>) target_semaphore(%run_scoped3A : memref<!tpu.dma_semaphore, #tpu.memory_space<semaphore_mem>>)
      %dma_wait3A = arith.constant 0 : i32
      %dma_wait3A_403 = tpu.memref_slice %arg6[%arg0, %mul3A_397, %dma_wait3A] : memref<2x10112x8xf32, #tpu.memory_space<hbm>> -> memref<1x632x8xf32, #tpu.memory_space<hbm>>
      %dma_wait3A_404 = tpu.memref_squeeze %dma_wait3A_403 : memref<1x632x8xf32, #tpu.memory_space<hbm>> -> memref<632x8xf32, #tpu.memory_space<hbm>>
      %dma_wait3A_405 = arith.constant 0 : i32
      %dma_wait3A_406 = tpu.memref_slice %arg11[%mul3A_395, %dma_wait3A_405] : memref<10112x8xf32, #tpu.memory_space<vmem_shared>> -> memref<632x8xf32, #tpu.memory_space<vmem_shared>>
      tpu.wait_dma2 semaphore(%run_scoped3A : memref<!tpu.dma_semaphore, #tpu.memory_space<semaphore_mem>>) src(%dma_wait3A_406 : memref<632x8xf32, #tpu.memory_space<vmem_shared>>) dst(%dma_wait3A_404 : memref<632x8xf32, #tpu.memory_space<hbm>>)
      tpu.yield
    }) : () -> ()
    return
  }
}

#map = affine_map<(d0, d1) -> (0, 0, 0)>
#map1 = affine_map<(d0, d1) -> (0, 0)>
module attributes {stable_mosaic.version = 14 : i64} {
  func.func @sc_edge_pass_w8(%arg0: i32, %arg1: i32, %arg2: memref<32x79x128xi32, #tpu.memory_space<hbm>>, %arg3: memref<32x79x128xi32, #tpu.memory_space<hbm>>, %arg4: memref<10112x8xf32, #tpu.memory_space<hbm>>, %arg5: memref<10112x8xf32, #tpu.memory_space<hbm>>, %arg6: memref<2x10112x8xf32, #tpu.memory_space<hbm>>, %arg7: memref<79x128xi32, #tpu.memory_space<vmem>>, %arg8: memref<79x128xi32, #tpu.memory_space<vmem>>, %arg9: memref<32x128x8xf32, #tpu.memory_space<vmem>>, %arg10: memref<!tpu.dma_semaphore, #tpu.memory_space<semaphore_mem>>, %arg11: memref<10112x8xf32, #tpu.memory_space<vmem_shared>>) attributes {dimension_semantics = [#tpu.dimension_semantics<core_parallel>, #tpu.dimension_semantics<subcore_parallel>], iteration_bounds = array<i64: 2, 16>, scalar_prefetch = 0 : i64, scratch_operands = 5 : i64, tpu.core_type = #tpu.core_type<sc_vector_subcore>, window_params = [{transform_indices = #map}, {transform_indices = #map}, {transform_indices = #map1}, {transform_indices = #map1}, {transform_indices = #map}]} {
    %mul3A = arith.constant 16 : i32
    %mul3A_0 = arith.muli %arg0, %mul3A : i32
    %add3A = arith.addi %mul3A_0, %arg1 : i32
    %mul3A_1 = arith.constant 632 : i32
    %mul3A_2 = arith.muli %arg1, %mul3A_1 : i32
    %mul3A_3 = arith.constant 632 : i32
    %mul3A_4 = arith.muli %arg1, %mul3A_3 : i32
    "tpu.region"() ({
      %run_scoped3A = tpu.sem_alloc : memref<!tpu.dma_semaphore, #tpu.memory_space<semaphore_mem>>
      %dma_start3A_398 = arith.constant 0 : i32
      %dma_start3A_399 = tpu.memref_slice %arg11[%mul3A_4, %dma_start3A_398] : memref<10112x8xf32, #tpu.memory_space<vmem_shared>> -> memref<632x8xf32, #tpu.memory_space<vmem_shared>>
      %dma_start3A_400 = arith.constant 0 : i32
      %dma_start3A_401 = tpu.memref_slice %arg5[%mul3A_2, %dma_start3A_400] : memref<10112x8xf32, #tpu.memory_space<hbm>> -> memref<632x8xf32, #tpu.memory_space<hbm>>
      tpu.enqueue_dma source(%dma_start3A_401 : memref<632x8xf32, #tpu.memory_space<hbm>>) target(%dma_start3A_399 : memref<632x8xf32, #tpu.memory_space<vmem_shared>>) target_semaphore(%run_scoped3A : memref<!tpu.dma_semaphore, #tpu.memory_space<semaphore_mem>>)
      %dma_wait3A = arith.constant 0 : i32
      %dma_wait3A_402 = tpu.memref_slice %arg11[%mul3A_4, %dma_wait3A] : memref<10112x8xf32, #tpu.memory_space<vmem_shared>> -> memref<632x8xf32, #tpu.memory_space<vmem_shared>>
      %dma_wait3A_403 = arith.constant 0 : i32
      %dma_wait3A_404 = tpu.memref_slice %arg5[%mul3A_2, %dma_wait3A_403] : memref<10112x8xf32, #tpu.memory_space<hbm>> -> memref<632x8xf32, #tpu.memory_space<hbm>>
      tpu.wait_dma2 semaphore(%run_scoped3A : memref<!tpu.dma_semaphore, #tpu.memory_space<semaphore_mem>>) src(%dma_wait3A_404 : memref<632x8xf32, #tpu.memory_space<hbm>>) dst(%dma_wait3A_402 : memref<632x8xf32, #tpu.memory_space<vmem_shared>>)
      tpu.yield
    }) : () -> ()
    "tpu.region"() ({
      %run_scoped3A = tpu.sem_alloc : memref<!tpu.dma_semaphore, #tpu.memory_space<semaphore_mem>>
      %dma_start3A_398 = arith.constant 0 : i32
      %dma_start3A_399 = arith.constant 0 : i32
      %dma_start3A_400 = tpu.memref_slice %arg2[%add3A, %dma_start3A_398, %dma_start3A_399] : memref<32x79x128xi32, #tpu.memory_space<hbm>> -> memref<1x79x128xi32, #tpu.memory_space<hbm>>
      %dma_start3A_401 = tpu.memref_squeeze %dma_start3A_400 : memref<1x79x128xi32, #tpu.memory_space<hbm>> -> memref<79x128xi32, #tpu.memory_space<hbm>>
      %dma_start3A_402 = arith.constant 0 : i32
      %dma_start3A_403 = arith.constant 0 : i32
      %dma_start3A_404 = tpu.memref_slice %arg2[%add3A, %dma_start3A_402, %dma_start3A_403] : memref<32x79x128xi32, #tpu.memory_space<hbm>> -> memref<1x79x128xi32, #tpu.memory_space<hbm>>
      %dma_start3A_405 = tpu.memref_squeeze %dma_start3A_404 : memref<1x79x128xi32, #tpu.memory_space<hbm>> -> memref<79x128xi32, #tpu.memory_space<hbm>>
      tpu.enqueue_dma source(%dma_start3A_405 : memref<79x128xi32, #tpu.memory_space<hbm>>) target(%arg7 : memref<79x128xi32, #tpu.memory_space<vmem>>) target_semaphore(%run_scoped3A : memref<!tpu.dma_semaphore, #tpu.memory_space<semaphore_mem>>)
      %dma_wait3A = arith.constant 0 : i32
      %dma_wait3A_406 = arith.constant 0 : i32
      %dma_wait3A_407 = tpu.memref_slice %arg2[%add3A, %dma_wait3A, %dma_wait3A_406] : memref<32x79x128xi32, #tpu.memory_space<hbm>> -> memref<1x79x128xi32, #tpu.memory_space<hbm>>
      %dma_wait3A_408 = tpu.memref_squeeze %dma_wait3A_407 : memref<1x79x128xi32, #tpu.memory_space<hbm>> -> memref<79x128xi32, #tpu.memory_space<hbm>>
      %dma_wait3A_409 = arith.constant 0 : i32
      %dma_wait3A_410 = arith.constant 0 : i32
      %dma_wait3A_411 = tpu.memref_slice %arg2[%add3A, %dma_wait3A_409, %dma_wait3A_410] : memref<32x79x128xi32, #tpu.memory_space<hbm>> -> memref<1x79x128xi32, #tpu.memory_space<hbm>>
      %dma_wait3A_412 = tpu.memref_squeeze %dma_wait3A_411 : memref<1x79x128xi32, #tpu.memory_space<hbm>> -> memref<79x128xi32, #tpu.memory_space<hbm>>
      tpu.wait_dma2 semaphore(%run_scoped3A : memref<!tpu.dma_semaphore, #tpu.memory_space<semaphore_mem>>) src(%dma_wait3A_412 : memref<79x128xi32, #tpu.memory_space<hbm>>) dst(%arg7 : memref<79x128xi32, #tpu.memory_space<vmem>>)
      tpu.yield
    }) : () -> ()
    "tpu.region"() ({
      %run_scoped3A = tpu.sem_alloc : memref<!tpu.dma_semaphore, #tpu.memory_space<semaphore_mem>>
      %dma_start3A_398 = arith.constant 0 : i32
      %dma_start3A_399 = arith.constant 0 : i32
      %dma_start3A_400 = tpu.memref_slice %arg3[%add3A, %dma_start3A_398, %dma_start3A_399] : memref<32x79x128xi32, #tpu.memory_space<hbm>> -> memref<1x79x128xi32, #tpu.memory_space<hbm>>
      %dma_start3A_401 = tpu.memref_squeeze %dma_start3A_400 : memref<1x79x128xi32, #tpu.memory_space<hbm>> -> memref<79x128xi32, #tpu.memory_space<hbm>>
      %dma_start3A_402 = arith.constant 0 : i32
      %dma_start3A_403 = arith.constant 0 : i32
      %dma_start3A_404 = tpu.memref_slice %arg3[%add3A, %dma_start3A_402, %dma_start3A_403] : memref<32x79x128xi32, #tpu.memory_space<hbm>> -> memref<1x79x128xi32, #tpu.memory_space<hbm>>
      %dma_start3A_405 = tpu.memref_squeeze %dma_start3A_404 : memref<1x79x128xi32, #tpu.memory_space<hbm>> -> memref<79x128xi32, #tpu.memory_space<hbm>>
      tpu.enqueue_dma source(%dma_start3A_405 : memref<79x128xi32, #tpu.memory_space<hbm>>) target(%arg8 : memref<79x128xi32, #tpu.memory_space<vmem>>) target_semaphore(%run_scoped3A : memref<!tpu.dma_semaphore, #tpu.memory_space<semaphore_mem>>)
      %dma_wait3A = arith.constant 0 : i32
      %dma_wait3A_406 = arith.constant 0 : i32
      %dma_wait3A_407 = tpu.memref_slice %arg3[%add3A, %dma_wait3A, %dma_wait3A_406] : memref<32x79x128xi32, #tpu.memory_space<hbm>> -> memref<1x79x128xi32, #tpu.memory_space<hbm>>
      %dma_wait3A_408 = tpu.memref_squeeze %dma_wait3A_407 : memref<1x79x128xi32, #tpu.memory_space<hbm>> -> memref<79x128xi32, #tpu.memory_space<hbm>>
      %dma_wait3A_409 = arith.constant 0 : i32
      %dma_wait3A_410 = arith.constant 0 : i32
      %dma_wait3A_411 = tpu.memref_slice %arg3[%add3A, %dma_wait3A_409, %dma_wait3A_410] : memref<32x79x128xi32, #tpu.memory_space<hbm>> -> memref<1x79x128xi32, #tpu.memory_space<hbm>>
      %dma_wait3A_412 = tpu.memref_squeeze %dma_wait3A_411 : memref<1x79x128xi32, #tpu.memory_space<hbm>> -> memref<79x128xi32, #tpu.memory_space<hbm>>
      tpu.wait_dma2 semaphore(%run_scoped3A : memref<!tpu.dma_semaphore, #tpu.memory_space<semaphore_mem>>) src(%dma_wait3A_412 : memref<79x128xi32, #tpu.memory_space<hbm>>) dst(%arg8 : memref<79x128xi32, #tpu.memory_space<vmem>>)
      tpu.yield
    }) : () -> ()
    %barrier3A = arith.constant 0 : index
    tpu.barrier barrier_id(%barrier3A)
    %dma_start3A = arith.constant 0 : i32
    %dma_start3A_5 = arith.constant 0 : i32
    %dma_start3A_6 = arith.constant 0 : i32
    %dma_start3A_7 = arith.constant 0 : i32
    %dma_start3A_8 = tpu.memref_slice %arg9[%dma_start3A_5, %dma_start3A_6, %dma_start3A_7] : memref<32x128x8xf32, #tpu.memory_space<vmem>> -> memref<1x128x8xf32, #tpu.memory_space<vmem>>
    %dma_start3A_9 = tpu.memref_squeeze %dma_start3A_8 : memref<1x128x8xf32, #tpu.memory_space<vmem>> -> memref<128x8xf32, #tpu.memory_space<vmem>>
    %dma_start3A_10 = arith.constant 0 : i32
    %dma_start3A_11 = tpu.memref_slice %arg7[%dma_start3A, %dma_start3A_10] : memref<79x128xi32, #tpu.memory_space<vmem>> -> memref<1x128xi32, #tpu.memory_space<vmem>>
    %dma_start3A_12 = tpu.memref_squeeze %dma_start3A_11 : memref<1x128xi32, #tpu.memory_space<vmem>> -> memref<128xi32, #tpu.memory_space<vmem>>
    %dma_start3A_13 = arith.constant 0 : i32
    %dma_start3A_14 = arith.constant 0 : i32
    %dma_start3A_15 = tpu.memref_slice %arg4[%dma_start3A_13, %dma_start3A_14] : memref<10112x8xf32, #tpu.memory_space<hbm>> -> memref<10112x8xf32, #tpu.memory_space<hbm>>
    tpu.enqueue_indirect_dma source(%dma_start3A_15 : memref<10112x8xf32, #tpu.memory_space<hbm>>) target(%dma_start3A_9 : memref<128x8xf32, #tpu.memory_space<vmem>>) offsets(%dma_start3A_12 : memref<128xi32, #tpu.memory_space<vmem>>) semaphore(%arg10 : memref<!tpu.dma_semaphore, #tpu.memory_space<semaphore_mem>>)
    %dma_start3A_16 = arith.constant 1 : i32
    %dma_start3A_17 = arith.constant 1 : i32
    %dma_start3A_18 = arith.constant 0 : i32
    %dma_start3A_19 = arith.constant 0 : i32
    %dma_start3A_20 = tpu.memref_slice %arg9[%dma_start3A_17, %dma_start3A_18, %dma_start3A_19] : memref<32x128x8xf32, #tpu.memory_space<vmem>> -> memref<1x128x8xf32, #tpu.memory_space<vmem>>
    %dma_start3A_21 = tpu.memref_squeeze %dma_start3A_20 : memref<1x128x8xf32, #tpu.memory_space<vmem>> -> memref<128x8xf32, #tpu.memory_space<vmem>>
    %dma_start3A_22 = arith.constant 0 : i32
    %dma_start3A_23 = tpu.memref_slice %arg7[%dma_start3A_16, %dma_start3A_22] : memref<79x128xi32, #tpu.memory_space<vmem>> -> memref<1x128xi32, #tpu.memory_space<vmem>>
    %dma_start3A_24 = tpu.memref_squeeze %dma_start3A_23 : memref<1x128xi32, #tpu.memory_space<vmem>> -> memref<128xi32, #tpu.memory_space<vmem>>
    %dma_start3A_25 = arith.constant 0 : i32
    %dma_start3A_26 = arith.constant 0 : i32
    %dma_start3A_27 = tpu.memref_slice %arg4[%dma_start3A_25, %dma_start3A_26] : memref<10112x8xf32, #tpu.memory_space<hbm>> -> memref<10112x8xf32, #tpu.memory_space<hbm>>
    tpu.enqueue_indirect_dma source(%dma_start3A_27 : memref<10112x8xf32, #tpu.memory_space<hbm>>) target(%dma_start3A_21 : memref<128x8xf32, #tpu.memory_space<vmem>>) offsets(%dma_start3A_24 : memref<128xi32, #tpu.memory_space<vmem>>) semaphore(%arg10 : memref<!tpu.dma_semaphore, #tpu.memory_space<semaphore_mem>>)
    %dma_start3A_28 = arith.constant 2 : i32
    %dma_start3A_29 = arith.constant 2 : i32
    %dma_start3A_30 = arith.constant 0 : i32
    %dma_start3A_31 = arith.constant 0 : i32
    %dma_start3A_32 = tpu.memref_slice %arg9[%dma_start3A_29, %dma_start3A_30, %dma_start3A_31] : memref<32x128x8xf32, #tpu.memory_space<vmem>> -> memref<1x128x8xf32, #tpu.memory_space<vmem>>
    %dma_start3A_33 = tpu.memref_squeeze %dma_start3A_32 : memref<1x128x8xf32, #tpu.memory_space<vmem>> -> memref<128x8xf32, #tpu.memory_space<vmem>>
    %dma_start3A_34 = arith.constant 0 : i32
    %dma_start3A_35 = tpu.memref_slice %arg7[%dma_start3A_28, %dma_start3A_34] : memref<79x128xi32, #tpu.memory_space<vmem>> -> memref<1x128xi32, #tpu.memory_space<vmem>>
    %dma_start3A_36 = tpu.memref_squeeze %dma_start3A_35 : memref<1x128xi32, #tpu.memory_space<vmem>> -> memref<128xi32, #tpu.memory_space<vmem>>
    %dma_start3A_37 = arith.constant 0 : i32
    %dma_start3A_38 = arith.constant 0 : i32
    %dma_start3A_39 = tpu.memref_slice %arg4[%dma_start3A_37, %dma_start3A_38] : memref<10112x8xf32, #tpu.memory_space<hbm>> -> memref<10112x8xf32, #tpu.memory_space<hbm>>
    tpu.enqueue_indirect_dma source(%dma_start3A_39 : memref<10112x8xf32, #tpu.memory_space<hbm>>) target(%dma_start3A_33 : memref<128x8xf32, #tpu.memory_space<vmem>>) offsets(%dma_start3A_36 : memref<128xi32, #tpu.memory_space<vmem>>) semaphore(%arg10 : memref<!tpu.dma_semaphore, #tpu.memory_space<semaphore_mem>>)
    %dma_start3A_40 = arith.constant 3 : i32
    %dma_start3A_41 = arith.constant 3 : i32
    %dma_start3A_42 = arith.constant 0 : i32
    %dma_start3A_43 = arith.constant 0 : i32
    %dma_start3A_44 = tpu.memref_slice %arg9[%dma_start3A_41, %dma_start3A_42, %dma_start3A_43] : memref<32x128x8xf32, #tpu.memory_space<vmem>> -> memref<1x128x8xf32, #tpu.memory_space<vmem>>
    %dma_start3A_45 = tpu.memref_squeeze %dma_start3A_44 : memref<1x128x8xf32, #tpu.memory_space<vmem>> -> memref<128x8xf32, #tpu.memory_space<vmem>>
    %dma_start3A_46 = arith.constant 0 : i32
    %dma_start3A_47 = tpu.memref_slice %arg7[%dma_start3A_40, %dma_start3A_46] : memref<79x128xi32, #tpu.memory_space<vmem>> -> memref<1x128xi32, #tpu.memory_space<vmem>>
    %dma_start3A_48 = tpu.memref_squeeze %dma_start3A_47 : memref<1x128xi32, #tpu.memory_space<vmem>> -> memref<128xi32, #tpu.memory_space<vmem>>
    %dma_start3A_49 = arith.constant 0 : i32
    %dma_start3A_50 = arith.constant 0 : i32
    %dma_start3A_51 = tpu.memref_slice %arg4[%dma_start3A_49, %dma_start3A_50] : memref<10112x8xf32, #tpu.memory_space<hbm>> -> memref<10112x8xf32, #tpu.memory_space<hbm>>
    tpu.enqueue_indirect_dma source(%dma_start3A_51 : memref<10112x8xf32, #tpu.memory_space<hbm>>) target(%dma_start3A_45 : memref<128x8xf32, #tpu.memory_space<vmem>>) offsets(%dma_start3A_48 : memref<128xi32, #tpu.memory_space<vmem>>) semaphore(%arg10 : memref<!tpu.dma_semaphore, #tpu.memory_space<semaphore_mem>>)
    %dma_start3A_52 = arith.constant 4 : i32
    %dma_start3A_53 = arith.constant 4 : i32
    %dma_start3A_54 = arith.constant 0 : i32
    %dma_start3A_55 = arith.constant 0 : i32
    %dma_start3A_56 = tpu.memref_slice %arg9[%dma_start3A_53, %dma_start3A_54, %dma_start3A_55] : memref<32x128x8xf32, #tpu.memory_space<vmem>> -> memref<1x128x8xf32, #tpu.memory_space<vmem>>
    %dma_start3A_57 = tpu.memref_squeeze %dma_start3A_56 : memref<1x128x8xf32, #tpu.memory_space<vmem>> -> memref<128x8xf32, #tpu.memory_space<vmem>>
    %dma_start3A_58 = arith.constant 0 : i32
    %dma_start3A_59 = tpu.memref_slice %arg7[%dma_start3A_52, %dma_start3A_58] : memref<79x128xi32, #tpu.memory_space<vmem>> -> memref<1x128xi32, #tpu.memory_space<vmem>>
    %dma_start3A_60 = tpu.memref_squeeze %dma_start3A_59 : memref<1x128xi32, #tpu.memory_space<vmem>> -> memref<128xi32, #tpu.memory_space<vmem>>
    %dma_start3A_61 = arith.constant 0 : i32
    %dma_start3A_62 = arith.constant 0 : i32
    %dma_start3A_63 = tpu.memref_slice %arg4[%dma_start3A_61, %dma_start3A_62] : memref<10112x8xf32, #tpu.memory_space<hbm>> -> memref<10112x8xf32, #tpu.memory_space<hbm>>
    tpu.enqueue_indirect_dma source(%dma_start3A_63 : memref<10112x8xf32, #tpu.memory_space<hbm>>) target(%dma_start3A_57 : memref<128x8xf32, #tpu.memory_space<vmem>>) offsets(%dma_start3A_60 : memref<128xi32, #tpu.memory_space<vmem>>) semaphore(%arg10 : memref<!tpu.dma_semaphore, #tpu.memory_space<semaphore_mem>>)
    %dma_start3A_64 = arith.constant 5 : i32
    %dma_start3A_65 = arith.constant 5 : i32
    %dma_start3A_66 = arith.constant 0 : i32
    %dma_start3A_67 = arith.constant 0 : i32
    %dma_start3A_68 = tpu.memref_slice %arg9[%dma_start3A_65, %dma_start3A_66, %dma_start3A_67] : memref<32x128x8xf32, #tpu.memory_space<vmem>> -> memref<1x128x8xf32, #tpu.memory_space<vmem>>
    %dma_start3A_69 = tpu.memref_squeeze %dma_start3A_68 : memref<1x128x8xf32, #tpu.memory_space<vmem>> -> memref<128x8xf32, #tpu.memory_space<vmem>>
    %dma_start3A_70 = arith.constant 0 : i32
    %dma_start3A_71 = tpu.memref_slice %arg7[%dma_start3A_64, %dma_start3A_70] : memref<79x128xi32, #tpu.memory_space<vmem>> -> memref<1x128xi32, #tpu.memory_space<vmem>>
    %dma_start3A_72 = tpu.memref_squeeze %dma_start3A_71 : memref<1x128xi32, #tpu.memory_space<vmem>> -> memref<128xi32, #tpu.memory_space<vmem>>
    %dma_start3A_73 = arith.constant 0 : i32
    %dma_start3A_74 = arith.constant 0 : i32
    %dma_start3A_75 = tpu.memref_slice %arg4[%dma_start3A_73, %dma_start3A_74] : memref<10112x8xf32, #tpu.memory_space<hbm>> -> memref<10112x8xf32, #tpu.memory_space<hbm>>
    tpu.enqueue_indirect_dma source(%dma_start3A_75 : memref<10112x8xf32, #tpu.memory_space<hbm>>) target(%dma_start3A_69 : memref<128x8xf32, #tpu.memory_space<vmem>>) offsets(%dma_start3A_72 : memref<128xi32, #tpu.memory_space<vmem>>) semaphore(%arg10 : memref<!tpu.dma_semaphore, #tpu.memory_space<semaphore_mem>>)
    %dma_start3A_76 = arith.constant 6 : i32
    %dma_start3A_77 = arith.constant 6 : i32
    %dma_start3A_78 = arith.constant 0 : i32
    %dma_start3A_79 = arith.constant 0 : i32
    %dma_start3A_80 = tpu.memref_slice %arg9[%dma_start3A_77, %dma_start3A_78, %dma_start3A_79] : memref<32x128x8xf32, #tpu.memory_space<vmem>> -> memref<1x128x8xf32, #tpu.memory_space<vmem>>
    %dma_start3A_81 = tpu.memref_squeeze %dma_start3A_80 : memref<1x128x8xf32, #tpu.memory_space<vmem>> -> memref<128x8xf32, #tpu.memory_space<vmem>>
    %dma_start3A_82 = arith.constant 0 : i32
    %dma_start3A_83 = tpu.memref_slice %arg7[%dma_start3A_76, %dma_start3A_82] : memref<79x128xi32, #tpu.memory_space<vmem>> -> memref<1x128xi32, #tpu.memory_space<vmem>>
    %dma_start3A_84 = tpu.memref_squeeze %dma_start3A_83 : memref<1x128xi32, #tpu.memory_space<vmem>> -> memref<128xi32, #tpu.memory_space<vmem>>
    %dma_start3A_85 = arith.constant 0 : i32
    %dma_start3A_86 = arith.constant 0 : i32
    %dma_start3A_87 = tpu.memref_slice %arg4[%dma_start3A_85, %dma_start3A_86] : memref<10112x8xf32, #tpu.memory_space<hbm>> -> memref<10112x8xf32, #tpu.memory_space<hbm>>
    tpu.enqueue_indirect_dma source(%dma_start3A_87 : memref<10112x8xf32, #tpu.memory_space<hbm>>) target(%dma_start3A_81 : memref<128x8xf32, #tpu.memory_space<vmem>>) offsets(%dma_start3A_84 : memref<128xi32, #tpu.memory_space<vmem>>) semaphore(%arg10 : memref<!tpu.dma_semaphore, #tpu.memory_space<semaphore_mem>>)
    %dma_start3A_88 = arith.constant 7 : i32
    %dma_start3A_89 = arith.constant 7 : i32
    %dma_start3A_90 = arith.constant 0 : i32
    %dma_start3A_91 = arith.constant 0 : i32
    %dma_start3A_92 = tpu.memref_slice %arg9[%dma_start3A_89, %dma_start3A_90, %dma_start3A_91] : memref<32x128x8xf32, #tpu.memory_space<vmem>> -> memref<1x128x8xf32, #tpu.memory_space<vmem>>
    %dma_start3A_93 = tpu.memref_squeeze %dma_start3A_92 : memref<1x128x8xf32, #tpu.memory_space<vmem>> -> memref<128x8xf32, #tpu.memory_space<vmem>>
    %dma_start3A_94 = arith.constant 0 : i32
    %dma_start3A_95 = tpu.memref_slice %arg7[%dma_start3A_88, %dma_start3A_94] : memref<79x128xi32, #tpu.memory_space<vmem>> -> memref<1x128xi32, #tpu.memory_space<vmem>>
    %dma_start3A_96 = tpu.memref_squeeze %dma_start3A_95 : memref<1x128xi32, #tpu.memory_space<vmem>> -> memref<128xi32, #tpu.memory_space<vmem>>
    %dma_start3A_97 = arith.constant 0 : i32
    %dma_start3A_98 = arith.constant 0 : i32
    %dma_start3A_99 = tpu.memref_slice %arg4[%dma_start3A_97, %dma_start3A_98] : memref<10112x8xf32, #tpu.memory_space<hbm>> -> memref<10112x8xf32, #tpu.memory_space<hbm>>
    tpu.enqueue_indirect_dma source(%dma_start3A_99 : memref<10112x8xf32, #tpu.memory_space<hbm>>) target(%dma_start3A_93 : memref<128x8xf32, #tpu.memory_space<vmem>>) offsets(%dma_start3A_96 : memref<128xi32, #tpu.memory_space<vmem>>) semaphore(%arg10 : memref<!tpu.dma_semaphore, #tpu.memory_space<semaphore_mem>>)
    %dma_start3A_100 = arith.constant 8 : i32
    %dma_start3A_101 = arith.constant 8 : i32
    %dma_start3A_102 = arith.constant 0 : i32
    %dma_start3A_103 = arith.constant 0 : i32
    %dma_start3A_104 = tpu.memref_slice %arg9[%dma_start3A_101, %dma_start3A_102, %dma_start3A_103] : memref<32x128x8xf32, #tpu.memory_space<vmem>> -> memref<1x128x8xf32, #tpu.memory_space<vmem>>
    %dma_start3A_105 = tpu.memref_squeeze %dma_start3A_104 : memref<1x128x8xf32, #tpu.memory_space<vmem>> -> memref<128x8xf32, #tpu.memory_space<vmem>>
    %dma_start3A_106 = arith.constant 0 : i32
    %dma_start3A_107 = tpu.memref_slice %arg7[%dma_start3A_100, %dma_start3A_106] : memref<79x128xi32, #tpu.memory_space<vmem>> -> memref<1x128xi32, #tpu.memory_space<vmem>>
    %dma_start3A_108 = tpu.memref_squeeze %dma_start3A_107 : memref<1x128xi32, #tpu.memory_space<vmem>> -> memref<128xi32, #tpu.memory_space<vmem>>
    %dma_start3A_109 = arith.constant 0 : i32
    %dma_start3A_110 = arith.constant 0 : i32
    %dma_start3A_111 = tpu.memref_slice %arg4[%dma_start3A_109, %dma_start3A_110] : memref<10112x8xf32, #tpu.memory_space<hbm>> -> memref<10112x8xf32, #tpu.memory_space<hbm>>
    tpu.enqueue_indirect_dma source(%dma_start3A_111 : memref<10112x8xf32, #tpu.memory_space<hbm>>) target(%dma_start3A_105 : memref<128x8xf32, #tpu.memory_space<vmem>>) offsets(%dma_start3A_108 : memref<128xi32, #tpu.memory_space<vmem>>) semaphore(%arg10 : memref<!tpu.dma_semaphore, #tpu.memory_space<semaphore_mem>>)
    %dma_start3A_112 = arith.constant 9 : i32
    %dma_start3A_113 = arith.constant 9 : i32
    %dma_start3A_114 = arith.constant 0 : i32
    %dma_start3A_115 = arith.constant 0 : i32
    %dma_start3A_116 = tpu.memref_slice %arg9[%dma_start3A_113, %dma_start3A_114, %dma_start3A_115] : memref<32x128x8xf32, #tpu.memory_space<vmem>> -> memref<1x128x8xf32, #tpu.memory_space<vmem>>
    %dma_start3A_117 = tpu.memref_squeeze %dma_start3A_116 : memref<1x128x8xf32, #tpu.memory_space<vmem>> -> memref<128x8xf32, #tpu.memory_space<vmem>>
    %dma_start3A_118 = arith.constant 0 : i32
    %dma_start3A_119 = tpu.memref_slice %arg7[%dma_start3A_112, %dma_start3A_118] : memref<79x128xi32, #tpu.memory_space<vmem>> -> memref<1x128xi32, #tpu.memory_space<vmem>>
    %dma_start3A_120 = tpu.memref_squeeze %dma_start3A_119 : memref<1x128xi32, #tpu.memory_space<vmem>> -> memref<128xi32, #tpu.memory_space<vmem>>
    %dma_start3A_121 = arith.constant 0 : i32
    %dma_start3A_122 = arith.constant 0 : i32
    %dma_start3A_123 = tpu.memref_slice %arg4[%dma_start3A_121, %dma_start3A_122] : memref<10112x8xf32, #tpu.memory_space<hbm>> -> memref<10112x8xf32, #tpu.memory_space<hbm>>
    tpu.enqueue_indirect_dma source(%dma_start3A_123 : memref<10112x8xf32, #tpu.memory_space<hbm>>) target(%dma_start3A_117 : memref<128x8xf32, #tpu.memory_space<vmem>>) offsets(%dma_start3A_120 : memref<128xi32, #tpu.memory_space<vmem>>) semaphore(%arg10 : memref<!tpu.dma_semaphore, #tpu.memory_space<semaphore_mem>>)
    %dma_start3A_124 = arith.constant 10 : i32
    %dma_start3A_125 = arith.constant 10 : i32
    %dma_start3A_126 = arith.constant 0 : i32
    %dma_start3A_127 = arith.constant 0 : i32
    %dma_start3A_128 = tpu.memref_slice %arg9[%dma_start3A_125, %dma_start3A_126, %dma_start3A_127] : memref<32x128x8xf32, #tpu.memory_space<vmem>> -> memref<1x128x8xf32, #tpu.memory_space<vmem>>
    %dma_start3A_129 = tpu.memref_squeeze %dma_start3A_128 : memref<1x128x8xf32, #tpu.memory_space<vmem>> -> memref<128x8xf32, #tpu.memory_space<vmem>>
    %dma_start3A_130 = arith.constant 0 : i32
    %dma_start3A_131 = tpu.memref_slice %arg7[%dma_start3A_124, %dma_start3A_130] : memref<79x128xi32, #tpu.memory_space<vmem>> -> memref<1x128xi32, #tpu.memory_space<vmem>>
    %dma_start3A_132 = tpu.memref_squeeze %dma_start3A_131 : memref<1x128xi32, #tpu.memory_space<vmem>> -> memref<128xi32, #tpu.memory_space<vmem>>
    %dma_start3A_133 = arith.constant 0 : i32
    %dma_start3A_134 = arith.constant 0 : i32
    %dma_start3A_135 = tpu.memref_slice %arg4[%dma_start3A_133, %dma_start3A_134] : memref<10112x8xf32, #tpu.memory_space<hbm>> -> memref<10112x8xf32, #tpu.memory_space<hbm>>
    tpu.enqueue_indirect_dma source(%dma_start3A_135 : memref<10112x8xf32, #tpu.memory_space<hbm>>) target(%dma_start3A_129 : memref<128x8xf32, #tpu.memory_space<vmem>>) offsets(%dma_start3A_132 : memref<128xi32, #tpu.memory_space<vmem>>) semaphore(%arg10 : memref<!tpu.dma_semaphore, #tpu.memory_space<semaphore_mem>>)
    %dma_start3A_136 = arith.constant 11 : i32
    %dma_start3A_137 = arith.constant 11 : i32
    %dma_start3A_138 = arith.constant 0 : i32
    %dma_start3A_139 = arith.constant 0 : i32
    %dma_start3A_140 = tpu.memref_slice %arg9[%dma_start3A_137, %dma_start3A_138, %dma_start3A_139] : memref<32x128x8xf32, #tpu.memory_space<vmem>> -> memref<1x128x8xf32, #tpu.memory_space<vmem>>
    %dma_start3A_141 = tpu.memref_squeeze %dma_start3A_140 : memref<1x128x8xf32, #tpu.memory_space<vmem>> -> memref<128x8xf32, #tpu.memory_space<vmem>>
    %dma_start3A_142 = arith.constant 0 : i32
    %dma_start3A_143 = tpu.memref_slice %arg7[%dma_start3A_136, %dma_start3A_142] : memref<79x128xi32, #tpu.memory_space<vmem>> -> memref<1x128xi32, #tpu.memory_space<vmem>>
    %dma_start3A_144 = tpu.memref_squeeze %dma_start3A_143 : memref<1x128xi32, #tpu.memory_space<vmem>> -> memref<128xi32, #tpu.memory_space<vmem>>
    %dma_start3A_145 = arith.constant 0 : i32
    %dma_start3A_146 = arith.constant 0 : i32
    %dma_start3A_147 = tpu.memref_slice %arg4[%dma_start3A_145, %dma_start3A_146] : memref<10112x8xf32, #tpu.memory_space<hbm>> -> memref<10112x8xf32, #tpu.memory_space<hbm>>
    tpu.enqueue_indirect_dma source(%dma_start3A_147 : memref<10112x8xf32, #tpu.memory_space<hbm>>) target(%dma_start3A_141 : memref<128x8xf32, #tpu.memory_space<vmem>>) offsets(%dma_start3A_144 : memref<128xi32, #tpu.memory_space<vmem>>) semaphore(%arg10 : memref<!tpu.dma_semaphore, #tpu.memory_space<semaphore_mem>>)
    %dma_start3A_148 = arith.constant 12 : i32
    %dma_start3A_149 = arith.constant 12 : i32
    %dma_start3A_150 = arith.constant 0 : i32
    %dma_start3A_151 = arith.constant 0 : i32
    %dma_start3A_152 = tpu.memref_slice %arg9[%dma_start3A_149, %dma_start3A_150, %dma_start3A_151] : memref<32x128x8xf32, #tpu.memory_space<vmem>> -> memref<1x128x8xf32, #tpu.memory_space<vmem>>
    %dma_start3A_153 = tpu.memref_squeeze %dma_start3A_152 : memref<1x128x8xf32, #tpu.memory_space<vmem>> -> memref<128x8xf32, #tpu.memory_space<vmem>>
    %dma_start3A_154 = arith.constant 0 : i32
    %dma_start3A_155 = tpu.memref_slice %arg7[%dma_start3A_148, %dma_start3A_154] : memref<79x128xi32, #tpu.memory_space<vmem>> -> memref<1x128xi32, #tpu.memory_space<vmem>>
    %dma_start3A_156 = tpu.memref_squeeze %dma_start3A_155 : memref<1x128xi32, #tpu.memory_space<vmem>> -> memref<128xi32, #tpu.memory_space<vmem>>
    %dma_start3A_157 = arith.constant 0 : i32
    %dma_start3A_158 = arith.constant 0 : i32
    %dma_start3A_159 = tpu.memref_slice %arg4[%dma_start3A_157, %dma_start3A_158] : memref<10112x8xf32, #tpu.memory_space<hbm>> -> memref<10112x8xf32, #tpu.memory_space<hbm>>
    tpu.enqueue_indirect_dma source(%dma_start3A_159 : memref<10112x8xf32, #tpu.memory_space<hbm>>) target(%dma_start3A_153 : memref<128x8xf32, #tpu.memory_space<vmem>>) offsets(%dma_start3A_156 : memref<128xi32, #tpu.memory_space<vmem>>) semaphore(%arg10 : memref<!tpu.dma_semaphore, #tpu.memory_space<semaphore_mem>>)
    %dma_start3A_160 = arith.constant 13 : i32
    %dma_start3A_161 = arith.constant 13 : i32
    %dma_start3A_162 = arith.constant 0 : i32
    %dma_start3A_163 = arith.constant 0 : i32
    %dma_start3A_164 = tpu.memref_slice %arg9[%dma_start3A_161, %dma_start3A_162, %dma_start3A_163] : memref<32x128x8xf32, #tpu.memory_space<vmem>> -> memref<1x128x8xf32, #tpu.memory_space<vmem>>
    %dma_start3A_165 = tpu.memref_squeeze %dma_start3A_164 : memref<1x128x8xf32, #tpu.memory_space<vmem>> -> memref<128x8xf32, #tpu.memory_space<vmem>>
    %dma_start3A_166 = arith.constant 0 : i32
    %dma_start3A_167 = tpu.memref_slice %arg7[%dma_start3A_160, %dma_start3A_166] : memref<79x128xi32, #tpu.memory_space<vmem>> -> memref<1x128xi32, #tpu.memory_space<vmem>>
    %dma_start3A_168 = tpu.memref_squeeze %dma_start3A_167 : memref<1x128xi32, #tpu.memory_space<vmem>> -> memref<128xi32, #tpu.memory_space<vmem>>
    %dma_start3A_169 = arith.constant 0 : i32
    %dma_start3A_170 = arith.constant 0 : i32
    %dma_start3A_171 = tpu.memref_slice %arg4[%dma_start3A_169, %dma_start3A_170] : memref<10112x8xf32, #tpu.memory_space<hbm>> -> memref<10112x8xf32, #tpu.memory_space<hbm>>
    tpu.enqueue_indirect_dma source(%dma_start3A_171 : memref<10112x8xf32, #tpu.memory_space<hbm>>) target(%dma_start3A_165 : memref<128x8xf32, #tpu.memory_space<vmem>>) offsets(%dma_start3A_168 : memref<128xi32, #tpu.memory_space<vmem>>) semaphore(%arg10 : memref<!tpu.dma_semaphore, #tpu.memory_space<semaphore_mem>>)
    %dma_start3A_172 = arith.constant 14 : i32
    %dma_start3A_173 = arith.constant 14 : i32
    %dma_start3A_174 = arith.constant 0 : i32
    %dma_start3A_175 = arith.constant 0 : i32
    %dma_start3A_176 = tpu.memref_slice %arg9[%dma_start3A_173, %dma_start3A_174, %dma_start3A_175] : memref<32x128x8xf32, #tpu.memory_space<vmem>> -> memref<1x128x8xf32, #tpu.memory_space<vmem>>
    %dma_start3A_177 = tpu.memref_squeeze %dma_start3A_176 : memref<1x128x8xf32, #tpu.memory_space<vmem>> -> memref<128x8xf32, #tpu.memory_space<vmem>>
    %dma_start3A_178 = arith.constant 0 : i32
    %dma_start3A_179 = tpu.memref_slice %arg7[%dma_start3A_172, %dma_start3A_178] : memref<79x128xi32, #tpu.memory_space<vmem>> -> memref<1x128xi32, #tpu.memory_space<vmem>>
    %dma_start3A_180 = tpu.memref_squeeze %dma_start3A_179 : memref<1x128xi32, #tpu.memory_space<vmem>> -> memref<128xi32, #tpu.memory_space<vmem>>
    %dma_start3A_181 = arith.constant 0 : i32
    %dma_start3A_182 = arith.constant 0 : i32
    %dma_start3A_183 = tpu.memref_slice %arg4[%dma_start3A_181, %dma_start3A_182] : memref<10112x8xf32, #tpu.memory_space<hbm>> -> memref<10112x8xf32, #tpu.memory_space<hbm>>
    tpu.enqueue_indirect_dma source(%dma_start3A_183 : memref<10112x8xf32, #tpu.memory_space<hbm>>) target(%dma_start3A_177 : memref<128x8xf32, #tpu.memory_space<vmem>>) offsets(%dma_start3A_180 : memref<128xi32, #tpu.memory_space<vmem>>) semaphore(%arg10 : memref<!tpu.dma_semaphore, #tpu.memory_space<semaphore_mem>>)
    %dma_start3A_184 = arith.constant 15 : i32
    %dma_start3A_185 = arith.constant 15 : i32
    %dma_start3A_186 = arith.constant 0 : i32
    %dma_start3A_187 = arith.constant 0 : i32
    %dma_start3A_188 = tpu.memref_slice %arg9[%dma_start3A_185, %dma_start3A_186, %dma_start3A_187] : memref<32x128x8xf32, #tpu.memory_space<vmem>> -> memref<1x128x8xf32, #tpu.memory_space<vmem>>
    %dma_start3A_189 = tpu.memref_squeeze %dma_start3A_188 : memref<1x128x8xf32, #tpu.memory_space<vmem>> -> memref<128x8xf32, #tpu.memory_space<vmem>>
    %dma_start3A_190 = arith.constant 0 : i32
    %dma_start3A_191 = tpu.memref_slice %arg7[%dma_start3A_184, %dma_start3A_190] : memref<79x128xi32, #tpu.memory_space<vmem>> -> memref<1x128xi32, #tpu.memory_space<vmem>>
    %dma_start3A_192 = tpu.memref_squeeze %dma_start3A_191 : memref<1x128xi32, #tpu.memory_space<vmem>> -> memref<128xi32, #tpu.memory_space<vmem>>
    %dma_start3A_193 = arith.constant 0 : i32
    %dma_start3A_194 = arith.constant 0 : i32
    %dma_start3A_195 = tpu.memref_slice %arg4[%dma_start3A_193, %dma_start3A_194] : memref<10112x8xf32, #tpu.memory_space<hbm>> -> memref<10112x8xf32, #tpu.memory_space<hbm>>
    tpu.enqueue_indirect_dma source(%dma_start3A_195 : memref<10112x8xf32, #tpu.memory_space<hbm>>) target(%dma_start3A_189 : memref<128x8xf32, #tpu.memory_space<vmem>>) offsets(%dma_start3A_192 : memref<128xi32, #tpu.memory_space<vmem>>) semaphore(%arg10 : memref<!tpu.dma_semaphore, #tpu.memory_space<semaphore_mem>>)
    %dma_start3A_196 = arith.constant 16 : i32
    %dma_start3A_197 = arith.constant 16 : i32
    %dma_start3A_198 = arith.constant 0 : i32
    %dma_start3A_199 = arith.constant 0 : i32
    %dma_start3A_200 = tpu.memref_slice %arg9[%dma_start3A_197, %dma_start3A_198, %dma_start3A_199] : memref<32x128x8xf32, #tpu.memory_space<vmem>> -> memref<1x128x8xf32, #tpu.memory_space<vmem>>
    %dma_start3A_201 = tpu.memref_squeeze %dma_start3A_200 : memref<1x128x8xf32, #tpu.memory_space<vmem>> -> memref<128x8xf32, #tpu.memory_space<vmem>>
    %dma_start3A_202 = arith.constant 0 : i32
    %dma_start3A_203 = tpu.memref_slice %arg7[%dma_start3A_196, %dma_start3A_202] : memref<79x128xi32, #tpu.memory_space<vmem>> -> memref<1x128xi32, #tpu.memory_space<vmem>>
    %dma_start3A_204 = tpu.memref_squeeze %dma_start3A_203 : memref<1x128xi32, #tpu.memory_space<vmem>> -> memref<128xi32, #tpu.memory_space<vmem>>
    %dma_start3A_205 = arith.constant 0 : i32
    %dma_start3A_206 = arith.constant 0 : i32
    %dma_start3A_207 = tpu.memref_slice %arg4[%dma_start3A_205, %dma_start3A_206] : memref<10112x8xf32, #tpu.memory_space<hbm>> -> memref<10112x8xf32, #tpu.memory_space<hbm>>
    tpu.enqueue_indirect_dma source(%dma_start3A_207 : memref<10112x8xf32, #tpu.memory_space<hbm>>) target(%dma_start3A_201 : memref<128x8xf32, #tpu.memory_space<vmem>>) offsets(%dma_start3A_204 : memref<128xi32, #tpu.memory_space<vmem>>) semaphore(%arg10 : memref<!tpu.dma_semaphore, #tpu.memory_space<semaphore_mem>>)
    %dma_start3A_208 = arith.constant 17 : i32
    %dma_start3A_209 = arith.constant 17 : i32
    %dma_start3A_210 = arith.constant 0 : i32
    %dma_start3A_211 = arith.constant 0 : i32
    %dma_start3A_212 = tpu.memref_slice %arg9[%dma_start3A_209, %dma_start3A_210, %dma_start3A_211] : memref<32x128x8xf32, #tpu.memory_space<vmem>> -> memref<1x128x8xf32, #tpu.memory_space<vmem>>
    %dma_start3A_213 = tpu.memref_squeeze %dma_start3A_212 : memref<1x128x8xf32, #tpu.memory_space<vmem>> -> memref<128x8xf32, #tpu.memory_space<vmem>>
    %dma_start3A_214 = arith.constant 0 : i32
    %dma_start3A_215 = tpu.memref_slice %arg7[%dma_start3A_208, %dma_start3A_214] : memref<79x128xi32, #tpu.memory_space<vmem>> -> memref<1x128xi32, #tpu.memory_space<vmem>>
    %dma_start3A_216 = tpu.memref_squeeze %dma_start3A_215 : memref<1x128xi32, #tpu.memory_space<vmem>> -> memref<128xi32, #tpu.memory_space<vmem>>
    %dma_start3A_217 = arith.constant 0 : i32
    %dma_start3A_218 = arith.constant 0 : i32
    %dma_start3A_219 = tpu.memref_slice %arg4[%dma_start3A_217, %dma_start3A_218] : memref<10112x8xf32, #tpu.memory_space<hbm>> -> memref<10112x8xf32, #tpu.memory_space<hbm>>
    tpu.enqueue_indirect_dma source(%dma_start3A_219 : memref<10112x8xf32, #tpu.memory_space<hbm>>) target(%dma_start3A_213 : memref<128x8xf32, #tpu.memory_space<vmem>>) offsets(%dma_start3A_216 : memref<128xi32, #tpu.memory_space<vmem>>) semaphore(%arg10 : memref<!tpu.dma_semaphore, #tpu.memory_space<semaphore_mem>>)
    %dma_start3A_220 = arith.constant 18 : i32
    %dma_start3A_221 = arith.constant 18 : i32
    %dma_start3A_222 = arith.constant 0 : i32
    %dma_start3A_223 = arith.constant 0 : i32
    %dma_start3A_224 = tpu.memref_slice %arg9[%dma_start3A_221, %dma_start3A_222, %dma_start3A_223] : memref<32x128x8xf32, #tpu.memory_space<vmem>> -> memref<1x128x8xf32, #tpu.memory_space<vmem>>
    %dma_start3A_225 = tpu.memref_squeeze %dma_start3A_224 : memref<1x128x8xf32, #tpu.memory_space<vmem>> -> memref<128x8xf32, #tpu.memory_space<vmem>>
    %dma_start3A_226 = arith.constant 0 : i32
    %dma_start3A_227 = tpu.memref_slice %arg7[%dma_start3A_220, %dma_start3A_226] : memref<79x128xi32, #tpu.memory_space<vmem>> -> memref<1x128xi32, #tpu.memory_space<vmem>>
    %dma_start3A_228 = tpu.memref_squeeze %dma_start3A_227 : memref<1x128xi32, #tpu.memory_space<vmem>> -> memref<128xi32, #tpu.memory_space<vmem>>
    %dma_start3A_229 = arith.constant 0 : i32
    %dma_start3A_230 = arith.constant 0 : i32
    %dma_start3A_231 = tpu.memref_slice %arg4[%dma_start3A_229, %dma_start3A_230] : memref<10112x8xf32, #tpu.memory_space<hbm>> -> memref<10112x8xf32, #tpu.memory_space<hbm>>
    tpu.enqueue_indirect_dma source(%dma_start3A_231 : memref<10112x8xf32, #tpu.memory_space<hbm>>) target(%dma_start3A_225 : memref<128x8xf32, #tpu.memory_space<vmem>>) offsets(%dma_start3A_228 : memref<128xi32, #tpu.memory_space<vmem>>) semaphore(%arg10 : memref<!tpu.dma_semaphore, #tpu.memory_space<semaphore_mem>>)
    %dma_start3A_232 = arith.constant 19 : i32
    %dma_start3A_233 = arith.constant 19 : i32
    %dma_start3A_234 = arith.constant 0 : i32
    %dma_start3A_235 = arith.constant 0 : i32
    %dma_start3A_236 = tpu.memref_slice %arg9[%dma_start3A_233, %dma_start3A_234, %dma_start3A_235] : memref<32x128x8xf32, #tpu.memory_space<vmem>> -> memref<1x128x8xf32, #tpu.memory_space<vmem>>
    %dma_start3A_237 = tpu.memref_squeeze %dma_start3A_236 : memref<1x128x8xf32, #tpu.memory_space<vmem>> -> memref<128x8xf32, #tpu.memory_space<vmem>>
    %dma_start3A_238 = arith.constant 0 : i32
    %dma_start3A_239 = tpu.memref_slice %arg7[%dma_start3A_232, %dma_start3A_238] : memref<79x128xi32, #tpu.memory_space<vmem>> -> memref<1x128xi32, #tpu.memory_space<vmem>>
    %dma_start3A_240 = tpu.memref_squeeze %dma_start3A_239 : memref<1x128xi32, #tpu.memory_space<vmem>> -> memref<128xi32, #tpu.memory_space<vmem>>
    %dma_start3A_241 = arith.constant 0 : i32
    %dma_start3A_242 = arith.constant 0 : i32
    %dma_start3A_243 = tpu.memref_slice %arg4[%dma_start3A_241, %dma_start3A_242] : memref<10112x8xf32, #tpu.memory_space<hbm>> -> memref<10112x8xf32, #tpu.memory_space<hbm>>
    tpu.enqueue_indirect_dma source(%dma_start3A_243 : memref<10112x8xf32, #tpu.memory_space<hbm>>) target(%dma_start3A_237 : memref<128x8xf32, #tpu.memory_space<vmem>>) offsets(%dma_start3A_240 : memref<128xi32, #tpu.memory_space<vmem>>) semaphore(%arg10 : memref<!tpu.dma_semaphore, #tpu.memory_space<semaphore_mem>>)
    %dma_start3A_244 = arith.constant 20 : i32
    %dma_start3A_245 = arith.constant 20 : i32
    %dma_start3A_246 = arith.constant 0 : i32
    %dma_start3A_247 = arith.constant 0 : i32
    %dma_start3A_248 = tpu.memref_slice %arg9[%dma_start3A_245, %dma_start3A_246, %dma_start3A_247] : memref<32x128x8xf32, #tpu.memory_space<vmem>> -> memref<1x128x8xf32, #tpu.memory_space<vmem>>
    %dma_start3A_249 = tpu.memref_squeeze %dma_start3A_248 : memref<1x128x8xf32, #tpu.memory_space<vmem>> -> memref<128x8xf32, #tpu.memory_space<vmem>>
    %dma_start3A_250 = arith.constant 0 : i32
    %dma_start3A_251 = tpu.memref_slice %arg7[%dma_start3A_244, %dma_start3A_250] : memref<79x128xi32, #tpu.memory_space<vmem>> -> memref<1x128xi32, #tpu.memory_space<vmem>>
    %dma_start3A_252 = tpu.memref_squeeze %dma_start3A_251 : memref<1x128xi32, #tpu.memory_space<vmem>> -> memref<128xi32, #tpu.memory_space<vmem>>
    %dma_start3A_253 = arith.constant 0 : i32
    %dma_start3A_254 = arith.constant 0 : i32
    %dma_start3A_255 = tpu.memref_slice %arg4[%dma_start3A_253, %dma_start3A_254] : memref<10112x8xf32, #tpu.memory_space<hbm>> -> memref<10112x8xf32, #tpu.memory_space<hbm>>
    tpu.enqueue_indirect_dma source(%dma_start3A_255 : memref<10112x8xf32, #tpu.memory_space<hbm>>) target(%dma_start3A_249 : memref<128x8xf32, #tpu.memory_space<vmem>>) offsets(%dma_start3A_252 : memref<128xi32, #tpu.memory_space<vmem>>) semaphore(%arg10 : memref<!tpu.dma_semaphore, #tpu.memory_space<semaphore_mem>>)
    %dma_start3A_256 = arith.constant 21 : i32
    %dma_start3A_257 = arith.constant 21 : i32
    %dma_start3A_258 = arith.constant 0 : i32
    %dma_start3A_259 = arith.constant 0 : i32
    %dma_start3A_260 = tpu.memref_slice %arg9[%dma_start3A_257, %dma_start3A_258, %dma_start3A_259] : memref<32x128x8xf32, #tpu.memory_space<vmem>> -> memref<1x128x8xf32, #tpu.memory_space<vmem>>
    %dma_start3A_261 = tpu.memref_squeeze %dma_start3A_260 : memref<1x128x8xf32, #tpu.memory_space<vmem>> -> memref<128x8xf32, #tpu.memory_space<vmem>>
    %dma_start3A_262 = arith.constant 0 : i32
    %dma_start3A_263 = tpu.memref_slice %arg7[%dma_start3A_256, %dma_start3A_262] : memref<79x128xi32, #tpu.memory_space<vmem>> -> memref<1x128xi32, #tpu.memory_space<vmem>>
    %dma_start3A_264 = tpu.memref_squeeze %dma_start3A_263 : memref<1x128xi32, #tpu.memory_space<vmem>> -> memref<128xi32, #tpu.memory_space<vmem>>
    %dma_start3A_265 = arith.constant 0 : i32
    %dma_start3A_266 = arith.constant 0 : i32
    %dma_start3A_267 = tpu.memref_slice %arg4[%dma_start3A_265, %dma_start3A_266] : memref<10112x8xf32, #tpu.memory_space<hbm>> -> memref<10112x8xf32, #tpu.memory_space<hbm>>
    tpu.enqueue_indirect_dma source(%dma_start3A_267 : memref<10112x8xf32, #tpu.memory_space<hbm>>) target(%dma_start3A_261 : memref<128x8xf32, #tpu.memory_space<vmem>>) offsets(%dma_start3A_264 : memref<128xi32, #tpu.memory_space<vmem>>) semaphore(%arg10 : memref<!tpu.dma_semaphore, #tpu.memory_space<semaphore_mem>>)
    %dma_start3A_268 = arith.constant 22 : i32
    %dma_start3A_269 = arith.constant 22 : i32
    %dma_start3A_270 = arith.constant 0 : i32
    %dma_start3A_271 = arith.constant 0 : i32
    %dma_start3A_272 = tpu.memref_slice %arg9[%dma_start3A_269, %dma_start3A_270, %dma_start3A_271] : memref<32x128x8xf32, #tpu.memory_space<vmem>> -> memref<1x128x8xf32, #tpu.memory_space<vmem>>
    %dma_start3A_273 = tpu.memref_squeeze %dma_start3A_272 : memref<1x128x8xf32, #tpu.memory_space<vmem>> -> memref<128x8xf32, #tpu.memory_space<vmem>>
    %dma_start3A_274 = arith.constant 0 : i32
    %dma_start3A_275 = tpu.memref_slice %arg7[%dma_start3A_268, %dma_start3A_274] : memref<79x128xi32, #tpu.memory_space<vmem>> -> memref<1x128xi32, #tpu.memory_space<vmem>>
    %dma_start3A_276 = tpu.memref_squeeze %dma_start3A_275 : memref<1x128xi32, #tpu.memory_space<vmem>> -> memref<128xi32, #tpu.memory_space<vmem>>
    %dma_start3A_277 = arith.constant 0 : i32
    %dma_start3A_278 = arith.constant 0 : i32
    %dma_start3A_279 = tpu.memref_slice %arg4[%dma_start3A_277, %dma_start3A_278] : memref<10112x8xf32, #tpu.memory_space<hbm>> -> memref<10112x8xf32, #tpu.memory_space<hbm>>
    tpu.enqueue_indirect_dma source(%dma_start3A_279 : memref<10112x8xf32, #tpu.memory_space<hbm>>) target(%dma_start3A_273 : memref<128x8xf32, #tpu.memory_space<vmem>>) offsets(%dma_start3A_276 : memref<128xi32, #tpu.memory_space<vmem>>) semaphore(%arg10 : memref<!tpu.dma_semaphore, #tpu.memory_space<semaphore_mem>>)
    %dma_start3A_280 = arith.constant 23 : i32
    %dma_start3A_281 = arith.constant 23 : i32
    %dma_start3A_282 = arith.constant 0 : i32
    %dma_start3A_283 = arith.constant 0 : i32
    %dma_start3A_284 = tpu.memref_slice %arg9[%dma_start3A_281, %dma_start3A_282, %dma_start3A_283] : memref<32x128x8xf32, #tpu.memory_space<vmem>> -> memref<1x128x8xf32, #tpu.memory_space<vmem>>
    %dma_start3A_285 = tpu.memref_squeeze %dma_start3A_284 : memref<1x128x8xf32, #tpu.memory_space<vmem>> -> memref<128x8xf32, #tpu.memory_space<vmem>>
    %dma_start3A_286 = arith.constant 0 : i32
    %dma_start3A_287 = tpu.memref_slice %arg7[%dma_start3A_280, %dma_start3A_286] : memref<79x128xi32, #tpu.memory_space<vmem>> -> memref<1x128xi32, #tpu.memory_space<vmem>>
    %dma_start3A_288 = tpu.memref_squeeze %dma_start3A_287 : memref<1x128xi32, #tpu.memory_space<vmem>> -> memref<128xi32, #tpu.memory_space<vmem>>
    %dma_start3A_289 = arith.constant 0 : i32
    %dma_start3A_290 = arith.constant 0 : i32
    %dma_start3A_291 = tpu.memref_slice %arg4[%dma_start3A_289, %dma_start3A_290] : memref<10112x8xf32, #tpu.memory_space<hbm>> -> memref<10112x8xf32, #tpu.memory_space<hbm>>
    tpu.enqueue_indirect_dma source(%dma_start3A_291 : memref<10112x8xf32, #tpu.memory_space<hbm>>) target(%dma_start3A_285 : memref<128x8xf32, #tpu.memory_space<vmem>>) offsets(%dma_start3A_288 : memref<128xi32, #tpu.memory_space<vmem>>) semaphore(%arg10 : memref<!tpu.dma_semaphore, #tpu.memory_space<semaphore_mem>>)
    %dma_start3A_292 = arith.constant 24 : i32
    %dma_start3A_293 = arith.constant 24 : i32
    %dma_start3A_294 = arith.constant 0 : i32
    %dma_start3A_295 = arith.constant 0 : i32
    %dma_start3A_296 = tpu.memref_slice %arg9[%dma_start3A_293, %dma_start3A_294, %dma_start3A_295] : memref<32x128x8xf32, #tpu.memory_space<vmem>> -> memref<1x128x8xf32, #tpu.memory_space<vmem>>
    %dma_start3A_297 = tpu.memref_squeeze %dma_start3A_296 : memref<1x128x8xf32, #tpu.memory_space<vmem>> -> memref<128x8xf32, #tpu.memory_space<vmem>>
    %dma_start3A_298 = arith.constant 0 : i32
    %dma_start3A_299 = tpu.memref_slice %arg7[%dma_start3A_292, %dma_start3A_298] : memref<79x128xi32, #tpu.memory_space<vmem>> -> memref<1x128xi32, #tpu.memory_space<vmem>>
    %dma_start3A_300 = tpu.memref_squeeze %dma_start3A_299 : memref<1x128xi32, #tpu.memory_space<vmem>> -> memref<128xi32, #tpu.memory_space<vmem>>
    %dma_start3A_301 = arith.constant 0 : i32
    %dma_start3A_302 = arith.constant 0 : i32
    %dma_start3A_303 = tpu.memref_slice %arg4[%dma_start3A_301, %dma_start3A_302] : memref<10112x8xf32, #tpu.memory_space<hbm>> -> memref<10112x8xf32, #tpu.memory_space<hbm>>
    tpu.enqueue_indirect_dma source(%dma_start3A_303 : memref<10112x8xf32, #tpu.memory_space<hbm>>) target(%dma_start3A_297 : memref<128x8xf32, #tpu.memory_space<vmem>>) offsets(%dma_start3A_300 : memref<128xi32, #tpu.memory_space<vmem>>) semaphore(%arg10 : memref<!tpu.dma_semaphore, #tpu.memory_space<semaphore_mem>>)
    %dma_start3A_304 = arith.constant 25 : i32
    %dma_start3A_305 = arith.constant 25 : i32
    %dma_start3A_306 = arith.constant 0 : i32
    %dma_start3A_307 = arith.constant 0 : i32
    %dma_start3A_308 = tpu.memref_slice %arg9[%dma_start3A_305, %dma_start3A_306, %dma_start3A_307] : memref<32x128x8xf32, #tpu.memory_space<vmem>> -> memref<1x128x8xf32, #tpu.memory_space<vmem>>
    %dma_start3A_309 = tpu.memref_squeeze %dma_start3A_308 : memref<1x128x8xf32, #tpu.memory_space<vmem>> -> memref<128x8xf32, #tpu.memory_space<vmem>>
    %dma_start3A_310 = arith.constant 0 : i32
    %dma_start3A_311 = tpu.memref_slice %arg7[%dma_start3A_304, %dma_start3A_310] : memref<79x128xi32, #tpu.memory_space<vmem>> -> memref<1x128xi32, #tpu.memory_space<vmem>>
    %dma_start3A_312 = tpu.memref_squeeze %dma_start3A_311 : memref<1x128xi32, #tpu.memory_space<vmem>> -> memref<128xi32, #tpu.memory_space<vmem>>
    %dma_start3A_313 = arith.constant 0 : i32
    %dma_start3A_314 = arith.constant 0 : i32
    %dma_start3A_315 = tpu.memref_slice %arg4[%dma_start3A_313, %dma_start3A_314] : memref<10112x8xf32, #tpu.memory_space<hbm>> -> memref<10112x8xf32, #tpu.memory_space<hbm>>
    tpu.enqueue_indirect_dma source(%dma_start3A_315 : memref<10112x8xf32, #tpu.memory_space<hbm>>) target(%dma_start3A_309 : memref<128x8xf32, #tpu.memory_space<vmem>>) offsets(%dma_start3A_312 : memref<128xi32, #tpu.memory_space<vmem>>) semaphore(%arg10 : memref<!tpu.dma_semaphore, #tpu.memory_space<semaphore_mem>>)
    %dma_start3A_316 = arith.constant 26 : i32
    %dma_start3A_317 = arith.constant 26 : i32
    %dma_start3A_318 = arith.constant 0 : i32
    %dma_start3A_319 = arith.constant 0 : i32
    %dma_start3A_320 = tpu.memref_slice %arg9[%dma_start3A_317, %dma_start3A_318, %dma_start3A_319] : memref<32x128x8xf32, #tpu.memory_space<vmem>> -> memref<1x128x8xf32, #tpu.memory_space<vmem>>
    %dma_start3A_321 = tpu.memref_squeeze %dma_start3A_320 : memref<1x128x8xf32, #tpu.memory_space<vmem>> -> memref<128x8xf32, #tpu.memory_space<vmem>>
    %dma_start3A_322 = arith.constant 0 : i32
    %dma_start3A_323 = tpu.memref_slice %arg7[%dma_start3A_316, %dma_start3A_322] : memref<79x128xi32, #tpu.memory_space<vmem>> -> memref<1x128xi32, #tpu.memory_space<vmem>>
    %dma_start3A_324 = tpu.memref_squeeze %dma_start3A_323 : memref<1x128xi32, #tpu.memory_space<vmem>> -> memref<128xi32, #tpu.memory_space<vmem>>
    %dma_start3A_325 = arith.constant 0 : i32
    %dma_start3A_326 = arith.constant 0 : i32
    %dma_start3A_327 = tpu.memref_slice %arg4[%dma_start3A_325, %dma_start3A_326] : memref<10112x8xf32, #tpu.memory_space<hbm>> -> memref<10112x8xf32, #tpu.memory_space<hbm>>
    tpu.enqueue_indirect_dma source(%dma_start3A_327 : memref<10112x8xf32, #tpu.memory_space<hbm>>) target(%dma_start3A_321 : memref<128x8xf32, #tpu.memory_space<vmem>>) offsets(%dma_start3A_324 : memref<128xi32, #tpu.memory_space<vmem>>) semaphore(%arg10 : memref<!tpu.dma_semaphore, #tpu.memory_space<semaphore_mem>>)
    %dma_start3A_328 = arith.constant 27 : i32
    %dma_start3A_329 = arith.constant 27 : i32
    %dma_start3A_330 = arith.constant 0 : i32
    %dma_start3A_331 = arith.constant 0 : i32
    %dma_start3A_332 = tpu.memref_slice %arg9[%dma_start3A_329, %dma_start3A_330, %dma_start3A_331] : memref<32x128x8xf32, #tpu.memory_space<vmem>> -> memref<1x128x8xf32, #tpu.memory_space<vmem>>
    %dma_start3A_333 = tpu.memref_squeeze %dma_start3A_332 : memref<1x128x8xf32, #tpu.memory_space<vmem>> -> memref<128x8xf32, #tpu.memory_space<vmem>>
    %dma_start3A_334 = arith.constant 0 : i32
    %dma_start3A_335 = tpu.memref_slice %arg7[%dma_start3A_328, %dma_start3A_334] : memref<79x128xi32, #tpu.memory_space<vmem>> -> memref<1x128xi32, #tpu.memory_space<vmem>>
    %dma_start3A_336 = tpu.memref_squeeze %dma_start3A_335 : memref<1x128xi32, #tpu.memory_space<vmem>> -> memref<128xi32, #tpu.memory_space<vmem>>
    %dma_start3A_337 = arith.constant 0 : i32
    %dma_start3A_338 = arith.constant 0 : i32
    %dma_start3A_339 = tpu.memref_slice %arg4[%dma_start3A_337, %dma_start3A_338] : memref<10112x8xf32, #tpu.memory_space<hbm>> -> memref<10112x8xf32, #tpu.memory_space<hbm>>
    tpu.enqueue_indirect_dma source(%dma_start3A_339 : memref<10112x8xf32, #tpu.memory_space<hbm>>) target(%dma_start3A_333 : memref<128x8xf32, #tpu.memory_space<vmem>>) offsets(%dma_start3A_336 : memref<128xi32, #tpu.memory_space<vmem>>) semaphore(%arg10 : memref<!tpu.dma_semaphore, #tpu.memory_space<semaphore_mem>>)
    %dma_start3A_340 = arith.constant 28 : i32
    %dma_start3A_341 = arith.constant 28 : i32
    %dma_start3A_342 = arith.constant 0 : i32
    %dma_start3A_343 = arith.constant 0 : i32
    %dma_start3A_344 = tpu.memref_slice %arg9[%dma_start3A_341, %dma_start3A_342, %dma_start3A_343] : memref<32x128x8xf32, #tpu.memory_space<vmem>> -> memref<1x128x8xf32, #tpu.memory_space<vmem>>
    %dma_start3A_345 = tpu.memref_squeeze %dma_start3A_344 : memref<1x128x8xf32, #tpu.memory_space<vmem>> -> memref<128x8xf32, #tpu.memory_space<vmem>>
    %dma_start3A_346 = arith.constant 0 : i32
    %dma_start3A_347 = tpu.memref_slice %arg7[%dma_start3A_340, %dma_start3A_346] : memref<79x128xi32, #tpu.memory_space<vmem>> -> memref<1x128xi32, #tpu.memory_space<vmem>>
    %dma_start3A_348 = tpu.memref_squeeze %dma_start3A_347 : memref<1x128xi32, #tpu.memory_space<vmem>> -> memref<128xi32, #tpu.memory_space<vmem>>
    %dma_start3A_349 = arith.constant 0 : i32
    %dma_start3A_350 = arith.constant 0 : i32
    %dma_start3A_351 = tpu.memref_slice %arg4[%dma_start3A_349, %dma_start3A_350] : memref<10112x8xf32, #tpu.memory_space<hbm>> -> memref<10112x8xf32, #tpu.memory_space<hbm>>
    tpu.enqueue_indirect_dma source(%dma_start3A_351 : memref<10112x8xf32, #tpu.memory_space<hbm>>) target(%dma_start3A_345 : memref<128x8xf32, #tpu.memory_space<vmem>>) offsets(%dma_start3A_348 : memref<128xi32, #tpu.memory_space<vmem>>) semaphore(%arg10 : memref<!tpu.dma_semaphore, #tpu.memory_space<semaphore_mem>>)
    %dma_start3A_352 = arith.constant 29 : i32
    %dma_start3A_353 = arith.constant 29 : i32
    %dma_start3A_354 = arith.constant 0 : i32
    %dma_start3A_355 = arith.constant 0 : i32
    %dma_start3A_356 = tpu.memref_slice %arg9[%dma_start3A_353, %dma_start3A_354, %dma_start3A_355] : memref<32x128x8xf32, #tpu.memory_space<vmem>> -> memref<1x128x8xf32, #tpu.memory_space<vmem>>
    %dma_start3A_357 = tpu.memref_squeeze %dma_start3A_356 : memref<1x128x8xf32, #tpu.memory_space<vmem>> -> memref<128x8xf32, #tpu.memory_space<vmem>>
    %dma_start3A_358 = arith.constant 0 : i32
    %dma_start3A_359 = tpu.memref_slice %arg7[%dma_start3A_352, %dma_start3A_358] : memref<79x128xi32, #tpu.memory_space<vmem>> -> memref<1x128xi32, #tpu.memory_space<vmem>>
    %dma_start3A_360 = tpu.memref_squeeze %dma_start3A_359 : memref<1x128xi32, #tpu.memory_space<vmem>> -> memref<128xi32, #tpu.memory_space<vmem>>
    %dma_start3A_361 = arith.constant 0 : i32
    %dma_start3A_362 = arith.constant 0 : i32
    %dma_start3A_363 = tpu.memref_slice %arg4[%dma_start3A_361, %dma_start3A_362] : memref<10112x8xf32, #tpu.memory_space<hbm>> -> memref<10112x8xf32, #tpu.memory_space<hbm>>
    tpu.enqueue_indirect_dma source(%dma_start3A_363 : memref<10112x8xf32, #tpu.memory_space<hbm>>) target(%dma_start3A_357 : memref<128x8xf32, #tpu.memory_space<vmem>>) offsets(%dma_start3A_360 : memref<128xi32, #tpu.memory_space<vmem>>) semaphore(%arg10 : memref<!tpu.dma_semaphore, #tpu.memory_space<semaphore_mem>>)
    %dma_start3A_364 = arith.constant 30 : i32
    %dma_start3A_365 = arith.constant 30 : i32
    %dma_start3A_366 = arith.constant 0 : i32
    %dma_start3A_367 = arith.constant 0 : i32
    %dma_start3A_368 = tpu.memref_slice %arg9[%dma_start3A_365, %dma_start3A_366, %dma_start3A_367] : memref<32x128x8xf32, #tpu.memory_space<vmem>> -> memref<1x128x8xf32, #tpu.memory_space<vmem>>
    %dma_start3A_369 = tpu.memref_squeeze %dma_start3A_368 : memref<1x128x8xf32, #tpu.memory_space<vmem>> -> memref<128x8xf32, #tpu.memory_space<vmem>>
    %dma_start3A_370 = arith.constant 0 : i32
    %dma_start3A_371 = tpu.memref_slice %arg7[%dma_start3A_364, %dma_start3A_370] : memref<79x128xi32, #tpu.memory_space<vmem>> -> memref<1x128xi32, #tpu.memory_space<vmem>>
    %dma_start3A_372 = tpu.memref_squeeze %dma_start3A_371 : memref<1x128xi32, #tpu.memory_space<vmem>> -> memref<128xi32, #tpu.memory_space<vmem>>
    %dma_start3A_373 = arith.constant 0 : i32
    %dma_start3A_374 = arith.constant 0 : i32
    %dma_start3A_375 = tpu.memref_slice %arg4[%dma_start3A_373, %dma_start3A_374] : memref<10112x8xf32, #tpu.memory_space<hbm>> -> memref<10112x8xf32, #tpu.memory_space<hbm>>
    tpu.enqueue_indirect_dma source(%dma_start3A_375 : memref<10112x8xf32, #tpu.memory_space<hbm>>) target(%dma_start3A_369 : memref<128x8xf32, #tpu.memory_space<vmem>>) offsets(%dma_start3A_372 : memref<128xi32, #tpu.memory_space<vmem>>) semaphore(%arg10 : memref<!tpu.dma_semaphore, #tpu.memory_space<semaphore_mem>>)
    %dma_start3A_376 = arith.constant 31 : i32
    %dma_start3A_377 = arith.constant 31 : i32
    %dma_start3A_378 = arith.constant 0 : i32
    %dma_start3A_379 = arith.constant 0 : i32
    %dma_start3A_380 = tpu.memref_slice %arg9[%dma_start3A_377, %dma_start3A_378, %dma_start3A_379] : memref<32x128x8xf32, #tpu.memory_space<vmem>> -> memref<1x128x8xf32, #tpu.memory_space<vmem>>
    %dma_start3A_381 = tpu.memref_squeeze %dma_start3A_380 : memref<1x128x8xf32, #tpu.memory_space<vmem>> -> memref<128x8xf32, #tpu.memory_space<vmem>>
    %dma_start3A_382 = arith.constant 0 : i32
    %dma_start3A_383 = tpu.memref_slice %arg7[%dma_start3A_376, %dma_start3A_382] : memref<79x128xi32, #tpu.memory_space<vmem>> -> memref<1x128xi32, #tpu.memory_space<vmem>>
    %dma_start3A_384 = tpu.memref_squeeze %dma_start3A_383 : memref<1x128xi32, #tpu.memory_space<vmem>> -> memref<128xi32, #tpu.memory_space<vmem>>
    %dma_start3A_385 = arith.constant 0 : i32
    %dma_start3A_386 = arith.constant 0 : i32
    %dma_start3A_387 = tpu.memref_slice %arg4[%dma_start3A_385, %dma_start3A_386] : memref<10112x8xf32, #tpu.memory_space<hbm>> -> memref<10112x8xf32, #tpu.memory_space<hbm>>
    tpu.enqueue_indirect_dma source(%dma_start3A_387 : memref<10112x8xf32, #tpu.memory_space<hbm>>) target(%dma_start3A_381 : memref<128x8xf32, #tpu.memory_space<vmem>>) offsets(%dma_start3A_384 : memref<128xi32, #tpu.memory_space<vmem>>) semaphore(%arg10 : memref<!tpu.dma_semaphore, #tpu.memory_space<semaphore_mem>>)
    %scan3A = arith.constant 0 : i32
    %scan3A_388 = arith.constant 0 : i32
    %scan3A_389 = arith.constant 79 : i32
    %scan3A_390 = arith.addi %scan3A_388, %scan3A_389 : i32
    %scan3A_391 = arith.constant 1 : i32
    scf.for %scan3A_398 = %scan3A_388 to %scan3A_390 step %scan3A_391  : i32 {
      %rem3A = arith.constant 32 : i32
      %rem3A_399 = arith.remsi %scan3A_398, %rem3A : i32
      %dma_wait3A = arith.constant 0 : i32
      %dma_wait3A_400 = arith.constant 0 : i32
      %dma_wait3A_401 = tpu.memref_slice %arg9[%rem3A_399, %dma_wait3A, %dma_wait3A_400] : memref<32x128x8xf32, #tpu.memory_space<vmem>> -> memref<1x128x8xf32, #tpu.memory_space<vmem>>
      %dma_wait3A_402 = tpu.memref_squeeze %dma_wait3A_401 : memref<1x128x8xf32, #tpu.memory_space<vmem>> -> memref<128x8xf32, #tpu.memory_space<vmem>>
      %dma_wait3A_403 = arith.constant 0 : i32
      %dma_wait3A_404 = tpu.memref_slice %arg7[%scan3A_398, %dma_wait3A_403] : memref<79x128xi32, #tpu.memory_space<vmem>> -> memref<1x128xi32, #tpu.memory_space<vmem>>
      %dma_wait3A_405 = tpu.memref_squeeze %dma_wait3A_404 : memref<1x128xi32, #tpu.memory_space<vmem>> -> memref<128xi32, #tpu.memory_space<vmem>>
      %dma_wait3A_406 = arith.constant 0 : i32
      %dma_wait3A_407 = arith.constant 0 : i32
      %dma_wait3A_408 = tpu.memref_slice %arg4[%dma_wait3A_406, %dma_wait3A_407] : memref<10112x8xf32, #tpu.memory_space<hbm>> -> memref<10112x8xf32, #tpu.memory_space<hbm>>
      tpu.wait_indirect_dma semaphore(%arg10 : memref<!tpu.dma_semaphore, #tpu.memory_space<semaphore_mem>>) src(%dma_wait3A_408 : memref<10112x8xf32, #tpu.memory_space<hbm>>) dst(%dma_wait3A_402 : memref<128x8xf32, #tpu.memory_space<vmem>>)
      "tpu.region"() ({
        %run_scoped3A = tpu.sem_alloc : memref<!tpu.dma_semaphore, #tpu.memory_space<semaphore_mem>>
        %dma_start3A_413 = arith.constant 0 : i32
        %dma_start3A_414 = arith.constant 0 : i32
        %dma_start3A_415 = tpu.memref_slice %arg9[%rem3A_399, %dma_start3A_413, %dma_start3A_414] : memref<32x128x8xf32, #tpu.memory_space<vmem>> -> memref<1x128x8xf32, #tpu.memory_space<vmem>>
        %dma_start3A_416 = tpu.memref_squeeze %dma_start3A_415 : memref<1x128x8xf32, #tpu.memory_space<vmem>> -> memref<128x8xf32, #tpu.memory_space<vmem>>
        %dma_start3A_417 = arith.constant 0 : i32
        %dma_start3A_418 = tpu.memref_slice %arg8[%scan3A_398, %dma_start3A_417] : memref<79x128xi32, #tpu.memory_space<vmem>> -> memref<1x128xi32, #tpu.memory_space<vmem>>
        %dma_start3A_419 = tpu.memref_squeeze %dma_start3A_418 : memref<1x128xi32, #tpu.memory_space<vmem>> -> memref<128xi32, #tpu.memory_space<vmem>>
        %dma_start3A_420 = arith.constant 0 : i32
        %dma_start3A_421 = arith.constant 0 : i32
        %dma_start3A_422 = tpu.memref_slice %arg11[%dma_start3A_420, %dma_start3A_421] : memref<10112x8xf32, #tpu.memory_space<vmem_shared>> -> memref<10112x8xf32, #tpu.memory_space<vmem_shared>>
        tpu.enqueue_indirect_dma source(%dma_start3A_416 : memref<128x8xf32, #tpu.memory_space<vmem>>) target(%dma_start3A_422 : memref<10112x8xf32, #tpu.memory_space<vmem_shared>>) offsets(%dma_start3A_419 : memref<128xi32, #tpu.memory_space<vmem>>) semaphore(%run_scoped3A : memref<!tpu.dma_semaphore, #tpu.memory_space<semaphore_mem>>) {add = true}
        %dma_wait3A_423 = arith.constant 0 : i32
        %dma_wait3A_424 = arith.constant 0 : i32
        %dma_wait3A_425 = tpu.memref_slice %arg9[%rem3A_399, %dma_wait3A_423, %dma_wait3A_424] : memref<32x128x8xf32, #tpu.memory_space<vmem>> -> memref<1x128x8xf32, #tpu.memory_space<vmem>>
        %dma_wait3A_426 = tpu.memref_squeeze %dma_wait3A_425 : memref<1x128x8xf32, #tpu.memory_space<vmem>> -> memref<128x8xf32, #tpu.memory_space<vmem>>
        %dma_wait3A_427 = arith.constant 0 : i32
        %dma_wait3A_428 = tpu.memref_slice %arg8[%scan3A_398, %dma_wait3A_427] : memref<79x128xi32, #tpu.memory_space<vmem>> -> memref<1x128xi32, #tpu.memory_space<vmem>>
        %dma_wait3A_429 = tpu.memref_squeeze %dma_wait3A_428 : memref<1x128xi32, #tpu.memory_space<vmem>> -> memref<128xi32, #tpu.memory_space<vmem>>
        %dma_wait3A_430 = arith.constant 0 : i32
        %dma_wait3A_431 = arith.constant 0 : i32
        %dma_wait3A_432 = tpu.memref_slice %arg11[%dma_wait3A_430, %dma_wait3A_431] : memref<10112x8xf32, #tpu.memory_space<vmem_shared>> -> memref<10112x8xf32, #tpu.memory_space<vmem_shared>>
        tpu.wait_indirect_dma semaphore(%run_scoped3A : memref<!tpu.dma_semaphore, #tpu.memory_space<semaphore_mem>>) src(%dma_wait3A_426 : memref<128x8xf32, #tpu.memory_space<vmem>>) dst(%dma_wait3A_432 : memref<10112x8xf32, #tpu.memory_space<vmem_shared>>)
        tpu.yield
      }) : () -> ()
      %add3A_409 = arith.constant 32 : i32
      %add3A_410 = arith.addi %scan3A_398, %add3A_409 : i32
      %lt3A = arith.constant 79 : i32
      %lt3A_411 = arith.cmpi slt, %add3A_410, %lt3A : i32
      %convert_element_type3A = arith.extui %lt3A_411 : i1 to i32
      %cond3A = arith.constant 0 : i32
      %cond3A_412 = arith.cmpi ne, %convert_element_type3A, %cond3A : i32
      scf.if %cond3A_412 {
        %add3A_413 = arith.constant 32 : i32
        %add3A_414 = arith.addi %scan3A_398, %add3A_413 : i32
        %dma_start3A_415 = arith.constant 0 : i32
        %dma_start3A_416 = arith.constant 0 : i32
        %dma_start3A_417 = tpu.memref_slice %arg9[%rem3A_399, %dma_start3A_415, %dma_start3A_416] : memref<32x128x8xf32, #tpu.memory_space<vmem>> -> memref<1x128x8xf32, #tpu.memory_space<vmem>>
        %dma_start3A_418 = tpu.memref_squeeze %dma_start3A_417 : memref<1x128x8xf32, #tpu.memory_space<vmem>> -> memref<128x8xf32, #tpu.memory_space<vmem>>
        %dma_start3A_419 = arith.constant 0 : i32
        %dma_start3A_420 = tpu.memref_slice %arg7[%add3A_414, %dma_start3A_419] : memref<79x128xi32, #tpu.memory_space<vmem>> -> memref<1x128xi32, #tpu.memory_space<vmem>>
        %dma_start3A_421 = tpu.memref_squeeze %dma_start3A_420 : memref<1x128xi32, #tpu.memory_space<vmem>> -> memref<128xi32, #tpu.memory_space<vmem>>
        %dma_start3A_422 = arith.constant 0 : i32
        %dma_start3A_423 = arith.constant 0 : i32
        %dma_start3A_424 = tpu.memref_slice %arg4[%dma_start3A_422, %dma_start3A_423] : memref<10112x8xf32, #tpu.memory_space<hbm>> -> memref<10112x8xf32, #tpu.memory_space<hbm>>
        tpu.enqueue_indirect_dma source(%dma_start3A_424 : memref<10112x8xf32, #tpu.memory_space<hbm>>) target(%dma_start3A_418 : memref<128x8xf32, #tpu.memory_space<vmem>>) offsets(%dma_start3A_421 : memref<128xi32, #tpu.memory_space<vmem>>) semaphore(%arg10 : memref<!tpu.dma_semaphore, #tpu.memory_space<semaphore_mem>>)
      } else {
      }
    }
    %scan3A_392 = arith.constant 79 : i32
    %barrier3A_393 = arith.constant 0 : index
    tpu.barrier barrier_id(%barrier3A_393)
    %mul3A_394 = arith.constant 632 : i32
    %mul3A_395 = arith.muli %arg1, %mul3A_394 : i32
    %mul3A_396 = arith.constant 632 : i32
    %mul3A_397 = arith.muli %arg1, %mul3A_396 : i32
    "tpu.region"() ({
      %run_scoped3A = tpu.sem_alloc : memref<!tpu.dma_semaphore, #tpu.memory_space<semaphore_mem>>
      %dma_start3A_398 = arith.constant 0 : i32
      %dma_start3A_399 = tpu.memref_slice %arg6[%arg0, %mul3A_397, %dma_start3A_398] : memref<2x10112x8xf32, #tpu.memory_space<hbm>> -> memref<1x632x8xf32, #tpu.memory_space<hbm>>
      %dma_start3A_400 = tpu.memref_squeeze %dma_start3A_399 : memref<1x632x8xf32, #tpu.memory_space<hbm>> -> memref<632x8xf32, #tpu.memory_space<hbm>>
      %dma_start3A_401 = arith.constant 0 : i32
      %dma_start3A_402 = tpu.memref_slice %arg11[%mul3A_395, %dma_start3A_401] : memref<10112x8xf32, #tpu.memory_space<vmem_shared>> -> memref<632x8xf32, #tpu.memory_space<vmem_shared>>
      tpu.enqueue_dma source(%dma_start3A_402 : memref<632x8xf32, #tpu.memory_space<vmem_shared>>) target(%dma_start3A_400 : memref<632x8xf32, #tpu.memory_space<hbm>>) target_semaphore(%run_scoped3A : memref<!tpu.dma_semaphore, #tpu.memory_space<semaphore_mem>>)
      %dma_wait3A = arith.constant 0 : i32
      %dma_wait3A_403 = tpu.memref_slice %arg6[%arg0, %mul3A_397, %dma_wait3A] : memref<2x10112x8xf32, #tpu.memory_space<hbm>> -> memref<1x632x8xf32, #tpu.memory_space<hbm>>
      %dma_wait3A_404 = tpu.memref_squeeze %dma_wait3A_403 : memref<1x632x8xf32, #tpu.memory_space<hbm>> -> memref<632x8xf32, #tpu.memory_space<hbm>>
      %dma_wait3A_405 = arith.constant 0 : i32
      %dma_wait3A_406 = tpu.memref_slice %arg11[%mul3A_395, %dma_wait3A_405] : memref<10112x8xf32, #tpu.memory_space<vmem_shared>> -> memref<632x8xf32, #tpu.memory_space<vmem_shared>>
      tpu.wait_dma2 semaphore(%run_scoped3A : memref<!tpu.dma_semaphore, #tpu.memory_space<semaphore_mem>>) src(%dma_wait3A_406 : memref<632x8xf32, #tpu.memory_space<vmem_shared>>) dst(%dma_wait3A_404 : memref<632x8xf32, #tpu.memory_space<hbm>>)
      tpu.yield
    }) : () -> ()
    return
  }
}

module attributes {stable_mosaic.version = 14 : i64} {
  func.func @_tc_first_body(%arg0: memref<2x10112x8xf32, #tpu.memory_space<vmem>>, %arg1: memref<10112x128xf32, #tpu.memory_space<vmem>>, %arg2: memref<128x8xf32, #tpu.memory_space<vmem>>, %arg3: memref<10112x8xf32, #tpu.memory_space<vmem>>, %arg4: memref<10112x1xf32, #tpu.memory_space<vmem>>) attributes {dimension_semantics = [], scalar_prefetch = 0 : i64, scratch_operands = 0 : i64, tpu.core_type = #tpu.core_type<tc>} {
    %get3A = arith.constant 0 : index
    %get3A_0 = arith.constant 0 : index
    %get3A_1 = arith.constant 0 : index
    %get3A_2 = vector.load %arg0[%get3A, %get3A_0, %get3A_1] : memref<2x10112x8xf32, #tpu.memory_space<vmem>>, vector<1x10112x8xf32>
    %get3A_3 = vector.shape_cast %get3A_2 : vector<1x10112x8xf32> to vector<10112x8xf32>
    %get3A_4 = arith.constant 1 : index
    %get3A_5 = arith.constant 0 : index
    %get3A_6 = arith.constant 0 : index
    %get3A_7 = vector.load %arg0[%get3A_4, %get3A_5, %get3A_6] : memref<2x10112x8xf32, #tpu.memory_space<vmem>>, vector<1x10112x8xf32>
    %get3A_8 = vector.shape_cast %get3A_7 : vector<1x10112x8xf32> to vector<10112x8xf32>
    %add3A = arith.addf %get3A_3, %get3A_8 : vector<10112x8xf32>
    %slice3A = vector.extract_strided_slice %add3A {offsets = [0, 0], sizes = [10112, 1], strides = [1, 1]} : vector<10112x8xf32> to vector<10112x1xf32>
    %add3A_9 = arith.constant 1.000000e+00 : f32
    %add3A_10 = vector.broadcast %add3A_9 : f32 to vector<10112x1xf32>
    %add3A_11 = arith.addf %slice3A, %add3A_10 : vector<10112x1xf32>
    %rsqrt3A = math.rsqrt %add3A_11 : vector<10112x1xf32>
    %get3A_12 = arith.constant 0 : index
    %get3A_13 = arith.constant 0 : index
    %get3A_14 = vector.load %arg1[%get3A_12, %get3A_13] : memref<10112x128xf32, #tpu.memory_space<vmem>>, vector<10112x128xf32>
    %get3A_15 = arith.constant 0 : index
    %get3A_16 = arith.constant 0 : index
    %get3A_17 = vector.load %arg2[%get3A_15, %get3A_16] : memref<128x8xf32, #tpu.memory_space<vmem>>, vector<128x8xf32>
    %dot_general3A = arith.constant dense<0.000000e+00> : vector<10112x8xf32>
    %dot_general3A_18 = tpu.matmul %get3A_14, %get3A_17, %dot_general3A {dimension_numbers = #tpu.dot_dimension_numbers<[1], [0], [0], [1], [0, 0, 1, 1], [], []>, transpose_lhs_hint = false} : vector<10112x128xf32>, vector<128x8xf32>, vector<10112x8xf32> -> vector<10112x8xf32>
    %mul3A = vector.broadcast %rsqrt3A : vector<10112x1xf32> to vector<10112x8xf32>
    %mul3A_19 = arith.mulf %dot_general3A_18, %mul3A : vector<10112x8xf32>
    %swap3A = arith.constant 0 : index
    %swap3A_20 = arith.constant 0 : index
    %swap3A_21 = vector.load %arg3[%swap3A, %swap3A_20] : memref<10112x8xf32, #tpu.memory_space<vmem>>, vector<10112x8xf32>
    tpu.vector_store %arg3[%swap3A, %swap3A_20], %mul3A_19 {strides = array<i32>} : memref<10112x8xf32, #tpu.memory_space<vmem>>, vector<10112x8xf32>,
    %swap3A_22 = arith.constant 0 : index
    %swap3A_23 = arith.constant 0 : index
    %swap3A_24 = vector.load %arg4[%swap3A_22, %swap3A_23] : memref<10112x1xf32, #tpu.memory_space<vmem>>, vector<10112x1xf32>
    tpu.vector_store %arg4[%swap3A_22, %swap3A_23], %rsqrt3A {strides = array<i32>} : memref<10112x1xf32, #tpu.memory_space<vmem>>, vector<10112x1xf32>,
    return
  }
}

module attributes {stable_mosaic.version = 14 : i64} {
  func.func @body(%arg0: memref<2x10112x8xf32, #tpu.memory_space<vmem>>, %arg1: memref<10112x8xf32, #tpu.memory_space<vmem>>, %arg2: memref<10112x1xf32, #tpu.memory_space<vmem>>, %arg3: memref<1x8xf32, #tpu.memory_space<vmem>>, %arg4: memref<8x8xf32, #tpu.memory_space<vmem>>, %arg5: memref<10112x8xf32, #tpu.memory_space<vmem>>, %arg6: memref<10112x8xf32, #tpu.memory_space<vmem>>) attributes {dimension_semantics = [], scalar_prefetch = 0 : i64, scratch_operands = 0 : i64, tpu.core_type = #tpu.core_type<tc>} {
    %get3A = arith.constant 0 : index
    %get3A_0 = arith.constant 0 : index
    %get3A_1 = vector.load %arg2[%get3A, %get3A_0] : memref<10112x1xf32, #tpu.memory_space<vmem>>, vector<10112x1xf32>
    %get3A_2 = arith.constant 0 : index
    %get3A_3 = arith.constant 0 : index
    %get3A_4 = arith.constant 0 : index
    %get3A_5 = vector.load %arg0[%get3A_2, %get3A_3, %get3A_4] : memref<2x10112x8xf32, #tpu.memory_space<vmem>>, vector<1x10112x8xf32>
    %get3A_6 = vector.shape_cast %get3A_5 : vector<1x10112x8xf32> to vector<10112x8xf32>
    %get3A_7 = arith.constant 1 : index
    %get3A_8 = arith.constant 0 : index
    %get3A_9 = arith.constant 0 : index
    %get3A_10 = vector.load %arg0[%get3A_7, %get3A_8, %get3A_9] : memref<2x10112x8xf32, #tpu.memory_space<vmem>>, vector<1x10112x8xf32>
    %get3A_11 = vector.shape_cast %get3A_10 : vector<1x10112x8xf32> to vector<10112x8xf32>
    %add3A = arith.addf %get3A_6, %get3A_11 : vector<10112x8xf32>
    %get3A_12 = arith.constant 0 : index
    %get3A_13 = arith.constant 0 : index
    %get3A_14 = vector.load %arg1[%get3A_12, %get3A_13] : memref<10112x8xf32, #tpu.memory_space<vmem>>, vector<10112x8xf32>
    %add3A_15 = arith.addf %add3A, %get3A_14 : vector<10112x8xf32>
    %mul3A = vector.broadcast %get3A_1 : vector<10112x1xf32> to vector<10112x8xf32>
    %mul3A_16 = arith.mulf %mul3A, %add3A_15 : vector<10112x8xf32>
    %get3A_17 = arith.constant 0 : index
    %get3A_18 = arith.constant 0 : index
    %get3A_19 = vector.load %arg3[%get3A_17, %get3A_18] : memref<1x8xf32, #tpu.memory_space<vmem>>, vector<1x8xf32>
    %add3A_20 = vector.broadcast %get3A_19 : vector<1x8xf32> to vector<10112x8xf32>
    %add3A_21 = arith.addf %mul3A_16, %add3A_20 : vector<10112x8xf32>
    %max3A = arith.constant 0.000000e+00 : f32
    %max3A_22 = vector.broadcast %max3A : f32 to vector<10112x8xf32>
    %max3A_23 = arith.maximumf %add3A_21, %max3A_22 : vector<10112x8xf32>
    %swap3A = arith.constant 0 : index
    %swap3A_24 = arith.constant 0 : index
    %swap3A_25 = vector.load %arg5[%swap3A, %swap3A_24] : memref<10112x8xf32, #tpu.memory_space<vmem>>, vector<10112x8xf32>
    tpu.vector_store %arg5[%swap3A, %swap3A_24], %max3A_23 {strides = array<i32>} : memref<10112x8xf32, #tpu.memory_space<vmem>>, vector<10112x8xf32>,
    %get3A_26 = arith.constant 0 : index
    %get3A_27 = arith.constant 0 : index
    %get3A_28 = vector.load %arg4[%get3A_26, %get3A_27] : memref<8x8xf32, #tpu.memory_space<vmem>>, vector<8x8xf32>
    %dot_general3A = arith.constant dense<0.000000e+00> : vector<10112x8xf32>
    %dot_general3A_29 = tpu.matmul %max3A_23, %get3A_28, %dot_general3A {dimension_numbers = #tpu.dot_dimension_numbers<[1], [0], [0], [1], [0, 0, 1, 1], [], []>, transpose_lhs_hint = false} : vector<10112x8xf32>, vector<8x8xf32>, vector<10112x8xf32> -> vector<10112x8xf32>
    %mul3A_30 = vector.broadcast %get3A_1 : vector<10112x1xf32> to vector<10112x8xf32>
    %mul3A_31 = arith.mulf %dot_general3A_29, %mul3A_30 : vector<10112x8xf32>
    %swap3A_32 = arith.constant 0 : index
    %swap3A_33 = arith.constant 0 : index
    %swap3A_34 = vector.load %arg6[%swap3A_32, %swap3A_33] : memref<10112x8xf32, #tpu.memory_space<vmem>>, vector<10112x8xf32>
    tpu.vector_store %arg6[%swap3A_32, %swap3A_33], %mul3A_31 {strides = array<i32>} : memref<10112x8xf32, #tpu.memory_space<vmem>>, vector<10112x8xf32>,
    return
  }
}

module attributes {stable_mosaic.version = 14 : i64} {
  func.func @_tc_head_body(%arg0: memref<2x10112x8xf32, #tpu.memory_space<vmem>>, %arg1: memref<10112x8xf32, #tpu.memory_space<vmem>>, %arg2: memref<10112x1xf32, #tpu.memory_space<vmem>>, %arg3: memref<1x1xf32, #tpu.memory_space<vmem>>, %arg4: memref<10112x8xf32, #tpu.memory_space<vmem>>, %arg5: memref<10112x8xf32, #tpu.memory_space<vmem>>, %arg6: memref<8xi32, #tpu.memory_space<smem>>, %arg7: memref<8x16xf32, #tpu.memory_space<vmem>>, %arg8: memref<8x16xf32, #tpu.memory_space<vmem>>, %arg9: memref<1x16xf32, #tpu.memory_space<vmem>>, %arg10: memref<1x16xf32, #tpu.memory_space<vmem>>, %arg11: memref<16x2xf32, #tpu.memory_space<vmem>>, %arg12: memref<1x2xf32, #tpu.memory_space<vmem>>, %arg13: memref<8x2xf32, #tpu.memory_space<vmem>>) attributes {dimension_semantics = [], scalar_prefetch = 0 : i64, scratch_operands = 0 : i64, tpu.core_type = #tpu.core_type<tc>} {
    %get3A = arith.constant 0 : index
    %get3A_0 = memref.load %arg6[%get3A] : memref<8xi32, #tpu.memory_space<smem>>
    %get3A_1 = arith.index_cast %get3A_0 : i32 to index
    %get3A_2 = arith.constant 0 : index
    %get3A_3 = vector.load %arg4[%get3A_1, %get3A_2] : memref<10112x8xf32, #tpu.memory_space<vmem>>, vector<1x8xf32>
    %get3A_4 = arith.index_cast %get3A_0 : i32 to index
    %get3A_5 = arith.constant 0 : index
    %get3A_6 = vector.load %arg5[%get3A_4, %get3A_5] : memref<10112x8xf32, #tpu.memory_space<vmem>>, vector<1x8xf32>
    %get3A_7 = arith.constant 0 : index
    %get3A_8 = arith.index_cast %get3A_0 : i32 to index
    %get3A_9 = arith.constant 0 : index
    %get3A_10 = vector.load %arg0[%get3A_7, %get3A_8, %get3A_9] : memref<2x10112x8xf32, #tpu.memory_space<vmem>>, vector<1x1x8xf32>
    %get3A_11 = vector.shape_cast %get3A_10 : vector<1x1x8xf32> to vector<1x8xf32>
    %get3A_12 = arith.constant 1 : index
    %get3A_13 = arith.index_cast %get3A_0 : i32 to index
    %get3A_14 = arith.constant 0 : index
    %get3A_15 = vector.load %arg0[%get3A_12, %get3A_13, %get3A_14] : memref<2x10112x8xf32, #tpu.memory_space<vmem>>, vector<1x1x8xf32>
    %get3A_16 = vector.shape_cast %get3A_15 : vector<1x1x8xf32> to vector<1x8xf32>
    %add3A = arith.addf %get3A_11, %get3A_16 : vector<1x8xf32>
    %get3A_17 = arith.index_cast %get3A_0 : i32 to index
    %get3A_18 = arith.constant 0 : index
    %get3A_19 = vector.load %arg1[%get3A_17, %get3A_18] : memref<10112x8xf32, #tpu.memory_space<vmem>>, vector<1x8xf32>
    %add3A_20 = arith.addf %add3A, %get3A_19 : vector<1x8xf32>
    %slice3A = vector.extract_strided_slice %add3A_20 {offsets = [0, 0], sizes = [1, 1], strides = [1, 1]} : vector<1x8xf32> to vector<1x1xf32>
    %get3A_21 = arith.index_cast %get3A_0 : i32 to index
    %get3A_22 = arith.constant 0 : index
    %get3A_23 = vector.load %arg2[%get3A_21, %get3A_22] : memref<10112x1xf32, #tpu.memory_space<vmem>>, vector<1x1xf32>
    %mul3A = arith.mulf %get3A_23, %slice3A : vector<1x1xf32>
    %get3A_24 = arith.constant 0 : index
    %get3A_25 = arith.constant 0 : index
    %get3A_26 = vector.load %arg3[%get3A_24, %get3A_25] : memref<1x1xf32, #tpu.memory_space<vmem>>, vector<1x1xf32>
    %add3A_27 = arith.addf %mul3A, %get3A_26 : vector<1x1xf32>
    %max3A = arith.constant 0.000000e+00 : f32
    %max3A_28 = vector.broadcast %max3A : f32 to vector<1x1xf32>
    %max3A_29 = arith.maximumf %add3A_27, %max3A_28 : vector<1x1xf32>
    %get3A_30 = arith.constant 1 : index
    %get3A_31 = memref.load %arg6[%get3A_30] : memref<8xi32, #tpu.memory_space<smem>>
    %get3A_32 = arith.index_cast %get3A_31 : i32 to index
    %get3A_33 = arith.constant 0 : index
    %get3A_34 = vector.load %arg4[%get3A_32, %get3A_33] : memref<10112x8xf32, #tpu.memory_space<vmem>>, vector<1x8xf32>
    %get3A_35 = arith.index_cast %get3A_31 : i32 to index
    %get3A_36 = arith.constant 0 : index
    %get3A_37 = vector.load %arg5[%get3A_35, %get3A_36] : memref<10112x8xf32, #tpu.memory_space<vmem>>, vector<1x8xf32>
    %get3A_38 = arith.constant 0 : index
    %get3A_39 = arith.index_cast %get3A_31 : i32 to index
    %get3A_40 = arith.constant 0 : index
    %get3A_41 = vector.load %arg0[%get3A_38, %get3A_39, %get3A_40] : memref<2x10112x8xf32, #tpu.memory_space<vmem>>, vector<1x1x8xf32>
    %get3A_42 = vector.shape_cast %get3A_41 : vector<1x1x8xf32> to vector<1x8xf32>
    %get3A_43 = arith.constant 1 : index
    %get3A_44 = arith.index_cast %get3A_31 : i32 to index
    %get3A_45 = arith.constant 0 : index
    %get3A_46 = vector.load %arg0[%get3A_43, %get3A_44, %get3A_45] : memref<2x10112x8xf32, #tpu.memory_space<vmem>>, vector<1x1x8xf32>
    %get3A_47 = vector.shape_cast %get3A_46 : vector<1x1x8xf32> to vector<1x8xf32>
    %add3A_48 = arith.addf %get3A_42, %get3A_47 : vector<1x8xf32>
    %get3A_49 = arith.index_cast %get3A_31 : i32 to index
    %get3A_50 = arith.constant 0 : index
    %get3A_51 = vector.load %arg1[%get3A_49, %get3A_50] : memref<10112x8xf32, #tpu.memory_space<vmem>>, vector<1x8xf32>
    %add3A_52 = arith.addf %add3A_48, %get3A_51 : vector<1x8xf32>
    %slice3A_53 = vector.extract_strided_slice %add3A_52 {offsets = [0, 0], sizes = [1, 1], strides = [1, 1]} : vector<1x8xf32> to vector<1x1xf32>
    %get3A_54 = arith.index_cast %get3A_31 : i32 to index
    %get3A_55 = arith.constant 0 : index
    %get3A_56 = vector.load %arg2[%get3A_54, %get3A_55] : memref<10112x1xf32, #tpu.memory_space<vmem>>, vector<1x1xf32>
    %mul3A_57 = arith.mulf %get3A_56, %slice3A_53 : vector<1x1xf32>
    %get3A_58 = arith.constant 0 : index
    %get3A_59 = arith.constant 0 : index
    %get3A_60 = vector.load %arg3[%get3A_58, %get3A_59] : memref<1x1xf32, #tpu.memory_space<vmem>>, vector<1x1xf32>
    %add3A_61 = arith.addf %mul3A_57, %get3A_60 : vector<1x1xf32>
    %max3A_62 = arith.constant 0.000000e+00 : f32
    %max3A_63 = vector.broadcast %max3A_62 : f32 to vector<1x1xf32>
    %max3A_64 = arith.maximumf %add3A_61, %max3A_63 : vector<1x1xf32>
    %get3A_65 = arith.constant 2 : index
    %get3A_66 = memref.load %arg6[%get3A_65] : memref<8xi32, #tpu.memory_space<smem>>
    %get3A_67 = arith.index_cast %get3A_66 : i32 to index
    %get3A_68 = arith.constant 0 : index
    %get3A_69 = vector.load %arg4[%get3A_67, %get3A_68] : memref<10112x8xf32, #tpu.memory_space<vmem>>, vector<1x8xf32>
    %get3A_70 = arith.index_cast %get3A_66 : i32 to index
    %get3A_71 = arith.constant 0 : index
    %get3A_72 = vector.load %arg5[%get3A_70, %get3A_71] : memref<10112x8xf32, #tpu.memory_space<vmem>>, vector<1x8xf32>
    %get3A_73 = arith.constant 0 : index
    %get3A_74 = arith.index_cast %get3A_66 : i32 to index
    %get3A_75 = arith.constant 0 : index
    %get3A_76 = vector.load %arg0[%get3A_73, %get3A_74, %get3A_75] : memref<2x10112x8xf32, #tpu.memory_space<vmem>>, vector<1x1x8xf32>
    %get3A_77 = vector.shape_cast %get3A_76 : vector<1x1x8xf32> to vector<1x8xf32>
    %get3A_78 = arith.constant 1 : index
    %get3A_79 = arith.index_cast %get3A_66 : i32 to index
    %get3A_80 = arith.constant 0 : index
    %get3A_81 = vector.load %arg0[%get3A_78, %get3A_79, %get3A_80] : memref<2x10112x8xf32, #tpu.memory_space<vmem>>, vector<1x1x8xf32>
    %get3A_82 = vector.shape_cast %get3A_81 : vector<1x1x8xf32> to vector<1x8xf32>
    %add3A_83 = arith.addf %get3A_77, %get3A_82 : vector<1x8xf32>
    %get3A_84 = arith.index_cast %get3A_66 : i32 to index
    %get3A_85 = arith.constant 0 : index
    %get3A_86 = vector.load %arg1[%get3A_84, %get3A_85] : memref<10112x8xf32, #tpu.memory_space<vmem>>, vector<1x8xf32>
    %add3A_87 = arith.addf %add3A_83, %get3A_86 : vector<1x8xf32>
    %slice3A_88 = vector.extract_strided_slice %add3A_87 {offsets = [0, 0], sizes = [1, 1], strides = [1, 1]} : vector<1x8xf32> to vector<1x1xf32>
    %get3A_89 = arith.index_cast %get3A_66 : i32 to index
    %get3A_90 = arith.constant 0 : index
    %get3A_91 = vector.load %arg2[%get3A_89, %get3A_90] : memref<10112x1xf32, #tpu.memory_space<vmem>>, vector<1x1xf32>
    %mul3A_92 = arith.mulf %get3A_91, %slice3A_88 : vector<1x1xf32>
    %get3A_93 = arith.constant 0 : index
    %get3A_94 = arith.constant 0 : index
    %get3A_95 = vector.load %arg3[%get3A_93, %get3A_94] : memref<1x1xf32, #tpu.memory_space<vmem>>, vector<1x1xf32>
    %add3A_96 = arith.addf %mul3A_92, %get3A_95 : vector<1x1xf32>
    %max3A_97 = arith.constant 0.000000e+00 : f32
    %max3A_98 = vector.broadcast %max3A_97 : f32 to vector<1x1xf32>
    %max3A_99 = arith.maximumf %add3A_96, %max3A_98 : vector<1x1xf32>
    %get3A_100 = arith.constant 3 : index
    %get3A_101 = memref.load %arg6[%get3A_100] : memref<8xi32, #tpu.memory_space<smem>>
    %get3A_102 = arith.index_cast %get3A_101 : i32 to index
    %get3A_103 = arith.constant 0 : index
    %get3A_104 = vector.load %arg4[%get3A_102, %get3A_103] : memref<10112x8xf32, #tpu.memory_space<vmem>>, vector<1x8xf32>
    %get3A_105 = arith.index_cast %get3A_101 : i32 to index
    %get3A_106 = arith.constant 0 : index
    %get3A_107 = vector.load %arg5[%get3A_105, %get3A_106] : memref<10112x8xf32, #tpu.memory_space<vmem>>, vector<1x8xf32>
    %get3A_108 = arith.constant 0 : index
    %get3A_109 = arith.index_cast %get3A_101 : i32 to index
    %get3A_110 = arith.constant 0 : index
    %get3A_111 = vector.load %arg0[%get3A_108, %get3A_109, %get3A_110] : memref<2x10112x8xf32, #tpu.memory_space<vmem>>, vector<1x1x8xf32>
    %get3A_112 = vector.shape_cast %get3A_111 : vector<1x1x8xf32> to vector<1x8xf32>
    %get3A_113 = arith.constant 1 : index
    %get3A_114 = arith.index_cast %get3A_101 : i32 to index
    %get3A_115 = arith.constant 0 : index
    %get3A_116 = vector.load %arg0[%get3A_113, %get3A_114, %get3A_115] : memref<2x10112x8xf32, #tpu.memory_space<vmem>>, vector<1x1x8xf32>
    %get3A_117 = vector.shape_cast %get3A_116 : vector<1x1x8xf32> to vector<1x8xf32>
    %add3A_118 = arith.addf %get3A_112, %get3A_117 : vector<1x8xf32>
    %get3A_119 = arith.index_cast %get3A_101 : i32 to index
    %get3A_120 = arith.constant 0 : index
    %get3A_121 = vector.load %arg1[%get3A_119, %get3A_120] : memref<10112x8xf32, #tpu.memory_space<vmem>>, vector<1x8xf32>
    %add3A_122 = arith.addf %add3A_118, %get3A_121 : vector<1x8xf32>
    %slice3A_123 = vector.extract_strided_slice %add3A_122 {offsets = [0, 0], sizes = [1, 1], strides = [1, 1]} : vector<1x8xf32> to vector<1x1xf32>
    %get3A_124 = arith.index_cast %get3A_101 : i32 to index
    %get3A_125 = arith.constant 0 : index
    %get3A_126 = vector.load %arg2[%get3A_124, %get3A_125] : memref<10112x1xf32, #tpu.memory_space<vmem>>, vector<1x1xf32>
    %mul3A_127 = arith.mulf %get3A_126, %slice3A_123 : vector<1x1xf32>
    %get3A_128 = arith.constant 0 : index
    %get3A_129 = arith.constant 0 : index
    %get3A_130 = vector.load %arg3[%get3A_128, %get3A_129] : memref<1x1xf32, #tpu.memory_space<vmem>>, vector<1x1xf32>
    %add3A_131 = arith.addf %mul3A_127, %get3A_130 : vector<1x1xf32>
    %max3A_132 = arith.constant 0.000000e+00 : f32
    %max3A_133 = vector.broadcast %max3A_132 : f32 to vector<1x1xf32>
    %max3A_134 = arith.maximumf %add3A_131, %max3A_133 : vector<1x1xf32>
    %get3A_135 = arith.constant 4 : index
    %get3A_136 = memref.load %arg6[%get3A_135] : memref<8xi32, #tpu.memory_space<smem>>
    %get3A_137 = arith.index_cast %get3A_136 : i32 to index
    %get3A_138 = arith.constant 0 : index
    %get3A_139 = vector.load %arg4[%get3A_137, %get3A_138] : memref<10112x8xf32, #tpu.memory_space<vmem>>, vector<1x8xf32>
    %get3A_140 = arith.index_cast %get3A_136 : i32 to index
    %get3A_141 = arith.constant 0 : index
    %get3A_142 = vector.load %arg5[%get3A_140, %get3A_141] : memref<10112x8xf32, #tpu.memory_space<vmem>>, vector<1x8xf32>
    %get3A_143 = arith.constant 0 : index
    %get3A_144 = arith.index_cast %get3A_136 : i32 to index
    %get3A_145 = arith.constant 0 : index
    %get3A_146 = vector.load %arg0[%get3A_143, %get3A_144, %get3A_145] : memref<2x10112x8xf32, #tpu.memory_space<vmem>>, vector<1x1x8xf32>
    %get3A_147 = vector.shape_cast %get3A_146 : vector<1x1x8xf32> to vector<1x8xf32>
    %get3A_148 = arith.constant 1 : index
    %get3A_149 = arith.index_cast %get3A_136 : i32 to index
    %get3A_150 = arith.constant 0 : index
    %get3A_151 = vector.load %arg0[%get3A_148, %get3A_149, %get3A_150] : memref<2x10112x8xf32, #tpu.memory_space<vmem>>, vector<1x1x8xf32>
    %get3A_152 = vector.shape_cast %get3A_151 : vector<1x1x8xf32> to vector<1x8xf32>
    %add3A_153 = arith.addf %get3A_147, %get3A_152 : vector<1x8xf32>
    %get3A_154 = arith.index_cast %get3A_136 : i32 to index
    %get3A_155 = arith.constant 0 : index
    %get3A_156 = vector.load %arg1[%get3A_154, %get3A_155] : memref<10112x8xf32, #tpu.memory_space<vmem>>, vector<1x8xf32>
    %add3A_157 = arith.addf %add3A_153, %get3A_156 : vector<1x8xf32>
    %slice3A_158 = vector.extract_strided_slice %add3A_157 {offsets = [0, 0], sizes = [1, 1], strides = [1, 1]} : vector<1x8xf32> to vector<1x1xf32>
    %get3A_159 = arith.index_cast %get3A_136 : i32 to index
    %get3A_160 = arith.constant 0 : index
    %get3A_161 = vector.load %arg2[%get3A_159, %get3A_160] : memref<10112x1xf32, #tpu.memory_space<vmem>>, vector<1x1xf32>
    %mul3A_162 = arith.mulf %get3A_161, %slice3A_158 : vector<1x1xf32>
    %get3A_163 = arith.constant 0 : index
    %get3A_164 = arith.constant 0 : index
    %get3A_165 = vector.load %arg3[%get3A_163, %get3A_164] : memref<1x1xf32, #tpu.memory_space<vmem>>, vector<1x1xf32>
    %add3A_166 = arith.addf %mul3A_162, %get3A_165 : vector<1x1xf32>
    %max3A_167 = arith.constant 0.000000e+00 : f32
    %max3A_168 = vector.broadcast %max3A_167 : f32 to vector<1x1xf32>
    %max3A_169 = arith.maximumf %add3A_166, %max3A_168 : vector<1x1xf32>
    %get3A_170 = arith.constant 5 : index
    %get3A_171 = memref.load %arg6[%get3A_170] : memref<8xi32, #tpu.memory_space<smem>>
    %get3A_172 = arith.index_cast %get3A_171 : i32 to index
    %get3A_173 = arith.constant 0 : index
    %get3A_174 = vector.load %arg4[%get3A_172, %get3A_173] : memref<10112x8xf32, #tpu.memory_space<vmem>>, vector<1x8xf32>
    %get3A_175 = arith.index_cast %get3A_171 : i32 to index
    %get3A_176 = arith.constant 0 : index
    %get3A_177 = vector.load %arg5[%get3A_175, %get3A_176] : memref<10112x8xf32, #tpu.memory_space<vmem>>, vector<1x8xf32>
    %get3A_178 = arith.constant 0 : index
    %get3A_179 = arith.index_cast %get3A_171 : i32 to index
    %get3A_180 = arith.constant 0 : index
    %get3A_181 = vector.load %arg0[%get3A_178, %get3A_179, %get3A_180] : memref<2x10112x8xf32, #tpu.memory_space<vmem>>, vector<1x1x8xf32>
    %get3A_182 = vector.shape_cast %get3A_181 : vector<1x1x8xf32> to vector<1x8xf32>
    %get3A_183 = arith.constant 1 : index
    %get3A_184 = arith.index_cast %get3A_171 : i32 to index
    %get3A_185 = arith.constant 0 : index
    %get3A_186 = vector.load %arg0[%get3A_183, %get3A_184, %get3A_185] : memref<2x10112x8xf32, #tpu.memory_space<vmem>>, vector<1x1x8xf32>
    %get3A_187 = vector.shape_cast %get3A_186 : vector<1x1x8xf32> to vector<1x8xf32>
    %add3A_188 = arith.addf %get3A_182, %get3A_187 : vector<1x8xf32>
    %get3A_189 = arith.index_cast %get3A_171 : i32 to index
    %get3A_190 = arith.constant 0 : index
    %get3A_191 = vector.load %arg1[%get3A_189, %get3A_190] : memref<10112x8xf32, #tpu.memory_space<vmem>>, vector<1x8xf32>
    %add3A_192 = arith.addf %add3A_188, %get3A_191 : vector<1x8xf32>
    %slice3A_193 = vector.extract_strided_slice %add3A_192 {offsets = [0, 0], sizes = [1, 1], strides = [1, 1]} : vector<1x8xf32> to vector<1x1xf32>
    %get3A_194 = arith.index_cast %get3A_171 : i32 to index
    %get3A_195 = arith.constant 0 : index
    %get3A_196 = vector.load %arg2[%get3A_194, %get3A_195] : memref<10112x1xf32, #tpu.memory_space<vmem>>, vector<1x1xf32>
    %mul3A_197 = arith.mulf %get3A_196, %slice3A_193 : vector<1x1xf32>
    %get3A_198 = arith.constant 0 : index
    %get3A_199 = arith.constant 0 : index
    %get3A_200 = vector.load %arg3[%get3A_198, %get3A_199] : memref<1x1xf32, #tpu.memory_space<vmem>>, vector<1x1xf32>
    %add3A_201 = arith.addf %mul3A_197, %get3A_200 : vector<1x1xf32>
    %max3A_202 = arith.constant 0.000000e+00 : f32
    %max3A_203 = vector.broadcast %max3A_202 : f32 to vector<1x1xf32>
    %max3A_204 = arith.maximumf %add3A_201, %max3A_203 : vector<1x1xf32>
    %get3A_205 = arith.constant 6 : index
    %get3A_206 = memref.load %arg6[%get3A_205] : memref<8xi32, #tpu.memory_space<smem>>
    %get3A_207 = arith.index_cast %get3A_206 : i32 to index
    %get3A_208 = arith.constant 0 : index
    %get3A_209 = vector.load %arg4[%get3A_207, %get3A_208] : memref<10112x8xf32, #tpu.memory_space<vmem>>, vector<1x8xf32>
    %get3A_210 = arith.index_cast %get3A_206 : i32 to index
    %get3A_211 = arith.constant 0 : index
    %get3A_212 = vector.load %arg5[%get3A_210, %get3A_211] : memref<10112x8xf32, #tpu.memory_space<vmem>>, vector<1x8xf32>
    %get3A_213 = arith.constant 0 : index
    %get3A_214 = arith.index_cast %get3A_206 : i32 to index
    %get3A_215 = arith.constant 0 : index
    %get3A_216 = vector.load %arg0[%get3A_213, %get3A_214, %get3A_215] : memref<2x10112x8xf32, #tpu.memory_space<vmem>>, vector<1x1x8xf32>
    %get3A_217 = vector.shape_cast %get3A_216 : vector<1x1x8xf32> to vector<1x8xf32>
    %get3A_218 = arith.constant 1 : index
    %get3A_219 = arith.index_cast %get3A_206 : i32 to index
    %get3A_220 = arith.constant 0 : index
    %get3A_221 = vector.load %arg0[%get3A_218, %get3A_219, %get3A_220] : memref<2x10112x8xf32, #tpu.memory_space<vmem>>, vector<1x1x8xf32>
    %get3A_222 = vector.shape_cast %get3A_221 : vector<1x1x8xf32> to vector<1x8xf32>
    %add3A_223 = arith.addf %get3A_217, %get3A_222 : vector<1x8xf32>
    %get3A_224 = arith.index_cast %get3A_206 : i32 to index
    %get3A_225 = arith.constant 0 : index
    %get3A_226 = vector.load %arg1[%get3A_224, %get3A_225] : memref<10112x8xf32, #tpu.memory_space<vmem>>, vector<1x8xf32>
    %add3A_227 = arith.addf %add3A_223, %get3A_226 : vector<1x8xf32>
    %slice3A_228 = vector.extract_strided_slice %add3A_227 {offsets = [0, 0], sizes = [1, 1], strides = [1, 1]} : vector<1x8xf32> to vector<1x1xf32>
    %get3A_229 = arith.index_cast %get3A_206 : i32 to index
    %get3A_230 = arith.constant 0 : index
    %get3A_231 = vector.load %arg2[%get3A_229, %get3A_230] : memref<10112x1xf32, #tpu.memory_space<vmem>>, vector<1x1xf32>
    %mul3A_232 = arith.mulf %get3A_231, %slice3A_228 : vector<1x1xf32>
    %get3A_233 = arith.constant 0 : index
    %get3A_234 = arith.constant 0 : index
    %get3A_235 = vector.load %arg3[%get3A_233, %get3A_234] : memref<1x1xf32, #tpu.memory_space<vmem>>, vector<1x1xf32>
    %add3A_236 = arith.addf %mul3A_232, %get3A_235 : vector<1x1xf32>
    %max3A_237 = arith.constant 0.000000e+00 : f32
    %max3A_238 = vector.broadcast %max3A_237 : f32 to vector<1x1xf32>
    %max3A_239 = arith.maximumf %add3A_236, %max3A_238 : vector<1x1xf32>
    %get3A_240 = arith.constant 7 : index
    %get3A_241 = memref.load %arg6[%get3A_240] : memref<8xi32, #tpu.memory_space<smem>>
    %get3A_242 = arith.index_cast %get3A_241 : i32 to index
    %get3A_243 = arith.constant 0 : index
    %get3A_244 = vector.load %arg4[%get3A_242, %get3A_243] : memref<10112x8xf32, #tpu.memory_space<vmem>>, vector<1x8xf32>
    %get3A_245 = arith.index_cast %get3A_241 : i32 to index
    %get3A_246 = arith.constant 0 : index
    %get3A_247 = vector.load %arg5[%get3A_245, %get3A_246] : memref<10112x8xf32, #tpu.memory_space<vmem>>, vector<1x8xf32>
    %get3A_248 = arith.constant 0 : index
    %get3A_249 = arith.index_cast %get3A_241 : i32 to index
    %get3A_250 = arith.constant 0 : index
    %get3A_251 = vector.load %arg0[%get3A_248, %get3A_249, %get3A_250] : memref<2x10112x8xf32, #tpu.memory_space<vmem>>, vector<1x1x8xf32>
    %get3A_252 = vector.shape_cast %get3A_251 : vector<1x1x8xf32> to vector<1x8xf32>
    %get3A_253 = arith.constant 1 : index
    %get3A_254 = arith.index_cast %get3A_241 : i32 to index
    %get3A_255 = arith.constant 0 : index
    %get3A_256 = vector.load %arg0[%get3A_253, %get3A_254, %get3A_255] : memref<2x10112x8xf32, #tpu.memory_space<vmem>>, vector<1x1x8xf32>
    %get3A_257 = vector.shape_cast %get3A_256 : vector<1x1x8xf32> to vector<1x8xf32>
    %add3A_258 = arith.addf %get3A_252, %get3A_257 : vector<1x8xf32>
    %get3A_259 = arith.index_cast %get3A_241 : i32 to index
    %get3A_260 = arith.constant 0 : index
    %get3A_261 = vector.load %arg1[%get3A_259, %get3A_260] : memref<10112x8xf32, #tpu.memory_space<vmem>>, vector<1x8xf32>
    %add3A_262 = arith.addf %add3A_258, %get3A_261 : vector<1x8xf32>
    %slice3A_263 = vector.extract_strided_slice %add3A_262 {offsets = [0, 0], sizes = [1, 1], strides = [1, 1]} : vector<1x8xf32> to vector<1x1xf32>
    %get3A_264 = arith.index_cast %get3A_241 : i32 to index
    %get3A_265 = arith.constant 0 : index
    %get3A_266 = vector.load %arg2[%get3A_264, %get3A_265] : memref<10112x1xf32, #tpu.memory_space<vmem>>, vector<1x1xf32>
    %mul3A_267 = arith.mulf %get3A_266, %slice3A_263 : vector<1x1xf32>
    %get3A_268 = arith.constant 0 : index
    %get3A_269 = arith.constant 0 : index
    %get3A_270 = vector.load %arg3[%get3A_268, %get3A_269] : memref<1x1xf32, #tpu.memory_space<vmem>>, vector<1x1xf32>
    %add3A_271 = arith.addf %mul3A_267, %get3A_270 : vector<1x1xf32>
    %max3A_272 = arith.constant 0.000000e+00 : f32
    %max3A_273 = vector.broadcast %max3A_272 : f32 to vector<1x1xf32>
    %max3A_274 = arith.maximumf %add3A_271, %max3A_273 : vector<1x1xf32>
    %concatenate3A = tpu.concatenate %get3A_3, %get3A_34, %get3A_69, %get3A_104, %get3A_139, %get3A_174, %get3A_209, %get3A_244 in 0 : vector<1x8xf32>, vector<1x8xf32>, vector<1x8xf32>, vector<1x8xf32>, vector<1x8xf32>, vector<1x8xf32>, vector<1x8xf32>, vector<1x8xf32> -> vector<8x8xf32>
    %concatenate3A_275 = tpu.concatenate %get3A_6, %get3A_37, %get3A_72, %get3A_107, %get3A_142, %get3A_177, %get3A_212, %get3A_247 in 0 : vector<1x8xf32>, vector<1x8xf32>, vector<1x8xf32>, vector<1x8xf32>, vector<1x8xf32>, vector<1x8xf32>, vector<1x8xf32>, vector<1x8xf32> -> vector<8x8xf32>
    %concatenate3A_276 = tpu.concatenate %max3A_29, %max3A_64, %max3A_99, %max3A_134, %max3A_169, %max3A_204, %max3A_239, %max3A_274 in 0 : vector<1x1xf32>, vector<1x1xf32>, vector<1x1xf32>, vector<1x1xf32>, vector<1x1xf32>, vector<1x1xf32>, vector<1x1xf32>, vector<1x1xf32> -> vector<8x1xf32>
    %get3A_277 = arith.constant 0 : index
    %get3A_278 = arith.constant 0 : index
    %get3A_279 = vector.load %arg7[%get3A_277, %get3A_278] : memref<8x16xf32, #tpu.memory_space<vmem>>, vector<8x16xf32>
    %dot_general3A = arith.constant dense<0.000000e+00> : vector<8x16xf32>
    %dot_general3A_280 = tpu.matmul %concatenate3A, %get3A_279, %dot_general3A {dimension_numbers = #tpu.dot_dimension_numbers<[1], [0], [0], [1], [0, 0, 1, 1], [], []>, transpose_lhs_hint = false} : vector<8x8xf32>, vector<8x16xf32>, vector<8x16xf32> -> vector<8x16xf32>
    %get3A_281 = arith.constant 0 : index
    %get3A_282 = arith.constant 0 : index
    %get3A_283 = vector.load %arg8[%get3A_281, %get3A_282] : memref<8x16xf32, #tpu.memory_space<vmem>>, vector<8x16xf32>
    %dot_general3A_284 = arith.constant dense<0.000000e+00> : vector<8x16xf32>
    %dot_general3A_285 = tpu.matmul %concatenate3A_275, %get3A_283, %dot_general3A_284 {dimension_numbers = #tpu.dot_dimension_numbers<[1], [0], [0], [1], [0, 0, 1, 1], [], []>, transpose_lhs_hint = false} : vector<8x8xf32>, vector<8x16xf32>, vector<8x16xf32> -> vector<8x16xf32>
    %add3A_286 = arith.addf %dot_general3A_280, %dot_general3A_285 : vector<8x16xf32>
    %get3A_287 = arith.constant 0 : index
    %get3A_288 = arith.constant 0 : index
    %get3A_289 = vector.load %arg9[%get3A_287, %get3A_288] : memref<1x16xf32, #tpu.memory_space<vmem>>, vector<1x16xf32>
    %mul3A_290 = vector.broadcast %concatenate3A_276 : vector<8x1xf32> to vector<8x16xf32>
    %mul3A_291 = vector.broadcast %get3A_289 : vector<1x16xf32> to vector<8x16xf32>
    %mul3A_292 = arith.mulf %mul3A_290, %mul3A_291 : vector<8x16xf32>
    %add3A_293 = arith.addf %add3A_286, %mul3A_292 : vector<8x16xf32>
    %get3A_294 = arith.constant 0 : index
    %get3A_295 = arith.constant 0 : index
    %get3A_296 = vector.load %arg10[%get3A_294, %get3A_295] : memref<1x16xf32, #tpu.memory_space<vmem>>, vector<1x16xf32>
    %add3A_297 = vector.broadcast %get3A_296 : vector<1x16xf32> to vector<8x16xf32>
    %add3A_298 = arith.addf %add3A_293, %add3A_297 : vector<8x16xf32>
    %max3A_299 = arith.constant 0.000000e+00 : f32
    %max3A_300 = vector.broadcast %max3A_299 : f32 to vector<8x16xf32>
    %max3A_301 = arith.maximumf %add3A_298, %max3A_300 : vector<8x16xf32>
    %get3A_302 = arith.constant 0 : index
    %get3A_303 = arith.constant 0 : index
    %get3A_304 = vector.load %arg11[%get3A_302, %get3A_303] : memref<16x2xf32, #tpu.memory_space<vmem>>, vector<16x2xf32>
    %dot_general3A_305 = arith.constant dense<0.000000e+00> : vector<8x2xf32>
    %dot_general3A_306 = tpu.matmul %max3A_301, %get3A_304, %dot_general3A_305 {dimension_numbers = #tpu.dot_dimension_numbers<[1], [0], [0], [1], [0, 0, 1, 1], [], []>, transpose_lhs_hint = false} : vector<8x16xf32>, vector<16x2xf32>, vector<8x2xf32> -> vector<8x2xf32>
    %get3A_307 = arith.constant 0 : index
    %get3A_308 = arith.constant 0 : index
    %get3A_309 = vector.load %arg12[%get3A_307, %get3A_308] : memref<1x2xf32, #tpu.memory_space<vmem>>, vector<1x2xf32>
    %add3A_310 = vector.broadcast %get3A_309 : vector<1x2xf32> to vector<8x2xf32>
    %add3A_311 = arith.addf %dot_general3A_306, %add3A_310 : vector<8x2xf32>
    %swap3A = arith.constant 0 : index
    %swap3A_312 = arith.constant 0 : index
    %swap3A_313 = vector.load %arg13[%swap3A, %swap3A_312] : memref<8x2xf32, #tpu.memory_space<vmem>>, vector<8x2xf32>
    tpu.vector_store %arg13[%swap3A, %swap3A_312], %add3A_311 {strides = array<i32>} : memref<8x2xf32, #tpu.memory_space<vmem>>, vector<8x2xf32>,
    return
  }
}

</mosaic_0001>

<sc_bundles>
// kernel: sc_degree_histogram.3.cloned.1.call-start
scs
__scs_entry_jumppad:
0x0: {  	(pc) =	sbr.rel $0x88, $3  }
0x1: {  	(tag) =	ssettag $0x0;
	lr =	simm.s32 $0x1  }
0x2: {  	[smem:$0x3F94] =	sst lr;
	_ =	strace $0xD0000000  }
0x3: {  	_ = 	snop  }
0x4: {  	_ = 	snop  }
0x5: {  	_ = 	snop  }
0x6: {  	_ = 	snop  }
0x7: {  	_ = 	snop  }
__scs_overlays_trampoline_lowered:
0x8: {  	[smem:$0x3FA3] =	sst s0  }
0x9: {  	[smem:$0x3FA4] =	sst s1  }
0xa: {  	[smem:$0x3FA5] =	sst s2  }
0xb: {  	[smem:$0x3FA6] =	sst s3  }
0xc: {  	[smem:$0x3FA7] =	sst s4  }
0xd: {  	[smem:$0x3FA8] =	sst s5  }
0xe: {  	[smem:$0x3FA9] =	sst s6  }
0xf: {  	[smem:$0x3FAA] =	sst s7  }
0x10: {  	[smem:$0x3FAB] =	sst s8  }
0x11: {  	[smem:$0x3FAC] =	sst s9;
	s0 =	simm.s32 @!p0 $0x0  }
0x12: {  	s1 =	sld [smem:$0x3F92];
	s0 =	simm.s32 @p0 $0x1  }
0x13: {  	[smem:$0x3FAD] =	sst s0;
	s0 =	simm.s32 @!p1 $0x0  }
0x14: {  	s2 =	sld [smem:$0x3F91];
	s0 =	simm.s32 @p1 $0x1  }
0x15: {  	[smem:$0x3FAE] =	sst s0;
	s0 =	simm.s32 @!p2 $0x0  }
0x16: {  	s3 =	sld [smem:$0x3FDB];
	s0 =	simm.s32 @p2 $0x1  }
0x17: {  	s4 =	simm.s32 $0x1BF5;
	[smem:$0x3FB0] =	sst s0  }
0x18: {  	s0 =	sld [smem:$0x3F93];
	_ =	swait.ge [sflag:s4], $0x0  }
0x19: {  	s7 =	sld [smem:$0x3F94]  }
0x1a: {  	s8 =	sadd.s32 $0xFFFFE003, lr  }
0x1b: {  	s9 =	sadd.s32 $0xFFFFFEF7, lr;
	s5 =	simm.s32 $0xFFFFFFFF;
	p2 =	slt.u32 s8, $0xFFFFF086  }
0x1c: {  	p1 =	slt.u32 s9, $0xF7A;
	s5 =	simm.s32 @!p2 $0x0  }
0x1d: {  	s5 =	simm.s32 @p1 $0x1;
	p0 =	seq.s32 s7, s2  }
0x1e: {  	s7 =	smul.u32 @!p0 $0xF7A, s2;
	p2 =	seq.s32 @!p0 s5, $0x0  }
0x1f: {  	s9 =	smul.u32 $0xF7A, s1;
	s8 =	simm.s32 @!p0 $0x1BF5;
	p2 =	por !p2, p0  }
0x20: {  	[sflag:s8] =	ssyncset.s32 @!p0 $0xFFFFF086;
	s6 =	sadd.s32 @!p0 s3, s7;
	s7 =	simm.s32 @!p0 $0x108  }
0x21: {  	s3 =	sadd.s32 s3, s9;
	s6 =	sadd.s32 @!p0 $0x88, s6;
	s7 =	simm.s32 @p2 $0x1082  }
0x22: {  	[simem:s7], [sflag:s8] =	dma.local @!p0 [hbm:s6], $0xF7A  }
0x23: {  	s9 =	sor.u32 $0xD0000000, s2;
	s6 =	simm.s32 $0x108;
	_ =	swait.ge @!p0 [sflag:s8], $0x0  }
0x24: {  	s3 =	sadd.s32 $0x88, s3;
	s6 =	simm.s32 @!p1 $0x1082;
	[sflag:s4] =	ssyncset.s32 $0xFFFFF086  }
0x25: {  	[simem:s6], [sflag:s4] =	dma.local [hbm:s3], $0xF7A  }
0x26: {  	[smem:$0x3F94] =	sst s1;
	(tag) =	ssettag s2;
	_ =	strace s9  }
0x27: {  	s1 =	sld [smem:$0x3FA4]  }
0x28: {  	s2 =	sld [smem:$0x3FA5]  }
0x29: {  	s4 =	sld [smem:$0x3FA7]  }
0x2a: {  	p0 =	seq.s32 s5, $0x0;
	s5 =	sld [smem:$0x3FA8]  }
0x2b: {  	s6 =	sld [smem:$0x3FA9]  }
0x2c: {  	s7 =	sld [smem:$0x3FAA]  }
0x2d: {  	s3 =	simm.s32 $0x108;
	s8 =	sld [smem:$0x3FAB]  }
0x2e: {  	s3 =	simm.s32 @!p0 $0x1082;
	s9 =	sld [smem:$0x3FAC]  }
0x2f: {  	lr =	sadd.s32 s0, s3;
	s0 =	sld [smem:$0x3FA3]  }
0x30: {  	s3 =	sld [smem:$0x3FA6]  }
0x31: {  	[smem:$0x3FAF] =	sst s10  }
0x32: {  	s10 =	sld [smem:$0x3FAD];
	_ =	sdelay $0x3  }
0x33: {  	p0 =	seq.s32 s10, $0x1;
	s10 =	sld [smem:$0x3FAF];
	_ =	sdelay $0x3  }
0x34: {  	[smem:$0x3FAF] =	sst s10  }
0x35: {  	s10 =	sld [smem:$0x3FAE];
	_ =	sdelay $0x3  }
0x36: {  	p1 =	seq.s32 s10, $0x1;
	s10 =	sld [smem:$0x3FAF];
	_ =	sdelay $0x3  }
0x37: {  	[smem:$0x3FAF] =	sst s10  }
0x38: {  	s10 =	sld [smem:$0x3FB0]  }
0x39: {  	_ = 	snop;
	(pc) =	sbr.ind lr, $3  }
0x3a: {  	_ = 	snop  }
0x3b: {  	_ = 	snop  }
0x3c: {  	p2 =	seq.s32 s10, $0x1;
	s10 =	sld [smem:$0x3FAF]  }
0x3d: {  	_ =	shalt  }
0x3e: {  	_ =	shalt  }
0x3f: {  	_ =	shalt  }
0x40: {  	_ =	shalt  }
0x41: {  	_ =	shalt  }
0x42: {  	_ =	shalt  }
0x43: {  	_ =	shalt  }
0x44: {  	_ =	shalt  }
0x45: {  	_ =	shalt  }
0x46: {  	_ =	shalt  }
0x47: {  	_ =	shalt  }
0x48: {  	_ =	shalt  }
0x49: {  	_ =	shalt  }
0x4a: {  	_ =	shalt  }
0x4b: {  	_ =	shalt  }
0x4c: {  	_ =	shalt  }
0x4d: {  	_ =	shalt  }
0x4e: {  	_ =	shalt  }
0x4f: {  	_ =	shalt  }
0x50: {  	_ =	shalt  }
0x51: {  	_ =	shalt  }
0x52: {  	_ =	shalt  }
0x53: {  	_ =	shalt  }
0x54: {  	_ =	shalt  }
0x55: {  	_ =	shalt  }
0x56: {  	_ =	shalt  }
0x57: {  	_ =	shalt  }
0x58: {  	_ =	shalt  }
0x59: {  	_ =	shalt  }
0x5a: {  	_ =	shalt  }
0x5b: {  	_ =	shalt  }
0x5c: {  	_ =	shalt  }
0x5d: {  	_ =	shalt  }
0x5e: {  	_ =	shalt  }
0x5f: {  	_ =	shalt  }
0x60: {  	_ =	shalt  }
0x61: {  	_ =	shalt  }
0x62: {  	_ =	shalt  }
0x63: {  	_ =	shalt  }
0x64: {  	_ =	shalt  }
0x65: {  	_ =	shalt  }
0x66: {  	_ =	shalt  }
0x67: {  	_ =	shalt  }
0x68: {  	_ =	shalt  }
0x69: {  	_ =	shalt  }
0x6a: {  	_ =	shalt  }
0x6b: {  	_ =	shalt  }
0x6c: {  	_ =	shalt  }
0x6d: {  	_ =	shalt  }
0x6e: {  	_ =	shalt  }
0x6f: {  	_ =	shalt  }
0x70: {  	_ =	shalt  }
0x71: {  	_ =	shalt  }
0x72: {  	_ =	shalt  }
0x73: {  	_ =	shalt  }
0x74: {  	_ =	shalt  }
0x75: {  	_ =	shalt  }
0x76: {  	_ =	shalt  }
0x77: {  	_ =	shalt  }
0x78: {  	_ =	shalt  }
0x79: {  	_ =	shalt  }
0x7a: {  	_ =	shalt  }
0x7b: {  	_ =	shalt  }
0x7c: {  	_ =	shalt  }
0x7d: {  	_ =	shalt  }
0x7e: {  	_ =	shalt  }
0x7f: {  	_ =	shalt  }
0x80: {  	_ =	shalt  }
0x81: {  	_ =	shalt  }
0x82: {  	_ =	shalt  }
0x83: {  	_ =	shalt  }
0x84: {  	_ =	shalt  }
0x85: {  	_ =	shalt  }
0x86: {  	_ =	shalt  }
0x87: {  	_ =	shalt  }
.Lfunc_end0:
.L_simem_size_0:
called_computation_lowered:
.L_overlay_start_0:
0x88: {  	s2 =	sld [smem:$0x3FD9]  }
0x89: {  	s3 =	sld [smem:$0x3FFE];
	_ =	sdelay $0x1  }
0x8a: {  	s1 =	srdreg.scid  }
0x8b: {  	s0 =	sand.u32 $0x1, s1  }
0x8c: {  	s16 =	sshll.u32 s0, $0xA;
	s2 =	sadd.s32 s3, s2  }
0x8d: {  	s2 =	sadd.s32 s2, s16  }
0x8e: {  	[smem:$0x3FBB] =	sst s2  }
0x8f: {  	_ = 	snop  }
0x90: {  	(tm) =	ssettm $0x1  }
0x91: {  	s17 =	sld [smem:$0x3FFB];
	_ =	sdelay $0x3  }
0x92: {  	_ =	strace s17  }
0x93: {  	s2 =	sld [smem:$0x3FFC];
	_ =	sdelay $0x3  }
0x94: {  	_ =	strace s2  }
0x95: {  	s2 =	sld [smem:$0x3FFD];
	_ =	sdelay $0x3  }
0x96: {  	_ =	strace s2  }
0x97: {  	_ =	strace $0x8FFFFFFF  }
0x98: {  	s18 =	sld [smem:$0x3FDB];
	_ =	sdelay $0x1  }
0x99: {  	s19 =	simm.s32 $_scs_section_size  }
0x9a: {  	s4 =	simm.s32 $_size__tile_overlayer_lowered;
	s5 =	simm.s32 $_tile_overlayer_lowered  }
0x9b: {  	s22 =	simm.s32 $0x1BFF;
	s21 =	sshll.u32 s5, $0x1;
	s2 =	sadd.s32 s19, s18  }
0x9c: {  	s6 =	simm.s32 $0x0;
	s20 =	sshll.u32 s4, $0x1;
	s4 =	sadd.s32 s21, s2  }
0x9d: {  	[timem:s6], [sflag:s22] =	dma.local [hbm:s4], s20  }
0x9e: {  	_ =	swait.ge [sflag:s22], s20  }
0x9f: {  	s3 =	ssub.s32 $0x0, s20;
	[sflag:s22] =	ssyncset.done $0x0  }
0xa0: {  	[sflag:s22] =	ssyncadd.s32 s3;
	_ =	sdelay $0x1  }
0xa1: {  	s23 =	simm.s32 $0x1B8B  }
0xa2: {  	_ =	swait.ge [sflag:s23], $0x1  }
0xa3: {  	[sflag:s23] =	ssyncset.done $0x0  }
0xa4: {  	s25 =	simm.s32 $0x1B8E;
	s24 =	sld [smem:$0x3FFE];
	[sflag:s23] =	ssyncadd.s32 $0xFFFFFFFF  }
0xa5: {  	s26 =	simm.s32 $execute0_lowered;
	[smem:$0x3FD2] =	sst s25  }
0xa6: {  	s4 =	sshll.u32 s26, $0x1;
	_ =	strace $0x80000046;
	[dreg:$0x1] =	wrdreg $0xFFFFFFFF  }
0xa7: {  	s28 =	simm.s32 $_size_execute0_lowered;
	s2 =	sadd.s32 s2, s4;
	[dreg:$0x0] =	wrdreg $0x0  }
0xa8: {  	s4 =	sshll.u32 s28, $0x1;
	[dreg:$0x2] =	wrdreg s2  }
0xa9: {  	[dreg:$0x3] =	wrdreg s4  }
0xaa: {  	[dreg:$0x4] =	wrdreg $0xC0  }
0xab: {  	_ =	task [dreg:s6], $0x5FFFF  }
0xac: {  	[dreg:$0x1] =	wrdreg $0xFFFFFFFF  }
0xad: {  	[dreg:$0x0] =	wrdreg $0x60  }
0xae: {  	[dreg:$0x2] =	wrdreg s24  }
0xaf: {  	[dreg:$0x3] =	wrdreg $0x2B800  }
0xb0: {  	[dreg:$0x4] =	wrdreg $0x9  }
0xb1: {  	_ =	task.clear_ibuf [dreg:s6], $0x5FFFF;
	_ =	strace $0x90000046  }
0xb2: {  	s29 =	simm.s32 $0x9;
	_ =	strace $0x80000048  }
0xb3: {  	_ =	swait.ge [sflag:s29], $0x1  }
0xb4: {  	[sflag:s29] =	ssyncadd.s32 $0xFFFFFFFF  }
0xb5: {  	_ =	strace $0x90000048  }
0xb6: {  	_ =	sfence  }
0xb7: {  	s30 =	sld [smem:$0x0];
	_ =	sdelay $0x2  }
0xb8: {  	s31 =	sshll.u32 s1, $0xD;
	s1 =	sshrl.u32 s1, $0x2  }
0xb9: {  	s3 =	sand.u32 $0x4000, s31;
	s1 =	sadd.s32 s1, s30  }
0xba: {  	s0 =	sor.u32 s3, s0;
	s1 =	sshll.u32 s1, $0x11  }
0xbb: {  	s0 =	sor.u32 s1, s0  }
0xbc: {  	s0 =	sadd.s32 $0x8F2B, s0  }
0xbd: {  	[sflag:s0] =	ssyncadd.remote.s32 $0x1  }
0xbe: {  	_ =	sfence.sel $0xFFFF  }
0xbf: {  	[dreg:$0x0] =	wrdreg $0xFFFFFFFF;
	(pc) =	sbr.abs _section_cstart, $3  }
0xc0: {  	[dreg:$0x1] =	wrdreg $0xFFFFFFFF  }
0xc1: {  	_ =	task.clear_ibuf [dreg:s6], $0x2FFFF;
	_ =	strace $0x9FFFFFFF  }
0xc2: {  	(tm) =	ssettm $0x7FFFFFFF  }
0xc3: {  	_ =	shalt  }
tec
execute0_lowered:
.L_overlay_start_1:
0x0: {  	(tag) =	ssettag $0x1  }
0x1: {  	s6 =	rddreg [dreg:$0x0]  }
0x2: {  	s0 =	srdreg.scid;
	s2 =	rddreg [dreg:$0x1];
	s3 =	simm.s32 $0x0  }
0x3: {  	s13 =	simm.s32 $0x80;
	s5 =	sand.u32 $0x1, s0;
	s0 =	stileid.u32  }
0x4: {  	s14 =	simm.s32 $0x1;
	s15 =	simm.s32 $0x0;
	s7 =	smul.u32 $0x13C0, s0  }
0x5: {  	[smem:$0x7FF] =	sst s3;
	s1 =	sshll.u32 s5, $0x4;
	s8 =	smul.u32 $0x13C00, s5  }
0x6: {  	s5 =	ssub.s32 $0x2, s5;
	s31 =	sshll.u32 s0, $0x6;
	s1 =	sor.u32 s0, s1  }
0x7: {  	s11 =	sshrl.u32 s5, $0x1;
	s4 =	smul.u32 $0x4F0, s1;
	s1 =	rddreg [dreg:$0x2]  }
0x8: {  	_ =	strace $0x80000047;
	s10 =	sshrl.u32 s7, $0x3;
	s8 =	sadd.s32 s7, s8  }
0x9: {  	s11 =	ssub.s32 s5, s11;
	s12 =	sadd.s32 s7, s2;
	s10 =	sadd.s32 s10, s6  }
0xa: {  	s8 =	sshrl.u32 s8, $0x3;
	s9 =	sadd.s32 s4, s6;
	s4 =	sadd.s32 $0xEC00, s6  }
0xb: {  	s8 =	sadd.s32 s8, s6;
	s5 =	sadd.s32 $0xC400, s10;
	s6 =	sor.u32 $0x1C02, s31  }
0xc: {  	s10 =	sshrl.u32 s12, $0x3;
	s12 =	simm.s32 $0x2780;
	s7 =	sadd.s32 $0x2600, s9  }
0xd: {  	s8 =	sadd.s32 $0xEE00, s8;
	s9 =	smax.u32 s11, $0x1;
	s11 =	simm.s32 $0x2  }
.LBB2_1:
0xe: {  	[spmem:s10], [sflag:s6] =	dma.local [hbm:s5], $0x278  }
0xf: {  	_ =	swait.ge [sflag:s11], $0x278  }
0x10: {  	[sflag:s11] =	ssyncset.done $0x0  }
0x11: {  	[sflag:s11] =	ssyncadd.s32 $0xFFFFFD88  }
0x12: {  	[tilespmem:s12], [sflag:$0x2] =	stream.linear.gather [hbm4b:s4+s3], $0x400, $0x38;
	[tilespmem:$0x3F40] =	vst v63  }
0x13: {  	_ =	swait.ge [sflag:s11], $0x400  }
0x14: {  	[sflag:s11] =	ssyncset.done $0x0  }
0x15: {  	[sflag:s11] =	ssyncadd.s32 $0xFFFFFC00  }
0x16: {  	[tilespmem:s3], [sflag:$0x2] =	stream.linear.gather [hbm4b:s7+s3], $0x2780, $0x38;
	[tilespmem:$0x3F40] =	vst v63  }
0x17: {  	_ =	swait.ge [sflag:s11], $0x2780  }
0x18: {  	[sflag:s11] =	ssyncset.done $0x0  }
0x19: {  	p0 =	por $0x1, $0x1;
	[sflag:s11] =	ssyncadd.s32 $0xFFFFD880  }
0x1a: {  	s18 =	simm.s32 @!p0 $0x1;
	[bflag:$0x0] =	sbarrier.arrive $0xFFFF  }
0x1b: {  	[spmem:s2] =	stream.indirect.scatter.add.f32 [tilespmem:s12], [sflag:$0x1], $0x8, s3, s13, $0xb8;
	[tilespmem:$0x3F40] =	vst v63  }
0x1c: {  	_ =	swait.ge @!p0 [sflag:s18], $0x400  }
0x1d: {  	s16 =	simm.s32 $0x1;
	s17 =	simm.s32 $0x0;
	[sflag:s18] =	ssyncset.done @!p0 $0x0  }
.LBB2_2:
0x1e: {  	[sflag:s18] =	ssyncadd.s32 @!p0 $0xFFFFFC00  }
0x1f: {  	s17 =	sadd.s32 $0x80, s17;
	s18 =	smov.u32 s16;
	s16 =	sadd.s32 $0x1, s16  }
0x20: {  	p1 =	sne.s32 s16, $0x4F  }
0x21: {  	[spmem:s2] =	stream.indirect.scatter.add.f32 [tilespmem:s12], [sflag:$0x1], $0x8, s17, s13, $0xb8;
	[tilespmem:$0x3F40] =	vst v63  }
.Ltmp0:
0x22: {  	_ = 	snop;
	(pc) =	sbr.rel @p1 .LBB2_2-.Ltmp0, $4  }
0x23: {  	p0 =	slt.u32 s18, $0x8  }
0x24: {  	s18 =	simm.s32 @!p0 $0x1  }
0x25: {  	_ =	swait.ge @!p0 [sflag:s18], $0x400  }
0x26: {  	[sflag:s18] =	ssyncset.done @!p0 $0x0  }
0x27: {  	[sflag:s18] =	ssyncadd.s32 @!p0 $0xFFFFFC00  }
0x28: {  	_ =	swait.ge [sflag:s14], $0x400  }
0x29: {  	[sflag:s14] =	ssyncset.done $0x0  }
0x2a: {  	[sflag:s14] =	ssyncadd.s32 $0xFFFFFC00  }
0x2b: {  	_ =	swait.ge [sflag:s14], $0x400  }
0x2c: {  	[sflag:s14] =	ssyncset.done $0x0  }
0x2d: {  	[sflag:s14] =	ssyncadd.s32 $0xFFFFFC00  }
0x2e: {  	_ =	swait.ge [sflag:s14], $0x400  }
0x2f: {  	[sflag:s14] =	ssyncset.done $0x0  }
0x30: {  	[sflag:s14] =	ssyncadd.s32 $0xFFFFFC00  }
0x31: {  	_ =	swait.ge [sflag:s14], $0x400  }
0x32: {  	[sflag:s14] =	ssyncset.done $0x0  }
0x33: {  	[sflag:s14] =	ssyncadd.s32 $0xFFFFFC00  }
0x34: {  	_ =	swait.ge [sflag:s14], $0x400  }
0x35: {  	[sflag:s14] =	ssyncset.done $0x0  }
0x36: {  	[sflag:s14] =	ssyncadd.s32 $0xFFFFFC00  }
0x37: {  	_ =	swait.ge [sflag:s14], $0x400  }
0x38: {  	[sflag:s14] =	ssyncset.done $0x0  }
0x39: {  	[sflag:s14] =	ssyncadd.s32 $0xFFFFFC00  }
0x3a: {  	_ =	swait.ge [sflag:s14], $0x400  }
0x3b: {  	[sflag:s14] =	ssyncset.done $0x0  }
0x3c: {  	[sflag:s14] =	ssyncadd.s32 $0xFFFFFC00  }
0x3d: {  	_ =	swait.ge [sflag:s14], $0x400  }
0x3e: {  	s15 =	sadd.s32 $0x1, s15;
	[sflag:s14] =	ssyncset.done $0x0  }
0x3f: {  	p0 =	sne.s32 s15, s9;
	[sflag:s14] =	ssyncadd.s32 $0xFFFFFC00  }
.Ltmp1:
0x40: {  	[bflag:$0x0] =	sbarrier.arrive $0xFFFF;
	(pc) =	sbr.rel @p0 .LBB2_1-.Ltmp1, $4  }
0x41: {  	[hbm:s8], [sflag:s6] =	dma.local [spmem:s10], $0x278  }
0x42: {  	_ =	swait.ge [sflag:s11], $0x278  }
0x43: {  	[sflag:s11] =	ssyncset.done $0x0  }
0x44: {  	[sflag:s11] =	ssyncadd.s32 $0xFFFFFD88  }
0x45: {  	_ =	sfence.sel $0x180000  }
0x46: {  	[bflag:$0x0] =	sbarrier.arrive $0xFFFF  }
0x47: {  	p0 =	sne.s32 s0, $0x0;
	_ =	strace $0x90000047  }
0x48: {  	s0 =	sadd.s32 @!p0 $0x100000, s1;
	[bflag:$0x2] =	sbarrier.arrive $0xFFFF  }
0x49: {  	[sflag:s0] =	ssyncadd.tile.s32 @!p0 $0x1;
	_ =	shalt  }
.Lfunc_end2:
_tile_overlayer_lowered:
.L_overlay_start_2:
0x4a: {  	(tag) =	ssettag $0x2  }
0x4b: {  	s0 =	rddreg [dreg:$0x0];
	s2 =	stileid.u32  }
0x4c: {  	s1 =	rddreg [dreg:$0x1];
	p0 =	sne.s32 s2, $0x0  }
0x4d: {  	s3 =	rddreg [dreg:$0x2];
	[bflag:$0x3] =	sbarrier.arrive $0xFFFF;
	s2 =	simm.s32 @!p0 $0x1C02  }
0x4e: {  	[timem:s3], [sflag:s2] =	dma.local @!p0 [hbm:s0], s1  }
0x4f: {  	s0 =	simm.s32 @!p0 $0x2  }
0x50: {  	_ =	swait.ge @!p0 [sflag:s0], s1  }
0x51: {  	s1 =	ssub.s32 @!p0 $0x0, s1;
	[sflag:s0] =	ssyncset.done @!p0 $0x0  }
0x52: {  	[sflag:s0] =	ssyncadd.s32 @!p0 s1  }
0x53: {  	[bflag:$0x3] =	sbarrier.arrive $0xFFFF  }
0x54: {  	_ =	shalt  }

// kernel: sc_edge_pass_w8.11.cloned.1.call-start
scs
__scs_entry_jumppad:
0x0: {  	(pc) =	sbr.rel $0x88, $3  }
0x1: {  	(tag) =	ssettag $0x0;
	lr =	simm.s32 $0x1  }
0x2: {  	[smem:$0x3F94] =	sst lr;
	_ =	strace $0xD0000000  }
0x3: {  	_ = 	snop  }
0x4: {  	_ = 	snop  }
0x5: {  	_ = 	snop  }
0x6: {  	_ = 	snop  }
0x7: {  	_ = 	snop  }
__scs_overlays_trampoline_lowered:
0x8: {  	[smem:$0x3FA3] =	sst s0  }
0x9: {  	[smem:$0x3FA4] =	sst s1  }
0xa: {  	[smem:$0x3FA5] =	sst s2  }
0xb: {  	[smem:$0x3FA6] =	sst s3  }
0xc: {  	[smem:$0x3FA7] =	sst s4  }
0xd: {  	[smem:$0x3FA8] =	sst s5  }
0xe: {  	[smem:$0x3FA9] =	sst s6  }
0xf: {  	[smem:$0x3FAA] =	sst s7  }
0x10: {  	[smem:$0x3FAB] =	sst s8  }
0x11: {  	[smem:$0x3FAC] =	sst s9;
	s0 =	simm.s32 @!p0 $0x0  }
0x12: {  	s1 =	sld [smem:$0x3F92];
	s0 =	simm.s32 @p0 $0x1  }
0x13: {  	[smem:$0x3FAD] =	sst s0;
	s0 =	simm.s32 @!p1 $0x0  }
0x14: {  	s2 =	sld [smem:$0x3F91];
	s0 =	simm.s32 @p1 $0x1  }
0x15: {  	[smem:$0x3FAE] =	sst s0;
	s0 =	simm.s32 @!p2 $0x0  }
0x16: {  	s3 =	sld [smem:$0x3FDB];
	s0 =	simm.s32 @p2 $0x1  }
0x17: {  	s4 =	simm.s32 $0x1BF5;
	[smem:$0x3FB0] =	sst s0  }
0x18: {  	s0 =	sld [smem:$0x3F93];
	_ =	swait.ge [sflag:s4], $0x0  }
0x19: {  	s7 =	sld [smem:$0x3F94]  }
0x1a: {  	s8 =	sadd.s32 $0xFFFFE003, lr  }
0x1b: {  	s9 =	sadd.s32 $0xFFFFFEF7, lr;
	s5 =	simm.s32 $0xFFFFFFFF;
	p2 =	slt.u32 s8, $0xFFFFF086  }
0x1c: {  	p1 =	slt.u32 s9, $0xF7A;
	s5 =	simm.s32 @!p2 $0x0  }
0x1d: {  	s5 =	simm.s32 @p1 $0x1;
	p0 =	seq.s32 s7, s2  }
0x1e: {  	s7 =	smul.u32 @!p0 $0xF7A, s2;
	p2 =	seq.s32 @!p0 s5, $0x0  }
0x1f: {  	s9 =	smul.u32 $0xF7A, s1;
	s8 =	simm.s32 @!p0 $0x1BF5;
	p2 =	por !p2, p0  }
0x20: {  	[sflag:s8] =	ssyncset.s32 @!p0 $0xFFFFF086;
	s6 =	sadd.s32 @!p0 s3, s7;
	s7 =	simm.s32 @!p0 $0x108  }
0x21: {  	s3 =	sadd.s32 s3, s9;
	s6 =	sadd.s32 @!p0 $0x88, s6;
	s7 =	simm.s32 @p2 $0x1082  }
0x22: {  	[simem:s7], [sflag:s8] =	dma.local @!p0 [hbm:s6], $0xF7A  }
0x23: {  	s9 =	sor.u32 $0xD0000000, s2;
	s6 =	simm.s32 $0x108;
	_ =	swait.ge @!p0 [sflag:s8], $0x0  }
0x24: {  	s3 =	sadd.s32 $0x88, s3;
	s6 =	simm.s32 @!p1 $0x1082;
	[sflag:s4] =	ssyncset.s32 $0xFFFFF086  }
0x25: {  	[simem:s6], [sflag:s4] =	dma.local [hbm:s3], $0xF7A  }
0x26: {  	[smem:$0x3F94] =	sst s1;
	(tag) =	ssettag s2;
	_ =	strace s9  }
0x27: {  	s1 =	sld [smem:$0x3FA4]  }
0x28: {  	s2 =	sld [smem:$0x3FA5]  }
0x29: {  	s4 =	sld [smem:$0x3FA7]  }
0x2a: {  	p0 =	seq.s32 s5, $0x0;
	s5 =	sld [smem:$0x3FA8]  }
0x2b: {  	s6 =	sld [smem:$0x3FA9]  }
0x2c: {  	s7 =	sld [smem:$0x3FAA]  }
0x2d: {  	s3 =	simm.s32 $0x108;
	s8 =	sld [smem:$0x3FAB]  }
0x2e: {  	s3 =	simm.s32 @!p0 $0x1082;
	s9 =	sld [smem:$0x3FAC]  }
0x2f: {  	lr =	sadd.s32 s0, s3;
	s0 =	sld [smem:$0x3FA3]  }
0x30: {  	s3 =	sld [smem:$0x3FA6]  }
0x31: {  	[smem:$0x3FAF] =	sst s10  }
0x32: {  	s10 =	sld [smem:$0x3FAD];
	_ =	sdelay $0x3  }
0x33: {  	p0 =	seq.s32 s10, $0x1;
	s10 =	sld [smem:$0x3FAF];
	_ =	sdelay $0x3  }
0x34: {  	[smem:$0x3FAF] =	sst s10  }
0x35: {  	s10 =	sld [smem:$0x3FAE];
	_ =	sdelay $0x3  }
0x36: {  	p1 =	seq.s32 s10, $0x1;
	s10 =	sld [smem:$0x3FAF];
	_ =	sdelay $0x3  }
0x37: {  	[smem:$0x3FAF] =	sst s10  }
0x38: {  	s10 =	sld [smem:$0x3FB0]  }
0x39: {  	_ = 	snop;
	(pc) =	sbr.ind lr, $3  }
0x3a: {  	_ = 	snop  }
0x3b: {  	_ = 	snop  }
0x3c: {  	p2 =	seq.s32 s10, $0x1;
	s10 =	sld [smem:$0x3FAF]  }
0x3d: {  	_ =	shalt  }
0x3e: {  	_ =	shalt  }
0x3f: {  	_ =	shalt  }
0x40: {  	_ =	shalt  }
0x41: {  	_ =	shalt  }
0x42: {  	_ =	shalt  }
0x43: {  	_ =	shalt  }
0x44: {  	_ =	shalt  }
0x45: {  	_ =	shalt  }
0x46: {  	_ =	shalt  }
0x47: {  	_ =	shalt  }
0x48: {  	_ =	shalt  }
0x49: {  	_ =	shalt  }
0x4a: {  	_ =	shalt  }
0x4b: {  	_ =	shalt  }
0x4c: {  	_ =	shalt  }
0x4d: {  	_ =	shalt  }
0x4e: {  	_ =	shalt  }
0x4f: {  	_ =	shalt  }
0x50: {  	_ =	shalt  }
0x51: {  	_ =	shalt  }
0x52: {  	_ =	shalt  }
0x53: {  	_ =	shalt  }
0x54: {  	_ =	shalt  }
0x55: {  	_ =	shalt  }
0x56: {  	_ =	shalt  }
0x57: {  	_ =	shalt  }
0x58: {  	_ =	shalt  }
0x59: {  	_ =	shalt  }
0x5a: {  	_ =	shalt  }
0x5b: {  	_ =	shalt  }
0x5c: {  	_ =	shalt  }
0x5d: {  	_ =	shalt  }
0x5e: {  	_ =	shalt  }
0x5f: {  	_ =	shalt  }
0x60: {  	_ =	shalt  }
0x61: {  	_ =	shalt  }
0x62: {  	_ =	shalt  }
0x63: {  	_ =	shalt  }
0x64: {  	_ =	shalt  }
0x65: {  	_ =	shalt  }
0x66: {  	_ =	shalt  }
0x67: {  	_ =	shalt  }
0x68: {  	_ =	shalt  }
0x69: {  	_ =	shalt  }
0x6a: {  	_ =	shalt  }
0x6b: {  	_ =	shalt  }
0x6c: {  	_ =	shalt  }
0x6d: {  	_ =	shalt  }
0x6e: {  	_ =	shalt  }
0x6f: {  	_ =	shalt  }
0x70: {  	_ =	shalt  }
0x71: {  	_ =	shalt  }
0x72: {  	_ =	shalt  }
0x73: {  	_ =	shalt  }
0x74: {  	_ =	shalt  }
0x75: {  	_ =	shalt  }
0x76: {  	_ =	shalt  }
0x77: {  	_ =	shalt  }
0x78: {  	_ =	shalt  }
0x79: {  	_ =	shalt  }
0x7a: {  	_ =	shalt  }
0x7b: {  	_ =	shalt  }
0x7c: {  	_ =	shalt  }
0x7d: {  	_ =	shalt  }
0x7e: {  	_ =	shalt  }
0x7f: {  	_ =	shalt  }
0x80: {  	_ =	shalt  }
0x81: {  	_ =	shalt  }
0x82: {  	_ =	shalt  }
0x83: {  	_ =	shalt  }
0x84: {  	_ =	shalt  }
0x85: {  	_ =	shalt  }
0x86: {  	_ =	shalt  }
0x87: {  	_ =	shalt  }
.Lfunc_end0:
.L_simem_size_0:
called_computation.3_lowered:
.L_overlay_start_0:
0x88: {  	s2 =	sld [smem:$0x3FD9]  }
0x89: {  	s3 =	sld [smem:$0x3FFE];
	_ =	sdelay $0x1  }
0x8a: {  	s1 =	srdreg.scid  }
0x8b: {  	s0 =	sand.u32 $0x1, s1  }
0x8c: {  	s16 =	sshll.u32 s0, $0xA;
	s2 =	sadd.s32 s3, s2  }
0x8d: {  	s2 =	sadd.s32 s2, s16  }
0x8e: {  	[smem:$0x3FBB] =	sst s2  }
0x8f: {  	_ = 	snop  }
0x90: {  	(tm) =	ssettm $0x1  }
0x91: {  	s17 =	sld [smem:$0x3FFB];
	_ =	sdelay $0x3  }
0x92: {  	_ =	strace s17  }
0x93: {  	s2 =	sld [smem:$0x3FFC];
	_ =	sdelay $0x3  }
0x94: {  	_ =	strace s2  }
0x95: {  	s2 =	sld [smem:$0x3FFD];
	_ =	sdelay $0x3  }
0x96: {  	_ =	strace s2  }
0x97: {  	_ =	strace $0x8FFFFFFF  }
0x98: {  	s18 =	sld [smem:$0x3FDB];
	_ =	sdelay $0x1  }
0x99: {  	s19 =	simm.s32 $_scs_section_size  }
0x9a: {  	s4 =	simm.s32 $_size__tile_overlayer_lowered;
	s5 =	simm.s32 $_tile_overlayer_lowered  }
0x9b: {  	s22 =	simm.s32 $0x1BFF;
	s21 =	sshll.u32 s5, $0x1;
	s2 =	sadd.s32 s19, s18  }
0x9c: {  	s6 =	simm.s32 $0x0;
	s20 =	sshll.u32 s4, $0x1;
	s4 =	sadd.s32 s21, s2  }
0x9d: {  	[timem:s6], [sflag:s22] =	dma.local [hbm:s4], s20  }
0x9e: {  	_ =	swait.ge [sflag:s22], s20  }
0x9f: {  	s3 =	ssub.s32 $0x0, s20;
	[sflag:s22] =	ssyncset.done $0x0  }
0xa0: {  	[sflag:s22] =	ssyncadd.s32 s3;
	_ =	sdelay $0x1  }
0xa1: {  	s23 =	simm.s32 $0x1B8B  }
0xa2: {  	_ =	swait.ge [sflag:s23], $0x1  }
0xa3: {  	[sflag:s23] =	ssyncset.done $0x0  }
0xa4: {  	s25 =	simm.s32 $0x1B8E;
	s24 =	sld [smem:$0x3FFE];
	[sflag:s23] =	ssyncadd.s32 $0xFFFFFFFF  }
0xa5: {  	s26 =	simm.s32 $execute0_lowered;
	[smem:$0x3FD2] =	sst s25  }
0xa6: {  	s4 =	sshll.u32 s26, $0x1;
	_ =	strace $0x8000004F;
	[dreg:$0x1] =	wrdreg $0xFFFFFFFF  }
0xa7: {  	s28 =	simm.s32 $_size_execute0_lowered;
	s2 =	sadd.s32 s2, s4;
	[dreg:$0x0] =	wrdreg $0x0  }
0xa8: {  	s4 =	sshll.u32 s28, $0x1;
	[dreg:$0x2] =	wrdreg s2  }
0xa9: {  	[dreg:$0x3] =	wrdreg s4  }
0xaa: {  	[dreg:$0x4] =	wrdreg $0xC0  }
0xab: {  	_ =	task [dreg:s6], $0x5FFFF  }
0xac: {  	[dreg:$0x1] =	wrdreg $0xFFFFFFFF  }
0xad: {  	[dreg:$0x0] =	wrdreg $0x60  }
0xae: {  	[dreg:$0x2] =	wrdreg s24  }
0xaf: {  	[dreg:$0x3] =	wrdreg $0xCF000  }
0xb0: {  	[dreg:$0x4] =	wrdreg $0x9  }
0xb1: {  	_ =	task.clear_ibuf [dreg:s6], $0x5FFFF;
	_ =	strace $0x9000004F  }
0xb2: {  	s29 =	simm.s32 $0x9;
	_ =	strace $0x80000051  }
0xb3: {  	_ =	swait.ge [sflag:s29], $0x1  }
0xb4: {  	[sflag:s29] =	ssyncadd.s32 $0xFFFFFFFF  }
0xb5: {  	_ =	strace $0x90000051  }
0xb6: {  	_ =	sfence  }
0xb7: {  	s30 =	sld [smem:$0x0];
	_ =	sdelay $0x2  }
0xb8: {  	s31 =	sshll.u32 s1, $0xD;
	s1 =	sshrl.u32 s1, $0x2  }
0xb9: {  	s3 =	sand.u32 $0x4000, s31;
	s1 =	sadd.s32 s1, s30  }
0xba: {  	s0 =	sor.u32 s3, s0;
	s1 =	sshll.u32 s1, $0x11  }
0xbb: {  	s0 =	sor.u32 s1, s0  }
0xbc: {  	s0 =	sadd.s32 $0x8F2B, s0  }
0xbd: {  	[sflag:s0] =	ssyncadd.remote.s32 $0x1  }
0xbe: {  	_ =	sfence.sel $0xFFFF  }
0xbf: {  	[dreg:$0x0] =	wrdreg $0xFFFFFFFF;
	(pc) =	sbr.abs _section_cstart, $3  }
0xc0: {  	[dreg:$0x1] =	wrdreg $0xFFFFFFFF  }
0xc1: {  	_ =	task.clear_ibuf [dreg:s6], $0x2FFFF;
	_ =	strace $0x9FFFFFFF  }
0xc2: {  	(tm) =	ssettm $0x7FFFFFFF  }
0xc3: {  	_ =	shalt  }
tec
execute0_lowered:
.L_overlay_start_1:
0x0: {  	(tag) =	ssettag $0x1  }
0x1: {  	s0 =	srdreg.scid;
	s5 =	rddreg [dreg:$0x0]  }
0x2: {  	s12 =	stileid.u32;
	s2 =	rddreg [dreg:$0x1]  }
0x3: {  	s3 =	simm.s32 $0x0;
	s13 =	simm.s32 $0x80;
	s29 =	simm.s32 $0xD80  }
0x4: {  	s30 =	simm.s32 $0xBB00;
	s31 =	simm.s32 $0xE00;
	s14 =	simm.s32 $0xC300  }
0x5: {  	s15 =	simm.s32 $0xF00;
	s16 =	simm.s32 $0xC700;
	s17 =	simm.s32 $0xF80  }
0x6: {  	s18 =	simm.s32 $0xCB00;
	s19 =	simm.s32 $0x1;
	s20 =	simm.s32 $0x0  }
0x7: {  	s0 =	sand.u32 $0x1, s0;
	s6 =	smul.u32 $0x13C0, s12;
	[smem:$0x7FF] =	sst s3  }
0x8: {  	s4 =	sadd.s32 $0xEC00, s5;
	s28 =	sshll.u32 s12, $0x6;
	s1 =	sshll.u32 s0, $0x4  }
0x9: {  	s7 =	smul.u32 $0x13C00, s0;
	_ =	strace $0x80000050;
	s0 =	ssub.s32 $0x2, s0  }
0xa: {  	s1 =	sor.u32 s12, s1;
	s8 =	sshrl.u32 s6, $0x3;
	s9 =	sshrl.u32 s0, $0x1  }
0xb: {  	s11 =	sadd.s32 s6, s2;
	s12 =	simm.s32 $0x2;
	s1 =	smul.u32 $0x4F0, s1  }
0xc: {  	s7 =	sadd.s32 s6, s7;
	s8 =	sadd.s32 s8, s5;
	s0 =	ssub.s32 s0, s9  }
0xd: {  	s6 =	sor.u32 $0x1C02, s28;
	s11 =	sshrl.u32 s11, $0x3;
	s7 =	sshrl.u32 s7, $0x3  }
0xe: {  	s1 =	sadd.s32 s1, s5;
	s10 =	sadd.s32 s7, s5;
	s5 =	sadd.s32 $0xC400, s8  }
0xf: {  	s7 =	sadd.s32 $0x13E00, s1;
	s8 =	sadd.s32 $0x2600, s1;
	s9 =	sadd.s32 $0x1DC00, s10  }
0x10: {  	s10 =	smax.u32 s0, $0x1;
	s1 =	simm.s32 $0xBF00;
	s0 =	simm.s32 $0xE80  }
.LBB2_1:
0x11: {  	[spmem:s11], [sflag:s6] =	dma.local [hbm:s5], $0x278  }
0x12: {  	_ =	swait.ge [sflag:s12], $0x278  }
0x13: {  	[sflag:s12] =	ssyncset.done $0x0  }
0x14: {  	[sflag:s12] =	ssyncadd.s32 $0xFFFFFD88  }
0x15: {  	[tilespmem:s3], [sflag:$0x2] =	stream.linear.gather [hbm4b:s7+s3], $0x2780, $0x38;
	[tilespmem:$0xE2C0] =	vst v63  }
0x16: {  	_ =	swait.ge [sflag:s12], $0x2780  }
0x17: {  	[sflag:s12] =	ssyncset.done $0x0  }
0x18: {  	s22 =	simm.s32 $0x2780;
	[sflag:s12] =	ssyncadd.s32 $0xFFFFD880  }
0x19: {  	[tilespmem:s22], [sflag:$0x2] =	stream.linear.gather [hbm4b:s8+s3], $0x2780, $0x38;
	[tilespmem:$0xE2C0] =	vst v63  }
0x1a: {  	_ =	swait.ge [sflag:s12], $0x2780  }
0x1b: {  	[sflag:s12] =	ssyncset.done $0x0  }
0x1c: {  	[sflag:s12] =	ssyncadd.s32 $0xFFFFD880  }
0x1d: {  	s21 =	simm.s32 $0x4F00;
	[bflag:$0x0] =	sbarrier.arrive $0xFFFF  }
0x1e: {  	[tilespmem:s21], [sflag:$0x1] =	stream.indirect.gather [hbm4b:s4+s13], $0x8, s3, s13, $0xb8;
	[tilespmem:$0xE2C0] =	vst v63  }
0x1f: {  	s23 =	simm.s32 $0x5300  }
0x20: {  	[tilespmem:s23], [sflag:$0x1] =	stream.indirect.gather [hbm4b:s4+s13], $0x8, s13, s13, $0xb8;
	[tilespmem:$0xE2C0] =	vst v63  }
0x21: {  	s24 =	simm.s32 $0x100;
	s23 =	simm.s32 $0x5700  }
0x22: {  	[tilespmem:s23], [sflag:$0x1] =	stream.indirect.gather [hbm4b:s4+s13], $0x8, s24, s13, $0xb8;
	[tilespmem:$0xE2C0] =	vst v63  }
0x23: {  	s25 =	simm.s32 $0x180;
	s26 =	simm.s32 $0x5B00  }
0x24: {  	[tilespmem:s26], [sflag:$0x1] =	stream.indirect.gather [hbm4b:s4+s13], $0x8, s25, s13, $0xb8;
	[tilespmem:$0xE2C0] =	vst v63  }
0x25: {  	s23 =	simm.s32 $0x200;
	s24 =	simm.s32 $0x5F00  }
0x26: {  	[tilespmem:s24], [sflag:$0x1] =	stream.indirect.gather [hbm4b:s4+s13], $0x8, s23, s13, $0xb8;
	[tilespmem:$0xE2C0] =	vst v63  }
0x27: {  	s25 =	simm.s32 $0x280;
	s26 =	simm.s32 $0x6300  }
0x28: {  	[tilespmem:s26], [sflag:$0x1] =	stream.indirect.gather [hbm4b:s4+s13], $0x8, s25, s13, $0xb8;
	[tilespmem:$0xE2C0] =	vst v63  }
0x29: {  	s23 =	simm.s32 $0x300;
	s24 =	simm.s32 $0x6700  }
0x2a: {  	[tilespmem:s24], [sflag:$0x1] =	stream.indirect.gather [hbm4b:s4+s13], $0x8, s23, s13, $0xb8;
	[tilespmem:$0xE2C0] =	vst v63  }
0x2b: {  	s25 =	simm.s32 $0x380;
	s26 =	simm.s32 $0x6B00  }
0x2c: {  	[tilespmem:s26], [sflag:$0x1] =	stream.indirect.gather [hbm4b:s4+s13], $0x8, s25, s13, $0xb8;
	[tilespmem:$0xE2C0] =	vst v63  }
0x2d: {  	s23 =	simm.s32 $0x400;
	s24 =	simm.s32 $0x6F00  }
0x2e: {  	[tilespmem:s24], [sflag:$0x1] =	stream.indirect.gather [hbm4b:s4+s13], $0x8, s23, s13, $0xb8;
	[tilespmem:$0xE2C0] =	vst v63  }
0x2f: {  	s25 =	simm.s32 $0x480;
	s26 =	simm.s32 $0x7300  }
0x30: {  	[tilespmem:s26], [sflag:$0x1] =	stream.indirect.gather [hbm4b:s4+s13], $0x8, s25, s13, $0xb8;
	[tilespmem:$0xE2C0] =	vst v63  }
0x31: {  	s23 =	simm.s32 $0x500;
	s24 =	simm.s32 $0x7700  }
0x32: {  	[tilespmem:s24], [sflag:$0x1] =	stream.indirect.gather [hbm4b:s4+s13], $0x8, s23, s13, $0xb8;
	[tilespmem:$0xE2C0] =	vst v63  }
0x33: {  	s25 =	simm.s32 $0x580;
	s26 =	simm.s32 $0x7B00  }
0x34: {  	[tilespmem:s26], [sflag:$0x1] =	stream.indirect.gather [hbm4b:s4+s13], $0x8, s25, s13, $0xb8;
	[tilespmem:$0xE2C0] =	vst v63  }
0x35: {  	s23 =	simm.s32 $0x600;
	s24 =	simm.s32 $0x7F00  }
0x36: {  	[tilespmem:s24], [sflag:$0x1] =	stream.indirect.gather [hbm4b:s4+s13], $0x8, s23, s13, $0xb8;
	[tilespmem:$0xE2C0] =	vst v63  }
0x37: {  	s25 =	simm.s32 $0x680;
	s26 =	simm.s32 $0x8300  }
0x38: {  	[tilespmem:s26], [sflag:$0x1] =	stream.indirect.gather [hbm4b:s4+s13], $0x8, s25, s13, $0xb8;
	[tilespmem:$0xE2C0] =	vst v63  }
0x39: {  	s23 =	simm.s32 $0x700;
	s24 =	simm.s32 $0x8700  }
0x3a: {  	[tilespmem:s24], [sflag:$0x1] =	stream.indirect.gather [hbm4b:s4+s13], $0x8, s23, s13, $0xb8;
	[tilespmem:$0xE2C0] =	vst v63  }
0x3b: {  	s25 =	simm.s32 $0x780;
	s26 =	simm.s32 $0x8B00  }
0x3c: {  	[tilespmem:s26], [sflag:$0x1] =	stream.indirect.gather [hbm4b:s4+s13], $0x8, s25, s13, $0xb8;
	[tilespmem:$0xE2C0] =	vst v63  }
0x3d: {  	s23 =	simm.s32 $0x800;
	s24 =	simm.s32 $0x8F00  }
0x3e: {  	[tilespmem:s24], [sflag:$0x1] =	stream.indirect.gather [hbm4b:s4+s13], $0x8, s23, s13, $0xb8;
	[tilespmem:$0xE2C0] =	vst v63  }
0x3f: {  	s25 =	simm.s32 $0x880;
	s26 =	simm.s32 $0x9300  }
0x40: {  	[tilespmem:s26], [sflag:$0x1] =	stream.indirect.gather [hbm4b:s4+s13], $0x8, s25, s13, $0xb8;
	[tilespmem:$0xE2C0] =	vst v63  }
0x41: {  	s23 =	simm.s32 $0x900;
	s24 =	simm.s32 $0x9700  }
0x42: {  	[tilespmem:s24], [sflag:$0x1] =	stream.indirect.gather [hbm4b:s4+s13], $0x8, s23, s13, $0xb8;
	[tilespmem:$0xE2C0] =	vst v63  }
0x43: {  	s25 =	simm.s32 $0x980;
	s26 =	simm.s32 $0x9B00  }
0x44: {  	[tilespmem:s26], [sflag:$0x1] =	stream.indirect.gather [hbm4b:s4+s13], $0x8, s25, s13, $0xb8;
	[tilespmem:$0xE2C0] =	vst v63  }
0x45: {  	s23 =	simm.s32 $0xA00;
	s24 =	simm.s32 $0x9F00  }
0x46: {  	[tilespmem:s24], [sflag:$0x1] =	stream.indirect.gather [hbm4b:s4+s13], $0x8, s23, s13, $0xb8;
	[tilespmem:$0xE2C0] =	vst v63  }
0x47: {  	s25 =	simm.s32 $0xA80;
	s26 =	simm.s32 $0xA300  }
0x48: {  	[tilespmem:s26], [sflag:$0x1] =	stream.indirect.gather [hbm4b:s4+s13], $0x8, s25, s13, $0xb8;
	[tilespmem:$0xE2C0] =	vst v63  }
0x49: {  	s23 =	simm.s32 $0xB00;
	s24 =	simm.s32 $0xA700  }
0x4a: {  	[tilespmem:s24], [sflag:$0x1] =	stream.indirect.gather [hbm4b:s4+s13], $0x8, s23, s13, $0xb8;
	[tilespmem:$0xE2C0] =	vst v63  }
0x4b: {  	s25 =	simm.s32 $0xB80;
	s26 =	simm.s32 $0xAB00  }
0x4c: {  	[tilespmem:s26], [sflag:$0x1] =	stream.indirect.gather [hbm4b:s4+s13], $0x8, s25, s13, $0xb8;
	[tilespmem:$0xE2C0] =	vst v63  }
0x4d: {  	s23 =	simm.s32 $0xC00;
	s24 =	simm.s32 $0xAF00  }
0x4e: {  	[tilespmem:s24], [sflag:$0x1] =	stream.indirect.gather [hbm4b:s4+s13], $0x8, s23, s13, $0xb8;
	[tilespmem:$0xE2C0] =	vst v63  }
0x4f: {  	s25 =	simm.s32 $0xC80;
	s26 =	simm.s32 $0xB300  }
0x50: {  	[tilespmem:s26], [sflag:$0x1] =	stream.indirect.gather [hbm4b:s4+s13], $0x8, s25, s13, $0xb8;
	[tilespmem:$0xE2C0] =	vst v63  }
0x51: {  	s23 =	simm.s32 $0xD00;
	s24 =	simm.s32 $0xB700  }
0x52: {  	[tilespmem:s24], [sflag:$0x1] =	stream.indirect.gather [hbm4b:s4+s13], $0x8, s23, s13, $0xb8;
	[tilespmem:$0xE2C0] =	vst v63  }
0x53: {  	_ = 	snop  }
0x54: {  	[tilespmem:s30], [sflag:$0x1] =	stream.indirect.gather [hbm4b:s4+s13], $0x8, s29, s13, $0xb8;
	[tilespmem:$0xE2C0] =	vst v63  }
0x55: {  	_ = 	snop  }
0x56: {  	[tilespmem:s1], [sflag:$0x1] =	stream.indirect.gather [hbm4b:s4+s13], $0x8, s31, s13, $0xb8;
	[tilespmem:$0xE2C0] =	vst v63  }
0x57: {  	_ = 	snop  }
0x58: {  	[tilespmem:s14], [sflag:$0x1] =	stream.indirect.gather [hbm4b:s4+s13], $0x8, s0, s13, $0xb8;
	[tilespmem:$0xE2C0] =	vst v63  }
0x59: {  	_ = 	snop  }
0x5a: {  	[tilespmem:s16], [sflag:$0x1] =	stream.indirect.gather [hbm4b:s4+s13], $0x8, s15, s13, $0xb8;
	[tilespmem:$0xE2C0] =	vst v63  }
0x5b: {  	_ = 	snop  }
0x5c: {  	[tilespmem:s18], [sflag:$0x1] =	stream.indirect.gather [hbm4b:s4+s13], $0x8, s17, s13, $0xb8;
	[tilespmem:$0xE2C0] =	vst v63  }
0x5d: {  	s25 =	sand.u32 $0x1F000, s3;
	_ =	swait.ge [sflag:s19], $0x400  }
0x5e: {  	s26 =	sshrl.u32 s25, $0x2;
	[sflag:s19] =	ssyncset.done $0x0  }
0x5f: {  	p1 =	por $0x0, $0x0;
	s25 =	sadd.s32 $0x4F00, s26;
	[sflag:s19] =	ssyncadd.s32 $0xFFFFFC00  }
0x60: {  	[spmem:s2] =	stream.indirect.scatter.add.f32 [tilespmem:s25], [sflag:$0x2], $0x8, s22, s13, $0xb8;
	[tilespmem:$0xE2C0] =	vst v63  }
0x61: {  	s28 =	simm.s32 @!p1 $0x80;
	s21 =	simm.s32 $0x1000;
	_ =	swait.ge [sflag:s12], $0x400  }
0x62: {  	s23 =	simm.s32 $0x1000;
	s24 =	simm.s32 $0x2800;
	[sflag:s12] =	ssyncset.done $0x0  }
0x63: {  	s26 =	simm.s32 $0x1080;
	s22 =	simm.s32 $0x1;
	[sflag:s12] =	ssyncadd.s32 $0xFFFFFC00  }
.LBB2_2:
0x64: {  	[tilespmem:s25], [sflag:$0x1] =	stream.indirect.gather @!p1 [hbm4b:s4+s28], $0x8, s21, s28, $0xb8;
	[tilespmem:$0xE2C0] =	vst v63  }
0x65: {  	s28 =	smov.u32 s22;
	s21 =	smov.u32 s26  }
0x66: {  	s25 =	sand.u32 $0x1F000, s23;
	s22 =	sadd.s32 $0x1, s22;
	_ =	swait.ge [sflag:s19], $0x400  }
0x67: {  	s25 =	sshrl.u32 s25, $0x2;
	p0 =	sne.s32 s22, $0x4F;
	[sflag:s19] =	ssyncset.done $0x0  }
.Ltmp0:
0x68: {  	s25 =	sadd.s32 $0x4F00, s25;
	[sflag:s19] =	ssyncadd.s32 $0xFFFFFC00;
	(pc) =	sbr.rel @p0 .LBB2_2-.Ltmp0, $4  }
0x69: {  	[spmem:s2] =	stream.indirect.scatter.add.f32 [tilespmem:s25], [sflag:$0x2], $0x8, s24, s13, $0xb8;
	[tilespmem:$0xE2C0] =	vst v63  }
0x6a: {  	s23 =	sadd.s32 $0x1000, s23;
	_ =	swait.ge [sflag:s12], $0x400  }
0x6b: {  	p1 =	sgt.u32 s28, $0x2E;
	s24 =	sadd.s32 $0x80, s24;
	[sflag:s12] =	ssyncset.done $0x0  }
0x6c: {  	s26 =	sadd.s32 $0x80, s26;
	s28 =	simm.s32 @!p1 $0x80;
	[sflag:s12] =	ssyncadd.s32 $0xFFFFFC00  }
0x6d: {  	[tilespmem:s25], [sflag:$0x1] =	stream.indirect.gather @!p1 [hbm4b:s4+s28], $0x8, s21, s28, $0xb8;
	[tilespmem:$0xE2C0] =	vst v63  }
0x6e: {  	s20 =	sadd.s32 $0x1, s20  }
0x6f: {  	p0 =	sne.s32 s20, s10  }
.Ltmp1:
0x70: {  	[bflag:$0x0] =	sbarrier.arrive $0xFFFF;
	(pc) =	sbr.rel @p0 .LBB2_1-.Ltmp1, $4  }
0x71: {  	[hbm:s9], [sflag:s6] =	dma.local [spmem:s11], $0x278  }
0x72: {  	_ =	swait.ge [sflag:s12], $0x278  }
0x73: {  	[sflag:s12] =	ssyncset.done $0x0  }
0x74: {  	[sflag:s12] =	ssyncadd.s32 $0xFFFFFD88  }
0x75: {  	_ =	sfence.sel $0x180000  }
0x76: {  	[bflag:$0x0] =	sbarrier.arrive $0xFFFF  }
0x77: {  	_ =	strace $0x90000050  }
0x78: {  	s0 =	stileid.u32;
	[bflag:$0x2] =	sbarrier.arrive $0xFFFF  }
0x79: {  	p0 =	sne.s32 s0, $0x0;
	s0 =	rddreg [dreg:$0x2]  }
0x7a: {  	s0 =	sadd.s32 @!p0 $0x100000, s0  }
0x7b: {  	[sflag:s0] =	ssyncadd.tile.s32 @!p0 $0x1;
	_ =	shalt  }
.Lfunc_end2:
_tile_overlayer_lowered:
.L_overlay_start_2:
0x7c: {  	(tag) =	ssettag $0x2  }
0x7d: {  	s0 =	rddreg [dreg:$0x0];
	s2 =	stileid.u32  }
0x7e: {  	s1 =	rddreg [dreg:$0x1];
	p0 =	sne.s32 s2, $0x0  }
0x7f: {  	s3 =	rddreg [dreg:$0x2];
	[bflag:$0x3] =	sbarrier.arrive $0xFFFF;
	s2 =	simm.s32 @!p0 $0x1C02  }
0x80: {  	[timem:s3], [sflag:s2] =	dma.local @!p0 [hbm:s0], s1  }
0x81: {  	s0 =	simm.s32 @!p0 $0x2  }
0x82: {  	_ =	swait.ge @!p0 [sflag:s0], s1  }
0x83: {  	s1 =	ssub.s32 @!p0 $0x0, s1;
	[sflag:s0] =	ssyncset.done @!p0 $0x0  }
0x84: {  	[sflag:s0] =	ssyncadd.s32 @!p0 s1  }
0x85: {  	[bflag:$0x3] =	sbarrier.arrive $0xFFFF  }
0x86: {  	_ =	shalt  }

// kernel: sc_edge_pass_w8.5.cloned.1.call-start
scs
__scs_entry_jumppad:
0x0: {  	(pc) =	sbr.rel $0x88, $3  }
0x1: {  	(tag) =	ssettag $0x0;
	lr =	simm.s32 $0x1  }
0x2: {  	[smem:$0x3F94] =	sst lr;
	_ =	strace $0xD0000000  }
0x3: {  	_ = 	snop  }
0x4: {  	_ = 	snop  }
0x5: {  	_ = 	snop  }
0x6: {  	_ = 	snop  }
0x7: {  	_ = 	snop  }
__scs_overlays_trampoline_lowered:
0x8: {  	[smem:$0x3FA3] =	sst s0  }
0x9: {  	[smem:$0x3FA4] =	sst s1  }
0xa: {  	[smem:$0x3FA5] =	sst s2  }
0xb: {  	[smem:$0x3FA6] =	sst s3  }
0xc: {  	[smem:$0x3FA7] =	sst s4  }
0xd: {  	[smem:$0x3FA8] =	sst s5  }
0xe: {  	[smem:$0x3FA9] =	sst s6  }
0xf: {  	[smem:$0x3FAA] =	sst s7  }
0x10: {  	[smem:$0x3FAB] =	sst s8  }
0x11: {  	[smem:$0x3FAC] =	sst s9;
	s0 =	simm.s32 @!p0 $0x0  }
0x12: {  	s1 =	sld [smem:$0x3F92];
	s0 =	simm.s32 @p0 $0x1  }
0x13: {  	[smem:$0x3FAD] =	sst s0;
	s0 =	simm.s32 @!p1 $0x0  }
0x14: {  	s2 =	sld [smem:$0x3F91];
	s0 =	simm.s32 @p1 $0x1  }
0x15: {  	[smem:$0x3FAE] =	sst s0;
	s0 =	simm.s32 @!p2 $0x0  }
0x16: {  	s3 =	sld [smem:$0x3FDB];
	s0 =	simm.s32 @p2 $0x1  }
0x17: {  	s4 =	simm.s32 $0x1BF5;
	[smem:$0x3FB0] =	sst s0  }
0x18: {  	s0 =	sld [smem:$0x3F93];
	_ =	swait.ge [sflag:s4], $0x0  }
0x19: {  	s7 =	sld [smem:$0x3F94]  }
0x1a: {  	s8 =	sadd.s32 $0xFFFFE003, lr  }
0x1b: {  	s9 =	sadd.s32 $0xFFFFFEF7, lr;
	s5 =	simm.s32 $0xFFFFFFFF;
	p2 =	slt.u32 s8, $0xFFFFF086  }
0x1c: {  	p1 =	slt.u32 s9, $0xF7A;
	s5 =	simm.s32 @!p2 $0x0  }
0x1d: {  	s5 =	simm.s32 @p1 $0x1;
	p0 =	seq.s32 s7, s2  }
0x1e: {  	s7 =	smul.u32 @!p0 $0xF7A, s2;
	p2 =	seq.s32 @!p0 s5, $0x0  }
0x1f: {  	s9 =	smul.u32 $0xF7A, s1;
	s8 =	simm.s32 @!p0 $0x1BF5;
	p2 =	por !p2, p0  }
0x20: {  	[sflag:s8] =	ssyncset.s32 @!p0 $0xFFFFF086;
	s6 =	sadd.s32 @!p0 s3, s7;
	s7 =	simm.s32 @!p0 $0x108  }
0x21: {  	s3 =	sadd.s32 s3, s9;
	s6 =	sadd.s32 @!p0 $0x88, s6;
	s7 =	simm.s32 @p2 $0x1082  }
0x22: {  	[simem:s7], [sflag:s8] =	dma.local @!p0 [hbm:s6], $0xF7A  }
0x23: {  	s9 =	sor.u32 $0xD0000000, s2;
	s6 =	simm.s32 $0x108;
	_ =	swait.ge @!p0 [sflag:s8], $0x0  }
0x24: {  	s3 =	sadd.s32 $0x88, s3;
	s6 =	simm.s32 @!p1 $0x1082;
	[sflag:s4] =	ssyncset.s32 $0xFFFFF086  }
0x25: {  	[simem:s6], [sflag:s4] =	dma.local [hbm:s3], $0xF7A  }
0x26: {  	[smem:$0x3F94] =	sst s1;
	(tag) =	ssettag s2;
	_ =	strace s9  }
0x27: {  	s1 =	sld [smem:$0x3FA4]  }
0x28: {  	s2 =	sld [smem:$0x3FA5]  }
0x29: {  	s4 =	sld [smem:$0x3FA7]  }
0x2a: {  	p0 =	seq.s32 s5, $0x0;
	s5 =	sld [smem:$0x3FA8]  }
0x2b: {  	s6 =	sld [smem:$0x3FA9]  }
0x2c: {  	s7 =	sld [smem:$0x3FAA]  }
0x2d: {  	s3 =	simm.s32 $0x108;
	s8 =	sld [smem:$0x3FAB]  }
0x2e: {  	s3 =	simm.s32 @!p0 $0x1082;
	s9 =	sld [smem:$0x3FAC]  }
0x2f: {  	lr =	sadd.s32 s0, s3;
	s0 =	sld [smem:$0x3FA3]  }
0x30: {  	s3 =	sld [smem:$0x3FA6]  }
0x31: {  	[smem:$0x3FAF] =	sst s10  }
0x32: {  	s10 =	sld [smem:$0x3FAD];
	_ =	sdelay $0x3  }
0x33: {  	p0 =	seq.s32 s10, $0x1;
	s10 =	sld [smem:$0x3FAF];
	_ =	sdelay $0x3  }
0x34: {  	[smem:$0x3FAF] =	sst s10  }
0x35: {  	s10 =	sld [smem:$0x3FAE];
	_ =	sdelay $0x3  }
0x36: {  	p1 =	seq.s32 s10, $0x1;
	s10 =	sld [smem:$0x3FAF];
	_ =	sdelay $0x3  }
0x37: {  	[smem:$0x3FAF] =	sst s10  }
0x38: {  	s10 =	sld [smem:$0x3FB0]  }
0x39: {  	_ = 	snop;
	(pc) =	sbr.ind lr, $3  }
0x3a: {  	_ = 	snop  }
0x3b: {  	_ = 	snop  }
0x3c: {  	p2 =	seq.s32 s10, $0x1;
	s10 =	sld [smem:$0x3FAF]  }
0x3d: {  	_ =	shalt  }
0x3e: {  	_ =	shalt  }
0x3f: {  	_ =	shalt  }
0x40: {  	_ =	shalt  }
0x41: {  	_ =	shalt  }
0x42: {  	_ =	shalt  }
0x43: {  	_ =	shalt  }
0x44: {  	_ =	shalt  }
0x45: {  	_ =	shalt  }
0x46: {  	_ =	shalt  }
0x47: {  	_ =	shalt  }
0x48: {  	_ =	shalt  }
0x49: {  	_ =	shalt  }
0x4a: {  	_ =	shalt  }
0x4b: {  	_ =	shalt  }
0x4c: {  	_ =	shalt  }
0x4d: {  	_ =	shalt  }
0x4e: {  	_ =	shalt  }
0x4f: {  	_ =	shalt  }
0x50: {  	_ =	shalt  }
0x51: {  	_ =	shalt  }
0x52: {  	_ =	shalt  }
0x53: {  	_ =	shalt  }
0x54: {  	_ =	shalt  }
0x55: {  	_ =	shalt  }
0x56: {  	_ =	shalt  }
0x57: {  	_ =	shalt  }
0x58: {  	_ =	shalt  }
0x59: {  	_ =	shalt  }
0x5a: {  	_ =	shalt  }
0x5b: {  	_ =	shalt  }
0x5c: {  	_ =	shalt  }
0x5d: {  	_ =	shalt  }
0x5e: {  	_ =	shalt  }
0x5f: {  	_ =	shalt  }
0x60: {  	_ =	shalt  }
0x61: {  	_ =	shalt  }
0x62: {  	_ =	shalt  }
0x63: {  	_ =	shalt  }
0x64: {  	_ =	shalt  }
0x65: {  	_ =	shalt  }
0x66: {  	_ =	shalt  }
0x67: {  	_ =	shalt  }
0x68: {  	_ =	shalt  }
0x69: {  	_ =	shalt  }
0x6a: {  	_ =	shalt  }
0x6b: {  	_ =	shalt  }
0x6c: {  	_ =	shalt  }
0x6d: {  	_ =	shalt  }
0x6e: {  	_ =	shalt  }
0x6f: {  	_ =	shalt  }
0x70: {  	_ =	shalt  }
0x71: {  	_ =	shalt  }
0x72: {  	_ =	shalt  }
0x73: {  	_ =	shalt  }
0x74: {  	_ =	shalt  }
0x75: {  	_ =	shalt  }
0x76: {  	_ =	shalt  }
0x77: {  	_ =	shalt  }
0x78: {  	_ =	shalt  }
0x79: {  	_ =	shalt  }
0x7a: {  	_ =	shalt  }
0x7b: {  	_ =	shalt  }
0x7c: {  	_ =	shalt  }
0x7d: {  	_ =	shalt  }
0x7e: {  	_ =	shalt  }
0x7f: {  	_ =	shalt  }
0x80: {  	_ =	shalt  }
0x81: {  	_ =	shalt  }
0x82: {  	_ =	shalt  }
0x83: {  	_ =	shalt  }
0x84: {  	_ =	shalt  }
0x85: {  	_ =	shalt  }
0x86: {  	_ =	shalt  }
0x87: {  	_ =	shalt  }
.Lfunc_end0:
.L_simem_size_0:
called_computation.1_lowered:
.L_overlay_start_0:
0x88: {  	s2 =	sld [smem:$0x3FD9]  }
0x89: {  	s3 =	sld [smem:$0x3FFE];
	_ =	sdelay $0x1  }
0x8a: {  	s1 =	srdreg.scid  }
0x8b: {  	s0 =	sand.u32 $0x1, s1  }
0x8c: {  	s16 =	sshll.u32 s0, $0xA;
	s2 =	sadd.s32 s3, s2  }
0x8d: {  	s2 =	sadd.s32 s2, s16  }
0x8e: {  	[smem:$0x3FBB] =	sst s2  }
0x8f: {  	_ = 	snop  }
0x90: {  	(tm) =	ssettm $0x1  }
0x91: {  	s17 =	sld [smem:$0x3FFB];
	_ =	sdelay $0x3  }
0x92: {  	_ =	strace s17  }
0x93: {  	s2 =	sld [smem:$0x3FFC];
	_ =	sdelay $0x3  }
0x94: {  	_ =	strace s2  }
0x95: {  	s2 =	sld [smem:$0x3FFD];
	_ =	sdelay $0x3  }
0x96: {  	_ =	strace s2  }
0x97: {  	_ =	strace $0x8FFFFFFF  }
0x98: {  	s18 =	sld [smem:$0x3FDB];
	_ =	sdelay $0x1  }
0x99: {  	s19 =	simm.s32 $_scs_section_size  }
0x9a: {  	s4 =	simm.s32 $_size__tile_overlayer_lowered;
	s5 =	simm.s32 $_tile_overlayer_lowered  }
0x9b: {  	s22 =	simm.s32 $0x1BFF;
	s21 =	sshll.u32 s5, $0x1;
	s2 =	sadd.s32 s19, s18  }
0x9c: {  	s6 =	simm.s32 $0x0;
	s20 =	sshll.u32 s4, $0x1;
	s4 =	sadd.s32 s21, s2  }
0x9d: {  	[timem:s6], [sflag:s22] =	dma.local [hbm:s4], s20  }
0x9e: {  	_ =	swait.ge [sflag:s22], s20  }
0x9f: {  	s3 =	ssub.s32 $0x0, s20;
	[sflag:s22] =	ssyncset.done $0x0  }
0xa0: {  	[sflag:s22] =	ssyncadd.s32 s3;
	_ =	sdelay $0x1  }
0xa1: {  	s23 =	simm.s32 $0x1B8B  }
0xa2: {  	_ =	swait.ge [sflag:s23], $0x1  }
0xa3: {  	[sflag:s23] =	ssyncset.done $0x0  }
0xa4: {  	s25 =	simm.s32 $0x1B8E;
	s24 =	sld [smem:$0x3FFE];
	[sflag:s23] =	ssyncadd.s32 $0xFFFFFFFF  }
0xa5: {  	s26 =	simm.s32 $execute0_lowered;
	[smem:$0x3FD2] =	sst s25  }
0xa6: {  	s4 =	sshll.u32 s26, $0x1;
	_ =	strace $0x80000049;
	[dreg:$0x1] =	wrdreg $0xFFFFFFFF  }
0xa7: {  	s28 =	simm.s32 $_size_execute0_lowered;
	s2 =	sadd.s32 s2, s4;
	[dreg:$0x0] =	wrdreg $0x0  }
0xa8: {  	s4 =	sshll.u32 s28, $0x1;
	[dreg:$0x2] =	wrdreg s2  }
0xa9: {  	[dreg:$0x3] =	wrdreg s4  }
0xaa: {  	[dreg:$0x4] =	wrdreg $0xC0  }
0xab: {  	_ =	task [dreg:s6], $0x5FFFF  }
0xac: {  	[dreg:$0x1] =	wrdreg $0xFFFFFFFF  }
0xad: {  	[dreg:$0x0] =	wrdreg $0x60  }
0xae: {  	[dreg:$0x2] =	wrdreg s24  }
0xaf: {  	[dreg:$0x3] =	wrdreg $0xCF000  }
0xb0: {  	[dreg:$0x4] =	wrdreg $0x9  }
0xb1: {  	_ =	task.clear_ibuf [dreg:s6], $0x5FFFF;
	_ =	strace $0x90000049  }
0xb2: {  	s29 =	simm.s32 $0x9;
	_ =	strace $0x8000004B  }
0xb3: {  	_ =	swait.ge [sflag:s29], $0x1  }
0xb4: {  	[sflag:s29] =	ssyncadd.s32 $0xFFFFFFFF  }
0xb5: {  	_ =	strace $0x9000004B  }
0xb6: {  	_ =	sfence  }
0xb7: {  	s30 =	sld [smem:$0x0];
	_ =	sdelay $0x2  }
0xb8: {  	s31 =	sshll.u32 s1, $0xD;
	s1 =	sshrl.u32 s1, $0x2  }
0xb9: {  	s3 =	sand.u32 $0x4000, s31;
	s1 =	sadd.s32 s1, s30  }
0xba: {  	s0 =	sor.u32 s3, s0;
	s1 =	sshll.u32 s1, $0x11  }
0xbb: {  	s0 =	sor.u32 s1, s0  }
0xbc: {  	s0 =	sadd.s32 $0x8F2B, s0  }
0xbd: {  	[sflag:s0] =	ssyncadd.remote.s32 $0x1  }
0xbe: {  	_ =	sfence.sel $0xFFFF  }
0xbf: {  	[dreg:$0x0] =	wrdreg $0xFFFFFFFF;
	(pc) =	sbr.abs _section_cstart, $3  }
0xc0: {  	[dreg:$0x1] =	wrdreg $0xFFFFFFFF  }
0xc1: {  	_ =	task.clear_ibuf [dreg:s6], $0x2FFFF;
	_ =	strace $0x9FFFFFFF  }
0xc2: {  	(tm) =	ssettm $0x7FFFFFFF  }
0xc3: {  	_ =	shalt  }
tec
execute0_lowered:
.L_overlay_start_1:
0x0: {  	(tag) =	ssettag $0x1  }
0x1: {  	s0 =	srdreg.scid;
	s5 =	rddreg [dreg:$0x0]  }
0x2: {  	s12 =	stileid.u32;
	s2 =	rddreg [dreg:$0x1]  }
0x3: {  	s3 =	simm.s32 $0x0;
	s13 =	simm.s32 $0x80;
	s29 =	simm.s32 $0xD80  }
0x4: {  	s30 =	simm.s32 $0xBB00;
	s31 =	simm.s32 $0xE00;
	s14 =	simm.s32 $0xC300  }
0x5: {  	s15 =	simm.s32 $0xF00;
	s16 =	simm.s32 $0xC700;
	s17 =	simm.s32 $0xF80  }
0x6: {  	s18 =	simm.s32 $0xCB00;
	s19 =	simm.s32 $0x1;
	s20 =	simm.s32 $0x0  }
0x7: {  	s0 =	sand.u32 $0x1, s0;
	s6 =	smul.u32 $0x13C0, s12;
	[smem:$0x7FF] =	sst s3  }
0x8: {  	s4 =	sadd.s32 $0xEC00, s5;
	s28 =	sshll.u32 s12, $0x6;
	s1 =	sshll.u32 s0, $0x4  }
0x9: {  	s7 =	smul.u32 $0x13C00, s0;
	_ =	strace $0x8000004A;
	s0 =	ssub.s32 $0x2, s0  }
0xa: {  	s1 =	sor.u32 s12, s1;
	s8 =	sshrl.u32 s6, $0x3;
	s9 =	sshrl.u32 s0, $0x1  }
0xb: {  	s11 =	sadd.s32 s6, s2;
	s12 =	simm.s32 $0x2;
	s1 =	smul.u32 $0x4F0, s1  }
0xc: {  	s7 =	sadd.s32 s6, s7;
	s8 =	sadd.s32 s8, s5;
	s0 =	ssub.s32 s0, s9  }
0xd: {  	s6 =	sor.u32 $0x1C02, s28;
	s11 =	sshrl.u32 s11, $0x3;
	s7 =	sshrl.u32 s7, $0x3  }
0xe: {  	s1 =	sadd.s32 s1, s5;
	s10 =	sadd.s32 s7, s5;
	s5 =	sadd.s32 $0xC400, s8  }
0xf: {  	s7 =	sadd.s32 $0x13E00, s1;
	s8 =	sadd.s32 $0x2600, s1;
	s9 =	sadd.s32 $0x1DC00, s10  }
0x10: {  	s10 =	smax.u32 s0, $0x1;
	s1 =	simm.s32 $0xBF00;
	s0 =	simm.s32 $0xE80  }
.LBB2_1:
0x11: {  	[spmem:s11], [sflag:s6] =	dma.local [hbm:s5], $0x278  }
0x12: {  	_ =	swait.ge [sflag:s12], $0x278  }
0x13: {  	[sflag:s12] =	ssyncset.done $0x0  }
0x14: {  	[sflag:s12] =	ssyncadd.s32 $0xFFFFFD88  }
0x15: {  	[tilespmem:s3], [sflag:$0x2] =	stream.linear.gather [hbm4b:s7+s3], $0x2780, $0x38;
	[tilespmem:$0xE2C0] =	vst v63  }
0x16: {  	_ =	swait.ge [sflag:s12], $0x2780  }
0x17: {  	[sflag:s12] =	ssyncset.done $0x0  }
0x18: {  	s22 =	simm.s32 $0x2780;
	[sflag:s12] =	ssyncadd.s32 $0xFFFFD880  }
0x19: {  	[tilespmem:s22], [sflag:$0x2] =	stream.linear.gather [hbm4b:s8+s3], $0x2780, $0x38;
	[tilespmem:$0xE2C0] =	vst v63  }
0x1a: {  	_ =	swait.ge [sflag:s12], $0x2780  }
0x1b: {  	[sflag:s12] =	ssyncset.done $0x0  }
0x1c: {  	[sflag:s12] =	ssyncadd.s32 $0xFFFFD880  }
0x1d: {  	s21 =	simm.s32 $0x4F00;
	[bflag:$0x0] =	sbarrier.arrive $0xFFFF  }
0x1e: {  	[tilespmem:s21], [sflag:$0x1] =	stream.indirect.gather [hbm4b:s4+s13], $0x8, s3, s13, $0xb8;
	[tilespmem:$0xE2C0] =	vst v63  }
0x1f: {  	s23 =	simm.s32 $0x5300  }
0x20: {  	[tilespmem:s23], [sflag:$0x1] =	stream.indirect.gather [hbm4b:s4+s13], $0x8, s13, s13, $0xb8;
	[tilespmem:$0xE2C0] =	vst v63  }
0x21: {  	s24 =	simm.s32 $0x100;
	s23 =	simm.s32 $0x5700  }
0x22: {  	[tilespmem:s23], [sflag:$0x1] =	stream.indirect.gather [hbm4b:s4+s13], $0x8, s24, s13, $0xb8;
	[tilespmem:$0xE2C0] =	vst v63  }
0x23: {  	s25 =	simm.s32 $0x180;
	s26 =	simm.s32 $0x5B00  }
0x24: {  	[tilespmem:s26], [sflag:$0x1] =	stream.indirect.gather [hbm4b:s4+s13], $0x8, s25, s13, $0xb8;
	[tilespmem:$0xE2C0] =	vst v63  }
0x25: {  	s23 =	simm.s32 $0x200;
	s24 =	simm.s32 $0x5F00  }
0x26: {  	[tilespmem:s24], [sflag:$0x1] =	stream.indirect.gather [hbm4b:s4+s13], $0x8, s23, s13, $0xb8;
	[tilespmem:$0xE2C0] =	vst v63  }
0x27: {  	s25 =	simm.s32 $0x280;
	s26 =	simm.s32 $0x6300  }
0x28: {  	[tilespmem:s26], [sflag:$0x1] =	stream.indirect.gather [hbm4b:s4+s13], $0x8, s25, s13, $0xb8;
	[tilespmem:$0xE2C0] =	vst v63  }
0x29: {  	s23 =	simm.s32 $0x300;
	s24 =	simm.s32 $0x6700  }
0x2a: {  	[tilespmem:s24], [sflag:$0x1] =	stream.indirect.gather [hbm4b:s4+s13], $0x8, s23, s13, $0xb8;
	[tilespmem:$0xE2C0] =	vst v63  }
0x2b: {  	s25 =	simm.s32 $0x380;
	s26 =	simm.s32 $0x6B00  }
0x2c: {  	[tilespmem:s26], [sflag:$0x1] =	stream.indirect.gather [hbm4b:s4+s13], $0x8, s25, s13, $0xb8;
	[tilespmem:$0xE2C0] =	vst v63  }
0x2d: {  	s23 =	simm.s32 $0x400;
	s24 =	simm.s32 $0x6F00  }
0x2e: {  	[tilespmem:s24], [sflag:$0x1] =	stream.indirect.gather [hbm4b:s4+s13], $0x8, s23, s13, $0xb8;
	[tilespmem:$0xE2C0] =	vst v63  }
0x2f: {  	s25 =	simm.s32 $0x480;
	s26 =	simm.s32 $0x7300  }
0x30: {  	[tilespmem:s26], [sflag:$0x1] =	stream.indirect.gather [hbm4b:s4+s13], $0x8, s25, s13, $0xb8;
	[tilespmem:$0xE2C0] =	vst v63  }
0x31: {  	s23 =	simm.s32 $0x500;
	s24 =	simm.s32 $0x7700  }
0x32: {  	[tilespmem:s24], [sflag:$0x1] =	stream.indirect.gather [hbm4b:s4+s13], $0x8, s23, s13, $0xb8;
	[tilespmem:$0xE2C0] =	vst v63  }
0x33: {  	s25 =	simm.s32 $0x580;
	s26 =	simm.s32 $0x7B00  }
0x34: {  	[tilespmem:s26], [sflag:$0x1] =	stream.indirect.gather [hbm4b:s4+s13], $0x8, s25, s13, $0xb8;
	[tilespmem:$0xE2C0] =	vst v63  }
0x35: {  	s23 =	simm.s32 $0x600;
	s24 =	simm.s32 $0x7F00  }
0x36: {  	[tilespmem:s24], [sflag:$0x1] =	stream.indirect.gather [hbm4b:s4+s13], $0x8, s23, s13, $0xb8;
	[tilespmem:$0xE2C0] =	vst v63  }
0x37: {  	s25 =	simm.s32 $0x680;
	s26 =	simm.s32 $0x8300  }
0x38: {  	[tilespmem:s26], [sflag:$0x1] =	stream.indirect.gather [hbm4b:s4+s13], $0x8, s25, s13, $0xb8;
	[tilespmem:$0xE2C0] =	vst v63  }
0x39: {  	s23 =	simm.s32 $0x700;
	s24 =	simm.s32 $0x8700  }
0x3a: {  	[tilespmem:s24], [sflag:$0x1] =	stream.indirect.gather [hbm4b:s4+s13], $0x8, s23, s13, $0xb8;
	[tilespmem:$0xE2C0] =	vst v63  }
0x3b: {  	s25 =	simm.s32 $0x780;
	s26 =	simm.s32 $0x8B00  }
0x3c: {  	[tilespmem:s26], [sflag:$0x1] =	stream.indirect.gather [hbm4b:s4+s13], $0x8, s25, s13, $0xb8;
	[tilespmem:$0xE2C0] =	vst v63  }
0x3d: {  	s23 =	simm.s32 $0x800;
	s24 =	simm.s32 $0x8F00  }
0x3e: {  	[tilespmem:s24], [sflag:$0x1] =	stream.indirect.gather [hbm4b:s4+s13], $0x8, s23, s13, $0xb8;
	[tilespmem:$0xE2C0] =	vst v63  }
0x3f: {  	s25 =	simm.s32 $0x880;
	s26 =	simm.s32 $0x9300  }
0x40: {  	[tilespmem:s26], [sflag:$0x1] =	stream.indirect.gather [hbm4b:s4+s13], $0x8, s25, s13, $0xb8;
	[tilespmem:$0xE2C0] =	vst v63  }
0x41: {  	s23 =	simm.s32 $0x900;
	s24 =	simm.s32 $0x9700  }
0x42: {  	[tilespmem:s24], [sflag:$0x1] =	stream.indirect.gather [hbm4b:s4+s13], $0x8, s23, s13, $0xb8;
	[tilespmem:$0xE2C0] =	vst v63  }
0x43: {  	s25 =	simm.s32 $0x980;
	s26 =	simm.s32 $0x9B00  }
0x44: {  	[tilespmem:s26], [sflag:$0x1] =	stream.indirect.gather [hbm4b:s4+s13], $0x8, s25, s13, $0xb8;
	[tilespmem:$0xE2C0] =	vst v63  }
0x45: {  	s23 =	simm.s32 $0xA00;
	s24 =	simm.s32 $0x9F00  }
0x46: {  	[tilespmem:s24], [sflag:$0x1] =	stream.indirect.gather [hbm4b:s4+s13], $0x8, s23, s13, $0xb8;
	[tilespmem:$0xE2C0] =	vst v63  }
0x47: {  	s25 =	simm.s32 $0xA80;
	s26 =	simm.s32 $0xA300  }
0x48: {  	[tilespmem:s26], [sflag:$0x1] =	stream.indirect.gather [hbm4b:s4+s13], $0x8, s25, s13, $0xb8;
	[tilespmem:$0xE2C0] =	vst v63  }
0x49: {  	s23 =	simm.s32 $0xB00;
	s24 =	simm.s32 $0xA700  }
0x4a: {  	[tilespmem:s24], [sflag:$0x1] =	stream.indirect.gather [hbm4b:s4+s13], $0x8, s23, s13, $0xb8;
	[tilespmem:$0xE2C0] =	vst v63  }
0x4b: {  	s25 =	simm.s32 $0xB80;
	s26 =	simm.s32 $0xAB00  }
0x4c: {  	[tilespmem:s26], [sflag:$0x1] =	stream.indirect.gather [hbm4b:s4+s13], $0x8, s25, s13, $0xb8;
	[tilespmem:$0xE2C0] =	vst v63  }
0x4d: {  	s23 =	simm.s32 $0xC00;
	s24 =	simm.s32 $0xAF00  }
0x4e: {  	[tilespmem:s24], [sflag:$0x1] =	stream.indirect.gather [hbm4b:s4+s13], $0x8, s23, s13, $0xb8;
	[tilespmem:$0xE2C0] =	vst v63  }
0x4f: {  	s25 =	simm.s32 $0xC80;
	s26 =	simm.s32 $0xB300  }
0x50: {  	[tilespmem:s26], [sflag:$0x1] =	stream.indirect.gather [hbm4b:s4+s13], $0x8, s25, s13, $0xb8;
	[tilespmem:$0xE2C0] =	vst v63  }
0x51: {  	s23 =	simm.s32 $0xD00;
	s24 =	simm.s32 $0xB700  }
0x52: {  	[tilespmem:s24], [sflag:$0x1] =	stream.indirect.gather [hbm4b:s4+s13], $0x8, s23, s13, $0xb8;
	[tilespmem:$0xE2C0] =	vst v63  }
0x53: {  	_ = 	snop  }
0x54: {  	[tilespmem:s30], [sflag:$0x1] =	stream.indirect.gather [hbm4b:s4+s13], $0x8, s29, s13, $0xb8;
	[tilespmem:$0xE2C0] =	vst v63  }
0x55: {  	_ = 	snop  }
0x56: {  	[tilespmem:s1], [sflag:$0x1] =	stream.indirect.gather [hbm4b:s4+s13], $0x8, s31, s13, $0xb8;
	[tilespmem:$0xE2C0] =	vst v63  }
0x57: {  	_ = 	snop  }
0x58: {  	[tilespmem:s14], [sflag:$0x1] =	stream.indirect.gather [hbm4b:s4+s13], $0x8, s0, s13, $0xb8;
	[tilespmem:$0xE2C0] =	vst v63  }
0x59: {  	_ = 	snop  }
0x5a: {  	[tilespmem:s16], [sflag:$0x1] =	stream.indirect.gather [hbm4b:s4+s13], $0x8, s15, s13, $0xb8;
	[tilespmem:$0xE2C0] =	vst v63  }
0x5b: {  	_ = 	snop  }
0x5c: {  	[tilespmem:s18], [sflag:$0x1] =	stream.indirect.gather [hbm4b:s4+s13], $0x8, s17, s13, $0xb8;
	[tilespmem:$0xE2C0] =	vst v63  }
0x5d: {  	s25 =	sand.u32 $0x1F000, s3;
	_ =	swait.ge [sflag:s19], $0x400  }
0x5e: {  	s26 =	sshrl.u32 s25, $0x2;
	[sflag:s19] =	ssyncset.done $0x0  }
0x5f: {  	p1 =	por $0x0, $0x0;
	s25 =	sadd.s32 $0x4F00, s26;
	[sflag:s19] =	ssyncadd.s32 $0xFFFFFC00  }
0x60: {  	[spmem:s2] =	stream.indirect.scatter.add.f32 [tilespmem:s25], [sflag:$0x2], $0x8, s22, s13, $0xb8;
	[tilespmem:$0xE2C0] =	vst v63  }
0x61: {  	s28 =	simm.s32 @!p1 $0x80;
	s21 =	simm.s32 $0x1000;
	_ =	swait.ge [sflag:s12], $0x400  }
0x62: {  	s23 =	simm.s32 $0x1000;
	s24 =	simm.s32 $0x2800;
	[sflag:s12] =	ssyncset.done $0x0  }
0x63: {  	s26 =	simm.s32 $0x1080;
	s22 =	simm.s32 $0x1;
	[sflag:s12] =	ssyncadd.s32 $0xFFFFFC00  }
.LBB2_2:
0x64: {  	[tilespmem:s25], [sflag:$0x1] =	stream.indirect.gather @!p1 [hbm4b:s4+s28], $0x8, s21, s28, $0xb8;
	[tilespmem:$0xE2C0] =	vst v63  }
0x65: {  	s28 =	smov.u32 s22;
	s21 =	smov.u32 s26  }
0x66: {  	s25 =	sand.u32 $0x1F000, s23;
	s22 =	sadd.s32 $0x1, s22;
	_ =	swait.ge [sflag:s19], $0x400  }
0x67: {  	s25 =	sshrl.u32 s25, $0x2;
	p0 =	sne.s32 s22, $0x4F;
	[sflag:s19] =	ssyncset.done $0x0  }
.Ltmp0:
0x68: {  	s25 =	sadd.s32 $0x4F00, s25;
	[sflag:s19] =	ssyncadd.s32 $0xFFFFFC00;
	(pc) =	sbr.rel @p0 .LBB2_2-.Ltmp0, $4  }
0x69: {  	[spmem:s2] =	stream.indirect.scatter.add.f32 [tilespmem:s25], [sflag:$0x2], $0x8, s24, s13, $0xb8;
	[tilespmem:$0xE2C0] =	vst v63  }
0x6a: {  	s23 =	sadd.s32 $0x1000, s23;
	_ =	swait.ge [sflag:s12], $0x400  }
0x6b: {  	p1 =	sgt.u32 s28, $0x2E;
	s24 =	sadd.s32 $0x80, s24;
	[sflag:s12] =	ssyncset.done $0x0  }
0x6c: {  	s26 =	sadd.s32 $0x80, s26;
	s28 =	simm.s32 @!p1 $0x80;
	[sflag:s12] =	ssyncadd.s32 $0xFFFFFC00  }
0x6d: {  	[tilespmem:s25], [sflag:$0x1] =	stream.indirect.gather @!p1 [hbm4b:s4+s28], $0x8, s21, s28, $0xb8;
	[tilespmem:$0xE2C0] =	vst v63  }
0x6e: {  	s20 =	sadd.s32 $0x1, s20  }
0x6f: {  	p0 =	sne.s32 s20, s10  }
.Ltmp1:
0x70: {  	[bflag:$0x0] =	sbarrier.arrive $0xFFFF;
	(pc) =	sbr.rel @p0 .LBB2_1-.Ltmp1, $4  }
0x71: {  	[hbm:s9], [sflag:s6] =	dma.local [spmem:s11], $0x278  }
0x72: {  	_ =	swait.ge [sflag:s12], $0x278  }
0x73: {  	[sflag:s12] =	ssyncset.done $0x0  }
0x74: {  	[sflag:s12] =	ssyncadd.s32 $0xFFFFFD88  }
0x75: {  	_ =	sfence.sel $0x180000  }
0x76: {  	[bflag:$0x0] =	sbarrier.arrive $0xFFFF  }
0x77: {  	_ =	strace $0x9000004A  }
0x78: {  	s0 =	stileid.u32;
	[bflag:$0x2] =	sbarrier.arrive $0xFFFF  }
0x79: {  	p0 =	sne.s32 s0, $0x0;
	s0 =	rddreg [dreg:$0x2]  }
0x7a: {  	s0 =	sadd.s32 @!p0 $0x100000, s0  }
0x7b: {  	[sflag:s0] =	ssyncadd.tile.s32 @!p0 $0x1;
	_ =	shalt  }
.Lfunc_end2:
_tile_overlayer_lowered:
.L_overlay_start_2:
0x7c: {  	(tag) =	ssettag $0x2  }
0x7d: {  	s0 =	rddreg [dreg:$0x0];
	s2 =	stileid.u32  }
0x7e: {  	s1 =	rddreg [dreg:$0x1];
	p0 =	sne.s32 s2, $0x0  }
0x7f: {  	s3 =	rddreg [dreg:$0x2];
	[bflag:$0x3] =	sbarrier.arrive $0xFFFF;
	s2 =	simm.s32 @!p0 $0x1C02  }
0x80: {  	[timem:s3], [sflag:s2] =	dma.local @!p0 [hbm:s0], s1  }
0x81: {  	s0 =	simm.s32 @!p0 $0x2  }
0x82: {  	_ =	swait.ge @!p0 [sflag:s0], s1  }
0x83: {  	s1 =	ssub.s32 @!p0 $0x0, s1;
	[sflag:s0] =	ssyncset.done @!p0 $0x0  }
0x84: {  	[sflag:s0] =	ssyncadd.s32 @!p0 s1  }
0x85: {  	[bflag:$0x3] =	sbarrier.arrive $0xFFFF  }
0x86: {  	_ =	shalt  }

// kernel: sc_edge_pass_w8.8.cloned.1.call-start
scs
__scs_entry_jumppad:
0x0: {  	(pc) =	sbr.rel $0x88, $3  }
0x1: {  	(tag) =	ssettag $0x0;
	lr =	simm.s32 $0x1  }
0x2: {  	[smem:$0x3F94] =	sst lr;
	_ =	strace $0xD0000000  }
0x3: {  	_ = 	snop  }
0x4: {  	_ = 	snop  }
0x5: {  	_ = 	snop  }
0x6: {  	_ = 	snop  }
0x7: {  	_ = 	snop  }
__scs_overlays_trampoline_lowered:
0x8: {  	[smem:$0x3FA3] =	sst s0  }
0x9: {  	[smem:$0x3FA4] =	sst s1  }
0xa: {  	[smem:$0x3FA5] =	sst s2  }
0xb: {  	[smem:$0x3FA6] =	sst s3  }
0xc: {  	[smem:$0x3FA7] =	sst s4  }
0xd: {  	[smem:$0x3FA8] =	sst s5  }
0xe: {  	[smem:$0x3FA9] =	sst s6  }
0xf: {  	[smem:$0x3FAA] =	sst s7  }
0x10: {  	[smem:$0x3FAB] =	sst s8  }
0x11: {  	[smem:$0x3FAC] =	sst s9;
	s0 =	simm.s32 @!p0 $0x0  }
0x12: {  	s1 =	sld [smem:$0x3F92];
	s0 =	simm.s32 @p0 $0x1  }
0x13: {  	[smem:$0x3FAD] =	sst s0;
	s0 =	simm.s32 @!p1 $0x0  }
0x14: {  	s2 =	sld [smem:$0x3F91];
	s0 =	simm.s32 @p1 $0x1  }
0x15: {  	[smem:$0x3FAE] =	sst s0;
	s0 =	simm.s32 @!p2 $0x0  }
0x16: {  	s3 =	sld [smem:$0x3FDB];
	s0 =	simm.s32 @p2 $0x1  }
0x17: {  	s4 =	simm.s32 $0x1BF5;
	[smem:$0x3FB0] =	sst s0  }
0x18: {  	s0 =	sld [smem:$0x3F93];
	_ =	swait.ge [sflag:s4], $0x0  }
0x19: {  	s7 =	sld [smem:$0x3F94]  }
0x1a: {  	s8 =	sadd.s32 $0xFFFFE003, lr  }
0x1b: {  	s9 =	sadd.s32 $0xFFFFFEF7, lr;
	s5 =	simm.s32 $0xFFFFFFFF;
	p2 =	slt.u32 s8, $0xFFFFF086  }
0x1c: {  	p1 =	slt.u32 s9, $0xF7A;
	s5 =	simm.s32 @!p2 $0x0  }
0x1d: {  	s5 =	simm.s32 @p1 $0x1;
	p0 =	seq.s32 s7, s2  }
0x1e: {  	s7 =	smul.u32 @!p0 $0xF7A, s2;
	p2 =	seq.s32 @!p0 s5, $0x0  }
0x1f: {  	s9 =	smul.u32 $0xF7A, s1;
	s8 =	simm.s32 @!p0 $0x1BF5;
	p2 =	por !p2, p0  }
0x20: {  	[sflag:s8] =	ssyncset.s32 @!p0 $0xFFFFF086;
	s6 =	sadd.s32 @!p0 s3, s7;
	s7 =	simm.s32 @!p0 $0x108  }
0x21: {  	s3 =	sadd.s32 s3, s9;
	s6 =	sadd.s32 @!p0 $0x88, s6;
	s7 =	simm.s32 @p2 $0x1082  }
0x22: {  	[simem:s7], [sflag:s8] =	dma.local @!p0 [hbm:s6], $0xF7A  }
0x23: {  	s9 =	sor.u32 $0xD0000000, s2;
	s6 =	simm.s32 $0x108;
	_ =	swait.ge @!p0 [sflag:s8], $0x0  }
0x24: {  	s3 =	sadd.s32 $0x88, s3;
	s6 =	simm.s32 @!p1 $0x1082;
	[sflag:s4] =	ssyncset.s32 $0xFFFFF086  }
0x25: {  	[simem:s6], [sflag:s4] =	dma.local [hbm:s3], $0xF7A  }
0x26: {  	[smem:$0x3F94] =	sst s1;
	(tag) =	ssettag s2;
	_ =	strace s9  }
0x27: {  	s1 =	sld [smem:$0x3FA4]  }
0x28: {  	s2 =	sld [smem:$0x3FA5]  }
0x29: {  	s4 =	sld [smem:$0x3FA7]  }
0x2a: {  	p0 =	seq.s32 s5, $0x0;
	s5 =	sld [smem:$0x3FA8]  }
0x2b: {  	s6 =	sld [smem:$0x3FA9]  }
0x2c: {  	s7 =	sld [smem:$0x3FAA]  }
0x2d: {  	s3 =	simm.s32 $0x108;
	s8 =	sld [smem:$0x3FAB]  }
0x2e: {  	s3 =	simm.s32 @!p0 $0x1082;
	s9 =	sld [smem:$0x3FAC]  }
0x2f: {  	lr =	sadd.s32 s0, s3;
	s0 =	sld [smem:$0x3FA3]  }
0x30: {  	s3 =	sld [smem:$0x3FA6]  }
0x31: {  	[smem:$0x3FAF] =	sst s10  }
0x32: {  	s10 =	sld [smem:$0x3FAD];
	_ =	sdelay $0x3  }
0x33: {  	p0 =	seq.s32 s10, $0x1;
	s10 =	sld [smem:$0x3FAF];
	_ =	sdelay $0x3  }
0x34: {  	[smem:$0x3FAF] =	sst s10  }
0x35: {  	s10 =	sld [smem:$0x3FAE];
	_ =	sdelay $0x3  }
0x36: {  	p1 =	seq.s32 s10, $0x1;
	s10 =	sld [smem:$0x3FAF];
	_ =	sdelay $0x3  }
0x37: {  	[smem:$0x3FAF] =	sst s10  }
0x38: {  	s10 =	sld [smem:$0x3FB0]  }
0x39: {  	_ = 	snop;
	(pc) =	sbr.ind lr, $3  }
0x3a: {  	_ = 	snop  }
0x3b: {  	_ = 	snop  }
0x3c: {  	p2 =	seq.s32 s10, $0x1;
	s10 =	sld [smem:$0x3FAF]  }
0x3d: {  	_ =	shalt  }
0x3e: {  	_ =	shalt  }
0x3f: {  	_ =	shalt  }
0x40: {  	_ =	shalt  }
0x41: {  	_ =	shalt  }
0x42: {  	_ =	shalt  }
0x43: {  	_ =	shalt  }
0x44: {  	_ =	shalt  }
0x45: {  	_ =	shalt  }
0x46: {  	_ =	shalt  }
0x47: {  	_ =	shalt  }
0x48: {  	_ =	shalt  }
0x49: {  	_ =	shalt  }
0x4a: {  	_ =	shalt  }
0x4b: {  	_ =	shalt  }
0x4c: {  	_ =	shalt  }
0x4d: {  	_ =	shalt  }
0x4e: {  	_ =	shalt  }
0x4f: {  	_ =	shalt  }
0x50: {  	_ =	shalt  }
0x51: {  	_ =	shalt  }
0x52: {  	_ =	shalt  }
0x53: {  	_ =	shalt  }
0x54: {  	_ =	shalt  }
0x55: {  	_ =	shalt  }
0x56: {  	_ =	shalt  }
0x57: {  	_ =	shalt  }
0x58: {  	_ =	shalt  }
0x59: {  	_ =	shalt  }
0x5a: {  	_ =	shalt  }
0x5b: {  	_ =	shalt  }
0x5c: {  	_ =	shalt  }
0x5d: {  	_ =	shalt  }
0x5e: {  	_ =	shalt  }
0x5f: {  	_ =	shalt  }
0x60: {  	_ =	shalt  }
0x61: {  	_ =	shalt  }
0x62: {  	_ =	shalt  }
0x63: {  	_ =	shalt  }
0x64: {  	_ =	shalt  }
0x65: {  	_ =	shalt  }
0x66: {  	_ =	shalt  }
0x67: {  	_ =	shalt  }
0x68: {  	_ =	shalt  }
0x69: {  	_ =	shalt  }
0x6a: {  	_ =	shalt  }
0x6b: {  	_ =	shalt  }
0x6c: {  	_ =	shalt  }
0x6d: {  	_ =	shalt  }
0x6e: {  	_ =	shalt  }
0x6f: {  	_ =	shalt  }
0x70: {  	_ =	shalt  }
0x71: {  	_ =	shalt  }
0x72: {  	_ =	shalt  }
0x73: {  	_ =	shalt  }
0x74: {  	_ =	shalt  }
0x75: {  	_ =	shalt  }
0x76: {  	_ =	shalt  }
0x77: {  	_ =	shalt  }
0x78: {  	_ =	shalt  }
0x79: {  	_ =	shalt  }
0x7a: {  	_ =	shalt  }
0x7b: {  	_ =	shalt  }
0x7c: {  	_ =	shalt  }
0x7d: {  	_ =	shalt  }
0x7e: {  	_ =	shalt  }
0x7f: {  	_ =	shalt  }
0x80: {  	_ =	shalt  }
0x81: {  	_ =	shalt  }
0x82: {  	_ =	shalt  }
0x83: {  	_ =	shalt  }
0x84: {  	_ =	shalt  }
0x85: {  	_ =	shalt  }
0x86: {  	_ =	shalt  }
0x87: {  	_ =	shalt  }
.Lfunc_end0:
.L_simem_size_0:
called_computation.2_lowered:
.L_overlay_start_0:
0x88: {  	s2 =	sld [smem:$0x3FD9]  }
0x89: {  	s3 =	sld [smem:$0x3FFE];
	_ =	sdelay $0x1  }
0x8a: {  	s1 =	srdreg.scid  }
0x8b: {  	s0 =	sand.u32 $0x1, s1  }
0x8c: {  	s16 =	sshll.u32 s0, $0xA;
	s2 =	sadd.s32 s3, s2  }
0x8d: {  	s2 =	sadd.s32 s2, s16  }
0x8e: {  	[smem:$0x3FBB] =	sst s2  }
0x8f: {  	_ = 	snop  }
0x90: {  	(tm) =	ssettm $0x1  }
0x91: {  	s17 =	sld [smem:$0x3FFB];
	_ =	sdelay $0x3  }
0x92: {  	_ =	strace s17  }
0x93: {  	s2 =	sld [smem:$0x3FFC];
	_ =	sdelay $0x3  }
0x94: {  	_ =	strace s2  }
0x95: {  	s2 =	sld [smem:$0x3FFD];
	_ =	sdelay $0x3  }
0x96: {  	_ =	strace s2  }
0x97: {  	_ =	strace $0x8FFFFFFF  }
0x98: {  	s18 =	sld [smem:$0x3FDB];
	_ =	sdelay $0x1  }
0x99: {  	s19 =	simm.s32 $_scs_section_size  }
0x9a: {  	s4 =	simm.s32 $_size__tile_overlayer_lowered;
	s5 =	simm.s32 $_tile_overlayer_lowered  }
0x9b: {  	s22 =	simm.s32 $0x1BFF;
	s21 =	sshll.u32 s5, $0x1;
	s2 =	sadd.s32 s19, s18  }
0x9c: {  	s6 =	simm.s32 $0x0;
	s20 =	sshll.u32 s4, $0x1;
	s4 =	sadd.s32 s21, s2  }
0x9d: {  	[timem:s6], [sflag:s22] =	dma.local [hbm:s4], s20  }
0x9e: {  	_ =	swait.ge [sflag:s22], s20  }
0x9f: {  	s3 =	ssub.s32 $0x0, s20;
	[sflag:s22] =	ssyncset.done $0x0  }
0xa0: {  	[sflag:s22] =	ssyncadd.s32 s3;
	_ =	sdelay $0x1  }
0xa1: {  	s23 =	simm.s32 $0x1B8B  }
0xa2: {  	_ =	swait.ge [sflag:s23], $0x1  }
0xa3: {  	[sflag:s23] =	ssyncset.done $0x0  }
0xa4: {  	s25 =	simm.s32 $0x1B8E;
	s24 =	sld [smem:$0x3FFE];
	[sflag:s23] =	ssyncadd.s32 $0xFFFFFFFF  }
0xa5: {  	s26 =	simm.s32 $execute0_lowered;
	[smem:$0x3FD2] =	sst s25  }
0xa6: {  	s4 =	sshll.u32 s26, $0x1;
	_ =	strace $0x8000004C;
	[dreg:$0x1] =	wrdreg $0xFFFFFFFF  }
0xa7: {  	s28 =	simm.s32 $_size_execute0_lowered;
	s2 =	sadd.s32 s2, s4;
	[dreg:$0x0] =	wrdreg $0x0  }
0xa8: {  	s4 =	sshll.u32 s28, $0x1;
	[dreg:$0x2] =	wrdreg s2  }
0xa9: {  	[dreg:$0x3] =	wrdreg s4  }
0xaa: {  	[dreg:$0x4] =	wrdreg $0xC0  }
0xab: {  	_ =	task [dreg:s6], $0x5FFFF  }
0xac: {  	[dreg:$0x1] =	wrdreg $0xFFFFFFFF  }
0xad: {  	[dreg:$0x0] =	wrdreg $0x60  }
0xae: {  	[dreg:$0x2] =	wrdreg s24  }
0xaf: {  	[dreg:$0x3] =	wrdreg $0xCF000  }
0xb0: {  	[dreg:$0x4] =	wrdreg $0x9  }
0xb1: {  	_ =	task.clear_ibuf [dreg:s6], $0x5FFFF;
	_ =	strace $0x9000004C  }
0xb2: {  	s29 =	simm.s32 $0x9;
	_ =	strace $0x8000004E  }
0xb3: {  	_ =	swait.ge [sflag:s29], $0x1  }
0xb4: {  	[sflag:s29] =	ssyncadd.s32 $0xFFFFFFFF  }
0xb5: {  	_ =	strace $0x9000004E  }
0xb6: {  	_ =	sfence  }
0xb7: {  	s30 =	sld [smem:$0x0];
	_ =	sdelay $0x2  }
0xb8: {  	s31 =	sshll.u32 s1, $0xD;
	s1 =	sshrl.u32 s1, $0x2  }
0xb9: {  	s3 =	sand.u32 $0x4000, s31;
	s1 =	sadd.s32 s1, s30  }
0xba: {  	s0 =	sor.u32 s3, s0;
	s1 =	sshll.u32 s1, $0x11  }
0xbb: {  	s0 =	sor.u32 s1, s0  }
0xbc: {  	s0 =	sadd.s32 $0x8F2B, s0  }
0xbd: {  	[sflag:s0] =	ssyncadd.remote.s32 $0x1  }
0xbe: {  	_ =	sfence.sel $0xFFFF  }
0xbf: {  	[dreg:$0x0] =	wrdreg $0xFFFFFFFF;
	(pc) =	sbr.abs _section_cstart, $3  }
0xc0: {  	[dreg:$0x1] =	wrdreg $0xFFFFFFFF  }
0xc1: {  	_ =	task.clear_ibuf [dreg:s6], $0x2FFFF;
	_ =	strace $0x9FFFFFFF  }
0xc2: {  	(tm) =	ssettm $0x7FFFFFFF  }
0xc3: {  	_ =	shalt  }
tec
execute0_lowered:
.L_overlay_start_1:
0x0: {  	(tag) =	ssettag $0x1  }
0x1: {  	s0 =	srdreg.scid;
	s5 =	rddreg [dreg:$0x0]  }
0x2: {  	s12 =	stileid.u32;
	s2 =	rddreg [dreg:$0x1]  }
0x3: {  	s3 =	simm.s32 $0x0;
	s13 =	simm.s32 $0x80;
	s29 =	simm.s32 $0xD80  }
0x4: {  	s30 =	simm.s32 $0xBB00;
	s31 =	simm.s32 $0xE00;
	s14 =	simm.s32 $0xC300  }
0x5: {  	s15 =	simm.s32 $0xF00;
	s16 =	simm.s32 $0xC700;
	s17 =	simm.s32 $0xF80  }
0x6: {  	s18 =	simm.s32 $0xCB00;
	s19 =	simm.s32 $0x1;
	s20 =	simm.s32 $0x0  }
0x7: {  	s0 =	sand.u32 $0x1, s0;
	s6 =	smul.u32 $0x13C0, s12;
	[smem:$0x7FF] =	sst s3  }
0x8: {  	s4 =	sadd.s32 $0xEC00, s5;
	s28 =	sshll.u32 s12, $0x6;
	s1 =	sshll.u32 s0, $0x4  }
0x9: {  	s7 =	smul.u32 $0x13C00, s0;
	_ =	strace $0x8000004D;
	s0 =	ssub.s32 $0x2, s0  }
0xa: {  	s1 =	sor.u32 s12, s1;
	s8 =	sshrl.u32 s6, $0x3;
	s9 =	sshrl.u32 s0, $0x1  }
0xb: {  	s11 =	sadd.s32 s6, s2;
	s12 =	simm.s32 $0x2;
	s1 =	smul.u32 $0x4F0, s1  }
0xc: {  	s7 =	sadd.s32 s6, s7;
	s8 =	sadd.s32 s8, s5;
	s0 =	ssub.s32 s0, s9  }
0xd: {  	s6 =	sor.u32 $0x1C02, s28;
	s11 =	sshrl.u32 s11, $0x3;
	s7 =	sshrl.u32 s7, $0x3  }
0xe: {  	s1 =	sadd.s32 s1, s5;
	s10 =	sadd.s32 s7, s5;
	s5 =	sadd.s32 $0xC400, s8  }
0xf: {  	s7 =	sadd.s32 $0x13E00, s1;
	s8 =	sadd.s32 $0x2600, s1;
	s9 =	sadd.s32 $0x1DC00, s10  }
0x10: {  	s10 =	smax.u32 s0, $0x1;
	s1 =	simm.s32 $0xBF00;
	s0 =	simm.s32 $0xE80  }
.LBB2_1:
0x11: {  	[spmem:s11], [sflag:s6] =	dma.local [hbm:s5], $0x278  }
0x12: {  	_ =	swait.ge [sflag:s12], $0x278  }
0x13: {  	[sflag:s12] =	ssyncset.done $0x0  }
0x14: {  	[sflag:s12] =	ssyncadd.s32 $0xFFFFFD88  }
0x15: {  	[tilespmem:s3], [sflag:$0x2] =	stream.linear.gather [hbm4b:s7+s3], $0x2780, $0x38;
	[tilespmem:$0xE2C0] =	vst v63  }
0x16: {  	_ =	swait.ge [sflag:s12], $0x2780  }
0x17: {  	[sflag:s12] =	ssyncset.done $0x0  }
0x18: {  	s22 =	simm.s32 $0x2780;
	[sflag:s12] =	ssyncadd.s32 $0xFFFFD880  }
0x19: {  	[tilespmem:s22], [sflag:$0x2] =	stream.linear.gather [hbm4b:s8+s3], $0x2780, $0x38;
	[tilespmem:$0xE2C0] =	vst v63  }
0x1a: {  	_ =	swait.ge [sflag:s12], $0x2780  }
0x1b: {  	[sflag:s12] =	ssyncset.done $0x0  }
0x1c: {  	[sflag:s12] =	ssyncadd.s32 $0xFFFFD880  }
0x1d: {  	s21 =	simm.s32 $0x4F00;
	[bflag:$0x0] =	sbarrier.arrive $0xFFFF  }
0x1e: {  	[tilespmem:s21], [sflag:$0x1] =	stream.indirect.gather [hbm4b:s4+s13], $0x8, s3, s13, $0xb8;
	[tilespmem:$0xE2C0] =	vst v63  }
0x1f: {  	s23 =	simm.s32 $0x5300  }
0x20: {  	[tilespmem:s23], [sflag:$0x1] =	stream.indirect.gather [hbm4b:s4+s13], $0x8, s13, s13, $0xb8;
	[tilespmem:$0xE2C0] =	vst v63  }
0x21: {  	s24 =	simm.s32 $0x100;
	s23 =	simm.s32 $0x5700  }
0x22: {  	[tilespmem:s23], [sflag:$0x1] =	stream.indirect.gather [hbm4b:s4+s13], $0x8, s24, s13, $0xb8;
	[tilespmem:$0xE2C0] =	vst v63  }
0x23: {  	s25 =	simm.s32 $0x180;
	s26 =	simm.s32 $0x5B00  }
0x24: {  	[tilespmem:s26], [sflag:$0x1] =	stream.indirect.gather [hbm4b:s4+s13], $0x8, s25, s13, $0xb8;
	[tilespmem:$0xE2C0] =	vst v63  }
0x25: {  	s23 =	simm.s32 $0x200;
	s24 =	simm.s32 $0x5F00  }
0x26: {  	[tilespmem:s24], [sflag:$0x1] =	stream.indirect.gather [hbm4b:s4+s13], $0x8, s23, s13, $0xb8;
	[tilespmem:$0xE2C0] =	vst v63  }
0x27: {  	s25 =	simm.s32 $0x280;
	s26 =	simm.s32 $0x6300  }
0x28: {  	[tilespmem:s26], [sflag:$0x1] =	stream.indirect.gather [hbm4b:s4+s13], $0x8, s25, s13, $0xb8;
	[tilespmem:$0xE2C0] =	vst v63  }
0x29: {  	s23 =	simm.s32 $0x300;
	s24 =	simm.s32 $0x6700  }
0x2a: {  	[tilespmem:s24], [sflag:$0x1] =	stream.indirect.gather [hbm4b:s4+s13], $0x8, s23, s13, $0xb8;
	[tilespmem:$0xE2C0] =	vst v63  }
0x2b: {  	s25 =	simm.s32 $0x380;
	s26 =	simm.s32 $0x6B00  }
0x2c: {  	[tilespmem:s26], [sflag:$0x1] =	stream.indirect.gather [hbm4b:s4+s13], $0x8, s25, s13, $0xb8;
	[tilespmem:$0xE2C0] =	vst v63  }
0x2d: {  	s23 =	simm.s32 $0x400;
	s24 =	simm.s32 $0x6F00  }
0x2e: {  	[tilespmem:s24], [sflag:$0x1] =	stream.indirect.gather [hbm4b:s4+s13], $0x8, s23, s13, $0xb8;
	[tilespmem:$0xE2C0] =	vst v63  }
0x2f: {  	s25 =	simm.s32 $0x480;
	s26 =	simm.s32 $0x7300  }
0x30: {  	[tilespmem:s26], [sflag:$0x1] =	stream.indirect.gather [hbm4b:s4+s13], $0x8, s25, s13, $0xb8;
	[tilespmem:$0xE2C0] =	vst v63  }
0x31: {  	s23 =	simm.s32 $0x500;
	s24 =	simm.s32 $0x7700  }
0x32: {  	[tilespmem:s24], [sflag:$0x1] =	stream.indirect.gather [hbm4b:s4+s13], $0x8, s23, s13, $0xb8;
	[tilespmem:$0xE2C0] =	vst v63  }
0x33: {  	s25 =	simm.s32 $0x580;
	s26 =	simm.s32 $0x7B00  }
0x34: {  	[tilespmem:s26], [sflag:$0x1] =	stream.indirect.gather [hbm4b:s4+s13], $0x8, s25, s13, $0xb8;
	[tilespmem:$0xE2C0] =	vst v63  }
0x35: {  	s23 =	simm.s32 $0x600;
	s24 =	simm.s32 $0x7F00  }
0x36: {  	[tilespmem:s24], [sflag:$0x1] =	stream.indirect.gather [hbm4b:s4+s13], $0x8, s23, s13, $0xb8;
	[tilespmem:$0xE2C0] =	vst v63  }
0x37: {  	s25 =	simm.s32 $0x680;
	s26 =	simm.s32 $0x8300  }
0x38: {  	[tilespmem:s26], [sflag:$0x1] =	stream.indirect.gather [hbm4b:s4+s13], $0x8, s25, s13, $0xb8;
	[tilespmem:$0xE2C0] =	vst v63  }
0x39: {  	s23 =	simm.s32 $0x700;
	s24 =	simm.s32 $0x8700  }
0x3a: {  	[tilespmem:s24], [sflag:$0x1] =	stream.indirect.gather [hbm4b:s4+s13], $0x8, s23, s13, $0xb8;
	[tilespmem:$0xE2C0] =	vst v63  }
0x3b: {  	s25 =	simm.s32 $0x780;
	s26 =	simm.s32 $0x8B00  }
0x3c: {  	[tilespmem:s26], [sflag:$0x1] =	stream.indirect.gather [hbm4b:s4+s13], $0x8, s25, s13, $0xb8;
	[tilespmem:$0xE2C0] =	vst v63  }
0x3d: {  	s23 =	simm.s32 $0x800;
	s24 =	simm.s32 $0x8F00  }
0x3e: {  	[tilespmem:s24], [sflag:$0x1] =	stream.indirect.gather [hbm4b:s4+s13], $0x8, s23, s13, $0xb8;
	[tilespmem:$0xE2C0] =	vst v63  }
0x3f: {  	s25 =	simm.s32 $0x880;
	s26 =	simm.s32 $0x9300  }
0x40: {  	[tilespmem:s26], [sflag:$0x1] =	stream.indirect.gather [hbm4b:s4+s13], $0x8, s25, s13, $0xb8;
	[tilespmem:$0xE2C0] =	vst v63  }
0x41: {  	s23 =	simm.s32 $0x900;
	s24 =	simm.s32 $0x9700  }
0x42: {  	[tilespmem:s24], [sflag:$0x1] =	stream.indirect.gather [hbm4b:s4+s13], $0x8, s23, s13, $0xb8;
	[tilespmem:$0xE2C0] =	vst v63  }
0x43: {  	s25 =	simm.s32 $0x980;
	s26 =	simm.s32 $0x9B00  }
0x44: {  	[tilespmem:s26], [sflag:$0x1] =	stream.indirect.gather [hbm4b:s4+s13], $0x8, s25, s13, $0xb8;
	[tilespmem:$0xE2C0] =	vst v63  }
0x45: {  	s23 =	simm.s32 $0xA00;
	s24 =	simm.s32 $0x9F00  }
0x46: {  	[tilespmem:s24], [sflag:$0x1] =	stream.indirect.gather [hbm4b:s4+s13], $0x8, s23, s13, $0xb8;
	[tilespmem:$0xE2C0] =	vst v63  }
0x47: {  	s25 =	simm.s32 $0xA80;
	s26 =	simm.s32 $0xA300  }
0x48: {  	[tilespmem:s26], [sflag:$0x1] =	stream.indirect.gather [hbm4b:s4+s13], $0x8, s25, s13, $0xb8;
	[tilespmem:$0xE2C0] =	vst v63  }
0x49: {  	s23 =	simm.s32 $0xB00;
	s24 =	simm.s32 $0xA700  }
0x4a: {  	[tilespmem:s24], [sflag:$0x1] =	stream.indirect.gather [hbm4b:s4+s13], $0x8, s23, s13, $0xb8;
	[tilespmem:$0xE2C0] =	vst v63  }
0x4b: {  	s25 =	simm.s32 $0xB80;
	s26 =	simm.s32 $0xAB00  }
0x4c: {  	[tilespmem:s26], [sflag:$0x1] =	stream.indirect.gather [hbm4b:s4+s13], $0x8, s25, s13, $0xb8;
	[tilespmem:$0xE2C0] =	vst v63  }
0x4d: {  	s23 =	simm.s32 $0xC00;
	s24 =	simm.s32 $0xAF00  }
0x4e: {  	[tilespmem:s24], [sflag:$0x1] =	stream.indirect.gather [hbm4b:s4+s13], $0x8, s23, s13, $0xb8;
	[tilespmem:$0xE2C0] =	vst v63  }
0x4f: {  	s25 =	simm.s32 $0xC80;
	s26 =	simm.s32 $0xB300  }
0x50: {  	[tilespmem:s26], [sflag:$0x1] =	stream.indirect.gather [hbm4b:s4+s13], $0x8, s25, s13, $0xb8;
	[tilespmem:$0xE2C0] =	vst v63  }
0x51: {  	s23 =	simm.s32 $0xD00;
	s24 =	simm.s32 $0xB700  }
0x52: {  	[tilespmem:s24], [sflag:$0x1] =	stream.indirect.gather [hbm4b:s4+s13], $0x8, s23, s13, $0xb8;
	[tilespmem:$0xE2C0] =	vst v63  }
0x53: {  	_ = 	snop  }
0x54: {  	[tilespmem:s30], [sflag:$0x1] =	stream.indirect.gather [hbm4b:s4+s13], $0x8, s29, s13, $0xb8;
	[tilespmem:$0xE2C0] =	vst v63  }
0x55: {  	_ = 	snop  }
0x56: {  	[tilespmem:s1], [sflag:$0x1] =	stream.indirect.gather [hbm4b:s4+s13], $0x8, s31, s13, $0xb8;
	[tilespmem:$0xE2C0] =	vst v63  }
0x57: {  	_ = 	snop  }
0x58: {  	[tilespmem:s14], [sflag:$0x1] =	stream.indirect.gather [hbm4b:s4+s13], $0x8, s0, s13, $0xb8;
	[tilespmem:$0xE2C0] =	vst v63  }
0x59: {  	_ = 	snop  }
0x5a: {  	[tilespmem:s16], [sflag:$0x1] =	stream.indirect.gather [hbm4b:s4+s13], $0x8, s15, s13, $0xb8;
	[tilespmem:$0xE2C0] =	vst v63  }
0x5b: {  	_ = 	snop  }
0x5c: {  	[tilespmem:s18], [sflag:$0x1] =	stream.indirect.gather [hbm4b:s4+s13], $0x8, s17, s13, $0xb8;
	[tilespmem:$0xE2C0] =	vst v63  }
0x5d: {  	s25 =	sand.u32 $0x1F000, s3;
	_ =	swait.ge [sflag:s19], $0x400  }
0x5e: {  	s26 =	sshrl.u32 s25, $0x2;
	[sflag:s19] =	ssyncset.done $0x0  }
0x5f: {  	p1 =	por $0x0, $0x0;
	s25 =	sadd.s32 $0x4F00, s26;
	[sflag:s19] =	ssyncadd.s32 $0xFFFFFC00  }
0x60: {  	[spmem:s2] =	stream.indirect.scatter.add.f32 [tilespmem:s25], [sflag:$0x2], $0x8, s22, s13, $0xb8;
	[tilespmem:$0xE2C0] =	vst v63  }
0x61: {  	s28 =	simm.s32 @!p1 $0x80;
	s21 =	simm.s32 $0x1000;
	_ =	swait.ge [sflag:s12], $0x400  }
0x62: {  	s23 =	simm.s32 $0x1000;
	s24 =	simm.s32 $0x2800;
	[sflag:s12] =	ssyncset.done $0x0  }
0x63: {  	s26 =	simm.s32 $0x1080;
	s22 =	simm.s32 $0x1;
	[sflag:s12] =	ssyncadd.s32 $0xFFFFFC00  }
.LBB2_2:
0x64: {  	[tilespmem:s25], [sflag:$0x1] =	stream.indirect.gather @!p1 [hbm4b:s4+s28], $0x8, s21, s28, $0xb8;
	[tilespmem:$0xE2C0] =	vst v63  }
0x65: {  	s28 =	smov.u32 s22;
	s21 =	smov.u32 s26  }
0x66: {  	s25 =	sand.u32 $0x1F000, s23;
	s22 =	sadd.s32 $0x1, s22;
	_ =	swait.ge [sflag:s19], $0x400  }
0x67: {  	s25 =	sshrl.u32 s25, $0x2;
	p0 =	sne.s32 s22, $0x4F;
	[sflag:s19] =	ssyncset.done $0x0  }
.Ltmp0:
0x68: {  	s25 =	sadd.s32 $0x4F00, s25;
	[sflag:s19] =	ssyncadd.s32 $0xFFFFFC00;
	(pc) =	sbr.rel @p0 .LBB2_2-.Ltmp0, $4  }
0x69: {  	[spmem:s2] =	stream.indirect.scatter.add.f32 [tilespmem:s25], [sflag:$0x2], $0x8, s24, s13, $0xb8;
	[tilespmem:$0xE2C0] =	vst v63  }
0x6a: {  	s23 =	sadd.s32 $0x1000, s23;
	_ =	swait.ge [sflag:s12], $0x400  }
0x6b: {  	p1 =	sgt.u32 s28, $0x2E;
	s24 =	sadd.s32 $0x80, s24;
	[sflag:s12] =	ssyncset.done $0x0  }
0x6c: {  	s26 =	sadd.s32 $0x80, s26;
	s28 =	simm.s32 @!p1 $0x80;
	[sflag:s12] =	ssyncadd.s32 $0xFFFFFC00  }
0x6d: {  	[tilespmem:s25], [sflag:$0x1] =	stream.indirect.gather @!p1 [hbm4b:s4+s28], $0x8, s21, s28, $0xb8;
	[tilespmem:$0xE2C0] =	vst v63  }
0x6e: {  	s20 =	sadd.s32 $0x1, s20  }
0x6f: {  	p0 =	sne.s32 s20, s10  }
.Ltmp1:
0x70: {  	[bflag:$0x0] =	sbarrier.arrive $0xFFFF;
	(pc) =	sbr.rel @p0 .LBB2_1-.Ltmp1, $4  }
0x71: {  	[hbm:s9], [sflag:s6] =	dma.local [spmem:s11], $0x278  }
0x72: {  	_ =	swait.ge [sflag:s12], $0x278  }
0x73: {  	[sflag:s12] =	ssyncset.done $0x0  }
0x74: {  	[sflag:s12] =	ssyncadd.s32 $0xFFFFFD88  }
0x75: {  	_ =	sfence.sel $0x180000  }
0x76: {  	[bflag:$0x0] =	sbarrier.arrive $0xFFFF  }
0x77: {  	_ =	strace $0x9000004D  }
0x78: {  	s0 =	stileid.u32;
	[bflag:$0x2] =	sbarrier.arrive $0xFFFF  }
0x79: {  	p0 =	sne.s32 s0, $0x0;
	s0 =	rddreg [dreg:$0x2]  }
0x7a: {  	s0 =	sadd.s32 @!p0 $0x100000, s0  }
0x7b: {  	[sflag:s0] =	ssyncadd.tile.s32 @!p0 $0x1;
	_ =	shalt  }
.Lfunc_end2:
_tile_overlayer_lowered:
.L_overlay_start_2:
0x7c: {  	(tag) =	ssettag $0x2  }
0x7d: {  	s0 =	rddreg [dreg:$0x0];
	s2 =	stileid.u32  }
0x7e: {  	s1 =	rddreg [dreg:$0x1];
	p0 =	sne.s32 s2, $0x0  }
0x7f: {  	s3 =	rddreg [dreg:$0x2];
	[bflag:$0x3] =	sbarrier.arrive $0xFFFF;
	s2 =	simm.s32 @!p0 $0x1C02  }
0x80: {  	[timem:s3], [sflag:s2] =	dma.local @!p0 [hbm:s0], s1  }
0x81: {  	s0 =	simm.s32 @!p0 $0x2  }
0x82: {  	_ =	swait.ge @!p0 [sflag:s0], s1  }
0x83: {  	s1 =	ssub.s32 @!p0 $0x0, s1;
	[sflag:s0] =	ssyncset.done @!p0 $0x0  }
0x84: {  	[sflag:s0] =	ssyncadd.s32 @!p0 s1  }
0x85: {  	[bflag:$0x3] =	sbarrier.arrive $0xFFFF  }
0x86: {  	_ =	shalt  }

</sc_bundles>
